<compile_context>
chip_gen: v7x
topology: tpu7x:2x2x1
jax: 0.10.2.dev20260603
libtpu: 0.0.44.dev20260713+nightly
codegen_flags: <defaults>
</compile_context>

<pallas_src>
import functools

import jax
import jax.numpy as jnp
from jax import lax
from jax.experimental import pallas as pl
from jax.experimental.pallas import tpu as pltpu
from jax.experimental.pallas import tpu_sc as plsc

_NC = 2
_NS = 16
_NW = _NC * _NS
_LANES = 128
_CH = 128


def _table_body(sfeat_ref, adj_ref, w1t_ref, b1_ref, w2t_ref, b2_ref, out_ref):
    h = jnp.dot(sfeat_ref[...], w1t_ref[...], preferred_element_type=jnp.float32)
    h = jnp.maximum(h + b1_ref[...], 0.0)
    h = h * adj_ref[...]
    y = jnp.dot(h, w2t_ref[...], preferred_element_type=jnp.float32)
    y = jnp.maximum(y + b2_ref[...], 0.0)
    m = jnp.max(y, axis=1, keepdims=True)
    lse = jnp.log(jnp.sum(jnp.exp(y - m), axis=1, keepdims=True)) + m
    ls = y - lse
    out_ref[...] = jnp.concatenate([ls, ls], axis=1)


def _compute_table(Sfeatures, adj, W1, b1, W2, b2):
    n = Sfeatures.shape[0]
    hid = W1.shape[0]
    out_f = W2.shape[0]
    return pl.pallas_call(
        _table_body,
        out_shape=jax.ShapeDtypeStruct((n, _LANES), jnp.float32),
    )(Sfeatures, adj, W1.T, b1.reshape(1, hid), W2.T, b2.reshape(1, out_f))


def _gather_rows_t(table, idx, out_f):
    e = idx.shape[0]
    n = table.shape[0]
    n_chunks = e // _CH
    mesh = plsc.VectorSubcoreMesh(
        core_axis_name="c", subcore_axis_name="s", num_cores=_NC, num_subcores=_NS
    )

    @functools.partial(
        pl.kernel,
        mesh=mesh,
        compiler_params=pltpu.CompilerParams(needs_layout_passes=False),
        out_type=jax.ShapeDtypeStruct((out_f, e), jnp.float32),
        scratch_types=[
            pltpu.VMEM_SHARED((n, _LANES), jnp.float32),
            pltpu.VMEM((_CH,), jnp.int32),
            pltpu.VMEM((_CH,), jnp.int32),
            pltpu.VMEM((_CH, _LANES), jnp.float32),
            pltpu.VMEM((_CH, _LANES), jnp.float32),
            pltpu.VMEM((out_f, _CH), jnp.float32),
            pltpu.SemaphoreType.DMA,
            pltpu.SemaphoreType.DMA,
            pltpu.SemaphoreType.DMA,
            pltpu.SemaphoreType.DMA,
            pltpu.SemaphoreType.DMA,
            pltpu.SemaphoreType.DMA,
        ],
    )
    def gather_k(
        table_hbm, idx_hbm, out_hbm, table_sh,
        idx0, idx1, rows0, rows1, rt0, g0, g1, w0, w1, i0, i1,
    ):
        idx_v = [idx0, idx1]
        rows_v = [rows0, rows1]
        rt_v = [rt0, rt0]
        gsem = [g0, g1]
        wsem = [w0, w1]
        isem = [i0, i1]

        cid = lax.axis_index("c")
        sid = lax.axis_index("s")
        wid = sid * _NC + cid

        @pl.when(sid == 0)
        def _():
            pltpu.sync_copy(table_hbm, table_sh)

        plsc.subcore_barrier()

        n_mine = (n_chunks - wid + _NW - 1) // _NW
        n_groups = (max((n_chunks + _NW - 1) // _NW, 2) + 1) // 2
        lane_iota = lax.iota(jnp.int32, 16)

        def chunk_off(t):
            return (wid + t * _NW) * _CH

        def start_idx(q, t):
            pltpu.async_copy(idx_hbm.at[pl.ds(chunk_off(t), _CH)], idx_v[q], isem[q])

        def wait_idx(q, t):
            pltpu.make_async_copy(
                idx_hbm.at[pl.ds(chunk_off(t), _CH)], idx_v[q], isem[q]
            ).wait()

        def start_gather(q):
            pltpu.async_copy(table_sh.at[idx_v[q]], rows_v[q], gsem[q])

        def transpose_chunk(p):
            def eb_body(eb, carry):
                evec = lane_iota + 16 * eb
                for fb in range(out_f // 16):
                    for dg in range(4):
                        fperms = [
                            ((lane_iota + (4 * dg + i)) & 15) + 16 * fb
                            for i in range(4)
                        ]
                        vs = [
                            plsc.load_gather(rows_v[p], [evec, fperms[i]])
                            for i in range(4)
                        ]
                        for i in range(4):
                            plsc.store_scatter(
                                rt_v[p], [fperms[i], evec], vs[i]
                            )
                return carry

            lax.fori_loop(0, _CH // 16, eb_body, 0)

        start_idx(0, 0)
        start_idx(1, 1)
        wait_idx(0, 0)
        start_gather(0)

        def group_body(g, carry):
            for p in (0, 1):
                t = 2 * g + p

                @pl.when(t < n_mine)
                def _():
                    @pl.when(t >= 1)
                    def _():
                        pltpu.make_async_copy(
                            rt_v[p],
                            out_hbm.at[:, pl.ds(chunk_off(t - 1), _CH)],
                            wsem[1 - p],
                        ).wait()

                    pltpu.make_async_copy(
                        table_sh.at[idx_v[p]], rows_v[p], gsem[p]
                    ).wait()

                    @pl.when(t + 2 < n_mine)
                    def _():
                        start_idx(p, t + 2)

                    @pl.when(t + 1 < n_mine)
                    def _():
                        wait_idx(1 - p, t + 1)
                        start_gather(1 - p)

                    transpose_chunk(p)
                    pltpu.async_copy(
                        rt_v[p], out_hbm.at[:, pl.ds(chunk_off(t), _CH)], wsem[p]
                    )

            return carry

        lax.fori_loop(0, n_groups, group_body, 0)

        @pl.when(n_mine % 2 == 1)
        def _():
            pltpu.make_async_copy(
                rt_v[0], out_hbm.at[:, pl.ds(chunk_off(0), _CH)], wsem[0]
            ).wait()

        @pl.when(n_mine % 2 == 0)
        def _():
            pltpu.make_async_copy(
                rt_v[0], out_hbm.at[:, pl.ds(chunk_off(0), _CH)], wsem[1]
            ).wait()

    return gather_k(table, idx)


def kernel(source_index, adj, Sfeatures, W1, b1, W2, b2):
    table = _compute_table(Sfeatures, adj, W1, b1, W2, b2)
    out_t = _gather_rows_t(table, source_index, W2.shape[0])
    return jnp.transpose(out_t)

# --- scband reference (transcript-rebuilt; emitter-appended) ---
"""Pipeline reference for scband-graph-sage-51213190038005 (READ-ONLY COPY).

The authoritative reference and input builder live on the scoring server;
editing this copy changes nothing except your own understanding.
"""

import jax, jax.numpy as jnp
import numpy as np

SCOUNT = 10000
IN_F = 128
HID_F = 64
OUT_F = 64
E = 320000


def setup_inputs(seed: int = 0) -> dict:
    key = jax.random.key(seed)
    k1, k2, k3, k4, k5, k6, k7, k8 = jax.random.split(key, 8)
    # forward args
    source_index = jax.random.randint(k1, (E,), 0, SCOUNT, dtype=jnp.int64 if jax.config.read('jax_enable_x64') else jnp.int32).astype(jnp.int32)
    adj = jax.random.uniform(k2, (SCOUNT, HID_F), dtype=jnp.float32)
    # learned parameters
    # Sfeatures = cat(rand[Scount, in_f][:, :-1], gdp_values) in torch; here one fused random table
    Sfeatures = jax.random.uniform(k3, (SCOUNT, IN_F), dtype=jnp.float32)
    lim1 = 1.0 / np.sqrt(IN_F)
    W1 = jax.random.uniform(k4, (HID_F, IN_F), dtype=jnp.float32, minval=-lim1, maxval=lim1)
    b1 = jax.random.uniform(k5, (HID_F,), dtype=jnp.float32, minval=-lim1, maxval=lim1)
    lim2 = 1.0 / np.sqrt(HID_F)
    W2 = jax.random.uniform(k6, (OUT_F, HID_F), dtype=jnp.float32, minval=-lim2, maxval=lim2)
    b2 = jax.random.uniform(k7, (OUT_F,), dtype=jnp.float32, minval=-lim2, maxval=lim2)
    return {"source_index": source_index, "adj": adj, "Sfeatures": Sfeatures, "W1": W1, "b1": b1, "W2": W2, "b2": b2}


def reference(source_index, adj, Sfeatures, W1, b1, W2, b2):
    # x = self.Sfeatures[source_index]
    x = jnp.take(Sfeatures, source_index, axis=0)
    # x = F.relu(self.linear1(x))
    x = jax.nn.relu(x @ W1.T + b1)
    # x = torch.mul(adj[source_index], x)
    x = jnp.take(adj, source_index, axis=0) * x
    # x = F.relu(self.linear2(x))
    x = jax.nn.relu(x @ W2.T + b2)
    # return F.log_softmax(x, dim=1)
    return jax.nn.log_softmax(x, axis=1)

if __name__ == "__main__":
    import jax
    _d = setup_inputs()
    print(jax.jit(kernel)(*tuple(_d.values())))

</pallas_src>

<mosaic_0001>
#map = affine_map<(d0, d1) -> (0, 0)>
#map1 = affine_map<(d0, d1) -> (0)>
module attributes {stable_mosaic.version = 14 : i64} {
  func.func @gather_k(%arg0: i32, %arg1: i32, %arg2: memref<10000x128xf32, #tpu.memory_space<hbm>>, %arg3: memref<320000xi32, #tpu.memory_space<hbm>>, %arg4: memref<64x320000xf32, #tpu.memory_space<hbm>>, %arg5: memref<10000x128xf32, #tpu.memory_space<vmem_shared>>, %arg6: memref<128xi32, #tpu.memory_space<vmem>>, %arg7: memref<128xi32, #tpu.memory_space<vmem>>, %arg8: memref<128x128xf32, #tpu.memory_space<vmem>>, %arg9: memref<128x128xf32, #tpu.memory_space<vmem>>, %arg10: memref<64x128xf32, #tpu.memory_space<vmem>>, %arg11: memref<!tpu.dma_semaphore, #tpu.memory_space<semaphore_mem>>, %arg12: memref<!tpu.dma_semaphore, #tpu.memory_space<semaphore_mem>>, %arg13: memref<!tpu.dma_semaphore, #tpu.memory_space<semaphore_mem>>, %arg14: memref<!tpu.dma_semaphore, #tpu.memory_space<semaphore_mem>>, %arg15: memref<!tpu.dma_semaphore, #tpu.memory_space<semaphore_mem>>, %arg16: memref<!tpu.dma_semaphore, #tpu.memory_space<semaphore_mem>>) attributes {dimension_semantics = [#tpu.dimension_semantics<core_parallel>, #tpu.dimension_semantics<subcore_parallel>], iteration_bounds = array<i64: 2, 16>, scalar_prefetch = 0 : i64, scratch_operands = 12 : i64, tpu.core_type = #tpu.core_type<sc_vector_subcore>, window_params = [{transform_indices = #map}, {transform_indices = #map1}, {transform_indices = #map}]} {
    %mul3A = arith.constant 2 : i32
    %mul3A_0 = arith.muli %arg1, %mul3A : i32
    %add3A = arith.addi %mul3A_0, %arg0 : i32
    %eq3A = arith.constant 0 : i32
    %eq3A_1 = arith.cmpi eq, %arg1, %eq3A : i32
    %convert_element_type3A = arith.extui %eq3A_1 : i1 to i32
    %cond3A = arith.constant 0 : i32
    %cond3A_2 = arith.cmpi ne, %convert_element_type3A, %cond3A : i32
    scf.if %cond3A_2 {
      "tpu.region"() ({
        %run_scoped3A = tpu.sem_alloc : memref<!tpu.dma_semaphore, #tpu.memory_space<semaphore_mem>>
        tpu.enqueue_dma source(%arg2 : memref<10000x128xf32, #tpu.memory_space<hbm>>) target(%arg5 : memref<10000x128xf32, #tpu.memory_space<vmem_shared>>) target_semaphore(%run_scoped3A : memref<!tpu.dma_semaphore, #tpu.memory_space<semaphore_mem>>)
        tpu.wait_dma2 semaphore(%run_scoped3A : memref<!tpu.dma_semaphore, #tpu.memory_space<semaphore_mem>>) src(%arg2 : memref<10000x128xf32, #tpu.memory_space<hbm>>) dst(%arg5 : memref<10000x128xf32, #tpu.memory_space<vmem_shared>>)
        tpu.yield
      }) : () -> ()
    } else {
    }
    %barrier3A = arith.constant 0 : index
    tpu.barrier barrier_id(%barrier3A)
    %sub3A = arith.constant 2500 : i32
    %sub3A_3 = arith.subi %sub3A, %add3A : i32
    %add3A_4 = arith.constant 32 : i32
    %add3A_5 = arith.addi %sub3A_3, %add3A_4 : i32
    %sub3A_6 = arith.constant 1 : i32
    %sub3A_7 = arith.subi %add3A_5, %sub3A_6 : i32
    %jit3A = arith.constant 32 : i32
    %div3A = arith.divsi %sub3A_7, %jit3A : i32
    %sign3A = arith.constant 0 : i32
    %sign3A_8 = arith.cmpi sgt, %sub3A_7, %sign3A : i32
    %sign3A_9 = arith.extui %sign3A_8 : i1 to i32
    %sign3A_10 = arith.constant 0 : i32
    %sign3A_11 = arith.cmpi slt, %sub3A_7, %sign3A_10 : i32
    %sign3A_12 = arith.extui %sign3A_11 : i1 to i32
    %sign3A_13 = arith.subi %sign3A_9, %sign3A_12 : i32
    %sign3A_14 = arith.constant 0 : i32
    %sign3A_15 = arith.cmpi sgt, %jit3A, %sign3A_14 : i32
    %sign3A_16 = arith.extui %sign3A_15 : i1 to i32
    %sign3A_17 = arith.constant 0 : i32
    %sign3A_18 = arith.cmpi slt, %jit3A, %sign3A_17 : i32
    %sign3A_19 = arith.extui %sign3A_18 : i1 to i32
    %sign3A_20 = arith.subi %sign3A_16, %sign3A_19 : i32
    %ne3A = arith.cmpi ne, %sign3A_13, %sign3A_20 : i32
    %rem3A = arith.remsi %sub3A_7, %jit3A : i32
    %ne3A_21 = arith.constant 0 : i32
    %ne3A_22 = arith.cmpi ne, %rem3A, %ne3A_21 : i32
    %and3A = arith.andi %ne3A, %ne3A_22 : i1
    %sub3A_23 = arith.constant 1 : i32
    %sub3A_24 = arith.subi %div3A, %sub3A_23 : i32
    %select_n3A = arith.select %and3A, %sub3A_24, %div3A : i32
    %iota3A = tpu.iota {dimensions = array<i32: 0>} : vector<16xi32>
    %add3A_25 = arith.constant 0 : i32
    %add3A_26 = arith.addi %add3A, %add3A_25 : i32
    %mul3A_27 = arith.constant 128 : i32
    %mul3A_28 = arith.muli %add3A_26, %mul3A_27 : i32
    %dma_start3A = tpu.memref_slice %arg3[%mul3A_28] : memref<320000xi32, #tpu.memory_space<hbm>> -> memref<128xi32, #tpu.memory_space<hbm>>
    %dma_start3A_29 = tpu.memref_slice %arg3[%mul3A_28] : memref<320000xi32, #tpu.memory_space<hbm>> -> memref<128xi32, #tpu.memory_space<hbm>>
    tpu.enqueue_dma source(%dma_start3A_29 : memref<128xi32, #tpu.memory_space<hbm>>) target(%arg6 : memref<128xi32, #tpu.memory_space<vmem>>) target_semaphore(%arg15 : memref<!tpu.dma_semaphore, #tpu.memory_space<semaphore_mem>>)
    %add3A_30 = arith.constant 32 : i32
    %add3A_31 = arith.addi %add3A, %add3A_30 : i32
    %mul3A_32 = arith.constant 128 : i32
    %mul3A_33 = arith.muli %add3A_31, %mul3A_32 : i32
    %dma_start3A_34 = tpu.memref_slice %arg3[%mul3A_33] : memref<320000xi32, #tpu.memory_space<hbm>> -> memref<128xi32, #tpu.memory_space<hbm>>
    %dma_start3A_35 = tpu.memref_slice %arg3[%mul3A_33] : memref<320000xi32, #tpu.memory_space<hbm>> -> memref<128xi32, #tpu.memory_space<hbm>>
    tpu.enqueue_dma source(%dma_start3A_35 : memref<128xi32, #tpu.memory_space<hbm>>) target(%arg7 : memref<128xi32, #tpu.memory_space<vmem>>) target_semaphore(%arg16 : memref<!tpu.dma_semaphore, #tpu.memory_space<semaphore_mem>>)
    %add3A_36 = arith.constant 0 : i32
    %add3A_37 = arith.addi %add3A, %add3A_36 : i32
    %mul3A_38 = arith.constant 128 : i32
    %mul3A_39 = arith.muli %add3A_37, %mul3A_38 : i32
    %dma_wait3A = tpu.memref_slice %arg3[%mul3A_39] : memref<320000xi32, #tpu.memory_space<hbm>> -> memref<128xi32, #tpu.memory_space<hbm>>
    %dma_wait3A_40 = tpu.memref_slice %arg3[%mul3A_39] : memref<320000xi32, #tpu.memory_space<hbm>> -> memref<128xi32, #tpu.memory_space<hbm>>
    tpu.wait_dma2 semaphore(%arg15 : memref<!tpu.dma_semaphore, #tpu.memory_space<semaphore_mem>>) src(%dma_wait3A_40 : memref<128xi32, #tpu.memory_space<hbm>>) dst(%arg6 : memref<128xi32, #tpu.memory_space<vmem>>)
    %dma_start3A_41 = arith.constant 0 : i32
    %dma_start3A_42 = arith.constant 0 : i32
    %dma_start3A_43 = tpu.memref_slice %arg5[%dma_start3A_41, %dma_start3A_42] : memref<10000x128xf32, #tpu.memory_space<vmem_shared>> -> memref<10000x128xf32, #tpu.memory_space<vmem_shared>>
    tpu.enqueue_indirect_dma source(%dma_start3A_43 : memref<10000x128xf32, #tpu.memory_space<vmem_shared>>) target(%arg8 : memref<128x128xf32, #tpu.memory_space<vmem>>) offsets(%arg6 : memref<128xi32, #tpu.memory_space<vmem>>) semaphore(%arg11 : memref<!tpu.dma_semaphore, #tpu.memory_space<semaphore_mem>>)
    %scan3A = arith.constant 0 : i32
    %scan3A_44 = arith.constant 0 : i32
    %scan3A_45 = arith.constant 40 : i32
    %scan3A_46 = arith.addi %scan3A_44, %scan3A_45 : i32
    %scan3A_47 = arith.constant 1 : i32
    scf.for %scan3A_90 = %scan3A_44 to %scan3A_46 step %scan3A_47  : i32 {
      %mul3A_91 = arith.constant 2 : i32
      %mul3A_92 = arith.muli %mul3A_91, %scan3A_90 : i32
      %add3A_93 = arith.constant 0 : i32
      %add3A_94 = arith.addi %mul3A_92, %add3A_93 : i32
      %lt3A_95 = arith.cmpi slt, %add3A_94, %select_n3A : i32
      %convert_element_type3A_96 = arith.extui %lt3A_95 : i1 to i32
      %cond3A_97 = arith.constant 0 : i32
      %cond3A_98 = arith.cmpi ne, %convert_element_type3A_96, %cond3A_97 : i32
      scf.if %cond3A_98 {
        %ge3A = arith.constant 1 : i32
        %ge3A_107 = arith.cmpi sge, %add3A_94, %ge3A : i32
        %convert_element_type3A_108 = arith.extui %ge3A_107 : i1 to i32
        %cond3A_109 = arith.constant 0 : i32
        %cond3A_110 = arith.cmpi ne, %convert_element_type3A_108, %cond3A_109 : i32
        scf.if %cond3A_110 {
          %sub3A_141 = arith.constant 1 : i32
          %sub3A_142 = arith.subi %add3A_94, %sub3A_141 : i32
          %mul3A_143 = arith.constant 32 : i32
          %mul3A_144 = arith.muli %sub3A_142, %mul3A_143 : i32
          %add3A_145 = arith.addi %add3A, %mul3A_144 : i32
          %mul3A_146 = arith.constant 128 : i32
          %mul3A_147 = arith.muli %add3A_145, %mul3A_146 : i32
          %dma_wait3A_148 = arith.constant 0 : i32
          %dma_wait3A_149 = tpu.memref_slice %arg4[%dma_wait3A_148, %mul3A_147] : memref<64x320000xf32, #tpu.memory_space<hbm>> -> memref<64x128xf32, #tpu.memory_space<hbm>>
          %dma_wait3A_150 = arith.constant 0 : i32
          %dma_wait3A_151 = tpu.memref_slice %arg4[%dma_wait3A_150, %mul3A_147] : memref<64x320000xf32, #tpu.memory_space<hbm>> -> memref<64x128xf32, #tpu.memory_space<hbm>>
          tpu.wait_dma2 semaphore(%arg14 : memref<!tpu.dma_semaphore, #tpu.memory_space<semaphore_mem>>) src(%arg10 : memref<64x128xf32, #tpu.memory_space<vmem>>) dst(%dma_wait3A_151 : memref<64x128xf32, #tpu.memory_space<hbm>>)
        } else {
        }
        %dma_wait3A_111 = arith.constant 0 : i32
        %dma_wait3A_112 = arith.constant 0 : i32
        %dma_wait3A_113 = tpu.memref_slice %arg5[%dma_wait3A_111, %dma_wait3A_112] : memref<10000x128xf32, #tpu.memory_space<vmem_shared>> -> memref<10000x128xf32, #tpu.memory_space<vmem_shared>>
        tpu.wait_indirect_dma semaphore(%arg11 : memref<!tpu.dma_semaphore, #tpu.memory_space<semaphore_mem>>) src(%dma_wait3A_113 : memref<10000x128xf32, #tpu.memory_space<vmem_shared>>) dst(%arg8 : memref<128x128xf32, #tpu.memory_space<vmem>>)
        %add3A_114 = arith.constant 2 : i32
        %add3A_115 = arith.addi %add3A_94, %add3A_114 : i32
        %lt3A_116 = arith.cmpi slt, %add3A_115, %select_n3A : i32
        %convert_element_type3A_117 = arith.extui %lt3A_116 : i1 to i32
        %cond3A_118 = arith.constant 0 : i32
        %cond3A_119 = arith.cmpi ne, %convert_element_type3A_117, %cond3A_118 : i32
        scf.if %cond3A_119 {
          %add3A_141 = arith.constant 2 : i32
          %add3A_142 = arith.addi %add3A_94, %add3A_141 : i32
          %mul3A_143 = arith.constant 32 : i32
          %mul3A_144 = arith.muli %add3A_142, %mul3A_143 : i32
          %add3A_145 = arith.addi %add3A, %mul3A_144 : i32
          %mul3A_146 = arith.constant 128 : i32
          %mul3A_147 = arith.muli %add3A_145, %mul3A_146 : i32
          %dma_start3A_148 = tpu.memref_slice %arg3[%mul3A_147] : memref<320000xi32, #tpu.memory_space<hbm>> -> memref<128xi32, #tpu.memory_space<hbm>>
          %dma_start3A_149 = tpu.memref_slice %arg3[%mul3A_147] : memref<320000xi32, #tpu.memory_space<hbm>> -> memref<128xi32, #tpu.memory_space<hbm>>
          tpu.enqueue_dma source(%dma_start3A_149 : memref<128xi32, #tpu.memory_space<hbm>>) target(%arg6 : memref<128xi32, #tpu.memory_space<vmem>>) target_semaphore(%arg15 : memref<!tpu.dma_semaphore, #tpu.memory_space<semaphore_mem>>)
        } else {
        }
        %add3A_120 = arith.constant 1 : i32
        %add3A_121 = arith.addi %add3A_94, %add3A_120 : i32
        %lt3A_122 = arith.cmpi slt, %add3A_121, %select_n3A : i32
        %convert_element_type3A_123 = arith.extui %lt3A_122 : i1 to i32
        %cond3A_124 = arith.constant 0 : i32
        %cond3A_125 = arith.cmpi ne, %convert_element_type3A_123, %cond3A_124 : i32
        scf.if %cond3A_125 {
          %add3A_141 = arith.constant 1 : i32
          %add3A_142 = arith.addi %add3A_94, %add3A_141 : i32
          %mul3A_143 = arith.constant 32 : i32
          %mul3A_144 = arith.muli %add3A_142, %mul3A_143 : i32
          %add3A_145 = arith.addi %add3A, %mul3A_144 : i32
          %mul3A_146 = arith.constant 128 : i32
          %mul3A_147 = arith.muli %add3A_145, %mul3A_146 : i32
          %dma_wait3A_148 = tpu.memref_slice %arg3[%mul3A_147] : memref<320000xi32, #tpu.memory_space<hbm>> -> memref<128xi32, #tpu.memory_space<hbm>>
          %dma_wait3A_149 = tpu.memref_slice %arg3[%mul3A_147] : memref<320000xi32, #tpu.memory_space<hbm>> -> memref<128xi32, #tpu.memory_space<hbm>>
          tpu.wait_dma2 semaphore(%arg16 : memref<!tpu.dma_semaphore, #tpu.memory_space<semaphore_mem>>) src(%dma_wait3A_149 : memref<128xi32, #tpu.memory_space<hbm>>) dst(%arg7 : memref<128xi32, #tpu.memory_space<vmem>>)
          %dma_start3A_150 = arith.constant 0 : i32
          %dma_start3A_151 = arith.constant 0 : i32
          %dma_start3A_152 = tpu.memref_slice %arg5[%dma_start3A_150, %dma_start3A_151] : memref<10000x128xf32, #tpu.memory_space<vmem_shared>> -> memref<10000x128xf32, #tpu.memory_space<vmem_shared>>
          tpu.enqueue_indirect_dma source(%dma_start3A_152 : memref<10000x128xf32, #tpu.memory_space<vmem_shared>>) target(%arg9 : memref<128x128xf32, #tpu.memory_space<vmem>>) offsets(%arg7 : memref<128xi32, #tpu.memory_space<vmem>>) semaphore(%arg12 : memref<!tpu.dma_semaphore, #tpu.memory_space<semaphore_mem>>)
        } else {
        }
        %scan3A_126 = arith.constant 0 : i32
        %scan3A_127 = arith.constant 0 : i32
        %scan3A_128 = arith.constant 8 : i32
        %scan3A_129 = arith.addi %scan3A_127, %scan3A_128 : i32
        %scan3A_130 = arith.constant 1 : i32
        scf.for %scan3A_141 = %scan3A_127 to %scan3A_129 step %scan3A_130  : i32 {
          %mul3A_142 = arith.constant 16 : i32
          %mul3A_143 = arith.muli %mul3A_142, %scan3A_141 : i32
          %add3A_144 = vector.broadcast %mul3A_143 : i32 to vector<16xi32>
          %add3A_145 = arith.addi %iota3A, %add3A_144 : vector<16xi32>
          %add3A_146 = arith.constant 0 : i32
          %add3A_147 = vector.broadcast %add3A_146 : i32 to vector<16xi32>
          %add3A_148 = arith.addi %iota3A, %add3A_147 : vector<16xi32>
          %and3A_149 = arith.constant 15 : i32
          %and3A_150 = vector.broadcast %and3A_149 : i32 to vector<16xi32>
          %and3A_151 = arith.andi %add3A_148, %and3A_150 : vector<16xi32>
          %add3A_152 = arith.constant 0 : i32
          %add3A_153 = vector.broadcast %add3A_152 : i32 to vector<16xi32>
          %add3A_154 = arith.addi %and3A_151, %add3A_153 : vector<16xi32>
          %add3A_155 = arith.constant 1 : i32
          %add3A_156 = vector.broadcast %add3A_155 : i32 to vector<16xi32>
          %add3A_157 = arith.addi %iota3A, %add3A_156 : vector<16xi32>
          %and3A_158 = arith.constant 15 : i32
          %and3A_159 = vector.broadcast %and3A_158 : i32 to vector<16xi32>
          %and3A_160 = arith.andi %add3A_157, %and3A_159 : vector<16xi32>
          %add3A_161 = arith.constant 0 : i32
          %add3A_162 = vector.broadcast %add3A_161 : i32 to vector<16xi32>
          %add3A_163 = arith.addi %and3A_160, %add3A_162 : vector<16xi32>
          %add3A_164 = arith.constant 2 : i32
          %add3A_165 = vector.broadcast %add3A_164 : i32 to vector<16xi32>
          %add3A_166 = arith.addi %iota3A, %add3A_165 : vector<16xi32>
          %and3A_167 = arith.constant 15 : i32
          %and3A_168 = vector.broadcast %and3A_167 : i32 to vector<16xi32>
          %and3A_169 = arith.andi %add3A_166, %and3A_168 : vector<16xi32>
          %add3A_170 = arith.constant 0 : i32
          %add3A_171 = vector.broadcast %add3A_170 : i32 to vector<16xi32>
          %add3A_172 = arith.addi %and3A_169, %add3A_171 : vector<16xi32>
          %add3A_173 = arith.constant 3 : i32
          %add3A_174 = vector.broadcast %add3A_173 : i32 to vector<16xi32>
          %add3A_175 = arith.addi %iota3A, %add3A_174 : vector<16xi32>
          %and3A_176 = arith.constant 15 : i32
          %and3A_177 = vector.broadcast %and3A_176 : i32 to vector<16xi32>
          %and3A_178 = arith.andi %add3A_175, %and3A_177 : vector<16xi32>
          %add3A_179 = arith.constant 0 : i32
          %add3A_180 = vector.broadcast %add3A_179 : i32 to vector<16xi32>
          %add3A_181 = arith.addi %and3A_178, %add3A_180 : vector<16xi32>
          %gather3A = tpu.vector_load_idx %arg8[%add3A_145, %add3A_154] : memref<128x128xf32, #tpu.memory_space<vmem>>[vector<16xi32>, vector<16xi32>], vector<16xf32>,
          %gather3A_182 = tpu.vector_load_idx %arg8[%add3A_145, %add3A_163] : memref<128x128xf32, #tpu.memory_space<vmem>>[vector<16xi32>, vector<16xi32>], vector<16xf32>,
          %gather3A_183 = tpu.vector_load_idx %arg8[%add3A_145, %add3A_172] : memref<128x128xf32, #tpu.memory_space<vmem>>[vector<16xi32>, vector<16xi32>], vector<16xf32>,
          %gather3A_184 = tpu.vector_load_idx %arg8[%add3A_145, %add3A_181] : memref<128x128xf32, #tpu.memory_space<vmem>>[vector<16xi32>, vector<16xi32>], vector<16xf32>,
          tpu.vector_store_idx %arg10[%add3A_154, %add3A_145], %gather3A : memref<64x128xf32, #tpu.memory_space<vmem>>[vector<16xi32>, vector<16xi32>], vector<16xf32>,
          tpu.vector_store_idx %arg10[%add3A_163, %add3A_145], %gather3A_182 : memref<64x128xf32, #tpu.memory_space<vmem>>[vector<16xi32>, vector<16xi32>], vector<16xf32>,
          tpu.vector_store_idx %arg10[%add3A_172, %add3A_145], %gather3A_183 : memref<64x128xf32, #tpu.memory_space<vmem>>[vector<16xi32>, vector<16xi32>], vector<16xf32>,
          tpu.vector_store_idx %arg10[%add3A_181, %add3A_145], %gather3A_184 : memref<64x128xf32, #tpu.memory_space<vmem>>[vector<16xi32>, vector<16xi32>], vector<16xf32>,
          %add3A_185 = arith.constant 4 : i32
          %add3A_186 = vector.broadcast %add3A_185 : i32 to vector<16xi32>
          %add3A_187 = arith.addi %iota3A, %add3A_186 : vector<16xi32>
          %and3A_188 = arith.constant 15 : i32
          %and3A_189 = vector.broadcast %and3A_188 : i32 to vector<16xi32>
          %and3A_190 = arith.andi %add3A_187, %and3A_189 : vector<16xi32>
          %add3A_191 = arith.constant 0 : i32
          %add3A_192 = vector.broadcast %add3A_191 : i32 to vector<16xi32>
          %add3A_193 = arith.addi %and3A_190, %add3A_192 : vector<16xi32>
          %add3A_194 = arith.constant 5 : i32
          %add3A_195 = vector.broadcast %add3A_194 : i32 to vector<16xi32>
          %add3A_196 = arith.addi %iota3A, %add3A_195 : vector<16xi32>
          %and3A_197 = arith.constant 15 : i32
          %and3A_198 = vector.broadcast %and3A_197 : i32 to vector<16xi32>
          %and3A_199 = arith.andi %add3A_196, %and3A_198 : vector<16xi32>
          %add3A_200 = arith.constant 0 : i32
          %add3A_201 = vector.broadcast %add3A_200 : i32 to vector<16xi32>
          %add3A_202 = arith.addi %and3A_199, %add3A_201 : vector<16xi32>
          %add3A_203 = arith.constant 6 : i32
          %add3A_204 = vector.broadcast %add3A_203 : i32 to vector<16xi32>
          %add3A_205 = arith.addi %iota3A, %add3A_204 : vector<16xi32>
          %and3A_206 = arith.constant 15 : i32
          %and3A_207 = vector.broadcast %and3A_206 : i32 to vector<16xi32>
          %and3A_208 = arith.andi %add3A_205, %and3A_207 : vector<16xi32>
          %add3A_209 = arith.constant 0 : i32
          %add3A_210 = vector.broadcast %add3A_209 : i32 to vector<16xi32>
          %add3A_211 = arith.addi %and3A_208, %add3A_210 : vector<16xi32>
          %add3A_212 = arith.constant 7 : i32
          %add3A_213 = vector.broadcast %add3A_212 : i32 to vector<16xi32>
          %add3A_214 = arith.addi %iota3A, %add3A_213 : vector<16xi32>
          %and3A_215 = arith.constant 15 : i32
          %and3A_216 = vector.broadcast %and3A_215 : i32 to vector<16xi32>
          %and3A_217 = arith.andi %add3A_214, %and3A_216 : vector<16xi32>
          %add3A_218 = arith.constant 0 : i32
          %add3A_219 = vector.broadcast %add3A_218 : i32 to vector<16xi32>
          %add3A_220 = arith.addi %and3A_217, %add3A_219 : vector<16xi32>
          %gather3A_221 = tpu.vector_load_idx %arg8[%add3A_145, %add3A_193] : memref<128x128xf32, #tpu.memory_space<vmem>>[vector<16xi32>, vector<16xi32>], vector<16xf32>,
          %gather3A_222 = tpu.vector_load_idx %arg8[%add3A_145, %add3A_202] : memref<128x128xf32, #tpu.memory_space<vmem>>[vector<16xi32>, vector<16xi32>], vector<16xf32>,
          %gather3A_223 = tpu.vector_load_idx %arg8[%add3A_145, %add3A_211] : memref<128x128xf32, #tpu.memory_space<vmem>>[vector<16xi32>, vector<16xi32>], vector<16xf32>,
          %gather3A_224 = tpu.vector_load_idx %arg8[%add3A_145, %add3A_220] : memref<128x128xf32, #tpu.memory_space<vmem>>[vector<16xi32>, vector<16xi32>], vector<16xf32>,
          tpu.vector_store_idx %arg10[%add3A_193, %add3A_145], %gather3A_221 : memref<64x128xf32, #tpu.memory_space<vmem>>[vector<16xi32>, vector<16xi32>], vector<16xf32>,
          tpu.vector_store_idx %arg10[%add3A_202, %add3A_145], %gather3A_222 : memref<64x128xf32, #tpu.memory_space<vmem>>[vector<16xi32>, vector<16xi32>], vector<16xf32>,
          tpu.vector_store_idx %arg10[%add3A_211, %add3A_145], %gather3A_223 : memref<64x128xf32, #tpu.memory_space<vmem>>[vector<16xi32>, vector<16xi32>], vector<16xf32>,
          tpu.vector_store_idx %arg10[%add3A_220, %add3A_145], %gather3A_224 : memref<64x128xf32, #tpu.memory_space<vmem>>[vector<16xi32>, vector<16xi32>], vector<16xf32>,
          %add3A_225 = arith.constant 8 : i32
          %add3A_226 = vector.broadcast %add3A_225 : i32 to vector<16xi32>
          %add3A_227 = arith.addi %iota3A, %add3A_226 : vector<16xi32>
          %and3A_228 = arith.constant 15 : i32
          %and3A_229 = vector.broadcast %and3A_228 : i32 to vector<16xi32>
          %and3A_230 = arith.andi %add3A_227, %and3A_229 : vector<16xi32>
          %add3A_231 = arith.constant 0 : i32
          %add3A_232 = vector.broadcast %add3A_231 : i32 to vector<16xi32>
          %add3A_233 = arith.addi %and3A_230, %add3A_232 : vector<16xi32>
          %add3A_234 = arith.constant 9 : i32
          %add3A_235 = vector.broadcast %add3A_234 : i32 to vector<16xi32>
          %add3A_236 = arith.addi %iota3A, %add3A_235 : vector<16xi32>
          %and3A_237 = arith.constant 15 : i32
          %and3A_238 = vector.broadcast %and3A_237 : i32 to vector<16xi32>
          %and3A_239 = arith.andi %add3A_236, %and3A_238 : vector<16xi32>
          %add3A_240 = arith.constant 0 : i32
          %add3A_241 = vector.broadcast %add3A_240 : i32 to vector<16xi32>
          %add3A_242 = arith.addi %and3A_239, %add3A_241 : vector<16xi32>
          %add3A_243 = arith.constant 10 : i32
          %add3A_244 = vector.broadcast %add3A_243 : i32 to vector<16xi32>
          %add3A_245 = arith.addi %iota3A, %add3A_244 : vector<16xi32>
          %and3A_246 = arith.constant 15 : i32
          %and3A_247 = vector.broadcast %and3A_246 : i32 to vector<16xi32>
          %and3A_248 = arith.andi %add3A_245, %and3A_247 : vector<16xi32>
          %add3A_249 = arith.constant 0 : i32
          %add3A_250 = vector.broadcast %add3A_249 : i32 to vector<16xi32>
          %add3A_251 = arith.addi %and3A_248, %add3A_250 : vector<16xi32>
          %add3A_252 = arith.constant 11 : i32
          %add3A_253 = vector.broadcast %add3A_252 : i32 to vector<16xi32>
          %add3A_254 = arith.addi %iota3A, %add3A_253 : vector<16xi32>
          %and3A_255 = arith.constant 15 : i32
          %and3A_256 = vector.broadcast %and3A_255 : i32 to vector<16xi32>
          %and3A_257 = arith.andi %add3A_254, %and3A_256 : vector<16xi32>
          %add3A_258 = arith.constant 0 : i32
          %add3A_259 = vector.broadcast %add3A_258 : i32 to vector<16xi32>
          %add3A_260 = arith.addi %and3A_257, %add3A_259 : vector<16xi32>
          %gather3A_261 = tpu.vector_load_idx %arg8[%add3A_145, %add3A_233] : memref<128x128xf32, #tpu.memory_space<vmem>>[vector<16xi32>, vector<16xi32>], vector<16xf32>,
          %gather3A_262 = tpu.vector_load_idx %arg8[%add3A_145, %add3A_242] : memref<128x128xf32, #tpu.memory_space<vmem>>[vector<16xi32>, vector<16xi32>], vector<16xf32>,
          %gather3A_263 = tpu.vector_load_idx %arg8[%add3A_145, %add3A_251] : memref<128x128xf32, #tpu.memory_space<vmem>>[vector<16xi32>, vector<16xi32>], vector<16xf32>,
          %gather3A_264 = tpu.vector_load_idx %arg8[%add3A_145, %add3A_260] : memref<128x128xf32, #tpu.memory_space<vmem>>[vector<16xi32>, vector<16xi32>], vector<16xf32>,
          tpu.vector_store_idx %arg10[%add3A_233, %add3A_145], %gather3A_261 : memref<64x128xf32, #tpu.memory_space<vmem>>[vector<16xi32>, vector<16xi32>], vector<16xf32>,
          tpu.vector_store_idx %arg10[%add3A_242, %add3A_145], %gather3A_262 : memref<64x128xf32, #tpu.memory_space<vmem>>[vector<16xi32>, vector<16xi32>], vector<16xf32>,
          tpu.vector_store_idx %arg10[%add3A_251, %add3A_145], %gather3A_263 : memref<64x128xf32, #tpu.memory_space<vmem>>[vector<16xi32>, vector<16xi32>], vector<16xf32>,
          tpu.vector_store_idx %arg10[%add3A_260, %add3A_145], %gather3A_264 : memref<64x128xf32, #tpu.memory_space<vmem>>[vector<16xi32>, vector<16xi32>], vector<16xf32>,
          %add3A_265 = arith.constant 12 : i32
          %add3A_266 = vector.broadcast %add3A_265 : i32 to vector<16xi32>
          %add3A_267 = arith.addi %iota3A, %add3A_266 : vector<16xi32>
          %and3A_268 = arith.constant 15 : i32
          %and3A_269 = vector.broadcast %and3A_268 : i32 to vector<16xi32>
          %and3A_270 = arith.andi %add3A_267, %and3A_269 : vector<16xi32>
          %add3A_271 = arith.constant 0 : i32
          %add3A_272 = vector.broadcast %add3A_271 : i32 to vector<16xi32>
          %add3A_273 = arith.addi %and3A_270, %add3A_272 : vector<16xi32>
          %add3A_274 = arith.constant 13 : i32
          %add3A_275 = vector.broadcast %add3A_274 : i32 to vector<16xi32>
          %add3A_276 = arith.addi %iota3A, %add3A_275 : vector<16xi32>
          %and3A_277 = arith.constant 15 : i32
          %and3A_278 = vector.broadcast %and3A_277 : i32 to vector<16xi32>
          %and3A_279 = arith.andi %add3A_276, %and3A_278 : vector<16xi32>
          %add3A_280 = arith.constant 0 : i32
          %add3A_281 = vector.broadcast %add3A_280 : i32 to vector<16xi32>
          %add3A_282 = arith.addi %and3A_279, %add3A_281 : vector<16xi32>
          %add3A_283 = arith.constant 14 : i32
          %add3A_284 = vector.broadcast %add3A_283 : i32 to vector<16xi32>
          %add3A_285 = arith.addi %iota3A, %add3A_284 : vector<16xi32>
          %and3A_286 = arith.constant 15 : i32
          %and3A_287 = vector.broadcast %and3A_286 : i32 to vector<16xi32>
          %and3A_288 = arith.andi %add3A_285, %and3A_287 : vector<16xi32>
          %add3A_289 = arith.constant 0 : i32
          %add3A_290 = vector.broadcast %add3A_289 : i32 to vector<16xi32>
          %add3A_291 = arith.addi %and3A_288, %add3A_290 : vector<16xi32>
          %add3A_292 = arith.constant 15 : i32
          %add3A_293 = vector.broadcast %add3A_292 : i32 to vector<16xi32>
          %add3A_294 = arith.addi %iota3A, %add3A_293 : vector<16xi32>
          %and3A_295 = arith.constant 15 : i32
          %and3A_296 = vector.broadcast %and3A_295 : i32 to vector<16xi32>
          %and3A_297 = arith.andi %add3A_294, %and3A_296 : vector<16xi32>
          %add3A_298 = arith.constant 0 : i32
          %add3A_299 = vector.broadcast %add3A_298 : i32 to vector<16xi32>
          %add3A_300 = arith.addi %and3A_297, %add3A_299 : vector<16xi32>
          %gather3A_301 = tpu.vector_load_idx %arg8[%add3A_145, %add3A_273] : memref<128x128xf32, #tpu.memory_space<vmem>>[vector<16xi32>, vector<16xi32>], vector<16xf32>,
          %gather3A_302 = tpu.vector_load_idx %arg8[%add3A_145, %add3A_282] : memref<128x128xf32, #tpu.memory_space<vmem>>[vector<16xi32>, vector<16xi32>], vector<16xf32>,
          %gather3A_303 = tpu.vector_load_idx %arg8[%add3A_145, %add3A_291] : memref<128x128xf32, #tpu.memory_space<vmem>>[vector<16xi32>, vector<16xi32>], vector<16xf32>,
          %gather3A_304 = tpu.vector_load_idx %arg8[%add3A_145, %add3A_300] : memref<128x128xf32, #tpu.memory_space<vmem>>[vector<16xi32>, vector<16xi32>], vector<16xf32>,
          tpu.vector_store_idx %arg10[%add3A_273, %add3A_145], %gather3A_301 : memref<64x128xf32, #tpu.memory_space<vmem>>[vector<16xi32>, vector<16xi32>], vector<16xf32>,
          tpu.vector_store_idx %arg10[%add3A_282, %add3A_145], %gather3A_302 : memref<64x128xf32, #tpu.memory_space<vmem>>[vector<16xi32>, vector<16xi32>], vector<16xf32>,
          tpu.vector_store_idx %arg10[%add3A_291, %add3A_145], %gather3A_303 : memref<64x128xf32, #tpu.memory_space<vmem>>[vector<16xi32>, vector<16xi32>], vector<16xf32>,
          tpu.vector_store_idx %arg10[%add3A_300, %add3A_145], %gather3A_304 : memref<64x128xf32, #tpu.memory_space<vmem>>[vector<16xi32>, vector<16xi32>], vector<16xf32>,
          %add3A_305 = arith.constant 0 : i32
          %add3A_306 = vector.broadcast %add3A_305 : i32 to vector<16xi32>
          %add3A_307 = arith.addi %iota3A, %add3A_306 : vector<16xi32>
          %and3A_308 = arith.constant 15 : i32
          %and3A_309 = vector.broadcast %and3A_308 : i32 to vector<16xi32>
          %and3A_310 = arith.andi %add3A_307, %and3A_309 : vector<16xi32>
          %add3A_311 = arith.constant 16 : i32
          %add3A_312 = vector.broadcast %add3A_311 : i32 to vector<16xi32>
          %add3A_313 = arith.addi %and3A_310, %add3A_312 : vector<16xi32>
          %add3A_314 = arith.constant 1 : i32
          %add3A_315 = vector.broadcast %add3A_314 : i32 to vector<16xi32>
          %add3A_316 = arith.addi %iota3A, %add3A_315 : vector<16xi32>
          %and3A_317 = arith.constant 15 : i32
          %and3A_318 = vector.broadcast %and3A_317 : i32 to vector<16xi32>
          %and3A_319 = arith.andi %add3A_316, %and3A_318 : vector<16xi32>
          %add3A_320 = arith.constant 16 : i32
          %add3A_321 = vector.broadcast %add3A_320 : i32 to vector<16xi32>
          %add3A_322 = arith.addi %and3A_319, %add3A_321 : vector<16xi32>
          %add3A_323 = arith.constant 2 : i32
          %add3A_324 = vector.broadcast %add3A_323 : i32 to vector<16xi32>
          %add3A_325 = arith.addi %iota3A, %add3A_324 : vector<16xi32>
          %and3A_326 = arith.constant 15 : i32
          %and3A_327 = vector.broadcast %and3A_326 : i32 to vector<16xi32>
          %and3A_328 = arith.andi %add3A_325, %and3A_327 : vector<16xi32>
          %add3A_329 = arith.constant 16 : i32
          %add3A_330 = vector.broadcast %add3A_329 : i32 to vector<16xi32>
          %add3A_331 = arith.addi %and3A_328, %add3A_330 : vector<16xi32>
          %add3A_332 = arith.constant 3 : i32
          %add3A_333 = vector.broadcast %add3A_332 : i32 to vector<16xi32>
          %add3A_334 = arith.addi %iota3A, %add3A_333 : vector<16xi32>
          %and3A_335 = arith.constant 15 : i32
          %and3A_336 = vector.broadcast %and3A_335 : i32 to vector<16xi32>
          %and3A_337 = arith.andi %add3A_334, %and3A_336 : vector<16xi32>
          %add3A_338 = arith.constant 16 : i32
          %add3A_339 = vector.broadcast %add3A_338 : i32 to vector<16xi32>
          %add3A_340 = arith.addi %and3A_337, %add3A_339 : vector<16xi32>
          %gather3A_341 = tpu.vector_load_idx %arg8[%add3A_145, %add3A_313] : memref<128x128xf32, #tpu.memory_space<vmem>>[vector<16xi32>, vector<16xi32>], vector<16xf32>,
          %gather3A_342 = tpu.vector_load_idx %arg8[%add3A_145, %add3A_322] : memref<128x128xf32, #tpu.memory_space<vmem>>[vector<16xi32>, vector<16xi32>], vector<16xf32>,
          %gather3A_343 = tpu.vector_load_idx %arg8[%add3A_145, %add3A_331] : memref<128x128xf32, #tpu.memory_space<vmem>>[vector<16xi32>, vector<16xi32>], vector<16xf32>,
          %gather3A_344 = tpu.vector_load_idx %arg8[%add3A_145, %add3A_340] : memref<128x128xf32, #tpu.memory_space<vmem>>[vector<16xi32>, vector<16xi32>], vector<16xf32>,
          tpu.vector_store_idx %arg10[%add3A_313, %add3A_145], %gather3A_341 : memref<64x128xf32, #tpu.memory_space<vmem>>[vector<16xi32>, vector<16xi32>], vector<16xf32>,
          tpu.vector_store_idx %arg10[%add3A_322, %add3A_145], %gather3A_342 : memref<64x128xf32, #tpu.memory_space<vmem>>[vector<16xi32>, vector<16xi32>], vector<16xf32>,
          tpu.vector_store_idx %arg10[%add3A_331, %add3A_145], %gather3A_343 : memref<64x128xf32, #tpu.memory_space<vmem>>[vector<16xi32>, vector<16xi32>], vector<16xf32>,
          tpu.vector_store_idx %arg10[%add3A_340, %add3A_145], %gather3A_344 : memref<64x128xf32, #tpu.memory_space<vmem>>[vector<16xi32>, vector<16xi32>], vector<16xf32>,
          %add3A_345 = arith.constant 4 : i32
          %add3A_346 = vector.broadcast %add3A_345 : i32 to vector<16xi32>
          %add3A_347 = arith.addi %iota3A, %add3A_346 : vector<16xi32>
          %and3A_348 = arith.constant 15 : i32
          %and3A_349 = vector.broadcast %and3A_348 : i32 to vector<16xi32>
          %and3A_350 = arith.andi %add3A_347, %and3A_349 : vector<16xi32>
          %add3A_351 = arith.constant 16 : i32
          %add3A_352 = vector.broadcast %add3A_351 : i32 to vector<16xi32>
          %add3A_353 = arith.addi %and3A_350, %add3A_352 : vector<16xi32>
          %add3A_354 = arith.constant 5 : i32
          %add3A_355 = vector.broadcast %add3A_354 : i32 to vector<16xi32>
          %add3A_356 = arith.addi %iota3A, %add3A_355 : vector<16xi32>
          %and3A_357 = arith.constant 15 : i32
          %and3A_358 = vector.broadcast %and3A_357 : i32 to vector<16xi32>
          %and3A_359 = arith.andi %add3A_356, %and3A_358 : vector<16xi32>
          %add3A_360 = arith.constant 16 : i32
          %add3A_361 = vector.broadcast %add3A_360 : i32 to vector<16xi32>
          %add3A_362 = arith.addi %and3A_359, %add3A_361 : vector<16xi32>
          %add3A_363 = arith.constant 6 : i32
          %add3A_364 = vector.broadcast %add3A_363 : i32 to vector<16xi32>
          %add3A_365 = arith.addi %iota3A, %add3A_364 : vector<16xi32>
          %and3A_366 = arith.constant 15 : i32
          %and3A_367 = vector.broadcast %and3A_366 : i32 to vector<16xi32>
          %and3A_368 = arith.andi %add3A_365, %and3A_367 : vector<16xi32>
          %add3A_369 = arith.constant 16 : i32
          %add3A_370 = vector.broadcast %add3A_369 : i32 to vector<16xi32>
          %add3A_371 = arith.addi %and3A_368, %add3A_370 : vector<16xi32>
          %add3A_372 = arith.constant 7 : i32
          %add3A_373 = vector.broadcast %add3A_372 : i32 to vector<16xi32>
          %add3A_374 = arith.addi %iota3A, %add3A_373 : vector<16xi32>
          %and3A_375 = arith.constant 15 : i32
          %and3A_376 = vector.broadcast %and3A_375 : i32 to vector<16xi32>
          %and3A_377 = arith.andi %add3A_374, %and3A_376 : vector<16xi32>
          %add3A_378 = arith.constant 16 : i32
          %add3A_379 = vector.broadcast %add3A_378 : i32 to vector<16xi32>
          %add3A_380 = arith.addi %and3A_377, %add3A_379 : vector<16xi32>
          %gather3A_381 = tpu.vector_load_idx %arg8[%add3A_145, %add3A_353] : memref<128x128xf32, #tpu.memory_space<vmem>>[vector<16xi32>, vector<16xi32>], vector<16xf32>,
          %gather3A_382 = tpu.vector_load_idx %arg8[%add3A_145, %add3A_362] : memref<128x128xf32, #tpu.memory_space<vmem>>[vector<16xi32>, vector<16xi32>], vector<16xf32>,
          %gather3A_383 = tpu.vector_load_idx %arg8[%add3A_145, %add3A_371] : memref<128x128xf32, #tpu.memory_space<vmem>>[vector<16xi32>, vector<16xi32>], vector<16xf32>,
          %gather3A_384 = tpu.vector_load_idx %arg8[%add3A_145, %add3A_380] : memref<128x128xf32, #tpu.memory_space<vmem>>[vector<16xi32>, vector<16xi32>], vector<16xf32>,
          tpu.vector_store_idx %arg10[%add3A_353, %add3A_145], %gather3A_381 : memref<64x128xf32, #tpu.memory_space<vmem>>[vector<16xi32>, vector<16xi32>], vector<16xf32>,
          tpu.vector_store_idx %arg10[%add3A_362, %add3A_145], %gather3A_382 : memref<64x128xf32, #tpu.memory_space<vmem>>[vector<16xi32>, vector<16xi32>], vector<16xf32>,
          tpu.vector_store_idx %arg10[%add3A_371, %add3A_145], %gather3A_383 : memref<64x128xf32, #tpu.memory_space<vmem>>[vector<16xi32>, vector<16xi32>], vector<16xf32>,
          tpu.vector_store_idx %arg10[%add3A_380, %add3A_145], %gather3A_384 : memref<64x128xf32, #tpu.memory_space<vmem>>[vector<16xi32>, vector<16xi32>], vector<16xf32>,
          %add3A_385 = arith.constant 8 : i32
          %add3A_386 = vector.broadcast %add3A_385 : i32 to vector<16xi32>
          %add3A_387 = arith.addi %iota3A, %add3A_386 : vector<16xi32>
          %and3A_388 = arith.constant 15 : i32
          %and3A_389 = vector.broadcast %and3A_388 : i32 to vector<16xi32>
          %and3A_390 = arith.andi %add3A_387, %and3A_389 : vector<16xi32>
          %add3A_391 = arith.constant 16 : i32
          %add3A_392 = vector.broadcast %add3A_391 : i32 to vector<16xi32>
          %add3A_393 = arith.addi %and3A_390, %add3A_392 : vector<16xi32>
          %add3A_394 = arith.constant 9 : i32
          %add3A_395 = vector.broadcast %add3A_394 : i32 to vector<16xi32>
          %add3A_396 = arith.addi %iota3A, %add3A_395 : vector<16xi32>
          %and3A_397 = arith.constant 15 : i32
          %and3A_398 = vector.broadcast %and3A_397 : i32 to vector<16xi32>
          %and3A_399 = arith.andi %add3A_396, %and3A_398 : vector<16xi32>
          %add3A_400 = arith.constant 16 : i32
          %add3A_401 = vector.broadcast %add3A_400 : i32 to vector<16xi32>
          %add3A_402 = arith.addi %and3A_399, %add3A_401 : vector<16xi32>
          %add3A_403 = arith.constant 10 : i32
          %add3A_404 = vector.broadcast %add3A_403 : i32 to vector<16xi32>
          %add3A_405 = arith.addi %iota3A, %add3A_404 : vector<16xi32>
          %and3A_406 = arith.constant 15 : i32
          %and3A_407 = vector.broadcast %and3A_406 : i32 to vector<16xi32>
          %and3A_408 = arith.andi %add3A_405, %and3A_407 : vector<16xi32>
          %add3A_409 = arith.constant 16 : i32
          %add3A_410 = vector.broadcast %add3A_409 : i32 to vector<16xi32>
          %add3A_411 = arith.addi %and3A_408, %add3A_410 : vector<16xi32>
          %add3A_412 = arith.constant 11 : i32
          %add3A_413 = vector.broadcast %add3A_412 : i32 to vector<16xi32>
          %add3A_414 = arith.addi %iota3A, %add3A_413 : vector<16xi32>
          %and3A_415 = arith.constant 15 : i32
          %and3A_416 = vector.broadcast %and3A_415 : i32 to vector<16xi32>
          %and3A_417 = arith.andi %add3A_414, %and3A_416 : vector<16xi32>
          %add3A_418 = arith.constant 16 : i32
          %add3A_419 = vector.broadcast %add3A_418 : i32 to vector<16xi32>
          %add3A_420 = arith.addi %and3A_417, %add3A_419 : vector<16xi32>
          %gather3A_421 = tpu.vector_load_idx %arg8[%add3A_145, %add3A_393] : memref<128x128xf32, #tpu.memory_space<vmem>>[vector<16xi32>, vector<16xi32>], vector<16xf32>,
          %gather3A_422 = tpu.vector_load_idx %arg8[%add3A_145, %add3A_402] : memref<128x128xf32, #tpu.memory_space<vmem>>[vector<16xi32>, vector<16xi32>], vector<16xf32>,
          %gather3A_423 = tpu.vector_load_idx %arg8[%add3A_145, %add3A_411] : memref<128x128xf32, #tpu.memory_space<vmem>>[vector<16xi32>, vector<16xi32>], vector<16xf32>,
          %gather3A_424 = tpu.vector_load_idx %arg8[%add3A_145, %add3A_420] : memref<128x128xf32, #tpu.memory_space<vmem>>[vector<16xi32>, vector<16xi32>], vector<16xf32>,
          tpu.vector_store_idx %arg10[%add3A_393, %add3A_145], %gather3A_421 : memref<64x128xf32, #tpu.memory_space<vmem>>[vector<16xi32>, vector<16xi32>], vector<16xf32>,
          tpu.vector_store_idx %arg10[%add3A_402, %add3A_145], %gather3A_422 : memref<64x128xf32, #tpu.memory_space<vmem>>[vector<16xi32>, vector<16xi32>], vector<16xf32>,
          tpu.vector_store_idx %arg10[%add3A_411, %add3A_145], %gather3A_423 : memref<64x128xf32, #tpu.memory_space<vmem>>[vector<16xi32>, vector<16xi32>], vector<16xf32>,
          tpu.vector_store_idx %arg10[%add3A_420, %add3A_145], %gather3A_424 : memref<64x128xf32, #tpu.memory_space<vmem>>[vector<16xi32>, vector<16xi32>], vector<16xf32>,
          %add3A_425 = arith.constant 12 : i32
          %add3A_426 = vector.broadcast %add3A_425 : i32 to vector<16xi32>
          %add3A_427 = arith.addi %iota3A, %add3A_426 : vector<16xi32>
          %and3A_428 = arith.constant 15 : i32
          %and3A_429 = vector.broadcast %and3A_428 : i32 to vector<16xi32>
          %and3A_430 = arith.andi %add3A_427, %and3A_429 : vector<16xi32>
          %add3A_431 = arith.constant 16 : i32
          %add3A_432 = vector.broadcast %add3A_431 : i32 to vector<16xi32>
          %add3A_433 = arith.addi %and3A_430, %add3A_432 : vector<16xi32>
          %add3A_434 = arith.constant 13 : i32
          %add3A_435 = vector.broadcast %add3A_434 : i32 to vector<16xi32>
          %add3A_436 = arith.addi %iota3A, %add3A_435 : vector<16xi32>
          %and3A_437 = arith.constant 15 : i32
          %and3A_438 = vector.broadcast %and3A_437 : i32 to vector<16xi32>
          %and3A_439 = arith.andi %add3A_436, %and3A_438 : vector<16xi32>
          %add3A_440 = arith.constant 16 : i32
          %add3A_441 = vector.broadcast %add3A_440 : i32 to vector<16xi32>
          %add3A_442 = arith.addi %and3A_439, %add3A_441 : vector<16xi32>
          %add3A_443 = arith.constant 14 : i32
          %add3A_444 = vector.broadcast %add3A_443 : i32 to vector<16xi32>
          %add3A_445 = arith.addi %iota3A, %add3A_444 : vector<16xi32>
          %and3A_446 = arith.constant 15 : i32
          %and3A_447 = vector.broadcast %and3A_446 : i32 to vector<16xi32>
          %and3A_448 = arith.andi %add3A_445, %and3A_447 : vector<16xi32>
          %add3A_449 = arith.constant 16 : i32
          %add3A_450 = vector.broadcast %add3A_449 : i32 to vector<16xi32>
          %add3A_451 = arith.addi %and3A_448, %add3A_450 : vector<16xi32>
          %add3A_452 = arith.constant 15 : i32
          %add3A_453 = vector.broadcast %add3A_452 : i32 to vector<16xi32>
          %add3A_454 = arith.addi %iota3A, %add3A_453 : vector<16xi32>
          %and3A_455 = arith.constant 15 : i32
          %and3A_456 = vector.broadcast %and3A_455 : i32 to vector<16xi32>
          %and3A_457 = arith.andi %add3A_454, %and3A_456 : vector<16xi32>
          %add3A_458 = arith.constant 16 : i32
          %add3A_459 = vector.broadcast %add3A_458 : i32 to vector<16xi32>
          %add3A_460 = arith.addi %and3A_457, %add3A_459 : vector<16xi32>
          %gather3A_461 = tpu.vector_load_idx %arg8[%add3A_145, %add3A_433] : memref<128x128xf32, #tpu.memory_space<vmem>>[vector<16xi32>, vector<16xi32>], vector<16xf32>,
          %gather3A_462 = tpu.vector_load_idx %arg8[%add3A_145, %add3A_442] : memref<128x128xf32, #tpu.memory_space<vmem>>[vector<16xi32>, vector<16xi32>], vector<16xf32>,
          %gather3A_463 = tpu.vector_load_idx %arg8[%add3A_145, %add3A_451] : memref<128x128xf32, #tpu.memory_space<vmem>>[vector<16xi32>, vector<16xi32>], vector<16xf32>,
          %gather3A_464 = tpu.vector_load_idx %arg8[%add3A_145, %add3A_460] : memref<128x128xf32, #tpu.memory_space<vmem>>[vector<16xi32>, vector<16xi32>], vector<16xf32>,
          tpu.vector_store_idx %arg10[%add3A_433, %add3A_145], %gather3A_461 : memref<64x128xf32, #tpu.memory_space<vmem>>[vector<16xi32>, vector<16xi32>], vector<16xf32>,
          tpu.vector_store_idx %arg10[%add3A_442, %add3A_145], %gather3A_462 : memref<64x128xf32, #tpu.memory_space<vmem>>[vector<16xi32>, vector<16xi32>], vector<16xf32>,
          tpu.vector_store_idx %arg10[%add3A_451, %add3A_145], %gather3A_463 : memref<64x128xf32, #tpu.memory_space<vmem>>[vector<16xi32>, vector<16xi32>], vector<16xf32>,
          tpu.vector_store_idx %arg10[%add3A_460, %add3A_145], %gather3A_464 : memref<64x128xf32, #tpu.memory_space<vmem>>[vector<16xi32>, vector<16xi32>], vector<16xf32>,
          %add3A_465 = arith.constant 0 : i32
          %add3A_466 = vector.broadcast %add3A_465 : i32 to vector<16xi32>
          %add3A_467 = arith.addi %iota3A, %add3A_466 : vector<16xi32>
          %and3A_468 = arith.constant 15 : i32
          %and3A_469 = vector.broadcast %and3A_468 : i32 to vector<16xi32>
          %and3A_470 = arith.andi %add3A_467, %and3A_469 : vector<16xi32>
          %add3A_471 = arith.constant 32 : i32
          %add3A_472 = vector.broadcast %add3A_471 : i32 to vector<16xi32>
          %add3A_473 = arith.addi %and3A_470, %add3A_472 : vector<16xi32>
          %add3A_474 = arith.constant 1 : i32
          %add3A_475 = vector.broadcast %add3A_474 : i32 to vector<16xi32>
          %add3A_476 = arith.addi %iota3A, %add3A_475 : vector<16xi32>
          %and3A_477 = arith.constant 15 : i32
          %and3A_478 = vector.broadcast %and3A_477 : i32 to vector<16xi32>
          %and3A_479 = arith.andi %add3A_476, %and3A_478 : vector<16xi32>
          %add3A_480 = arith.constant 32 : i32
          %add3A_481 = vector.broadcast %add3A_480 : i32 to vector<16xi32>
          %add3A_482 = arith.addi %and3A_479, %add3A_481 : vector<16xi32>
          %add3A_483 = arith.constant 2 : i32
          %add3A_484 = vector.broadcast %add3A_483 : i32 to vector<16xi32>
          %add3A_485 = arith.addi %iota3A, %add3A_484 : vector<16xi32>
          %and3A_486 = arith.constant 15 : i32
          %and3A_487 = vector.broadcast %and3A_486 : i32 to vector<16xi32>
          %and3A_488 = arith.andi %add3A_485, %and3A_487 : vector<16xi32>
          %add3A_489 = arith.constant 32 : i32
          %add3A_490 = vector.broadcast %add3A_489 : i32 to vector<16xi32>
          %add3A_491 = arith.addi %and3A_488, %add3A_490 : vector<16xi32>
          %add3A_492 = arith.constant 3 : i32
          %add3A_493 = vector.broadcast %add3A_492 : i32 to vector<16xi32>
          %add3A_494 = arith.addi %iota3A, %add3A_493 : vector<16xi32>
          %and3A_495 = arith.constant 15 : i32
          %and3A_496 = vector.broadcast %and3A_495 : i32 to vector<16xi32>
          %and3A_497 = arith.andi %add3A_494, %and3A_496 : vector<16xi32>
          %add3A_498 = arith.constant 32 : i32
          %add3A_499 = vector.broadcast %add3A_498 : i32 to vector<16xi32>
          %add3A_500 = arith.addi %and3A_497, %add3A_499 : vector<16xi32>
          %gather3A_501 = tpu.vector_load_idx %arg8[%add3A_145, %add3A_473] : memref<128x128xf32, #tpu.memory_space<vmem>>[vector<16xi32>, vector<16xi32>], vector<16xf32>,
          %gather3A_502 = tpu.vector_load_idx %arg8[%add3A_145, %add3A_482] : memref<128x128xf32, #tpu.memory_space<vmem>>[vector<16xi32>, vector<16xi32>], vector<16xf32>,
          %gather3A_503 = tpu.vector_load_idx %arg8[%add3A_145, %add3A_491] : memref<128x128xf32, #tpu.memory_space<vmem>>[vector<16xi32>, vector<16xi32>], vector<16xf32>,
          %gather3A_504 = tpu.vector_load_idx %arg8[%add3A_145, %add3A_500] : memref<128x128xf32, #tpu.memory_space<vmem>>[vector<16xi32>, vector<16xi32>], vector<16xf32>,
          tpu.vector_store_idx %arg10[%add3A_473, %add3A_145], %gather3A_501 : memref<64x128xf32, #tpu.memory_space<vmem>>[vector<16xi32>, vector<16xi32>], vector<16xf32>,
          tpu.vector_store_idx %arg10[%add3A_482, %add3A_145], %gather3A_502 : memref<64x128xf32, #tpu.memory_space<vmem>>[vector<16xi32>, vector<16xi32>], vector<16xf32>,
          tpu.vector_store_idx %arg10[%add3A_491, %add3A_145], %gather3A_503 : memref<64x128xf32, #tpu.memory_space<vmem>>[vector<16xi32>, vector<16xi32>], vector<16xf32>,
          tpu.vector_store_idx %arg10[%add3A_500, %add3A_145], %gather3A_504 : memref<64x128xf32, #tpu.memory_space<vmem>>[vector<16xi32>, vector<16xi32>], vector<16xf32>,
          %add3A_505 = arith.constant 4 : i32
          %add3A_506 = vector.broadcast %add3A_505 : i32 to vector<16xi32>
          %add3A_507 = arith.addi %iota3A, %add3A_506 : vector<16xi32>
          %and3A_508 = arith.constant 15 : i32
          %and3A_509 = vector.broadcast %and3A_508 : i32 to vector<16xi32>
          %and3A_510 = arith.andi %add3A_507, %and3A_509 : vector<16xi32>
          %add3A_511 = arith.constant 32 : i32
          %add3A_512 = vector.broadcast %add3A_511 : i32 to vector<16xi32>
          %add3A_513 = arith.addi %and3A_510, %add3A_512 : vector<16xi32>
          %add3A_514 = arith.constant 5 : i32
          %add3A_515 = vector.broadcast %add3A_514 : i32 to vector<16xi32>
          %add3A_516 = arith.addi %iota3A, %add3A_515 : vector<16xi32>
          %and3A_517 = arith.constant 15 : i32
          %and3A_518 = vector.broadcast %and3A_517 : i32 to vector<16xi32>
          %and3A_519 = arith.andi %add3A_516, %and3A_518 : vector<16xi32>
          %add3A_520 = arith.constant 32 : i32
          %add3A_521 = vector.broadcast %add3A_520 : i32 to vector<16xi32>
          %add3A_522 = arith.addi %and3A_519, %add3A_521 : vector<16xi32>
          %add3A_523 = arith.constant 6 : i32
          %add3A_524 = vector.broadcast %add3A_523 : i32 to vector<16xi32>
          %add3A_525 = arith.addi %iota3A, %add3A_524 : vector<16xi32>
          %and3A_526 = arith.constant 15 : i32
          %and3A_527 = vector.broadcast %and3A_526 : i32 to vector<16xi32>
          %and3A_528 = arith.andi %add3A_525, %and3A_527 : vector<16xi32>
          %add3A_529 = arith.constant 32 : i32
          %add3A_530 = vector.broadcast %add3A_529 : i32 to vector<16xi32>
          %add3A_531 = arith.addi %and3A_528, %add3A_530 : vector<16xi32>
          %add3A_532 = arith.constant 7 : i32
          %add3A_533 = vector.broadcast %add3A_532 : i32 to vector<16xi32>
          %add3A_534 = arith.addi %iota3A, %add3A_533 : vector<16xi32>
          %and3A_535 = arith.constant 15 : i32
          %and3A_536 = vector.broadcast %and3A_535 : i32 to vector<16xi32>
          %and3A_537 = arith.andi %add3A_534, %and3A_536 : vector<16xi32>
          %add3A_538 = arith.constant 32 : i32
          %add3A_539 = vector.broadcast %add3A_538 : i32 to vector<16xi32>
          %add3A_540 = arith.addi %and3A_537, %add3A_539 : vector<16xi32>
          %gather3A_541 = tpu.vector_load_idx %arg8[%add3A_145, %add3A_513] : memref<128x128xf32, #tpu.memory_space<vmem>>[vector<16xi32>, vector<16xi32>], vector<16xf32>,
          %gather3A_542 = tpu.vector_load_idx %arg8[%add3A_145, %add3A_522] : memref<128x128xf32, #tpu.memory_space<vmem>>[vector<16xi32>, vector<16xi32>], vector<16xf32>,
          %gather3A_543 = tpu.vector_load_idx %arg8[%add3A_145, %add3A_531] : memref<128x128xf32, #tpu.memory_space<vmem>>[vector<16xi32>, vector<16xi32>], vector<16xf32>,
          %gather3A_544 = tpu.vector_load_idx %arg8[%add3A_145, %add3A_540] : memref<128x128xf32, #tpu.memory_space<vmem>>[vector<16xi32>, vector<16xi32>], vector<16xf32>,
          tpu.vector_store_idx %arg10[%add3A_513, %add3A_145], %gather3A_541 : memref<64x128xf32, #tpu.memory_space<vmem>>[vector<16xi32>, vector<16xi32>], vector<16xf32>,
          tpu.vector_store_idx %arg10[%add3A_522, %add3A_145], %gather3A_542 : memref<64x128xf32, #tpu.memory_space<vmem>>[vector<16xi32>, vector<16xi32>], vector<16xf32>,
          tpu.vector_store_idx %arg10[%add3A_531, %add3A_145], %gather3A_543 : memref<64x128xf32, #tpu.memory_space<vmem>>[vector<16xi32>, vector<16xi32>], vector<16xf32>,
          tpu.vector_store_idx %arg10[%add3A_540, %add3A_145], %gather3A_544 : memref<64x128xf32, #tpu.memory_space<vmem>>[vector<16xi32>, vector<16xi32>], vector<16xf32>,
          %add3A_545 = arith.constant 8 : i32
          %add3A_546 = vector.broadcast %add3A_545 : i32 to vector<16xi32>
          %add3A_547 = arith.addi %iota3A, %add3A_546 : vector<16xi32>
          %and3A_548 = arith.constant 15 : i32
          %and3A_549 = vector.broadcast %and3A_548 : i32 to vector<16xi32>
          %and3A_550 = arith.andi %add3A_547, %and3A_549 : vector<16xi32>
          %add3A_551 = arith.constant 32 : i32
          %add3A_552 = vector.broadcast %add3A_551 : i32 to vector<16xi32>
          %add3A_553 = arith.addi %and3A_550, %add3A_552 : vector<16xi32>
          %add3A_554 = arith.constant 9 : i32
          %add3A_555 = vector.broadcast %add3A_554 : i32 to vector<16xi32>
          %add3A_556 = arith.addi %iota3A, %add3A_555 : vector<16xi32>
          %and3A_557 = arith.constant 15 : i32
          %and3A_558 = vector.broadcast %and3A_557 : i32 to vector<16xi32>
          %and3A_559 = arith.andi %add3A_556, %and3A_558 : vector<16xi32>
          %add3A_560 = arith.constant 32 : i32
          %add3A_561 = vector.broadcast %add3A_560 : i32 to vector<16xi32>
          %add3A_562 = arith.addi %and3A_559, %add3A_561 : vector<16xi32>
          %add3A_563 = arith.constant 10 : i32
          %add3A_564 = vector.broadcast %add3A_563 : i32 to vector<16xi32>
          %add3A_565 = arith.addi %iota3A, %add3A_564 : vector<16xi32>
          %and3A_566 = arith.constant 15 : i32
          %and3A_567 = vector.broadcast %and3A_566 : i32 to vector<16xi32>
          %and3A_568 = arith.andi %add3A_565, %and3A_567 : vector<16xi32>
          %add3A_569 = arith.constant 32 : i32
          %add3A_570 = vector.broadcast %add3A_569 : i32 to vector<16xi32>
          %add3A_571 = arith.addi %and3A_568, %add3A_570 : vector<16xi32>
          %add3A_572 = arith.constant 11 : i32
          %add3A_573 = vector.broadcast %add3A_572 : i32 to vector<16xi32>
          %add3A_574 = arith.addi %iota3A, %add3A_573 : vector<16xi32>
          %and3A_575 = arith.constant 15 : i32
          %and3A_576 = vector.broadcast %and3A_575 : i32 to vector<16xi32>
          %and3A_577 = arith.andi %add3A_574, %and3A_576 : vector<16xi32>
          %add3A_578 = arith.constant 32 : i32
          %add3A_579 = vector.broadcast %add3A_578 : i32 to vector<16xi32>
          %add3A_580 = arith.addi %and3A_577, %add3A_579 : vector<16xi32>
          %gather3A_581 = tpu.vector_load_idx %arg8[%add3A_145, %add3A_553] : memref<128x128xf32, #tpu.memory_space<vmem>>[vector<16xi32>, vector<16xi32>], vector<16xf32>,
          %gather3A_582 = tpu.vector_load_idx %arg8[%add3A_145, %add3A_562] : memref<128x128xf32, #tpu.memory_space<vmem>>[vector<16xi32>, vector<16xi32>], vector<16xf32>,
          %gather3A_583 = tpu.vector_load_idx %arg8[%add3A_145, %add3A_571] : memref<128x128xf32, #tpu.memory_space<vmem>>[vector<16xi32>, vector<16xi32>], vector<16xf32>,
          %gather3A_584 = tpu.vector_load_idx %arg8[%add3A_145, %add3A_580] : memref<128x128xf32, #tpu.memory_space<vmem>>[vector<16xi32>, vector<16xi32>], vector<16xf32>,
          tpu.vector_store_idx %arg10[%add3A_553, %add3A_145], %gather3A_581 : memref<64x128xf32, #tpu.memory_space<vmem>>[vector<16xi32>, vector<16xi32>], vector<16xf32>,
          tpu.vector_store_idx %arg10[%add3A_562, %add3A_145], %gather3A_582 : memref<64x128xf32, #tpu.memory_space<vmem>>[vector<16xi32>, vector<16xi32>], vector<16xf32>,
          tpu.vector_store_idx %arg10[%add3A_571, %add3A_145], %gather3A_583 : memref<64x128xf32, #tpu.memory_space<vmem>>[vector<16xi32>, vector<16xi32>], vector<16xf32>,
          tpu.vector_store_idx %arg10[%add3A_580, %add3A_145], %gather3A_584 : memref<64x128xf32, #tpu.memory_space<vmem>>[vector<16xi32>, vector<16xi32>], vector<16xf32>,
          %add3A_585 = arith.constant 12 : i32
          %add3A_586 = vector.broadcast %add3A_585 : i32 to vector<16xi32>
          %add3A_587 = arith.addi %iota3A, %add3A_586 : vector<16xi32>
          %and3A_588 = arith.constant 15 : i32
          %and3A_589 = vector.broadcast %and3A_588 : i32 to vector<16xi32>
          %and3A_590 = arith.andi %add3A_587, %and3A_589 : vector<16xi32>
          %add3A_591 = arith.constant 32 : i32
          %add3A_592 = vector.broadcast %add3A_591 : i32 to vector<16xi32>
          %add3A_593 = arith.addi %and3A_590, %add3A_592 : vector<16xi32>
          %add3A_594 = arith.constant 13 : i32
          %add3A_595 = vector.broadcast %add3A_594 : i32 to vector<16xi32>
          %add3A_596 = arith.addi %iota3A, %add3A_595 : vector<16xi32>
          %and3A_597 = arith.constant 15 : i32
          %and3A_598 = vector.broadcast %and3A_597 : i32 to vector<16xi32>
          %and3A_599 = arith.andi %add3A_596, %and3A_598 : vector<16xi32>
          %add3A_600 = arith.constant 32 : i32
          %add3A_601 = vector.broadcast %add3A_600 : i32 to vector<16xi32>
          %add3A_602 = arith.addi %and3A_599, %add3A_601 : vector<16xi32>
          %add3A_603 = arith.constant 14 : i32
          %add3A_604 = vector.broadcast %add3A_603 : i32 to vector<16xi32>
          %add3A_605 = arith.addi %iota3A, %add3A_604 : vector<16xi32>
          %and3A_606 = arith.constant 15 : i32
          %and3A_607 = vector.broadcast %and3A_606 : i32 to vector<16xi32>
          %and3A_608 = arith.andi %add3A_605, %and3A_607 : vector<16xi32>
          %add3A_609 = arith.constant 32 : i32
          %add3A_610 = vector.broadcast %add3A_609 : i32 to vector<16xi32>
          %add3A_611 = arith.addi %and3A_608, %add3A_610 : vector<16xi32>
          %add3A_612 = arith.constant 15 : i32
          %add3A_613 = vector.broadcast %add3A_612 : i32 to vector<16xi32>
          %add3A_614 = arith.addi %iota3A, %add3A_613 : vector<16xi32>
          %and3A_615 = arith.constant 15 : i32
          %and3A_616 = vector.broadcast %and3A_615 : i32 to vector<16xi32>
          %and3A_617 = arith.andi %add3A_614, %and3A_616 : vector<16xi32>
          %add3A_618 = arith.constant 32 : i32
          %add3A_619 = vector.broadcast %add3A_618 : i32 to vector<16xi32>
          %add3A_620 = arith.addi %and3A_617, %add3A_619 : vector<16xi32>
          %gather3A_621 = tpu.vector_load_idx %arg8[%add3A_145, %add3A_593] : memref<128x128xf32, #tpu.memory_space<vmem>>[vector<16xi32>, vector<16xi32>], vector<16xf32>,
          %gather3A_622 = tpu.vector_load_idx %arg8[%add3A_145, %add3A_602] : memref<128x128xf32, #tpu.memory_space<vmem>>[vector<16xi32>, vector<16xi32>], vector<16xf32>,
          %gather3A_623 = tpu.vector_load_idx %arg8[%add3A_145, %add3A_611] : memref<128x128xf32, #tpu.memory_space<vmem>>[vector<16xi32>, vector<16xi32>], vector<16xf32>,
          %gather3A_624 = tpu.vector_load_idx %arg8[%add3A_145, %add3A_620] : memref<128x128xf32, #tpu.memory_space<vmem>>[vector<16xi32>, vector<16xi32>], vector<16xf32>,
          tpu.vector_store_idx %arg10[%add3A_593, %add3A_145], %gather3A_621 : memref<64x128xf32, #tpu.memory_space<vmem>>[vector<16xi32>, vector<16xi32>], vector<16xf32>,
          tpu.vector_store_idx %arg10[%add3A_602, %add3A_145], %gather3A_622 : memref<64x128xf32, #tpu.memory_space<vmem>>[vector<16xi32>, vector<16xi32>], vector<16xf32>,
          tpu.vector_store_idx %arg10[%add3A_611, %add3A_145], %gather3A_623 : memref<64x128xf32, #tpu.memory_space<vmem>>[vector<16xi32>, vector<16xi32>], vector<16xf32>,
          tpu.vector_store_idx %arg10[%add3A_620, %add3A_145], %gather3A_624 : memref<64x128xf32, #tpu.memory_space<vmem>>[vector<16xi32>, vector<16xi32>], vector<16xf32>,
          %add3A_625 = arith.constant 0 : i32
          %add3A_626 = vector.broadcast %add3A_625 : i32 to vector<16xi32>
          %add3A_627 = arith.addi %iota3A, %add3A_626 : vector<16xi32>
          %and3A_628 = arith.constant 15 : i32
          %and3A_629 = vector.broadcast %and3A_628 : i32 to vector<16xi32>
          %and3A_630 = arith.andi %add3A_627, %and3A_629 : vector<16xi32>
          %add3A_631 = arith.constant 48 : i32
          %add3A_632 = vector.broadcast %add3A_631 : i32 to vector<16xi32>
          %add3A_633 = arith.addi %and3A_630, %add3A_632 : vector<16xi32>
          %add3A_634 = arith.constant 1 : i32
          %add3A_635 = vector.broadcast %add3A_634 : i32 to vector<16xi32>
          %add3A_636 = arith.addi %iota3A, %add3A_635 : vector<16xi32>
          %and3A_637 = arith.constant 15 : i32
          %and3A_638 = vector.broadcast %and3A_637 : i32 to vector<16xi32>
          %and3A_639 = arith.andi %add3A_636, %and3A_638 : vector<16xi32>
          %add3A_640 = arith.constant 48 : i32
          %add3A_641 = vector.broadcast %add3A_640 : i32 to vector<16xi32>
          %add3A_642 = arith.addi %and3A_639, %add3A_641 : vector<16xi32>
          %add3A_643 = arith.constant 2 : i32
          %add3A_644 = vector.broadcast %add3A_643 : i32 to vector<16xi32>
          %add3A_645 = arith.addi %iota3A, %add3A_644 : vector<16xi32>
          %and3A_646 = arith.constant 15 : i32
          %and3A_647 = vector.broadcast %and3A_646 : i32 to vector<16xi32>
          %and3A_648 = arith.andi %add3A_645, %and3A_647 : vector<16xi32>
          %add3A_649 = arith.constant 48 : i32
          %add3A_650 = vector.broadcast %add3A_649 : i32 to vector<16xi32>
          %add3A_651 = arith.addi %and3A_648, %add3A_650 : vector<16xi32>
          %add3A_652 = arith.constant 3 : i32
          %add3A_653 = vector.broadcast %add3A_652 : i32 to vector<16xi32>
          %add3A_654 = arith.addi %iota3A, %add3A_653 : vector<16xi32>
          %and3A_655 = arith.constant 15 : i32
          %and3A_656 = vector.broadcast %and3A_655 : i32 to vector<16xi32>
          %and3A_657 = arith.andi %add3A_654, %and3A_656 : vector<16xi32>
          %add3A_658 = arith.constant 48 : i32
          %add3A_659 = vector.broadcast %add3A_658 : i32 to vector<16xi32>
          %add3A_660 = arith.addi %and3A_657, %add3A_659 : vector<16xi32>
          %gather3A_661 = tpu.vector_load_idx %arg8[%add3A_145, %add3A_633] : memref<128x128xf32, #tpu.memory_space<vmem>>[vector<16xi32>, vector<16xi32>], vector<16xf32>,
          %gather3A_662 = tpu.vector_load_idx %arg8[%add3A_145, %add3A_642] : memref<128x128xf32, #tpu.memory_space<vmem>>[vector<16xi32>, vector<16xi32>], vector<16xf32>,
          %gather3A_663 = tpu.vector_load_idx %arg8[%add3A_145, %add3A_651] : memref<128x128xf32, #tpu.memory_space<vmem>>[vector<16xi32>, vector<16xi32>], vector<16xf32>,
          %gather3A_664 = tpu.vector_load_idx %arg8[%add3A_145, %add3A_660] : memref<128x128xf32, #tpu.memory_space<vmem>>[vector<16xi32>, vector<16xi32>], vector<16xf32>,
          tpu.vector_store_idx %arg10[%add3A_633, %add3A_145], %gather3A_661 : memref<64x128xf32, #tpu.memory_space<vmem>>[vector<16xi32>, vector<16xi32>], vector<16xf32>,
          tpu.vector_store_idx %arg10[%add3A_642, %add3A_145], %gather3A_662 : memref<64x128xf32, #tpu.memory_space<vmem>>[vector<16xi32>, vector<16xi32>], vector<16xf32>,
          tpu.vector_store_idx %arg10[%add3A_651, %add3A_145], %gather3A_663 : memref<64x128xf32, #tpu.memory_space<vmem>>[vector<16xi32>, vector<16xi32>], vector<16xf32>,
          tpu.vector_store_idx %arg10[%add3A_660, %add3A_145], %gather3A_664 : memref<64x128xf32, #tpu.memory_space<vmem>>[vector<16xi32>, vector<16xi32>], vector<16xf32>,
          %add3A_665 = arith.constant 4 : i32
          %add3A_666 = vector.broadcast %add3A_665 : i32 to vector<16xi32>
          %add3A_667 = arith.addi %iota3A, %add3A_666 : vector<16xi32>
          %and3A_668 = arith.constant 15 : i32
          %and3A_669 = vector.broadcast %and3A_668 : i32 to vector<16xi32>
          %and3A_670 = arith.andi %add3A_667, %and3A_669 : vector<16xi32>
          %add3A_671 = arith.constant 48 : i32
          %add3A_672 = vector.broadcast %add3A_671 : i32 to vector<16xi32>
          %add3A_673 = arith.addi %and3A_670, %add3A_672 : vector<16xi32>
          %add3A_674 = arith.constant 5 : i32
          %add3A_675 = vector.broadcast %add3A_674 : i32 to vector<16xi32>
          %add3A_676 = arith.addi %iota3A, %add3A_675 : vector<16xi32>
          %and3A_677 = arith.constant 15 : i32
          %and3A_678 = vector.broadcast %and3A_677 : i32 to vector<16xi32>
          %and3A_679 = arith.andi %add3A_676, %and3A_678 : vector<16xi32>
          %add3A_680 = arith.constant 48 : i32
          %add3A_681 = vector.broadcast %add3A_680 : i32 to vector<16xi32>
          %add3A_682 = arith.addi %and3A_679, %add3A_681 : vector<16xi32>
          %add3A_683 = arith.constant 6 : i32
          %add3A_684 = vector.broadcast %add3A_683 : i32 to vector<16xi32>
          %add3A_685 = arith.addi %iota3A, %add3A_684 : vector<16xi32>
          %and3A_686 = arith.constant 15 : i32
          %and3A_687 = vector.broadcast %and3A_686 : i32 to vector<16xi32>
          %and3A_688 = arith.andi %add3A_685, %and3A_687 : vector<16xi32>
          %add3A_689 = arith.constant 48 : i32
          %add3A_690 = vector.broadcast %add3A_689 : i32 to vector<16xi32>
          %add3A_691 = arith.addi %and3A_688, %add3A_690 : vector<16xi32>
          %add3A_692 = arith.constant 7 : i32
          %add3A_693 = vector.broadcast %add3A_692 : i32 to vector<16xi32>
          %add3A_694 = arith.addi %iota3A, %add3A_693 : vector<16xi32>
          %and3A_695 = arith.constant 15 : i32
          %and3A_696 = vector.broadcast %and3A_695 : i32 to vector<16xi32>
          %and3A_697 = arith.andi %add3A_694, %and3A_696 : vector<16xi32>
          %add3A_698 = arith.constant 48 : i32
          %add3A_699 = vector.broadcast %add3A_698 : i32 to vector<16xi32>
          %add3A_700 = arith.addi %and3A_697, %add3A_699 : vector<16xi32>
          %gather3A_701 = tpu.vector_load_idx %arg8[%add3A_145, %add3A_673] : memref<128x128xf32, #tpu.memory_space<vmem>>[vector<16xi32>, vector<16xi32>], vector<16xf32>,
          %gather3A_702 = tpu.vector_load_idx %arg8[%add3A_145, %add3A_682] : memref<128x128xf32, #tpu.memory_space<vmem>>[vector<16xi32>, vector<16xi32>], vector<16xf32>,
          %gather3A_703 = tpu.vector_load_idx %arg8[%add3A_145, %add3A_691] : memref<128x128xf32, #tpu.memory_space<vmem>>[vector<16xi32>, vector<16xi32>], vector<16xf32>,
          %gather3A_704 = tpu.vector_load_idx %arg8[%add3A_145, %add3A_700] : memref<128x128xf32, #tpu.memory_space<vmem>>[vector<16xi32>, vector<16xi32>], vector<16xf32>,
          tpu.vector_store_idx %arg10[%add3A_673, %add3A_145], %gather3A_701 : memref<64x128xf32, #tpu.memory_space<vmem>>[vector<16xi32>, vector<16xi32>], vector<16xf32>,
          tpu.vector_store_idx %arg10[%add3A_682, %add3A_145], %gather3A_702 : memref<64x128xf32, #tpu.memory_space<vmem>>[vector<16xi32>, vector<16xi32>], vector<16xf32>,
          tpu.vector_store_idx %arg10[%add3A_691, %add3A_145], %gather3A_703 : memref<64x128xf32, #tpu.memory_space<vmem>>[vector<16xi32>, vector<16xi32>], vector<16xf32>,
          tpu.vector_store_idx %arg10[%add3A_700, %add3A_145], %gather3A_704 : memref<64x128xf32, #tpu.memory_space<vmem>>[vector<16xi32>, vector<16xi32>], vector<16xf32>,
          %add3A_705 = arith.constant 8 : i32
          %add3A_706 = vector.broadcast %add3A_705 : i32 to vector<16xi32>
          %add3A_707 = arith.addi %iota3A, %add3A_706 : vector<16xi32>
          %and3A_708 = arith.constant 15 : i32
          %and3A_709 = vector.broadcast %and3A_708 : i32 to vector<16xi32>
          %and3A_710 = arith.andi %add3A_707, %and3A_709 : vector<16xi32>
          %add3A_711 = arith.constant 48 : i32
          %add3A_712 = vector.broadcast %add3A_711 : i32 to vector<16xi32>
          %add3A_713 = arith.addi %and3A_710, %add3A_712 : vector<16xi32>
          %add3A_714 = arith.constant 9 : i32
          %add3A_715 = vector.broadcast %add3A_714 : i32 to vector<16xi32>
          %add3A_716 = arith.addi %iota3A, %add3A_715 : vector<16xi32>
          %and3A_717 = arith.constant 15 : i32
          %and3A_718 = vector.broadcast %and3A_717 : i32 to vector<16xi32>
          %and3A_719 = arith.andi %add3A_716, %and3A_718 : vector<16xi32>
          %add3A_720 = arith.constant 48 : i32
          %add3A_721 = vector.broadcast %add3A_720 : i32 to vector<16xi32>
          %add3A_722 = arith.addi %and3A_719, %add3A_721 : vector<16xi32>
          %add3A_723 = arith.constant 10 : i32
          %add3A_724 = vector.broadcast %add3A_723 : i32 to vector<16xi32>
          %add3A_725 = arith.addi %iota3A, %add3A_724 : vector<16xi32>
          %and3A_726 = arith.constant 15 : i32
          %and3A_727 = vector.broadcast %and3A_726 : i32 to vector<16xi32>
          %and3A_728 = arith.andi %add3A_725, %and3A_727 : vector<16xi32>
          %add3A_729 = arith.constant 48 : i32
          %add3A_730 = vector.broadcast %add3A_729 : i32 to vector<16xi32>
          %add3A_731 = arith.addi %and3A_728, %add3A_730 : vector<16xi32>
          %add3A_732 = arith.constant 11 : i32
          %add3A_733 = vector.broadcast %add3A_732 : i32 to vector<16xi32>
          %add3A_734 = arith.addi %iota3A, %add3A_733 : vector<16xi32>
          %and3A_735 = arith.constant 15 : i32
          %and3A_736 = vector.broadcast %and3A_735 : i32 to vector<16xi32>
          %and3A_737 = arith.andi %add3A_734, %and3A_736 : vector<16xi32>
          %add3A_738 = arith.constant 48 : i32
          %add3A_739 = vector.broadcast %add3A_738 : i32 to vector<16xi32>
          %add3A_740 = arith.addi %and3A_737, %add3A_739 : vector<16xi32>
          %gather3A_741 = tpu.vector_load_idx %arg8[%add3A_145, %add3A_713] : memref<128x128xf32, #tpu.memory_space<vmem>>[vector<16xi32>, vector<16xi32>], vector<16xf32>,
          %gather3A_742 = tpu.vector_load_idx %arg8[%add3A_145, %add3A_722] : memref<128x128xf32, #tpu.memory_space<vmem>>[vector<16xi32>, vector<16xi32>], vector<16xf32>,
          %gather3A_743 = tpu.vector_load_idx %arg8[%add3A_145, %add3A_731] : memref<128x128xf32, #tpu.memory_space<vmem>>[vector<16xi32>, vector<16xi32>], vector<16xf32>,
          %gather3A_744 = tpu.vector_load_idx %arg8[%add3A_145, %add3A_740] : memref<128x128xf32, #tpu.memory_space<vmem>>[vector<16xi32>, vector<16xi32>], vector<16xf32>,
          tpu.vector_store_idx %arg10[%add3A_713, %add3A_145], %gather3A_741 : memref<64x128xf32, #tpu.memory_space<vmem>>[vector<16xi32>, vector<16xi32>], vector<16xf32>,
          tpu.vector_store_idx %arg10[%add3A_722, %add3A_145], %gather3A_742 : memref<64x128xf32, #tpu.memory_space<vmem>>[vector<16xi32>, vector<16xi32>], vector<16xf32>,
          tpu.vector_store_idx %arg10[%add3A_731, %add3A_145], %gather3A_743 : memref<64x128xf32, #tpu.memory_space<vmem>>[vector<16xi32>, vector<16xi32>], vector<16xf32>,
          tpu.vector_store_idx %arg10[%add3A_740, %add3A_145], %gather3A_744 : memref<64x128xf32, #tpu.memory_space<vmem>>[vector<16xi32>, vector<16xi32>], vector<16xf32>,
          %add3A_745 = arith.constant 12 : i32
          %add3A_746 = vector.broadcast %add3A_745 : i32 to vector<16xi32>
          %add3A_747 = arith.addi %iota3A, %add3A_746 : vector<16xi32>
          %and3A_748 = arith.constant 15 : i32
          %and3A_749 = vector.broadcast %and3A_748 : i32 to vector<16xi32>
          %and3A_750 = arith.andi %add3A_747, %and3A_749 : vector<16xi32>
          %add3A_751 = arith.constant 48 : i32
          %add3A_752 = vector.broadcast %add3A_751 : i32 to vector<16xi32>
          %add3A_753 = arith.addi %and3A_750, %add3A_752 : vector<16xi32>
          %add3A_754 = arith.constant 13 : i32
          %add3A_755 = vector.broadcast %add3A_754 : i32 to vector<16xi32>
          %add3A_756 = arith.addi %iota3A, %add3A_755 : vector<16xi32>
          %and3A_757 = arith.constant 15 : i32
          %and3A_758 = vector.broadcast %and3A_757 : i32 to vector<16xi32>
          %and3A_759 = arith.andi %add3A_756, %and3A_758 : vector<16xi32>
          %add3A_760 = arith.constant 48 : i32
          %add3A_761 = vector.broadcast %add3A_760 : i32 to vector<16xi32>
          %add3A_762 = arith.addi %and3A_759, %add3A_761 : vector<16xi32>
          %add3A_763 = arith.constant 14 : i32
          %add3A_764 = vector.broadcast %add3A_763 : i32 to vector<16xi32>
          %add3A_765 = arith.addi %iota3A, %add3A_764 : vector<16xi32>
          %and3A_766 = arith.constant 15 : i32
          %and3A_767 = vector.broadcast %and3A_766 : i32 to vector<16xi32>
          %and3A_768 = arith.andi %add3A_765, %and3A_767 : vector<16xi32>
          %add3A_769 = arith.constant 48 : i32
          %add3A_770 = vector.broadcast %add3A_769 : i32 to vector<16xi32>
          %add3A_771 = arith.addi %and3A_768, %add3A_770 : vector<16xi32>
          %add3A_772 = arith.constant 15 : i32
          %add3A_773 = vector.broadcast %add3A_772 : i32 to vector<16xi32>
          %add3A_774 = arith.addi %iota3A, %add3A_773 : vector<16xi32>
          %and3A_775 = arith.constant 15 : i32
          %and3A_776 = vector.broadcast %and3A_775 : i32 to vector<16xi32>
          %and3A_777 = arith.andi %add3A_774, %and3A_776 : vector<16xi32>
          %add3A_778 = arith.constant 48 : i32
          %add3A_779 = vector.broadcast %add3A_778 : i32 to vector<16xi32>
          %add3A_780 = arith.addi %and3A_777, %add3A_779 : vector<16xi32>
          %gather3A_781 = tpu.vector_load_idx %arg8[%add3A_145, %add3A_753] : memref<128x128xf32, #tpu.memory_space<vmem>>[vector<16xi32>, vector<16xi32>], vector<16xf32>,
          %gather3A_782 = tpu.vector_load_idx %arg8[%add3A_145, %add3A_762] : memref<128x128xf32, #tpu.memory_space<vmem>>[vector<16xi32>, vector<16xi32>], vector<16xf32>,
          %gather3A_783 = tpu.vector_load_idx %arg8[%add3A_145, %add3A_771] : memref<128x128xf32, #tpu.memory_space<vmem>>[vector<16xi32>, vector<16xi32>], vector<16xf32>,
          %gather3A_784 = tpu.vector_load_idx %arg8[%add3A_145, %add3A_780] : memref<128x128xf32, #tpu.memory_space<vmem>>[vector<16xi32>, vector<16xi32>], vector<16xf32>,
          tpu.vector_store_idx %arg10[%add3A_753, %add3A_145], %gather3A_781 : memref<64x128xf32, #tpu.memory_space<vmem>>[vector<16xi32>, vector<16xi32>], vector<16xf32>,
          tpu.vector_store_idx %arg10[%add3A_762, %add3A_145], %gather3A_782 : memref<64x128xf32, #tpu.memory_space<vmem>>[vector<16xi32>, vector<16xi32>], vector<16xf32>,
          tpu.vector_store_idx %arg10[%add3A_771, %add3A_145], %gather3A_783 : memref<64x128xf32, #tpu.memory_space<vmem>>[vector<16xi32>, vector<16xi32>], vector<16xf32>,
          tpu.vector_store_idx %arg10[%add3A_780, %add3A_145], %gather3A_784 : memref<64x128xf32, #tpu.memory_space<vmem>>[vector<16xi32>, vector<16xi32>], vector<16xf32>,
        }
        %scan3A_131 = arith.constant 8 : i32
        %mul3A_132 = arith.constant 32 : i32
        %mul3A_133 = arith.muli %add3A_94, %mul3A_132 : i32
        %add3A_134 = arith.addi %add3A, %mul3A_133 : i32
        %mul3A_135 = arith.constant 128 : i32
        %mul3A_136 = arith.muli %add3A_134, %mul3A_135 : i32
        %dma_start3A_137 = arith.constant 0 : i32
        %dma_start3A_138 = tpu.memref_slice %arg4[%dma_start3A_137, %mul3A_136] : memref<64x320000xf32, #tpu.memory_space<hbm>> -> memref<64x128xf32, #tpu.memory_space<hbm>>
        %dma_start3A_139 = arith.constant 0 : i32
        %dma_start3A_140 = tpu.memref_slice %arg4[%dma_start3A_139, %mul3A_136] : memref<64x320000xf32, #tpu.memory_space<hbm>> -> memref<64x128xf32, #tpu.memory_space<hbm>>
        tpu.enqueue_dma source(%arg10 : memref<64x128xf32, #tpu.memory_space<vmem>>) target(%dma_start3A_140 : memref<64x128xf32, #tpu.memory_space<hbm>>) target_semaphore(%arg13 : memref<!tpu.dma_semaphore, #tpu.memory_space<semaphore_mem>>)
      } else {
      }
      %mul3A_99 = arith.constant 2 : i32
      %mul3A_100 = arith.muli %mul3A_99, %scan3A_90 : i32
      %add3A_101 = arith.constant 1 : i32
      %add3A_102 = arith.addi %mul3A_100, %add3A_101 : i32
      %lt3A_103 = arith.cmpi slt, %add3A_102, %select_n3A : i32
      %convert_element_type3A_104 = arith.extui %lt3A_103 : i1 to i32
      %cond3A_105 = arith.constant 0 : i32
      %cond3A_106 = arith.cmpi ne, %convert_element_type3A_104, %cond3A_105 : i32
      scf.if %cond3A_106 {
        %ge3A = arith.constant 1 : i32
        %ge3A_107 = arith.cmpi sge, %add3A_102, %ge3A : i32
        %convert_element_type3A_108 = arith.extui %ge3A_107 : i1 to i32
        %cond3A_109 = arith.constant 0 : i32
        %cond3A_110 = arith.cmpi ne, %convert_element_type3A_108, %cond3A_109 : i32
        scf.if %cond3A_110 {
          %sub3A_141 = arith.constant 1 : i32
          %sub3A_142 = arith.subi %add3A_102, %sub3A_141 : i32
          %mul3A_143 = arith.constant 32 : i32
          %mul3A_144 = arith.muli %sub3A_142, %mul3A_143 : i32
          %add3A_145 = arith.addi %add3A, %mul3A_144 : i32
          %mul3A_146 = arith.constant 128 : i32
          %mul3A_147 = arith.muli %add3A_145, %mul3A_146 : i32
          %dma_wait3A_148 = arith.constant 0 : i32
          %dma_wait3A_149 = tpu.memref_slice %arg4[%dma_wait3A_148, %mul3A_147] : memref<64x320000xf32, #tpu.memory_space<hbm>> -> memref<64x128xf32, #tpu.memory_space<hbm>>
          %dma_wait3A_150 = arith.constant 0 : i32
          %dma_wait3A_151 = tpu.memref_slice %arg4[%dma_wait3A_150, %mul3A_147] : memref<64x320000xf32, #tpu.memory_space<hbm>> -> memref<64x128xf32, #tpu.memory_space<hbm>>
          tpu.wait_dma2 semaphore(%arg13 : memref<!tpu.dma_semaphore, #tpu.memory_space<semaphore_mem>>) src(%arg10 : memref<64x128xf32, #tpu.memory_space<vmem>>) dst(%dma_wait3A_151 : memref<64x128xf32, #tpu.memory_space<hbm>>)
        } else {
        }
        %dma_wait3A_111 = arith.constant 0 : i32
        %dma_wait3A_112 = arith.constant 0 : i32
        %dma_wait3A_113 = tpu.memref_slice %arg5[%dma_wait3A_111, %dma_wait3A_112] : memref<10000x128xf32, #tpu.memory_space<vmem_shared>> -> memref<10000x128xf32, #tpu.memory_space<vmem_shared>>
        tpu.wait_indirect_dma semaphore(%arg12 : memref<!tpu.dma_semaphore, #tpu.memory_space<semaphore_mem>>) src(%dma_wait3A_113 : memref<10000x128xf32, #tpu.memory_space<vmem_shared>>) dst(%arg9 : memref<128x128xf32, #tpu.memory_space<vmem>>)
        %add3A_114 = arith.constant 2 : i32
        %add3A_115 = arith.addi %add3A_102, %add3A_114 : i32
        %lt3A_116 = arith.cmpi slt, %add3A_115, %select_n3A : i32
        %convert_element_type3A_117 = arith.extui %lt3A_116 : i1 to i32
        %cond3A_118 = arith.constant 0 : i32
        %cond3A_119 = arith.cmpi ne, %convert_element_type3A_117, %cond3A_118 : i32
        scf.if %cond3A_119 {
          %add3A_141 = arith.constant 2 : i32
          %add3A_142 = arith.addi %add3A_102, %add3A_141 : i32
          %mul3A_143 = arith.constant 32 : i32
          %mul3A_144 = arith.muli %add3A_142, %mul3A_143 : i32
          %add3A_145 = arith.addi %add3A, %mul3A_144 : i32
          %mul3A_146 = arith.constant 128 : i32
          %mul3A_147 = arith.muli %add3A_145, %mul3A_146 : i32
          %dma_start3A_148 = tpu.memref_slice %arg3[%mul3A_147] : memref<320000xi32, #tpu.memory_space<hbm>> -> memref<128xi32, #tpu.memory_space<hbm>>
          %dma_start3A_149 = tpu.memref_slice %arg3[%mul3A_147] : memref<320000xi32, #tpu.memory_space<hbm>> -> memref<128xi32, #tpu.memory_space<hbm>>
          tpu.enqueue_dma source(%dma_start3A_149 : memref<128xi32, #tpu.memory_space<hbm>>) target(%arg7 : memref<128xi32, #tpu.memory_space<vmem>>) target_semaphore(%arg16 : memref<!tpu.dma_semaphore, #tpu.memory_space<semaphore_mem>>)
        } else {
        }
        %add3A_120 = arith.constant 1 : i32
        %add3A_121 = arith.addi %add3A_102, %add3A_120 : i32
        %lt3A_122 = arith.cmpi slt, %add3A_121, %select_n3A : i32
        %convert_element_type3A_123 = arith.extui %lt3A_122 : i1 to i32
        %cond3A_124 = arith.constant 0 : i32
        %cond3A_125 = arith.cmpi ne, %convert_element_type3A_123, %cond3A_124 : i32
        scf.if %cond3A_125 {
          %add3A_141 = arith.constant 1 : i32
          %add3A_142 = arith.addi %add3A_102, %add3A_141 : i32
          %mul3A_143 = arith.constant 32 : i32
          %mul3A_144 = arith.muli %add3A_142, %mul3A_143 : i32
          %add3A_145 = arith.addi %add3A, %mul3A_144 : i32
          %mul3A_146 = arith.constant 128 : i32
          %mul3A_147 = arith.muli %add3A_145, %mul3A_146 : i32
          %dma_wait3A_148 = tpu.memref_slice %arg3[%mul3A_147] : memref<320000xi32, #tpu.memory_space<hbm>> -> memref<128xi32, #tpu.memory_space<hbm>>
          %dma_wait3A_149 = tpu.memref_slice %arg3[%mul3A_147] : memref<320000xi32, #tpu.memory_space<hbm>> -> memref<128xi32, #tpu.memory_space<hbm>>
          tpu.wait_dma2 semaphore(%arg15 : memref<!tpu.dma_semaphore, #tpu.memory_space<semaphore_mem>>) src(%dma_wait3A_149 : memref<128xi32, #tpu.memory_space<hbm>>) dst(%arg6 : memref<128xi32, #tpu.memory_space<vmem>>)
          %dma_start3A_150 = arith.constant 0 : i32
          %dma_start3A_151 = arith.constant 0 : i32
          %dma_start3A_152 = tpu.memref_slice %arg5[%dma_start3A_150, %dma_start3A_151] : memref<10000x128xf32, #tpu.memory_space<vmem_shared>> -> memref<10000x128xf32, #tpu.memory_space<vmem_shared>>
          tpu.enqueue_indirect_dma source(%dma_start3A_152 : memref<10000x128xf32, #tpu.memory_space<vmem_shared>>) target(%arg8 : memref<128x128xf32, #tpu.memory_space<vmem>>) offsets(%arg6 : memref<128xi32, #tpu.memory_space<vmem>>) semaphore(%arg11 : memref<!tpu.dma_semaphore, #tpu.memory_space<semaphore_mem>>)
        } else {
        }
        %scan3A_126 = arith.constant 0 : i32
        %scan3A_127 = arith.constant 0 : i32
        %scan3A_128 = arith.constant 8 : i32
        %scan3A_129 = arith.addi %scan3A_127, %scan3A_128 : i32
        %scan3A_130 = arith.constant 1 : i32
        scf.for %scan3A_141 = %scan3A_127 to %scan3A_129 step %scan3A_130  : i32 {
          %mul3A_142 = arith.constant 16 : i32
          %mul3A_143 = arith.muli %mul3A_142, %scan3A_141 : i32
          %add3A_144 = vector.broadcast %mul3A_143 : i32 to vector<16xi32>
          %add3A_145 = arith.addi %iota3A, %add3A_144 : vector<16xi32>
          %add3A_146 = arith.constant 0 : i32
          %add3A_147 = vector.broadcast %add3A_146 : i32 to vector<16xi32>
          %add3A_148 = arith.addi %iota3A, %add3A_147 : vector<16xi32>
          %and3A_149 = arith.constant 15 : i32
          %and3A_150 = vector.broadcast %and3A_149 : i32 to vector<16xi32>
          %and3A_151 = arith.andi %add3A_148, %and3A_150 : vector<16xi32>
          %add3A_152 = arith.constant 0 : i32
          %add3A_153 = vector.broadcast %add3A_152 : i32 to vector<16xi32>
          %add3A_154 = arith.addi %and3A_151, %add3A_153 : vector<16xi32>
          %add3A_155 = arith.constant 1 : i32
          %add3A_156 = vector.broadcast %add3A_155 : i32 to vector<16xi32>
          %add3A_157 = arith.addi %iota3A, %add3A_156 : vector<16xi32>
          %and3A_158 = arith.constant 15 : i32
          %and3A_159 = vector.broadcast %and3A_158 : i32 to vector<16xi32>
          %and3A_160 = arith.andi %add3A_157, %and3A_159 : vector<16xi32>
          %add3A_161 = arith.constant 0 : i32
          %add3A_162 = vector.broadcast %add3A_161 : i32 to vector<16xi32>
          %add3A_163 = arith.addi %and3A_160, %add3A_162 : vector<16xi32>
          %add3A_164 = arith.constant 2 : i32
          %add3A_165 = vector.broadcast %add3A_164 : i32 to vector<16xi32>
          %add3A_166 = arith.addi %iota3A, %add3A_165 : vector<16xi32>
          %and3A_167 = arith.constant 15 : i32
          %and3A_168 = vector.broadcast %and3A_167 : i32 to vector<16xi32>
          %and3A_169 = arith.andi %add3A_166, %and3A_168 : vector<16xi32>
          %add3A_170 = arith.constant 0 : i32
          %add3A_171 = vector.broadcast %add3A_170 : i32 to vector<16xi32>
          %add3A_172 = arith.addi %and3A_169, %add3A_171 : vector<16xi32>
          %add3A_173 = arith.constant 3 : i32
          %add3A_174 = vector.broadcast %add3A_173 : i32 to vector<16xi32>
          %add3A_175 = arith.addi %iota3A, %add3A_174 : vector<16xi32>
          %and3A_176 = arith.constant 15 : i32
          %and3A_177 = vector.broadcast %and3A_176 : i32 to vector<16xi32>
          %and3A_178 = arith.andi %add3A_175, %and3A_177 : vector<16xi32>
          %add3A_179 = arith.constant 0 : i32
          %add3A_180 = vector.broadcast %add3A_179 : i32 to vector<16xi32>
          %add3A_181 = arith.addi %and3A_178, %add3A_180 : vector<16xi32>
          %gather3A = tpu.vector_load_idx %arg9[%add3A_145, %add3A_154] : memref<128x128xf32, #tpu.memory_space<vmem>>[vector<16xi32>, vector<16xi32>], vector<16xf32>,
          %gather3A_182 = tpu.vector_load_idx %arg9[%add3A_145, %add3A_163] : memref<128x128xf32, #tpu.memory_space<vmem>>[vector<16xi32>, vector<16xi32>], vector<16xf32>,
          %gather3A_183 = tpu.vector_load_idx %arg9[%add3A_145, %add3A_172] : memref<128x128xf32, #tpu.memory_space<vmem>>[vector<16xi32>, vector<16xi32>], vector<16xf32>,
          %gather3A_184 = tpu.vector_load_idx %arg9[%add3A_145, %add3A_181] : memref<128x128xf32, #tpu.memory_space<vmem>>[vector<16xi32>, vector<16xi32>], vector<16xf32>,
          tpu.vector_store_idx %arg10[%add3A_154, %add3A_145], %gather3A : memref<64x128xf32, #tpu.memory_space<vmem>>[vector<16xi32>, vector<16xi32>], vector<16xf32>,
          tpu.vector_store_idx %arg10[%add3A_163, %add3A_145], %gather3A_182 : memref<64x128xf32, #tpu.memory_space<vmem>>[vector<16xi32>, vector<16xi32>], vector<16xf32>,
          tpu.vector_store_idx %arg10[%add3A_172, %add3A_145], %gather3A_183 : memref<64x128xf32, #tpu.memory_space<vmem>>[vector<16xi32>, vector<16xi32>], vector<16xf32>,
          tpu.vector_store_idx %arg10[%add3A_181, %add3A_145], %gather3A_184 : memref<64x128xf32, #tpu.memory_space<vmem>>[vector<16xi32>, vector<16xi32>], vector<16xf32>,
          %add3A_185 = arith.constant 4 : i32
          %add3A_186 = vector.broadcast %add3A_185 : i32 to vector<16xi32>
          %add3A_187 = arith.addi %iota3A, %add3A_186 : vector<16xi32>
          %and3A_188 = arith.constant 15 : i32
          %and3A_189 = vector.broadcast %and3A_188 : i32 to vector<16xi32>
          %and3A_190 = arith.andi %add3A_187, %and3A_189 : vector<16xi32>
          %add3A_191 = arith.constant 0 : i32
          %add3A_192 = vector.broadcast %add3A_191 : i32 to vector<16xi32>
          %add3A_193 = arith.addi %and3A_190, %add3A_192 : vector<16xi32>
          %add3A_194 = arith.constant 5 : i32
          %add3A_195 = vector.broadcast %add3A_194 : i32 to vector<16xi32>
          %add3A_196 = arith.addi %iota3A, %add3A_195 : vector<16xi32>
          %and3A_197 = arith.constant 15 : i32
          %and3A_198 = vector.broadcast %and3A_197 : i32 to vector<16xi32>
          %and3A_199 = arith.andi %add3A_196, %and3A_198 : vector<16xi32>
          %add3A_200 = arith.constant 0 : i32
          %add3A_201 = vector.broadcast %add3A_200 : i32 to vector<16xi32>
          %add3A_202 = arith.addi %and3A_199, %add3A_201 : vector<16xi32>
          %add3A_203 = arith.constant 6 : i32
          %add3A_204 = vector.broadcast %add3A_203 : i32 to vector<16xi32>
          %add3A_205 = arith.addi %iota3A, %add3A_204 : vector<16xi32>
          %and3A_206 = arith.constant 15 : i32
          %and3A_207 = vector.broadcast %and3A_206 : i32 to vector<16xi32>
          %and3A_208 = arith.andi %add3A_205, %and3A_207 : vector<16xi32>
          %add3A_209 = arith.constant 0 : i32
          %add3A_210 = vector.broadcast %add3A_209 : i32 to vector<16xi32>
          %add3A_211 = arith.addi %and3A_208, %add3A_210 : vector<16xi32>
          %add3A_212 = arith.constant 7 : i32
          %add3A_213 = vector.broadcast %add3A_212 : i32 to vector<16xi32>
          %add3A_214 = arith.addi %iota3A, %add3A_213 : vector<16xi32>
          %and3A_215 = arith.constant 15 : i32
          %and3A_216 = vector.broadcast %and3A_215 : i32 to vector<16xi32>
          %and3A_217 = arith.andi %add3A_214, %and3A_216 : vector<16xi32>
          %add3A_218 = arith.constant 0 : i32
          %add3A_219 = vector.broadcast %add3A_218 : i32 to vector<16xi32>
          %add3A_220 = arith.addi %and3A_217, %add3A_219 : vector<16xi32>
          %gather3A_221 = tpu.vector_load_idx %arg9[%add3A_145, %add3A_193] : memref<128x128xf32, #tpu.memory_space<vmem>>[vector<16xi32>, vector<16xi32>], vector<16xf32>,
          %gather3A_222 = tpu.vector_load_idx %arg9[%add3A_145, %add3A_202] : memref<128x128xf32, #tpu.memory_space<vmem>>[vector<16xi32>, vector<16xi32>], vector<16xf32>,
          %gather3A_223 = tpu.vector_load_idx %arg9[%add3A_145, %add3A_211] : memref<128x128xf32, #tpu.memory_space<vmem>>[vector<16xi32>, vector<16xi32>], vector<16xf32>,
          %gather3A_224 = tpu.vector_load_idx %arg9[%add3A_145, %add3A_220] : memref<128x128xf32, #tpu.memory_space<vmem>>[vector<16xi32>, vector<16xi32>], vector<16xf32>,
          tpu.vector_store_idx %arg10[%add3A_193, %add3A_145], %gather3A_221 : memref<64x128xf32, #tpu.memory_space<vmem>>[vector<16xi32>, vector<16xi32>], vector<16xf32>,
          tpu.vector_store_idx %arg10[%add3A_202, %add3A_145], %gather3A_222 : memref<64x128xf32, #tpu.memory_space<vmem>>[vector<16xi32>, vector<16xi32>], vector<16xf32>,
          tpu.vector_store_idx %arg10[%add3A_211, %add3A_145], %gather3A_223 : memref<64x128xf32, #tpu.memory_space<vmem>>[vector<16xi32>, vector<16xi32>], vector<16xf32>,
          tpu.vector_store_idx %arg10[%add3A_220, %add3A_145], %gather3A_224 : memref<64x128xf32, #tpu.memory_space<vmem>>[vector<16xi32>, vector<16xi32>], vector<16xf32>,
          %add3A_225 = arith.constant 8 : i32
          %add3A_226 = vector.broadcast %add3A_225 : i32 to vector<16xi32>
          %add3A_227 = arith.addi %iota3A, %add3A_226 : vector<16xi32>
          %and3A_228 = arith.constant 15 : i32
          %and3A_229 = vector.broadcast %and3A_228 : i32 to vector<16xi32>
          %and3A_230 = arith.andi %add3A_227, %and3A_229 : vector<16xi32>
          %add3A_231 = arith.constant 0 : i32
          %add3A_232 = vector.broadcast %add3A_231 : i32 to vector<16xi32>
          %add3A_233 = arith.addi %and3A_230, %add3A_232 : vector<16xi32>
          %add3A_234 = arith.constant 9 : i32
          %add3A_235 = vector.broadcast %add3A_234 : i32 to vector<16xi32>
          %add3A_236 = arith.addi %iota3A, %add3A_235 : vector<16xi32>
          %and3A_237 = arith.constant 15 : i32
          %and3A_238 = vector.broadcast %and3A_237 : i32 to vector<16xi32>
          %and3A_239 = arith.andi %add3A_236, %and3A_238 : vector<16xi32>
          %add3A_240 = arith.constant 0 : i32
          %add3A_241 = vector.broadcast %add3A_240 : i32 to vector<16xi32>
          %add3A_242 = arith.addi %and3A_239, %add3A_241 : vector<16xi32>
          %add3A_243 = arith.constant 10 : i32
          %add3A_244 = vector.broadcast %add3A_243 : i32 to vector<16xi32>
          %add3A_245 = arith.addi %iota3A, %add3A_244 : vector<16xi32>
          %and3A_246 = arith.constant 15 : i32
          %and3A_247 = vector.broadcast %and3A_246 : i32 to vector<16xi32>
          %and3A_248 = arith.andi %add3A_245, %and3A_247 : vector<16xi32>
          %add3A_249 = arith.constant 0 : i32
          %add3A_250 = vector.broadcast %add3A_249 : i32 to vector<16xi32>
          %add3A_251 = arith.addi %and3A_248, %add3A_250 : vector<16xi32>
          %add3A_252 = arith.constant 11 : i32
          %add3A_253 = vector.broadcast %add3A_252 : i32 to vector<16xi32>
          %add3A_254 = arith.addi %iota3A, %add3A_253 : vector<16xi32>
          %and3A_255 = arith.constant 15 : i32
          %and3A_256 = vector.broadcast %and3A_255 : i32 to vector<16xi32>
          %and3A_257 = arith.andi %add3A_254, %and3A_256 : vector<16xi32>
          %add3A_258 = arith.constant 0 : i32
          %add3A_259 = vector.broadcast %add3A_258 : i32 to vector<16xi32>
          %add3A_260 = arith.addi %and3A_257, %add3A_259 : vector<16xi32>
          %gather3A_261 = tpu.vector_load_idx %arg9[%add3A_145, %add3A_233] : memref<128x128xf32, #tpu.memory_space<vmem>>[vector<16xi32>, vector<16xi32>], vector<16xf32>,
          %gather3A_262 = tpu.vector_load_idx %arg9[%add3A_145, %add3A_242] : memref<128x128xf32, #tpu.memory_space<vmem>>[vector<16xi32>, vector<16xi32>], vector<16xf32>,
          %gather3A_263 = tpu.vector_load_idx %arg9[%add3A_145, %add3A_251] : memref<128x128xf32, #tpu.memory_space<vmem>>[vector<16xi32>, vector<16xi32>], vector<16xf32>,
          %gather3A_264 = tpu.vector_load_idx %arg9[%add3A_145, %add3A_260] : memref<128x128xf32, #tpu.memory_space<vmem>>[vector<16xi32>, vector<16xi32>], vector<16xf32>,
          tpu.vector_store_idx %arg10[%add3A_233, %add3A_145], %gather3A_261 : memref<64x128xf32, #tpu.memory_space<vmem>>[vector<16xi32>, vector<16xi32>], vector<16xf32>,
          tpu.vector_store_idx %arg10[%add3A_242, %add3A_145], %gather3A_262 : memref<64x128xf32, #tpu.memory_space<vmem>>[vector<16xi32>, vector<16xi32>], vector<16xf32>,
          tpu.vector_store_idx %arg10[%add3A_251, %add3A_145], %gather3A_263 : memref<64x128xf32, #tpu.memory_space<vmem>>[vector<16xi32>, vector<16xi32>], vector<16xf32>,
          tpu.vector_store_idx %arg10[%add3A_260, %add3A_145], %gather3A_264 : memref<64x128xf32, #tpu.memory_space<vmem>>[vector<16xi32>, vector<16xi32>], vector<16xf32>,
          %add3A_265 = arith.constant 12 : i32
          %add3A_266 = vector.broadcast %add3A_265 : i32 to vector<16xi32>
          %add3A_267 = arith.addi %iota3A, %add3A_266 : vector<16xi32>
          %and3A_268 = arith.constant 15 : i32
          %and3A_269 = vector.broadcast %and3A_268 : i32 to vector<16xi32>
          %and3A_270 = arith.andi %add3A_267, %and3A_269 : vector<16xi32>
          %add3A_271 = arith.constant 0 : i32
          %add3A_272 = vector.broadcast %add3A_271 : i32 to vector<16xi32>
          %add3A_273 = arith.addi %and3A_270, %add3A_272 : vector<16xi32>
          %add3A_274 = arith.constant 13 : i32
          %add3A_275 = vector.broadcast %add3A_274 : i32 to vector<16xi32>
          %add3A_276 = arith.addi %iota3A, %add3A_275 : vector<16xi32>
          %and3A_277 = arith.constant 15 : i32
          %and3A_278 = vector.broadcast %and3A_277 : i32 to vector<16xi32>
          %and3A_279 = arith.andi %add3A_276, %and3A_278 : vector<16xi32>
          %add3A_280 = arith.constant 0 : i32
          %add3A_281 = vector.broadcast %add3A_280 : i32 to vector<16xi32>
          %add3A_282 = arith.addi %and3A_279, %add3A_281 : vector<16xi32>
          %add3A_283 = arith.constant 14 : i32
          %add3A_284 = vector.broadcast %add3A_283 : i32 to vector<16xi32>
          %add3A_285 = arith.addi %iota3A, %add3A_284 : vector<16xi32>
          %and3A_286 = arith.constant 15 : i32
          %and3A_287 = vector.broadcast %and3A_286 : i32 to vector<16xi32>
          %and3A_288 = arith.andi %add3A_285, %and3A_287 : vector<16xi32>
          %add3A_289 = arith.constant 0 : i32
          %add3A_290 = vector.broadcast %add3A_289 : i32 to vector<16xi32>
          %add3A_291 = arith.addi %and3A_288, %add3A_290 : vector<16xi32>
          %add3A_292 = arith.constant 15 : i32
          %add3A_293 = vector.broadcast %add3A_292 : i32 to vector<16xi32>
          %add3A_294 = arith.addi %iota3A, %add3A_293 : vector<16xi32>
          %and3A_295 = arith.constant 15 : i32
          %and3A_296 = vector.broadcast %and3A_295 : i32 to vector<16xi32>
          %and3A_297 = arith.andi %add3A_294, %and3A_296 : vector<16xi32>
          %add3A_298 = arith.constant 0 : i32
          %add3A_299 = vector.broadcast %add3A_298 : i32 to vector<16xi32>
          %add3A_300 = arith.addi %and3A_297, %add3A_299 : vector<16xi32>
          %gather3A_301 = tpu.vector_load_idx %arg9[%add3A_145, %add3A_273] : memref<128x128xf32, #tpu.memory_space<vmem>>[vector<16xi32>, vector<16xi32>], vector<16xf32>,
          %gather3A_302 = tpu.vector_load_idx %arg9[%add3A_145, %add3A_282] : memref<128x128xf32, #tpu.memory_space<vmem>>[vector<16xi32>, vector<16xi32>], vector<16xf32>,
          %gather3A_303 = tpu.vector_load_idx %arg9[%add3A_145, %add3A_291] : memref<128x128xf32, #tpu.memory_space<vmem>>[vector<16xi32>, vector<16xi32>], vector<16xf32>,
          %gather3A_304 = tpu.vector_load_idx %arg9[%add3A_145, %add3A_300] : memref<128x128xf32, #tpu.memory_space<vmem>>[vector<16xi32>, vector<16xi32>], vector<16xf32>,
          tpu.vector_store_idx %arg10[%add3A_273, %add3A_145], %gather3A_301 : memref<64x128xf32, #tpu.memory_space<vmem>>[vector<16xi32>, vector<16xi32>], vector<16xf32>,
          tpu.vector_store_idx %arg10[%add3A_282, %add3A_145], %gather3A_302 : memref<64x128xf32, #tpu.memory_space<vmem>>[vector<16xi32>, vector<16xi32>], vector<16xf32>,
          tpu.vector_store_idx %arg10[%add3A_291, %add3A_145], %gather3A_303 : memref<64x128xf32, #tpu.memory_space<vmem>>[vector<16xi32>, vector<16xi32>], vector<16xf32>,
          tpu.vector_store_idx %arg10[%add3A_300, %add3A_145], %gather3A_304 : memref<64x128xf32, #tpu.memory_space<vmem>>[vector<16xi32>, vector<16xi32>], vector<16xf32>,
          %add3A_305 = arith.constant 0 : i32
          %add3A_306 = vector.broadcast %add3A_305 : i32 to vector<16xi32>
          %add3A_307 = arith.addi %iota3A, %add3A_306 : vector<16xi32>
          %and3A_308 = arith.constant 15 : i32
          %and3A_309 = vector.broadcast %and3A_308 : i32 to vector<16xi32>
          %and3A_310 = arith.andi %add3A_307, %and3A_309 : vector<16xi32>
          %add3A_311 = arith.constant 16 : i32
          %add3A_312 = vector.broadcast %add3A_311 : i32 to vector<16xi32>
          %add3A_313 = arith.addi %and3A_310, %add3A_312 : vector<16xi32>
          %add3A_314 = arith.constant 1 : i32
          %add3A_315 = vector.broadcast %add3A_314 : i32 to vector<16xi32>
          %add3A_316 = arith.addi %iota3A, %add3A_315 : vector<16xi32>
          %and3A_317 = arith.constant 15 : i32
          %and3A_318 = vector.broadcast %and3A_317 : i32 to vector<16xi32>
          %and3A_319 = arith.andi %add3A_316, %and3A_318 : vector<16xi32>
          %add3A_320 = arith.constant 16 : i32
          %add3A_321 = vector.broadcast %add3A_320 : i32 to vector<16xi32>
          %add3A_322 = arith.addi %and3A_319, %add3A_321 : vector<16xi32>
          %add3A_323 = arith.constant 2 : i32
          %add3A_324 = vector.broadcast %add3A_323 : i32 to vector<16xi32>
          %add3A_325 = arith.addi %iota3A, %add3A_324 : vector<16xi32>
          %and3A_326 = arith.constant 15 : i32
          %and3A_327 = vector.broadcast %and3A_326 : i32 to vector<16xi32>
          %and3A_328 = arith.andi %add3A_325, %and3A_327 : vector<16xi32>
          %add3A_329 = arith.constant 16 : i32
          %add3A_330 = vector.broadcast %add3A_329 : i32 to vector<16xi32>
          %add3A_331 = arith.addi %and3A_328, %add3A_330 : vector<16xi32>
          %add3A_332 = arith.constant 3 : i32
          %add3A_333 = vector.broadcast %add3A_332 : i32 to vector<16xi32>
          %add3A_334 = arith.addi %iota3A, %add3A_333 : vector<16xi32>
          %and3A_335 = arith.constant 15 : i32
          %and3A_336 = vector.broadcast %and3A_335 : i32 to vector<16xi32>
          %and3A_337 = arith.andi %add3A_334, %and3A_336 : vector<16xi32>
          %add3A_338 = arith.constant 16 : i32
          %add3A_339 = vector.broadcast %add3A_338 : i32 to vector<16xi32>
          %add3A_340 = arith.addi %and3A_337, %add3A_339 : vector<16xi32>
          %gather3A_341 = tpu.vector_load_idx %arg9[%add3A_145, %add3A_313] : memref<128x128xf32, #tpu.memory_space<vmem>>[vector<16xi32>, vector<16xi32>], vector<16xf32>,
          %gather3A_342 = tpu.vector_load_idx %arg9[%add3A_145, %add3A_322] : memref<128x128xf32, #tpu.memory_space<vmem>>[vector<16xi32>, vector<16xi32>], vector<16xf32>,
          %gather3A_343 = tpu.vector_load_idx %arg9[%add3A_145, %add3A_331] : memref<128x128xf32, #tpu.memory_space<vmem>>[vector<16xi32>, vector<16xi32>], vector<16xf32>,
          %gather3A_344 = tpu.vector_load_idx %arg9[%add3A_145, %add3A_340] : memref<128x128xf32, #tpu.memory_space<vmem>>[vector<16xi32>, vector<16xi32>], vector<16xf32>,
          tpu.vector_store_idx %arg10[%add3A_313, %add3A_145], %gather3A_341 : memref<64x128xf32, #tpu.memory_space<vmem>>[vector<16xi32>, vector<16xi32>], vector<16xf32>,
          tpu.vector_store_idx %arg10[%add3A_322, %add3A_145], %gather3A_342 : memref<64x128xf32, #tpu.memory_space<vmem>>[vector<16xi32>, vector<16xi32>], vector<16xf32>,
          tpu.vector_store_idx %arg10[%add3A_331, %add3A_145], %gather3A_343 : memref<64x128xf32, #tpu.memory_space<vmem>>[vector<16xi32>, vector<16xi32>], vector<16xf32>,
          tpu.vector_store_idx %arg10[%add3A_340, %add3A_145], %gather3A_344 : memref<64x128xf32, #tpu.memory_space<vmem>>[vector<16xi32>, vector<16xi32>], vector<16xf32>,
          %add3A_345 = arith.constant 4 : i32
          %add3A_346 = vector.broadcast %add3A_345 : i32 to vector<16xi32>
          %add3A_347 = arith.addi %iota3A, %add3A_346 : vector<16xi32>
          %and3A_348 = arith.constant 15 : i32
          %and3A_349 = vector.broadcast %and3A_348 : i32 to vector<16xi32>
          %and3A_350 = arith.andi %add3A_347, %and3A_349 : vector<16xi32>
          %add3A_351 = arith.constant 16 : i32
          %add3A_352 = vector.broadcast %add3A_351 : i32 to vector<16xi32>
          %add3A_353 = arith.addi %and3A_350, %add3A_352 : vector<16xi32>
          %add3A_354 = arith.constant 5 : i32
          %add3A_355 = vector.broadcast %add3A_354 : i32 to vector<16xi32>
          %add3A_356 = arith.addi %iota3A, %add3A_355 : vector<16xi32>
          %and3A_357 = arith.constant 15 : i32
          %and3A_358 = vector.broadcast %and3A_357 : i32 to vector<16xi32>
          %and3A_359 = arith.andi %add3A_356, %and3A_358 : vector<16xi32>
          %add3A_360 = arith.constant 16 : i32
          %add3A_361 = vector.broadcast %add3A_360 : i32 to vector<16xi32>
          %add3A_362 = arith.addi %and3A_359, %add3A_361 : vector<16xi32>
          %add3A_363 = arith.constant 6 : i32
          %add3A_364 = vector.broadcast %add3A_363 : i32 to vector<16xi32>
          %add3A_365 = arith.addi %iota3A, %add3A_364 : vector<16xi32>
          %and3A_366 = arith.constant 15 : i32
          %and3A_367 = vector.broadcast %and3A_366 : i32 to vector<16xi32>
          %and3A_368 = arith.andi %add3A_365, %and3A_367 : vector<16xi32>
          %add3A_369 = arith.constant 16 : i32
          %add3A_370 = vector.broadcast %add3A_369 : i32 to vector<16xi32>
          %add3A_371 = arith.addi %and3A_368, %add3A_370 : vector<16xi32>
          %add3A_372 = arith.constant 7 : i32
          %add3A_373 = vector.broadcast %add3A_372 : i32 to vector<16xi32>
          %add3A_374 = arith.addi %iota3A, %add3A_373 : vector<16xi32>
          %and3A_375 = arith.constant 15 : i32
          %and3A_376 = vector.broadcast %and3A_375 : i32 to vector<16xi32>
          %and3A_377 = arith.andi %add3A_374, %and3A_376 : vector<16xi32>
          %add3A_378 = arith.constant 16 : i32
          %add3A_379 = vector.broadcast %add3A_378 : i32 to vector<16xi32>
          %add3A_380 = arith.addi %and3A_377, %add3A_379 : vector<16xi32>
          %gather3A_381 = tpu.vector_load_idx %arg9[%add3A_145, %add3A_353] : memref<128x128xf32, #tpu.memory_space<vmem>>[vector<16xi32>, vector<16xi32>], vector<16xf32>,
          %gather3A_382 = tpu.vector_load_idx %arg9[%add3A_145, %add3A_362] : memref<128x128xf32, #tpu.memory_space<vmem>>[vector<16xi32>, vector<16xi32>], vector<16xf32>,
          %gather3A_383 = tpu.vector_load_idx %arg9[%add3A_145, %add3A_371] : memref<128x128xf32, #tpu.memory_space<vmem>>[vector<16xi32>, vector<16xi32>], vector<16xf32>,
          %gather3A_384 = tpu.vector_load_idx %arg9[%add3A_145, %add3A_380] : memref<128x128xf32, #tpu.memory_space<vmem>>[vector<16xi32>, vector<16xi32>], vector<16xf32>,
          tpu.vector_store_idx %arg10[%add3A_353, %add3A_145], %gather3A_381 : memref<64x128xf32, #tpu.memory_space<vmem>>[vector<16xi32>, vector<16xi32>], vector<16xf32>,
          tpu.vector_store_idx %arg10[%add3A_362, %add3A_145], %gather3A_382 : memref<64x128xf32, #tpu.memory_space<vmem>>[vector<16xi32>, vector<16xi32>], vector<16xf32>,
          tpu.vector_store_idx %arg10[%add3A_371, %add3A_145], %gather3A_383 : memref<64x128xf32, #tpu.memory_space<vmem>>[vector<16xi32>, vector<16xi32>], vector<16xf32>,
          tpu.vector_store_idx %arg10[%add3A_380, %add3A_145], %gather3A_384 : memref<64x128xf32, #tpu.memory_space<vmem>>[vector<16xi32>, vector<16xi32>], vector<16xf32>,
          %add3A_385 = arith.constant 8 : i32
          %add3A_386 = vector.broadcast %add3A_385 : i32 to vector<16xi32>
          %add3A_387 = arith.addi %iota3A, %add3A_386 : vector<16xi32>
          %and3A_388 = arith.constant 15 : i32
          %and3A_389 = vector.broadcast %and3A_388 : i32 to vector<16xi32>
          %and3A_390 = arith.andi %add3A_387, %and3A_389 : vector<16xi32>
          %add3A_391 = arith.constant 16 : i32
          %add3A_392 = vector.broadcast %add3A_391 : i32 to vector<16xi32>
          %add3A_393 = arith.addi %and3A_390, %add3A_392 : vector<16xi32>
          %add3A_394 = arith.constant 9 : i32
          %add3A_395 = vector.broadcast %add3A_394 : i32 to vector<16xi32>
          %add3A_396 = arith.addi %iota3A, %add3A_395 : vector<16xi32>
          %and3A_397 = arith.constant 15 : i32
          %and3A_398 = vector.broadcast %and3A_397 : i32 to vector<16xi32>
          %and3A_399 = arith.andi %add3A_396, %and3A_398 : vector<16xi32>
          %add3A_400 = arith.constant 16 : i32
          %add3A_401 = vector.broadcast %add3A_400 : i32 to vector<16xi32>
          %add3A_402 = arith.addi %and3A_399, %add3A_401 : vector<16xi32>
          %add3A_403 = arith.constant 10 : i32
          %add3A_404 = vector.broadcast %add3A_403 : i32 to vector<16xi32>
          %add3A_405 = arith.addi %iota3A, %add3A_404 : vector<16xi32>
          %and3A_406 = arith.constant 15 : i32
          %and3A_407 = vector.broadcast %and3A_406 : i32 to vector<16xi32>
          %and3A_408 = arith.andi %add3A_405, %and3A_407 : vector<16xi32>
          %add3A_409 = arith.constant 16 : i32
          %add3A_410 = vector.broadcast %add3A_409 : i32 to vector<16xi32>
          %add3A_411 = arith.addi %and3A_408, %add3A_410 : vector<16xi32>
          %add3A_412 = arith.constant 11 : i32
          %add3A_413 = vector.broadcast %add3A_412 : i32 to vector<16xi32>
          %add3A_414 = arith.addi %iota3A, %add3A_413 : vector<16xi32>
          %and3A_415 = arith.constant 15 : i32
          %and3A_416 = vector.broadcast %and3A_415 : i32 to vector<16xi32>
          %and3A_417 = arith.andi %add3A_414, %and3A_416 : vector<16xi32>
          %add3A_418 = arith.constant 16 : i32
          %add3A_419 = vector.broadcast %add3A_418 : i32 to vector<16xi32>
          %add3A_420 = arith.addi %and3A_417, %add3A_419 : vector<16xi32>
          %gather3A_421 = tpu.vector_load_idx %arg9[%add3A_145, %add3A_393] : memref<128x128xf32, #tpu.memory_space<vmem>>[vector<16xi32>, vector<16xi32>], vector<16xf32>,
          %gather3A_422 = tpu.vector_load_idx %arg9[%add3A_145, %add3A_402] : memref<128x128xf32, #tpu.memory_space<vmem>>[vector<16xi32>, vector<16xi32>], vector<16xf32>,
          %gather3A_423 = tpu.vector_load_idx %arg9[%add3A_145, %add3A_411] : memref<128x128xf32, #tpu.memory_space<vmem>>[vector<16xi32>, vector<16xi32>], vector<16xf32>,
          %gather3A_424 = tpu.vector_load_idx %arg9[%add3A_145, %add3A_420] : memref<128x128xf32, #tpu.memory_space<vmem>>[vector<16xi32>, vector<16xi32>], vector<16xf32>,
          tpu.vector_store_idx %arg10[%add3A_393, %add3A_145], %gather3A_421 : memref<64x128xf32, #tpu.memory_space<vmem>>[vector<16xi32>, vector<16xi32>], vector<16xf32>,
          tpu.vector_store_idx %arg10[%add3A_402, %add3A_145], %gather3A_422 : memref<64x128xf32, #tpu.memory_space<vmem>>[vector<16xi32>, vector<16xi32>], vector<16xf32>,
          tpu.vector_store_idx %arg10[%add3A_411, %add3A_145], %gather3A_423 : memref<64x128xf32, #tpu.memory_space<vmem>>[vector<16xi32>, vector<16xi32>], vector<16xf32>,
          tpu.vector_store_idx %arg10[%add3A_420, %add3A_145], %gather3A_424 : memref<64x128xf32, #tpu.memory_space<vmem>>[vector<16xi32>, vector<16xi32>], vector<16xf32>,
          %add3A_425 = arith.constant 12 : i32
          %add3A_426 = vector.broadcast %add3A_425 : i32 to vector<16xi32>
          %add3A_427 = arith.addi %iota3A, %add3A_426 : vector<16xi32>
          %and3A_428 = arith.constant 15 : i32
          %and3A_429 = vector.broadcast %and3A_428 : i32 to vector<16xi32>
          %and3A_430 = arith.andi %add3A_427, %and3A_429 : vector<16xi32>
          %add3A_431 = arith.constant 16 : i32
          %add3A_432 = vector.broadcast %add3A_431 : i32 to vector<16xi32>
          %add3A_433 = arith.addi %and3A_430, %add3A_432 : vector<16xi32>
          %add3A_434 = arith.constant 13 : i32
          %add3A_435 = vector.broadcast %add3A_434 : i32 to vector<16xi32>
          %add3A_436 = arith.addi %iota3A, %add3A_435 : vector<16xi32>
          %and3A_437 = arith.constant 15 : i32
          %and3A_438 = vector.broadcast %and3A_437 : i32 to vector<16xi32>
          %and3A_439 = arith.andi %add3A_436, %and3A_438 : vector<16xi32>
          %add3A_440 = arith.constant 16 : i32
          %add3A_441 = vector.broadcast %add3A_440 : i32 to vector<16xi32>
          %add3A_442 = arith.addi %and3A_439, %add3A_441 : vector<16xi32>
          %add3A_443 = arith.constant 14 : i32
          %add3A_444 = vector.broadcast %add3A_443 : i32 to vector<16xi32>
          %add3A_445 = arith.addi %iota3A, %add3A_444 : vector<16xi32>
          %and3A_446 = arith.constant 15 : i32
          %and3A_447 = vector.broadcast %and3A_446 : i32 to vector<16xi32>
          %and3A_448 = arith.andi %add3A_445, %and3A_447 : vector<16xi32>
          %add3A_449 = arith.constant 16 : i32
          %add3A_450 = vector.broadcast %add3A_449 : i32 to vector<16xi32>
          %add3A_451 = arith.addi %and3A_448, %add3A_450 : vector<16xi32>
          %add3A_452 = arith.constant 15 : i32
          %add3A_453 = vector.broadcast %add3A_452 : i32 to vector<16xi32>
          %add3A_454 = arith.addi %iota3A, %add3A_453 : vector<16xi32>
          %and3A_455 = arith.constant 15 : i32
          %and3A_456 = vector.broadcast %and3A_455 : i32 to vector<16xi32>
          %and3A_457 = arith.andi %add3A_454, %and3A_456 : vector<16xi32>
          %add3A_458 = arith.constant 16 : i32
          %add3A_459 = vector.broadcast %add3A_458 : i32 to vector<16xi32>
          %add3A_460 = arith.addi %and3A_457, %add3A_459 : vector<16xi32>
          %gather3A_461 = tpu.vector_load_idx %arg9[%add3A_145, %add3A_433] : memref<128x128xf32, #tpu.memory_space<vmem>>[vector<16xi32>, vector<16xi32>], vector<16xf32>,
          %gather3A_462 = tpu.vector_load_idx %arg9[%add3A_145, %add3A_442] : memref<128x128xf32, #tpu.memory_space<vmem>>[vector<16xi32>, vector<16xi32>], vector<16xf32>,
          %gather3A_463 = tpu.vector_load_idx %arg9[%add3A_145, %add3A_451] : memref<128x128xf32, #tpu.memory_space<vmem>>[vector<16xi32>, vector<16xi32>], vector<16xf32>,
          %gather3A_464 = tpu.vector_load_idx %arg9[%add3A_145, %add3A_460] : memref<128x128xf32, #tpu.memory_space<vmem>>[vector<16xi32>, vector<16xi32>], vector<16xf32>,
          tpu.vector_store_idx %arg10[%add3A_433, %add3A_145], %gather3A_461 : memref<64x128xf32, #tpu.memory_space<vmem>>[vector<16xi32>, vector<16xi32>], vector<16xf32>,
          tpu.vector_store_idx %arg10[%add3A_442, %add3A_145], %gather3A_462 : memref<64x128xf32, #tpu.memory_space<vmem>>[vector<16xi32>, vector<16xi32>], vector<16xf32>,
          tpu.vector_store_idx %arg10[%add3A_451, %add3A_145], %gather3A_463 : memref<64x128xf32, #tpu.memory_space<vmem>>[vector<16xi32>, vector<16xi32>], vector<16xf32>,
          tpu.vector_store_idx %arg10[%add3A_460, %add3A_145], %gather3A_464 : memref<64x128xf32, #tpu.memory_space<vmem>>[vector<16xi32>, vector<16xi32>], vector<16xf32>,
          %add3A_465 = arith.constant 0 : i32
          %add3A_466 = vector.broadcast %add3A_465 : i32 to vector<16xi32>
          %add3A_467 = arith.addi %iota3A, %add3A_466 : vector<16xi32>
          %and3A_468 = arith.constant 15 : i32
          %and3A_469 = vector.broadcast %and3A_468 : i32 to vector<16xi32>
          %and3A_470 = arith.andi %add3A_467, %and3A_469 : vector<16xi32>
          %add3A_471 = arith.constant 32 : i32
          %add3A_472 = vector.broadcast %add3A_471 : i32 to vector<16xi32>
          %add3A_473 = arith.addi %and3A_470, %add3A_472 : vector<16xi32>
          %add3A_474 = arith.constant 1 : i32
          %add3A_475 = vector.broadcast %add3A_474 : i32 to vector<16xi32>
          %add3A_476 = arith.addi %iota3A, %add3A_475 : vector<16xi32>
          %and3A_477 = arith.constant 15 : i32
          %and3A_478 = vector.broadcast %and3A_477 : i32 to vector<16xi32>
          %and3A_479 = arith.andi %add3A_476, %and3A_478 : vector<16xi32>
          %add3A_480 = arith.constant 32 : i32
          %add3A_481 = vector.broadcast %add3A_480 : i32 to vector<16xi32>
          %add3A_482 = arith.addi %and3A_479, %add3A_481 : vector<16xi32>
          %add3A_483 = arith.constant 2 : i32
          %add3A_484 = vector.broadcast %add3A_483 : i32 to vector<16xi32>
          %add3A_485 = arith.addi %iota3A, %add3A_484 : vector<16xi32>
          %and3A_486 = arith.constant 15 : i32
          %and3A_487 = vector.broadcast %and3A_486 : i32 to vector<16xi32>
          %and3A_488 = arith.andi %add3A_485, %and3A_487 : vector<16xi32>
          %add3A_489 = arith.constant 32 : i32
          %add3A_490 = vector.broadcast %add3A_489 : i32 to vector<16xi32>
          %add3A_491 = arith.addi %and3A_488, %add3A_490 : vector<16xi32>
          %add3A_492 = arith.constant 3 : i32
          %add3A_493 = vector.broadcast %add3A_492 : i32 to vector<16xi32>
          %add3A_494 = arith.addi %iota3A, %add3A_493 : vector<16xi32>
          %and3A_495 = arith.constant 15 : i32
          %and3A_496 = vector.broadcast %and3A_495 : i32 to vector<16xi32>
          %and3A_497 = arith.andi %add3A_494, %and3A_496 : vector<16xi32>
          %add3A_498 = arith.constant 32 : i32
          %add3A_499 = vector.broadcast %add3A_498 : i32 to vector<16xi32>
          %add3A_500 = arith.addi %and3A_497, %add3A_499 : vector<16xi32>
          %gather3A_501 = tpu.vector_load_idx %arg9[%add3A_145, %add3A_473] : memref<128x128xf32, #tpu.memory_space<vmem>>[vector<16xi32>, vector<16xi32>], vector<16xf32>,
          %gather3A_502 = tpu.vector_load_idx %arg9[%add3A_145, %add3A_482] : memref<128x128xf32, #tpu.memory_space<vmem>>[vector<16xi32>, vector<16xi32>], vector<16xf32>,
          %gather3A_503 = tpu.vector_load_idx %arg9[%add3A_145, %add3A_491] : memref<128x128xf32, #tpu.memory_space<vmem>>[vector<16xi32>, vector<16xi32>], vector<16xf32>,
          %gather3A_504 = tpu.vector_load_idx %arg9[%add3A_145, %add3A_500] : memref<128x128xf32, #tpu.memory_space<vmem>>[vector<16xi32>, vector<16xi32>], vector<16xf32>,
          tpu.vector_store_idx %arg10[%add3A_473, %add3A_145], %gather3A_501 : memref<64x128xf32, #tpu.memory_space<vmem>>[vector<16xi32>, vector<16xi32>], vector<16xf32>,
          tpu.vector_store_idx %arg10[%add3A_482, %add3A_145], %gather3A_502 : memref<64x128xf32, #tpu.memory_space<vmem>>[vector<16xi32>, vector<16xi32>], vector<16xf32>,
          tpu.vector_store_idx %arg10[%add3A_491, %add3A_145], %gather3A_503 : memref<64x128xf32, #tpu.memory_space<vmem>>[vector<16xi32>, vector<16xi32>], vector<16xf32>,
          tpu.vector_store_idx %arg10[%add3A_500, %add3A_145], %gather3A_504 : memref<64x128xf32, #tpu.memory_space<vmem>>[vector<16xi32>, vector<16xi32>], vector<16xf32>,
          %add3A_505 = arith.constant 4 : i32
          %add3A_506 = vector.broadcast %add3A_505 : i32 to vector<16xi32>
          %add3A_507 = arith.addi %iota3A, %add3A_506 : vector<16xi32>
          %and3A_508 = arith.constant 15 : i32
          %and3A_509 = vector.broadcast %and3A_508 : i32 to vector<16xi32>
          %and3A_510 = arith.andi %add3A_507, %and3A_509 : vector<16xi32>
          %add3A_511 = arith.constant 32 : i32
          %add3A_512 = vector.broadcast %add3A_511 : i32 to vector<16xi32>
          %add3A_513 = arith.addi %and3A_510, %add3A_512 : vector<16xi32>
          %add3A_514 = arith.constant 5 : i32
          %add3A_515 = vector.broadcast %add3A_514 : i32 to vector<16xi32>
          %add3A_516 = arith.addi %iota3A, %add3A_515 : vector<16xi32>
          %and3A_517 = arith.constant 15 : i32
          %and3A_518 = vector.broadcast %and3A_517 : i32 to vector<16xi32>
          %and3A_519 = arith.andi %add3A_516, %and3A_518 : vector<16xi32>
          %add3A_520 = arith.constant 32 : i32
          %add3A_521 = vector.broadcast %add3A_520 : i32 to vector<16xi32>
          %add3A_522 = arith.addi %and3A_519, %add3A_521 : vector<16xi32>
          %add3A_523 = arith.constant 6 : i32
          %add3A_524 = vector.broadcast %add3A_523 : i32 to vector<16xi32>
          %add3A_525 = arith.addi %iota3A, %add3A_524 : vector<16xi32>
          %and3A_526 = arith.constant 15 : i32
          %and3A_527 = vector.broadcast %and3A_526 : i32 to vector<16xi32>
          %and3A_528 = arith.andi %add3A_525, %and3A_527 : vector<16xi32>
          %add3A_529 = arith.constant 32 : i32
          %add3A_530 = vector.broadcast %add3A_529 : i32 to vector<16xi32>
          %add3A_531 = arith.addi %and3A_528, %add3A_530 : vector<16xi32>
          %add3A_532 = arith.constant 7 : i32
          %add3A_533 = vector.broadcast %add3A_532 : i32 to vector<16xi32>
          %add3A_534 = arith.addi %iota3A, %add3A_533 : vector<16xi32>
          %and3A_535 = arith.constant 15 : i32
          %and3A_536 = vector.broadcast %and3A_535 : i32 to vector<16xi32>
          %and3A_537 = arith.andi %add3A_534, %and3A_536 : vector<16xi32>
          %add3A_538 = arith.constant 32 : i32
          %add3A_539 = vector.broadcast %add3A_538 : i32 to vector<16xi32>
          %add3A_540 = arith.addi %and3A_537, %add3A_539 : vector<16xi32>
          %gather3A_541 = tpu.vector_load_idx %arg9[%add3A_145, %add3A_513] : memref<128x128xf32, #tpu.memory_space<vmem>>[vector<16xi32>, vector<16xi32>], vector<16xf32>,
          %gather3A_542 = tpu.vector_load_idx %arg9[%add3A_145, %add3A_522] : memref<128x128xf32, #tpu.memory_space<vmem>>[vector<16xi32>, vector<16xi32>], vector<16xf32>,
          %gather3A_543 = tpu.vector_load_idx %arg9[%add3A_145, %add3A_531] : memref<128x128xf32, #tpu.memory_space<vmem>>[vector<16xi32>, vector<16xi32>], vector<16xf32>,
          %gather3A_544 = tpu.vector_load_idx %arg9[%add3A_145, %add3A_540] : memref<128x128xf32, #tpu.memory_space<vmem>>[vector<16xi32>, vector<16xi32>], vector<16xf32>,
          tpu.vector_store_idx %arg10[%add3A_513, %add3A_145], %gather3A_541 : memref<64x128xf32, #tpu.memory_space<vmem>>[vector<16xi32>, vector<16xi32>], vector<16xf32>,
          tpu.vector_store_idx %arg10[%add3A_522, %add3A_145], %gather3A_542 : memref<64x128xf32, #tpu.memory_space<vmem>>[vector<16xi32>, vector<16xi32>], vector<16xf32>,
          tpu.vector_store_idx %arg10[%add3A_531, %add3A_145], %gather3A_543 : memref<64x128xf32, #tpu.memory_space<vmem>>[vector<16xi32>, vector<16xi32>], vector<16xf32>,
          tpu.vector_store_idx %arg10[%add3A_540, %add3A_145], %gather3A_544 : memref<64x128xf32, #tpu.memory_space<vmem>>[vector<16xi32>, vector<16xi32>], vector<16xf32>,
          %add3A_545 = arith.constant 8 : i32
          %add3A_546 = vector.broadcast %add3A_545 : i32 to vector<16xi32>
          %add3A_547 = arith.addi %iota3A, %add3A_546 : vector<16xi32>
          %and3A_548 = arith.constant 15 : i32
          %and3A_549 = vector.broadcast %and3A_548 : i32 to vector<16xi32>
          %and3A_550 = arith.andi %add3A_547, %and3A_549 : vector<16xi32>
          %add3A_551 = arith.constant 32 : i32
          %add3A_552 = vector.broadcast %add3A_551 : i32 to vector<16xi32>
          %add3A_553 = arith.addi %and3A_550, %add3A_552 : vector<16xi32>
          %add3A_554 = arith.constant 9 : i32
          %add3A_555 = vector.broadcast %add3A_554 : i32 to vector<16xi32>
          %add3A_556 = arith.addi %iota3A, %add3A_555 : vector<16xi32>
          %and3A_557 = arith.constant 15 : i32
          %and3A_558 = vector.broadcast %and3A_557 : i32 to vector<16xi32>
          %and3A_559 = arith.andi %add3A_556, %and3A_558 : vector<16xi32>
          %add3A_560 = arith.constant 32 : i32
          %add3A_561 = vector.broadcast %add3A_560 : i32 to vector<16xi32>
          %add3A_562 = arith.addi %and3A_559, %add3A_561 : vector<16xi32>
          %add3A_563 = arith.constant 10 : i32
          %add3A_564 = vector.broadcast %add3A_563 : i32 to vector<16xi32>
          %add3A_565 = arith.addi %iota3A, %add3A_564 : vector<16xi32>
          %and3A_566 = arith.constant 15 : i32
          %and3A_567 = vector.broadcast %and3A_566 : i32 to vector<16xi32>
          %and3A_568 = arith.andi %add3A_565, %and3A_567 : vector<16xi32>
          %add3A_569 = arith.constant 32 : i32
          %add3A_570 = vector.broadcast %add3A_569 : i32 to vector<16xi32>
          %add3A_571 = arith.addi %and3A_568, %add3A_570 : vector<16xi32>
          %add3A_572 = arith.constant 11 : i32
          %add3A_573 = vector.broadcast %add3A_572 : i32 to vector<16xi32>
          %add3A_574 = arith.addi %iota3A, %add3A_573 : vector<16xi32>
          %and3A_575 = arith.constant 15 : i32
          %and3A_576 = vector.broadcast %and3A_575 : i32 to vector<16xi32>
          %and3A_577 = arith.andi %add3A_574, %and3A_576 : vector<16xi32>
          %add3A_578 = arith.constant 32 : i32
          %add3A_579 = vector.broadcast %add3A_578 : i32 to vector<16xi32>
          %add3A_580 = arith.addi %and3A_577, %add3A_579 : vector<16xi32>
          %gather3A_581 = tpu.vector_load_idx %arg9[%add3A_145, %add3A_553] : memref<128x128xf32, #tpu.memory_space<vmem>>[vector<16xi32>, vector<16xi32>], vector<16xf32>,
          %gather3A_582 = tpu.vector_load_idx %arg9[%add3A_145, %add3A_562] : memref<128x128xf32, #tpu.memory_space<vmem>>[vector<16xi32>, vector<16xi32>], vector<16xf32>,
          %gather3A_583 = tpu.vector_load_idx %arg9[%add3A_145, %add3A_571] : memref<128x128xf32, #tpu.memory_space<vmem>>[vector<16xi32>, vector<16xi32>], vector<16xf32>,
          %gather3A_584 = tpu.vector_load_idx %arg9[%add3A_145, %add3A_580] : memref<128x128xf32, #tpu.memory_space<vmem>>[vector<16xi32>, vector<16xi32>], vector<16xf32>,
          tpu.vector_store_idx %arg10[%add3A_553, %add3A_145], %gather3A_581 : memref<64x128xf32, #tpu.memory_space<vmem>>[vector<16xi32>, vector<16xi32>], vector<16xf32>,
          tpu.vector_store_idx %arg10[%add3A_562, %add3A_145], %gather3A_582 : memref<64x128xf32, #tpu.memory_space<vmem>>[vector<16xi32>, vector<16xi32>], vector<16xf32>,
          tpu.vector_store_idx %arg10[%add3A_571, %add3A_145], %gather3A_583 : memref<64x128xf32, #tpu.memory_space<vmem>>[vector<16xi32>, vector<16xi32>], vector<16xf32>,
          tpu.vector_store_idx %arg10[%add3A_580, %add3A_145], %gather3A_584 : memref<64x128xf32, #tpu.memory_space<vmem>>[vector<16xi32>, vector<16xi32>], vector<16xf32>,
          %add3A_585 = arith.constant 12 : i32
          %add3A_586 = vector.broadcast %add3A_585 : i32 to vector<16xi32>
          %add3A_587 = arith.addi %iota3A, %add3A_586 : vector<16xi32>
          %and3A_588 = arith.constant 15 : i32
          %and3A_589 = vector.broadcast %and3A_588 : i32 to vector<16xi32>
          %and3A_590 = arith.andi %add3A_587, %and3A_589 : vector<16xi32>
          %add3A_591 = arith.constant 32 : i32
          %add3A_592 = vector.broadcast %add3A_591 : i32 to vector<16xi32>
          %add3A_593 = arith.addi %and3A_590, %add3A_592 : vector<16xi32>
          %add3A_594 = arith.constant 13 : i32
          %add3A_595 = vector.broadcast %add3A_594 : i32 to vector<16xi32>
          %add3A_596 = arith.addi %iota3A, %add3A_595 : vector<16xi32>
          %and3A_597 = arith.constant 15 : i32
          %and3A_598 = vector.broadcast %and3A_597 : i32 to vector<16xi32>
          %and3A_599 = arith.andi %add3A_596, %and3A_598 : vector<16xi32>
          %add3A_600 = arith.constant 32 : i32
          %add3A_601 = vector.broadcast %add3A_600 : i32 to vector<16xi32>
          %add3A_602 = arith.addi %and3A_599, %add3A_601 : vector<16xi32>
          %add3A_603 = arith.constant 14 : i32
          %add3A_604 = vector.broadcast %add3A_603 : i32 to vector<16xi32>
          %add3A_605 = arith.addi %iota3A, %add3A_604 : vector<16xi32>
          %and3A_606 = arith.constant 15 : i32
          %and3A_607 = vector.broadcast %and3A_606 : i32 to vector<16xi32>
          %and3A_608 = arith.andi %add3A_605, %and3A_607 : vector<16xi32>
          %add3A_609 = arith.constant 32 : i32
          %add3A_610 = vector.broadcast %add3A_609 : i32 to vector<16xi32>
          %add3A_611 = arith.addi %and3A_608, %add3A_610 : vector<16xi32>
          %add3A_612 = arith.constant 15 : i32
          %add3A_613 = vector.broadcast %add3A_612 : i32 to vector<16xi32>
          %add3A_614 = arith.addi %iota3A, %add3A_613 : vector<16xi32>
          %and3A_615 = arith.constant 15 : i32
          %and3A_616 = vector.broadcast %and3A_615 : i32 to vector<16xi32>
          %and3A_617 = arith.andi %add3A_614, %and3A_616 : vector<16xi32>
          %add3A_618 = arith.constant 32 : i32
          %add3A_619 = vector.broadcast %add3A_618 : i32 to vector<16xi32>
          %add3A_620 = arith.addi %and3A_617, %add3A_619 : vector<16xi32>
          %gather3A_621 = tpu.vector_load_idx %arg9[%add3A_145, %add3A_593] : memref<128x128xf32, #tpu.memory_space<vmem>>[vector<16xi32>, vector<16xi32>], vector<16xf32>,
          %gather3A_622 = tpu.vector_load_idx %arg9[%add3A_145, %add3A_602] : memref<128x128xf32, #tpu.memory_space<vmem>>[vector<16xi32>, vector<16xi32>], vector<16xf32>,
          %gather3A_623 = tpu.vector_load_idx %arg9[%add3A_145, %add3A_611] : memref<128x128xf32, #tpu.memory_space<vmem>>[vector<16xi32>, vector<16xi32>], vector<16xf32>,
          %gather3A_624 = tpu.vector_load_idx %arg9[%add3A_145, %add3A_620] : memref<128x128xf32, #tpu.memory_space<vmem>>[vector<16xi32>, vector<16xi32>], vector<16xf32>,
          tpu.vector_store_idx %arg10[%add3A_593, %add3A_145], %gather3A_621 : memref<64x128xf32, #tpu.memory_space<vmem>>[vector<16xi32>, vector<16xi32>], vector<16xf32>,
          tpu.vector_store_idx %arg10[%add3A_602, %add3A_145], %gather3A_622 : memref<64x128xf32, #tpu.memory_space<vmem>>[vector<16xi32>, vector<16xi32>], vector<16xf32>,
          tpu.vector_store_idx %arg10[%add3A_611, %add3A_145], %gather3A_623 : memref<64x128xf32, #tpu.memory_space<vmem>>[vector<16xi32>, vector<16xi32>], vector<16xf32>,
          tpu.vector_store_idx %arg10[%add3A_620, %add3A_145], %gather3A_624 : memref<64x128xf32, #tpu.memory_space<vmem>>[vector<16xi32>, vector<16xi32>], vector<16xf32>,
          %add3A_625 = arith.constant 0 : i32
          %add3A_626 = vector.broadcast %add3A_625 : i32 to vector<16xi32>
          %add3A_627 = arith.addi %iota3A, %add3A_626 : vector<16xi32>
          %and3A_628 = arith.constant 15 : i32
          %and3A_629 = vector.broadcast %and3A_628 : i32 to vector<16xi32>
          %and3A_630 = arith.andi %add3A_627, %and3A_629 : vector<16xi32>
          %add3A_631 = arith.constant 48 : i32
          %add3A_632 = vector.broadcast %add3A_631 : i32 to vector<16xi32>
          %add3A_633 = arith.addi %and3A_630, %add3A_632 : vector<16xi32>
          %add3A_634 = arith.constant 1 : i32
          %add3A_635 = vector.broadcast %add3A_634 : i32 to vector<16xi32>
          %add3A_636 = arith.addi %iota3A, %add3A_635 : vector<16xi32>
          %and3A_637 = arith.constant 15 : i32
          %and3A_638 = vector.broadcast %and3A_637 : i32 to vector<16xi32>
          %and3A_639 = arith.andi %add3A_636, %and3A_638 : vector<16xi32>
          %add3A_640 = arith.constant 48 : i32
          %add3A_641 = vector.broadcast %add3A_640 : i32 to vector<16xi32>
          %add3A_642 = arith.addi %and3A_639, %add3A_641 : vector<16xi32>
          %add3A_643 = arith.constant 2 : i32
          %add3A_644 = vector.broadcast %add3A_643 : i32 to vector<16xi32>
          %add3A_645 = arith.addi %iota3A, %add3A_644 : vector<16xi32>
          %and3A_646 = arith.constant 15 : i32
          %and3A_647 = vector.broadcast %and3A_646 : i32 to vector<16xi32>
          %and3A_648 = arith.andi %add3A_645, %and3A_647 : vector<16xi32>
          %add3A_649 = arith.constant 48 : i32
          %add3A_650 = vector.broadcast %add3A_649 : i32 to vector<16xi32>
          %add3A_651 = arith.addi %and3A_648, %add3A_650 : vector<16xi32>
          %add3A_652 = arith.constant 3 : i32
          %add3A_653 = vector.broadcast %add3A_652 : i32 to vector<16xi32>
          %add3A_654 = arith.addi %iota3A, %add3A_653 : vector<16xi32>
          %and3A_655 = arith.constant 15 : i32
          %and3A_656 = vector.broadcast %and3A_655 : i32 to vector<16xi32>
          %and3A_657 = arith.andi %add3A_654, %and3A_656 : vector<16xi32>
          %add3A_658 = arith.constant 48 : i32
          %add3A_659 = vector.broadcast %add3A_658 : i32 to vector<16xi32>
          %add3A_660 = arith.addi %and3A_657, %add3A_659 : vector<16xi32>
          %gather3A_661 = tpu.vector_load_idx %arg9[%add3A_145, %add3A_633] : memref<128x128xf32, #tpu.memory_space<vmem>>[vector<16xi32>, vector<16xi32>], vector<16xf32>,
          %gather3A_662 = tpu.vector_load_idx %arg9[%add3A_145, %add3A_642] : memref<128x128xf32, #tpu.memory_space<vmem>>[vector<16xi32>, vector<16xi32>], vector<16xf32>,
          %gather3A_663 = tpu.vector_load_idx %arg9[%add3A_145, %add3A_651] : memref<128x128xf32, #tpu.memory_space<vmem>>[vector<16xi32>, vector<16xi32>], vector<16xf32>,
          %gather3A_664 = tpu.vector_load_idx %arg9[%add3A_145, %add3A_660] : memref<128x128xf32, #tpu.memory_space<vmem>>[vector<16xi32>, vector<16xi32>], vector<16xf32>,
          tpu.vector_store_idx %arg10[%add3A_633, %add3A_145], %gather3A_661 : memref<64x128xf32, #tpu.memory_space<vmem>>[vector<16xi32>, vector<16xi32>], vector<16xf32>,
          tpu.vector_store_idx %arg10[%add3A_642, %add3A_145], %gather3A_662 : memref<64x128xf32, #tpu.memory_space<vmem>>[vector<16xi32>, vector<16xi32>], vector<16xf32>,
          tpu.vector_store_idx %arg10[%add3A_651, %add3A_145], %gather3A_663 : memref<64x128xf32, #tpu.memory_space<vmem>>[vector<16xi32>, vector<16xi32>], vector<16xf32>,
          tpu.vector_store_idx %arg10[%add3A_660, %add3A_145], %gather3A_664 : memref<64x128xf32, #tpu.memory_space<vmem>>[vector<16xi32>, vector<16xi32>], vector<16xf32>,
          %add3A_665 = arith.constant 4 : i32
          %add3A_666 = vector.broadcast %add3A_665 : i32 to vector<16xi32>
          %add3A_667 = arith.addi %iota3A, %add3A_666 : vector<16xi32>
          %and3A_668 = arith.constant 15 : i32
          %and3A_669 = vector.broadcast %and3A_668 : i32 to vector<16xi32>
          %and3A_670 = arith.andi %add3A_667, %and3A_669 : vector<16xi32>
          %add3A_671 = arith.constant 48 : i32
          %add3A_672 = vector.broadcast %add3A_671 : i32 to vector<16xi32>
          %add3A_673 = arith.addi %and3A_670, %add3A_672 : vector<16xi32>
          %add3A_674 = arith.constant 5 : i32
          %add3A_675 = vector.broadcast %add3A_674 : i32 to vector<16xi32>
          %add3A_676 = arith.addi %iota3A, %add3A_675 : vector<16xi32>
          %and3A_677 = arith.constant 15 : i32
          %and3A_678 = vector.broadcast %and3A_677 : i32 to vector<16xi32>
          %and3A_679 = arith.andi %add3A_676, %and3A_678 : vector<16xi32>
          %add3A_680 = arith.constant 48 : i32
          %add3A_681 = vector.broadcast %add3A_680 : i32 to vector<16xi32>
          %add3A_682 = arith.addi %and3A_679, %add3A_681 : vector<16xi32>
          %add3A_683 = arith.constant 6 : i32
          %add3A_684 = vector.broadcast %add3A_683 : i32 to vector<16xi32>
          %add3A_685 = arith.addi %iota3A, %add3A_684 : vector<16xi32>
          %and3A_686 = arith.constant 15 : i32
          %and3A_687 = vector.broadcast %and3A_686 : i32 to vector<16xi32>
          %and3A_688 = arith.andi %add3A_685, %and3A_687 : vector<16xi32>
          %add3A_689 = arith.constant 48 : i32
          %add3A_690 = vector.broadcast %add3A_689 : i32 to vector<16xi32>
          %add3A_691 = arith.addi %and3A_688, %add3A_690 : vector<16xi32>
          %add3A_692 = arith.constant 7 : i32
          %add3A_693 = vector.broadcast %add3A_692 : i32 to vector<16xi32>
          %add3A_694 = arith.addi %iota3A, %add3A_693 : vector<16xi32>
          %and3A_695 = arith.constant 15 : i32
          %and3A_696 = vector.broadcast %and3A_695 : i32 to vector<16xi32>
          %and3A_697 = arith.andi %add3A_694, %and3A_696 : vector<16xi32>
          %add3A_698 = arith.constant 48 : i32
          %add3A_699 = vector.broadcast %add3A_698 : i32 to vector<16xi32>
          %add3A_700 = arith.addi %and3A_697, %add3A_699 : vector<16xi32>
          %gather3A_701 = tpu.vector_load_idx %arg9[%add3A_145, %add3A_673] : memref<128x128xf32, #tpu.memory_space<vmem>>[vector<16xi32>, vector<16xi32>], vector<16xf32>,
          %gather3A_702 = tpu.vector_load_idx %arg9[%add3A_145, %add3A_682] : memref<128x128xf32, #tpu.memory_space<vmem>>[vector<16xi32>, vector<16xi32>], vector<16xf32>,
          %gather3A_703 = tpu.vector_load_idx %arg9[%add3A_145, %add3A_691] : memref<128x128xf32, #tpu.memory_space<vmem>>[vector<16xi32>, vector<16xi32>], vector<16xf32>,
          %gather3A_704 = tpu.vector_load_idx %arg9[%add3A_145, %add3A_700] : memref<128x128xf32, #tpu.memory_space<vmem>>[vector<16xi32>, vector<16xi32>], vector<16xf32>,
          tpu.vector_store_idx %arg10[%add3A_673, %add3A_145], %gather3A_701 : memref<64x128xf32, #tpu.memory_space<vmem>>[vector<16xi32>, vector<16xi32>], vector<16xf32>,
          tpu.vector_store_idx %arg10[%add3A_682, %add3A_145], %gather3A_702 : memref<64x128xf32, #tpu.memory_space<vmem>>[vector<16xi32>, vector<16xi32>], vector<16xf32>,
          tpu.vector_store_idx %arg10[%add3A_691, %add3A_145], %gather3A_703 : memref<64x128xf32, #tpu.memory_space<vmem>>[vector<16xi32>, vector<16xi32>], vector<16xf32>,
          tpu.vector_store_idx %arg10[%add3A_700, %add3A_145], %gather3A_704 : memref<64x128xf32, #tpu.memory_space<vmem>>[vector<16xi32>, vector<16xi32>], vector<16xf32>,
          %add3A_705 = arith.constant 8 : i32
          %add3A_706 = vector.broadcast %add3A_705 : i32 to vector<16xi32>
          %add3A_707 = arith.addi %iota3A, %add3A_706 : vector<16xi32>
          %and3A_708 = arith.constant 15 : i32
          %and3A_709 = vector.broadcast %and3A_708 : i32 to vector<16xi32>
          %and3A_710 = arith.andi %add3A_707, %and3A_709 : vector<16xi32>
          %add3A_711 = arith.constant 48 : i32
          %add3A_712 = vector.broadcast %add3A_711 : i32 to vector<16xi32>
          %add3A_713 = arith.addi %and3A_710, %add3A_712 : vector<16xi32>
          %add3A_714 = arith.constant 9 : i32
          %add3A_715 = vector.broadcast %add3A_714 : i32 to vector<16xi32>
          %add3A_716 = arith.addi %iota3A, %add3A_715 : vector<16xi32>
          %and3A_717 = arith.constant 15 : i32
          %and3A_718 = vector.broadcast %and3A_717 : i32 to vector<16xi32>
          %and3A_719 = arith.andi %add3A_716, %and3A_718 : vector<16xi32>
          %add3A_720 = arith.constant 48 : i32
          %add3A_721 = vector.broadcast %add3A_720 : i32 to vector<16xi32>
          %add3A_722 = arith.addi %and3A_719, %add3A_721 : vector<16xi32>
          %add3A_723 = arith.constant 10 : i32
          %add3A_724 = vector.broadcast %add3A_723 : i32 to vector<16xi32>
          %add3A_725 = arith.addi %iota3A, %add3A_724 : vector<16xi32>
          %and3A_726 = arith.constant 15 : i32
          %and3A_727 = vector.broadcast %and3A_726 : i32 to vector<16xi32>
          %and3A_728 = arith.andi %add3A_725, %and3A_727 : vector<16xi32>
          %add3A_729 = arith.constant 48 : i32
          %add3A_730 = vector.broadcast %add3A_729 : i32 to vector<16xi32>
          %add3A_731 = arith.addi %and3A_728, %add3A_730 : vector<16xi32>
          %add3A_732 = arith.constant 11 : i32
          %add3A_733 = vector.broadcast %add3A_732 : i32 to vector<16xi32>
          %add3A_734 = arith.addi %iota3A, %add3A_733 : vector<16xi32>
          %and3A_735 = arith.constant 15 : i32
          %and3A_736 = vector.broadcast %and3A_735 : i32 to vector<16xi32>
          %and3A_737 = arith.andi %add3A_734, %and3A_736 : vector<16xi32>
          %add3A_738 = arith.constant 48 : i32
          %add3A_739 = vector.broadcast %add3A_738 : i32 to vector<16xi32>
          %add3A_740 = arith.addi %and3A_737, %add3A_739 : vector<16xi32>
          %gather3A_741 = tpu.vector_load_idx %arg9[%add3A_145, %add3A_713] : memref<128x128xf32, #tpu.memory_space<vmem>>[vector<16xi32>, vector<16xi32>], vector<16xf32>,
          %gather3A_742 = tpu.vector_load_idx %arg9[%add3A_145, %add3A_722] : memref<128x128xf32, #tpu.memory_space<vmem>>[vector<16xi32>, vector<16xi32>], vector<16xf32>,
          %gather3A_743 = tpu.vector_load_idx %arg9[%add3A_145, %add3A_731] : memref<128x128xf32, #tpu.memory_space<vmem>>[vector<16xi32>, vector<16xi32>], vector<16xf32>,
          %gather3A_744 = tpu.vector_load_idx %arg9[%add3A_145, %add3A_740] : memref<128x128xf32, #tpu.memory_space<vmem>>[vector<16xi32>, vector<16xi32>], vector<16xf32>,
          tpu.vector_store_idx %arg10[%add3A_713, %add3A_145], %gather3A_741 : memref<64x128xf32, #tpu.memory_space<vmem>>[vector<16xi32>, vector<16xi32>], vector<16xf32>,
          tpu.vector_store_idx %arg10[%add3A_722, %add3A_145], %gather3A_742 : memref<64x128xf32, #tpu.memory_space<vmem>>[vector<16xi32>, vector<16xi32>], vector<16xf32>,
          tpu.vector_store_idx %arg10[%add3A_731, %add3A_145], %gather3A_743 : memref<64x128xf32, #tpu.memory_space<vmem>>[vector<16xi32>, vector<16xi32>], vector<16xf32>,
          tpu.vector_store_idx %arg10[%add3A_740, %add3A_145], %gather3A_744 : memref<64x128xf32, #tpu.memory_space<vmem>>[vector<16xi32>, vector<16xi32>], vector<16xf32>,
          %add3A_745 = arith.constant 12 : i32
          %add3A_746 = vector.broadcast %add3A_745 : i32 to vector<16xi32>
          %add3A_747 = arith.addi %iota3A, %add3A_746 : vector<16xi32>
          %and3A_748 = arith.constant 15 : i32
          %and3A_749 = vector.broadcast %and3A_748 : i32 to vector<16xi32>
          %and3A_750 = arith.andi %add3A_747, %and3A_749 : vector<16xi32>
          %add3A_751 = arith.constant 48 : i32
          %add3A_752 = vector.broadcast %add3A_751 : i32 to vector<16xi32>
          %add3A_753 = arith.addi %and3A_750, %add3A_752 : vector<16xi32>
          %add3A_754 = arith.constant 13 : i32
          %add3A_755 = vector.broadcast %add3A_754 : i32 to vector<16xi32>
          %add3A_756 = arith.addi %iota3A, %add3A_755 : vector<16xi32>
          %and3A_757 = arith.constant 15 : i32
          %and3A_758 = vector.broadcast %and3A_757 : i32 to vector<16xi32>
          %and3A_759 = arith.andi %add3A_756, %and3A_758 : vector<16xi32>
          %add3A_760 = arith.constant 48 : i32
          %add3A_761 = vector.broadcast %add3A_760 : i32 to vector<16xi32>
          %add3A_762 = arith.addi %and3A_759, %add3A_761 : vector<16xi32>
          %add3A_763 = arith.constant 14 : i32
          %add3A_764 = vector.broadcast %add3A_763 : i32 to vector<16xi32>
          %add3A_765 = arith.addi %iota3A, %add3A_764 : vector<16xi32>
          %and3A_766 = arith.constant 15 : i32
          %and3A_767 = vector.broadcast %and3A_766 : i32 to vector<16xi32>
          %and3A_768 = arith.andi %add3A_765, %and3A_767 : vector<16xi32>
          %add3A_769 = arith.constant 48 : i32
          %add3A_770 = vector.broadcast %add3A_769 : i32 to vector<16xi32>
          %add3A_771 = arith.addi %and3A_768, %add3A_770 : vector<16xi32>
          %add3A_772 = arith.constant 15 : i32
          %add3A_773 = vector.broadcast %add3A_772 : i32 to vector<16xi32>
          %add3A_774 = arith.addi %iota3A, %add3A_773 : vector<16xi32>
          %and3A_775 = arith.constant 15 : i32
          %and3A_776 = vector.broadcast %and3A_775 : i32 to vector<16xi32>
          %and3A_777 = arith.andi %add3A_774, %and3A_776 : vector<16xi32>
          %add3A_778 = arith.constant 48 : i32
          %add3A_779 = vector.broadcast %add3A_778 : i32 to vector<16xi32>
          %add3A_780 = arith.addi %and3A_777, %add3A_779 : vector<16xi32>
          %gather3A_781 = tpu.vector_load_idx %arg9[%add3A_145, %add3A_753] : memref<128x128xf32, #tpu.memory_space<vmem>>[vector<16xi32>, vector<16xi32>], vector<16xf32>,
          %gather3A_782 = tpu.vector_load_idx %arg9[%add3A_145, %add3A_762] : memref<128x128xf32, #tpu.memory_space<vmem>>[vector<16xi32>, vector<16xi32>], vector<16xf32>,
          %gather3A_783 = tpu.vector_load_idx %arg9[%add3A_145, %add3A_771] : memref<128x128xf32, #tpu.memory_space<vmem>>[vector<16xi32>, vector<16xi32>], vector<16xf32>,
          %gather3A_784 = tpu.vector_load_idx %arg9[%add3A_145, %add3A_780] : memref<128x128xf32, #tpu.memory_space<vmem>>[vector<16xi32>, vector<16xi32>], vector<16xf32>,
          tpu.vector_store_idx %arg10[%add3A_753, %add3A_145], %gather3A_781 : memref<64x128xf32, #tpu.memory_space<vmem>>[vector<16xi32>, vector<16xi32>], vector<16xf32>,
          tpu.vector_store_idx %arg10[%add3A_762, %add3A_145], %gather3A_782 : memref<64x128xf32, #tpu.memory_space<vmem>>[vector<16xi32>, vector<16xi32>], vector<16xf32>,
          tpu.vector_store_idx %arg10[%add3A_771, %add3A_145], %gather3A_783 : memref<64x128xf32, #tpu.memory_space<vmem>>[vector<16xi32>, vector<16xi32>], vector<16xf32>,
          tpu.vector_store_idx %arg10[%add3A_780, %add3A_145], %gather3A_784 : memref<64x128xf32, #tpu.memory_space<vmem>>[vector<16xi32>, vector<16xi32>], vector<16xf32>,
        }
        %scan3A_131 = arith.constant 8 : i32
        %mul3A_132 = arith.constant 32 : i32
        %mul3A_133 = arith.muli %add3A_102, %mul3A_132 : i32
        %add3A_134 = arith.addi %add3A, %mul3A_133 : i32
        %mul3A_135 = arith.constant 128 : i32
        %mul3A_136 = arith.muli %add3A_134, %mul3A_135 : i32
        %dma_start3A_137 = arith.constant 0 : i32
        %dma_start3A_138 = tpu.memref_slice %arg4[%dma_start3A_137, %mul3A_136] : memref<64x320000xf32, #tpu.memory_space<hbm>> -> memref<64x128xf32, #tpu.memory_space<hbm>>
        %dma_start3A_139 = arith.constant 0 : i32
        %dma_start3A_140 = tpu.memref_slice %arg4[%dma_start3A_139, %mul3A_136] : memref<64x320000xf32, #tpu.memory_space<hbm>> -> memref<64x128xf32, #tpu.memory_space<hbm>>
        tpu.enqueue_dma source(%arg10 : memref<64x128xf32, #tpu.memory_space<vmem>>) target(%dma_start3A_140 : memref<64x128xf32, #tpu.memory_space<hbm>>) target_semaphore(%arg14 : memref<!tpu.dma_semaphore, #tpu.memory_space<semaphore_mem>>)
      } else {
      }
    }
    %scan3A_48 = arith.constant 40 : i32
    %jit3A_49 = arith.constant 2 : i32
    %eq3A_50 = arith.constant 0 : i32
    %eq3A_51 = arith.cmpi eq, %jit3A_49, %eq3A_50 : i32
    %jit3A_52 = arith.constant 1 : i32
    %select_n3A_53 = arith.select %eq3A_51, %jit3A_52, %jit3A_49 : i32
    %rem3A_54 = arith.remsi %select_n3A, %select_n3A_53 : i32
    %ne3A_55 = arith.constant 0 : i32
    %ne3A_56 = arith.cmpi ne, %rem3A_54, %ne3A_55 : i32
    %lt3A = arith.constant 0 : i32
    %lt3A_57 = arith.cmpi slt, %rem3A_54, %lt3A : i32
    %lt3A_58 = arith.constant 0 : i32
    %lt3A_59 = arith.cmpi slt, %select_n3A_53, %lt3A_58 : i32
    %ne3A_60 = arith.xori %lt3A_57, %lt3A_59 : i1
    %and3A_61 = arith.andi %ne3A_60, %ne3A_56 : i1
    %add3A_62 = arith.addi %rem3A_54, %select_n3A_53 : i32
    %select_n3A_63 = arith.select %and3A_61, %add3A_62, %rem3A_54 : i32
    %eq3A_64 = arith.constant 1 : i32
    %eq3A_65 = arith.cmpi eq, %select_n3A_63, %eq3A_64 : i32
    %convert_element_type3A_66 = arith.extui %eq3A_65 : i1 to i32
    %cond3A_67 = arith.constant 0 : i32
    %cond3A_68 = arith.cmpi ne, %convert_element_type3A_66, %cond3A_67 : i32
    scf.if %cond3A_68 {
      %add3A_90 = arith.constant 0 : i32
      %add3A_91 = arith.addi %add3A, %add3A_90 : i32
      %mul3A_92 = arith.constant 128 : i32
      %mul3A_93 = arith.muli %add3A_91, %mul3A_92 : i32
      %dma_wait3A_94 = arith.constant 0 : i32
      %dma_wait3A_95 = tpu.memref_slice %arg4[%dma_wait3A_94, %mul3A_93] : memref<64x320000xf32, #tpu.memory_space<hbm>> -> memref<64x128xf32, #tpu.memory_space<hbm>>
      %dma_wait3A_96 = arith.constant 0 : i32
      %dma_wait3A_97 = tpu.memref_slice %arg4[%dma_wait3A_96, %mul3A_93] : memref<64x320000xf32, #tpu.memory_space<hbm>> -> memref<64x128xf32, #tpu.memory_space<hbm>>
      tpu.wait_dma2 semaphore(%arg13 : memref<!tpu.dma_semaphore, #tpu.memory_space<semaphore_mem>>) src(%arg10 : memref<64x128xf32, #tpu.memory_space<vmem>>) dst(%dma_wait3A_97 : memref<64x128xf32, #tpu.memory_space<hbm>>)
    } else {
    }
    %jit3A_69 = arith.constant 2 : i32
    %eq3A_70 = arith.constant 0 : i32
    %eq3A_71 = arith.cmpi eq, %jit3A_69, %eq3A_70 : i32
    %jit3A_72 = arith.constant 1 : i32
    %select_n3A_73 = arith.select %eq3A_71, %jit3A_72, %jit3A_69 : i32
    %rem3A_74 = arith.remsi %select_n3A, %select_n3A_73 : i32
    %ne3A_75 = arith.constant 0 : i32
    %ne3A_76 = arith.cmpi ne, %rem3A_74, %ne3A_75 : i32
    %lt3A_77 = arith.constant 0 : i32
    %lt3A_78 = arith.cmpi slt, %rem3A_74, %lt3A_77 : i32
    %lt3A_79 = arith.constant 0 : i32
    %lt3A_80 = arith.cmpi slt, %select_n3A_73, %lt3A_79 : i32
    %ne3A_81 = arith.xori %lt3A_78, %lt3A_80 : i1
    %and3A_82 = arith.andi %ne3A_81, %ne3A_76 : i1
    %add3A_83 = arith.addi %rem3A_74, %select_n3A_73 : i32
    %select_n3A_84 = arith.select %and3A_82, %add3A_83, %rem3A_74 : i32
    %eq3A_85 = arith.constant 0 : i32
    %eq3A_86 = arith.cmpi eq, %select_n3A_84, %eq3A_85 : i32
    %convert_element_type3A_87 = arith.extui %eq3A_86 : i1 to i32
    %cond3A_88 = arith.constant 0 : i32
    %cond3A_89 = arith.cmpi ne, %convert_element_type3A_87, %cond3A_88 : i32
    scf.if %cond3A_89 {
      %add3A_90 = arith.constant 0 : i32
      %add3A_91 = arith.addi %add3A, %add3A_90 : i32
      %mul3A_92 = arith.constant 128 : i32
      %mul3A_93 = arith.muli %add3A_91, %mul3A_92 : i32
      %dma_wait3A_94 = arith.constant 0 : i32
      %dma_wait3A_95 = tpu.memref_slice %arg4[%dma_wait3A_94, %mul3A_93] : memref<64x320000xf32, #tpu.memory_space<hbm>> -> memref<64x128xf32, #tpu.memory_space<hbm>>
      %dma_wait3A_96 = arith.constant 0 : i32
      %dma_wait3A_97 = tpu.memref_slice %arg4[%dma_wait3A_96, %mul3A_93] : memref<64x320000xf32, #tpu.memory_space<hbm>> -> memref<64x128xf32, #tpu.memory_space<hbm>>
      tpu.wait_dma2 semaphore(%arg14 : memref<!tpu.dma_semaphore, #tpu.memory_space<semaphore_mem>>) src(%arg10 : memref<64x128xf32, #tpu.memory_space<vmem>>) dst(%dma_wait3A_97 : memref<64x128xf32, #tpu.memory_space<hbm>>)
    } else {
    }
    return
  }
}

module attributes {stable_mosaic.version = 14 : i64} {
  func.func @_table_body(%arg0: memref<10000x128xf32, #tpu.memory_space<vmem>>, %arg1: memref<10000x64xf32, #tpu.memory_space<vmem>>, %arg2: memref<128x64xf32, #tpu.memory_space<vmem>>, %arg3: memref<1x64xf32, #tpu.memory_space<vmem>>, %arg4: memref<64x64xf32, #tpu.memory_space<vmem>>, %arg5: memref<1x64xf32, #tpu.memory_space<vmem>>, %arg6: memref<10000x128xf32, #tpu.memory_space<vmem>>) attributes {dimension_semantics = [], scalar_prefetch = 0 : i64, scratch_operands = 0 : i64, tpu.core_type = #tpu.core_type<tc>} {
    %get3A = arith.constant 0 : index
    %get3A_0 = arith.constant 0 : index
    %get3A_1 = vector.load %arg0[%get3A, %get3A_0] : memref<10000x128xf32, #tpu.memory_space<vmem>>, vector<10000x128xf32>
    %get3A_2 = arith.constant 0 : index
    %get3A_3 = arith.constant 0 : index
    %get3A_4 = vector.load %arg2[%get3A_2, %get3A_3] : memref<128x64xf32, #tpu.memory_space<vmem>>, vector<128x64xf32>
    %dot_general3A = arith.constant dense<0.000000e+00> : vector<10000x64xf32>
    %dot_general3A_5 = tpu.matmul %get3A_1, %get3A_4, %dot_general3A {dimension_numbers = #tpu.dot_dimension_numbers<[1], [0], [0], [1], [0, 0, 1, 1], [], []>, transpose_lhs_hint = false} : vector<10000x128xf32>, vector<128x64xf32>, vector<10000x64xf32> -> vector<10000x64xf32>
    %get3A_6 = arith.constant 0 : index
    %get3A_7 = arith.constant 0 : index
    %get3A_8 = vector.load %arg3[%get3A_6, %get3A_7] : memref<1x64xf32, #tpu.memory_space<vmem>>, vector<1x64xf32>
    %add3A = vector.broadcast %get3A_8 : vector<1x64xf32> to vector<10000x64xf32>
    %add3A_9 = arith.addf %dot_general3A_5, %add3A : vector<10000x64xf32>
    %max3A = arith.constant 0.000000e+00 : f32
    %max3A_10 = vector.broadcast %max3A : f32 to vector<10000x64xf32>
    %max3A_11 = arith.maximumf %add3A_9, %max3A_10 : vector<10000x64xf32>
    %get3A_12 = arith.constant 0 : index
    %get3A_13 = arith.constant 0 : index
    %get3A_14 = vector.load %arg1[%get3A_12, %get3A_13] : memref<10000x64xf32, #tpu.memory_space<vmem>>, vector<10000x64xf32>
    %mul3A = arith.mulf %max3A_11, %get3A_14 : vector<10000x64xf32>
    %get3A_15 = arith.constant 0 : index
    %get3A_16 = arith.constant 0 : index
    %get3A_17 = vector.load %arg4[%get3A_15, %get3A_16] : memref<64x64xf32, #tpu.memory_space<vmem>>, vector<64x64xf32>
    %dot_general3A_18 = arith.constant dense<0.000000e+00> : vector<10000x64xf32>
    %dot_general3A_19 = tpu.matmul %mul3A, %get3A_17, %dot_general3A_18 {dimension_numbers = #tpu.dot_dimension_numbers<[1], [0], [0], [1], [0, 0, 1, 1], [], []>, transpose_lhs_hint = false} : vector<10000x64xf32>, vector<64x64xf32>, vector<10000x64xf32> -> vector<10000x64xf32>
    %get3A_20 = arith.constant 0 : index
    %get3A_21 = arith.constant 0 : index
    %get3A_22 = vector.load %arg5[%get3A_20, %get3A_21] : memref<1x64xf32, #tpu.memory_space<vmem>>, vector<1x64xf32>
    %add3A_23 = vector.broadcast %get3A_22 : vector<1x64xf32> to vector<10000x64xf32>
    %add3A_24 = arith.addf %dot_general3A_19, %add3A_23 : vector<10000x64xf32>
    %max3A_25 = arith.constant 0.000000e+00 : f32
    %max3A_26 = vector.broadcast %max3A_25 : f32 to vector<10000x64xf32>
    %max3A_27 = arith.maximumf %add3A_24, %max3A_26 : vector<10000x64xf32>
    %reduce_max3A = arith.constant dense<0xFF800000> : vector<10000xf32>
    %reduce_max3A_28 = vector.multi_reduction <maximumf>, %max3A_27, %reduce_max3A [1] : vector<10000x64xf32> to vector<10000xf32>
    %broadcast_in_dim3A = vector.shape_cast %reduce_max3A_28 : vector<10000xf32> to vector<10000x1xf32>
    %sub3A = vector.broadcast %broadcast_in_dim3A : vector<10000x1xf32> to vector<10000x64xf32>
    %sub3A_29 = arith.subf %max3A_27, %sub3A : vector<10000x64xf32>
    %exp3A = math.exp %sub3A_29 : vector<10000x64xf32>
    %reduce_sum3A = arith.constant dense<0.000000e+00> : vector<10000xf32>
    %reduce_sum3A_30 = vector.multi_reduction <add>, %exp3A, %reduce_sum3A [1] : vector<10000x64xf32> to vector<10000xf32>
    %broadcast_in_dim3A_31 = vector.shape_cast %reduce_sum3A_30 : vector<10000xf32> to vector<10000x1xf32>
    %log3A = math.log %broadcast_in_dim3A_31 : vector<10000x1xf32>
    %add3A_32 = arith.addf %log3A, %broadcast_in_dim3A : vector<10000x1xf32>
    %sub3A_33 = vector.broadcast %add3A_32 : vector<10000x1xf32> to vector<10000x64xf32>
    %sub3A_34 = arith.subf %max3A_27, %sub3A_33 : vector<10000x64xf32>
    %concatenate3A = tpu.concatenate %sub3A_34, %sub3A_34 in 1 : vector<10000x64xf32>, vector<10000x64xf32> -> vector<10000x128xf32>
    %swap3A = arith.constant 0 : index
    %swap3A_35 = arith.constant 0 : index
    %swap3A_36 = vector.load %arg6[%swap3A, %swap3A_35] : memref<10000x128xf32, #tpu.memory_space<vmem>>, vector<10000x128xf32>
    tpu.vector_store %arg6[%swap3A, %swap3A_35], %concatenate3A {strides = array<i32>} : memref<10000x128xf32, #tpu.memory_space<vmem>>, vector<10000x128xf32>,
    return
  }
}

</mosaic_0001>

<sc_bundles>
// kernel: kernel.4.cloned.1.call-start
scs
__scs_entry_jumppad:
0x0: {  	(pc) =	sbr.rel $0x88, $3  }
0x1: {  	(tag) =	ssettag $0x0;
	lr =	simm.s32 $0x1  }
0x2: {  	[smem:$0x3F9A] =	sst lr;
	_ =	strace $0xD0000000  }
0x3: {  	_ = 	snop  }
0x4: {  	_ = 	snop  }
0x5: {  	_ = 	snop  }
0x6: {  	_ = 	snop  }
0x7: {  	_ = 	snop  }
__scs_overlays_trampoline_lowered:
0x8: {  	[smem:$0x3FA9] =	sst s0  }
0x9: {  	[smem:$0x3FAA] =	sst s1  }
0xa: {  	[smem:$0x3FAB] =	sst s2  }
0xb: {  	[smem:$0x3FAC] =	sst s3  }
0xc: {  	[smem:$0x3FAD] =	sst s4  }
0xd: {  	[smem:$0x3FAE] =	sst s5  }
0xe: {  	[smem:$0x3FAF] =	sst s6  }
0xf: {  	[smem:$0x3FB0] =	sst s7  }
0x10: {  	[smem:$0x3FB1] =	sst s8  }
0x11: {  	[smem:$0x3FB2] =	sst s9;
	s0 =	simm.s32 @!p0 $0x0  }
0x12: {  	s1 =	sld [smem:$0x3F98];
	s0 =	simm.s32 @p0 $0x1  }
0x13: {  	[smem:$0x3FB3] =	sst s0;
	s0 =	simm.s32 @!p1 $0x0  }
0x14: {  	s2 =	sld [smem:$0x3F97];
	s0 =	simm.s32 @p1 $0x1  }
0x15: {  	[smem:$0x3FB4] =	sst s0;
	s0 =	simm.s32 @!p2 $0x0  }
0x16: {  	s3 =	sld [smem:$0x3FDB];
	s0 =	simm.s32 @p2 $0x1  }
0x17: {  	s4 =	simm.s32 $0x1BF5;
	[smem:$0x3FB6] =	sst s0  }
0x18: {  	s0 =	sld [smem:$0x3F99];
	_ =	swait.ge [sflag:s4], $0x0  }
0x19: {  	s7 =	sld [smem:$0x3F9A]  }
0x1a: {  	s8 =	sadd.s32 $0xFFFFE003, lr  }
0x1b: {  	s9 =	sadd.s32 $0xFFFFFEF7, lr;
	s5 =	simm.s32 $0xFFFFFFFF;
	p2 =	slt.u32 s8, $0xFFFFF086  }
0x1c: {  	p1 =	slt.u32 s9, $0xF7A;
	s5 =	simm.s32 @!p2 $0x0  }
0x1d: {  	s5 =	simm.s32 @p1 $0x1;
	p0 =	seq.s32 s7, s2  }
0x1e: {  	s7 =	smul.u32 @!p0 $0xF7A, s2;
	p2 =	seq.s32 @!p0 s5, $0x0  }
0x1f: {  	s9 =	smul.u32 $0xF7A, s1;
	s8 =	simm.s32 @!p0 $0x1BF5;
	p2 =	por !p2, p0  }
0x20: {  	[sflag:s8] =	ssyncset.s32 @!p0 $0xFFFFF086;
	s6 =	sadd.s32 @!p0 s3, s7;
	s7 =	simm.s32 @!p0 $0x108  }
0x21: {  	s3 =	sadd.s32 s3, s9;
	s6 =	sadd.s32 @!p0 $0x88, s6;
	s7 =	simm.s32 @p2 $0x1082  }
0x22: {  	[simem:s7], [sflag:s8] =	dma.local @!p0 [hbm:s6], $0xF7A  }
0x23: {  	s9 =	sor.u32 $0xD0000000, s2;
	s6 =	simm.s32 $0x108;
	_ =	swait.ge @!p0 [sflag:s8], $0x0  }
0x24: {  	s3 =	sadd.s32 $0x88, s3;
	s6 =	simm.s32 @!p1 $0x1082;
	[sflag:s4] =	ssyncset.s32 $0xFFFFF086  }
0x25: {  	[simem:s6], [sflag:s4] =	dma.local [hbm:s3], $0xF7A  }
0x26: {  	[smem:$0x3F9A] =	sst s1;
	(tag) =	ssettag s2;
	_ =	strace s9  }
0x27: {  	s1 =	sld [smem:$0x3FAA]  }
0x28: {  	s2 =	sld [smem:$0x3FAB]  }
0x29: {  	s4 =	sld [smem:$0x3FAD]  }
0x2a: {  	p0 =	seq.s32 s5, $0x0;
	s5 =	sld [smem:$0x3FAE]  }
0x2b: {  	s6 =	sld [smem:$0x3FAF]  }
0x2c: {  	s7 =	sld [smem:$0x3FB0]  }
0x2d: {  	s3 =	simm.s32 $0x108;
	s8 =	sld [smem:$0x3FB1]  }
0x2e: {  	s3 =	simm.s32 @!p0 $0x1082;
	s9 =	sld [smem:$0x3FB2]  }
0x2f: {  	lr =	sadd.s32 s0, s3;
	s0 =	sld [smem:$0x3FA9]  }
0x30: {  	s3 =	sld [smem:$0x3FAC]  }
0x31: {  	[smem:$0x3FB5] =	sst s10  }
0x32: {  	s10 =	sld [smem:$0x3FB3];
	_ =	sdelay $0x3  }
0x33: {  	p0 =	seq.s32 s10, $0x1;
	s10 =	sld [smem:$0x3FB5];
	_ =	sdelay $0x3  }
0x34: {  	[smem:$0x3FB5] =	sst s10  }
0x35: {  	s10 =	sld [smem:$0x3FB4];
	_ =	sdelay $0x3  }
0x36: {  	p1 =	seq.s32 s10, $0x1;
	s10 =	sld [smem:$0x3FB5];
	_ =	sdelay $0x3  }
0x37: {  	[smem:$0x3FB5] =	sst s10  }
0x38: {  	s10 =	sld [smem:$0x3FB6]  }
0x39: {  	_ = 	snop;
	(pc) =	sbr.ind lr, $3  }
0x3a: {  	_ = 	snop  }
0x3b: {  	_ = 	snop  }
0x3c: {  	p2 =	seq.s32 s10, $0x1;
	s10 =	sld [smem:$0x3FB5]  }
0x3d: {  	_ =	shalt  }
0x3e: {  	_ =	shalt  }
0x3f: {  	_ =	shalt  }
0x40: {  	_ =	shalt  }
0x41: {  	_ =	shalt  }
0x42: {  	_ =	shalt  }
0x43: {  	_ =	shalt  }
0x44: {  	_ =	shalt  }
0x45: {  	_ =	shalt  }
0x46: {  	_ =	shalt  }
0x47: {  	_ =	shalt  }
0x48: {  	_ =	shalt  }
0x49: {  	_ =	shalt  }
0x4a: {  	_ =	shalt  }
0x4b: {  	_ =	shalt  }
0x4c: {  	_ =	shalt  }
0x4d: {  	_ =	shalt  }
0x4e: {  	_ =	shalt  }
0x4f: {  	_ =	shalt  }
0x50: {  	_ =	shalt  }
0x51: {  	_ =	shalt  }
0x52: {  	_ =	shalt  }
0x53: {  	_ =	shalt  }
0x54: {  	_ =	shalt  }
0x55: {  	_ =	shalt  }
0x56: {  	_ =	shalt  }
0x57: {  	_ =	shalt  }
0x58: {  	_ =	shalt  }
0x59: {  	_ =	shalt  }
0x5a: {  	_ =	shalt  }
0x5b: {  	_ =	shalt  }
0x5c: {  	_ =	shalt  }
0x5d: {  	_ =	shalt  }
0x5e: {  	_ =	shalt  }
0x5f: {  	_ =	shalt  }
0x60: {  	_ =	shalt  }
0x61: {  	_ =	shalt  }
0x62: {  	_ =	shalt  }
0x63: {  	_ =	shalt  }
0x64: {  	_ =	shalt  }
0x65: {  	_ =	shalt  }
0x66: {  	_ =	shalt  }
0x67: {  	_ =	shalt  }
0x68: {  	_ =	shalt  }
0x69: {  	_ =	shalt  }
0x6a: {  	_ =	shalt  }
0x6b: {  	_ =	shalt  }
0x6c: {  	_ =	shalt  }
0x6d: {  	_ =	shalt  }
0x6e: {  	_ =	shalt  }
0x6f: {  	_ =	shalt  }
0x70: {  	_ =	shalt  }
0x71: {  	_ =	shalt  }
0x72: {  	_ =	shalt  }
0x73: {  	_ =	shalt  }
0x74: {  	_ =	shalt  }
0x75: {  	_ =	shalt  }
0x76: {  	_ =	shalt  }
0x77: {  	_ =	shalt  }
0x78: {  	_ =	shalt  }
0x79: {  	_ =	shalt  }
0x7a: {  	_ =	shalt  }
0x7b: {  	_ =	shalt  }
0x7c: {  	_ =	shalt  }
0x7d: {  	_ =	shalt  }
0x7e: {  	_ =	shalt  }
0x7f: {  	_ =	shalt  }
0x80: {  	_ =	shalt  }
0x81: {  	_ =	shalt  }
0x82: {  	_ =	shalt  }
0x83: {  	_ =	shalt  }
0x84: {  	_ =	shalt  }
0x85: {  	_ =	shalt  }
0x86: {  	_ =	shalt  }
0x87: {  	_ =	shalt  }
.Lfunc_end0:
.L_simem_size_0:
called_computation_lowered:
.L_overlay_start_0:
0x88: {  	s2 =	sld [smem:$0x3FD9]  }
0x89: {  	s3 =	sld [smem:$0x3FFE];
	_ =	sdelay $0x1  }
0x8a: {  	s1 =	srdreg.scid  }
0x8b: {  	s0 =	sand.u32 $0x1, s1  }
0x8c: {  	s17 =	sshll.u32 s0, $0xA;
	s2 =	sadd.s32 s3, s2  }
0x8d: {  	s2 =	sadd.s32 s2, s17  }
0x8e: {  	[smem:$0x3FC1] =	sst s2  }
0x8f: {  	_ = 	snop  }
0x90: {  	s2 =	sld [smem:$0x3FC9]  }
0x91: {  	s18 =	sld [smem:$0x3FD0];
	(tm) =	ssettm $0x1  }
0x92: {  	s4 =	sld [smem:$0x3FFB];
	_ =	sdelay $0x3  }
0x93: {  	_ =	strace s4  }
0x94: {  	s4 =	sld [smem:$0x3FFC];
	_ =	sdelay $0x3  }
0x95: {  	_ =	strace s4  }
0x96: {  	s4 =	sld [smem:$0x3FFD];
	_ =	sdelay $0x3  }
0x97: {  	_ =	strace s4  }
0x98: {  	_ =	strace $0x8FFFFFFF  }
0x99: {  	s19 =	sld [smem:$0x3FDB];
	_ =	sdelay $0x1  }
0x9a: {  	s5 =	simm.s32 $_scs_section_size  }
0x9b: {  	s6 =	simm.s32 $_size__tile_overlayer_lowered;
	s7 =	simm.s32 $_tile_overlayer_lowered  }
0x9c: {  	s22 =	simm.s32 $0x1BFF;
	s21 =	sshll.u32 s7, $0x1;
	s4 =	sadd.s32 s5, s19  }
0x9d: {  	s8 =	simm.s32 $0x0;
	s20 =	sshll.u32 s6, $0x1;
	s6 =	sadd.s32 s21, s4  }
0x9e: {  	[timem:s8], [sflag:s22] =	dma.local [hbm:s6], s20  }
0x9f: {  	_ =	swait.ge [sflag:s22], s20  }
0xa0: {  	s5 =	ssub.s32 $0x0, s20;
	[sflag:s22] =	ssyncset.done $0x0  }
0xa1: {  	[sflag:s22] =	ssyncadd.s32 s5;
	_ =	sdelay $0x1  }
0xa2: {  	s23 =	simm.s32 $0x1B8B  }
0xa3: {  	_ =	swait.ge [sflag:s23], $0x1  }
0xa4: {  	[sflag:s23] =	ssyncset.done $0x0  }
0xa5: {  	s25 =	simm.s32 $0x1B8E;
	s24 =	sld [smem:$0x3FFE];
	[sflag:s23] =	ssyncadd.s32 $0xFFFFFFFF  }
0xa6: {  	s26 =	simm.s32 $execute0_lowered;
	[smem:$0x3FD2] =	sst s25  }
0xa7: {  	s6 =	sshll.u32 s26, $0x1;
	_ =	strace $0x80000046;
	[dreg:$0x1] =	wrdreg $0xFFFFFFFF  }
0xa8: {  	s28 =	simm.s32 $_size_execute0_lowered;
	s4 =	sadd.s32 s4, s6;
	[dreg:$0x0] =	wrdreg $0x0  }
0xa9: {  	s6 =	sshll.u32 s28, $0x1;
	[dreg:$0x2] =	wrdreg s4  }
0xaa: {  	[dreg:$0x3] =	wrdreg s6  }
0xab: {  	[dreg:$0x4] =	wrdreg $0xC0  }
0xac: {  	_ =	task [dreg:s8], $0x5FFFF  }
0xad: {  	[dreg:$0x1] =	wrdreg $0xFFFFFFFF  }
0xae: {  	[dreg:$0x0] =	wrdreg $0x60  }
0xaf: {  	[dreg:$0x2] =	wrdreg s24  }
0xb0: {  	[dreg:$0x3] =	wrdreg s2  }
0xb1: {  	[dreg:$0x4] =	wrdreg s18  }
0xb2: {  	[dreg:$0x5] =	wrdreg $0x0  }
0xb3: {  	[dreg:$0x6] =	wrdreg $0x9  }
0xb4: {  	_ =	task.clear_ibuf [dreg:s8], $0x7FFFF;
	_ =	strace $0x90000046  }
0xb5: {  	s29 =	simm.s32 $0x9;
	_ =	strace $0x80000048  }
0xb6: {  	_ =	swait.ge [sflag:s29], $0x1  }
0xb7: {  	[sflag:s29] =	ssyncadd.s32 $0xFFFFFFFF  }
0xb8: {  	_ =	strace $0x90000048  }
0xb9: {  	_ =	sfence  }
0xba: {  	s30 =	sld [smem:$0x0];
	_ =	sdelay $0x2  }
0xbb: {  	s31 =	sshll.u32 s1, $0xD;
	s1 =	sshrl.u32 s1, $0x2  }
0xbc: {  	s3 =	sand.u32 $0x4000, s31;
	s1 =	sadd.s32 s1, s30  }
0xbd: {  	s0 =	sor.u32 s3, s0;
	s1 =	sshll.u32 s1, $0x11  }
0xbe: {  	s0 =	sor.u32 s1, s0  }
0xbf: {  	s0 =	sadd.s32 $0x8F2B, s0  }
0xc0: {  	[sflag:s0] =	ssyncadd.remote.s32 $0x1  }
0xc1: {  	_ =	sfence.sel $0xFFFF  }
0xc2: {  	[dreg:$0x0] =	wrdreg $0xFFFFFFFF;
	(pc) =	sbr.abs _section_cstart, $3  }
0xc3: {  	[dreg:$0x1] =	wrdreg $0xFFFFFFFF  }
0xc4: {  	_ =	task.clear_ibuf [dreg:s8], $0x2FFFF;
	_ =	strace $0x9FFFFFFF  }
0xc5: {  	(tm) =	ssettm $0x7FFFFFFF  }
tec
execute0_lowered:
.L_overlay_start_1:
0x0: {  	(tag) =	ssettag $0x1  }
0x1: {  	v0 =	vimm.s32 $0xFEDCBA9;
	v1 =	vimm.s32 $0x87654321  }
0x2: {  	v62 =	vimm.s32 $0x10FEDCBA;
	v4 =	vimm.s32 $0x98765432;
	v5 =	vimm.s32 $0x210FEDCB  }
0x3: {  	vm14 =	vcmask $0x300;
	v7 =	vimm.s32 $0xF;
	vm12 =	vcmask $0x704  }
0x4: {  	vm13 =	vcmask $0xB08;
	vm11 =	vcmask $0xF0C;
	vm9 =	vcmask $0x1310  }
0x5: {  	vm10 =	vcmask $0x1714;
	vm8 =	vcmask $0x1B18;
	v8 =	vimm.s32 $0x8F  }
0x6: {  	vm6 =	vcmask $0x1F1C;
	vm7 =	vcmask $0x2320;
	vm5 =	vcmask $0x2724  }
0x7: {  	vm4 =	vcmask $0x2B28;
	vm3 =	vcmask $0x2F2C;
	vm1 =	vcmask $0x3330  }
0x8: {  	vm2 =	vcmask $0x3734;
	vm0 =	vcmask $0x3B38;
	v9 =	vimm.s32 $0x3210FEDC  }
0x9: {  	v10 =	vimm.s32 $0xBA987654;
	v11 =	vimm.s32 $0x18F;
	v12 =	vimm.s32 $0xDCBA9876  }
0xa: {  	v13 =	vimm.s32 $0x6543210F;
	v15 =	vimm.s32 $0xEDCBA987;
	v41 =	vimm.s32 $0x48F  }
0xb: {  	v44 =	vimm.s32 $0x50F;
	v51 =	vimm.s32 $0x58F;
	v60 =	vimm.s32 $0x60F  }
0xc: {  	v18 =	vimm.s32 $0x118F;
	v19 =	vimm.s32 $0x120F;
	v20 =	vimm.s32 $0x128F  }
0xd: {  	v21 =	vimm.s32 $0x130F;
	v22 =	vimm.s32 $0x138F;
	v23 =	vimm.s32 $0x140F  }
0xe: {  	v24 =	vimm.s32 $0x148F;
	v25 =	vimm.s32 $0x150F;
	v26 =	vimm.s32 $0x158F  }
0xf: {  	v27 =	vimm.s32 $0x160F;
	v28 =	vimm.s32 $0x168F;
	v29 =	vimm.s32 $0x170F  }
0x10: {  	v30 =	vimm.s32 $0x180F;
	v31 =	vimm.s32 $0x188F;
	v0 =	vunpack.c.l.s4.s8 v0  }
0x11: {  	v1 =	vunpack.c.l.s4.s8 v1;
	v63 =	vunpack.c.l.s4.s8 v4;
	v7 =	vsel vm14, $0x80, v7  }
0x12: {  	v8 =	vsel vm14, $0x100, v8;
	v9 =	vunpack.c.l.s4.s8 v9;
	v10 =	vunpack.c.l.s4.s8 v10  }
0x13: {  	v11 =	vsel vm14, $0x200, v11;
	v12 =	vunpack.c.l.s4.s8 v12;
	v13 =	vunpack.c.l.s4.s8 v13  }
0x14: {  	v15 =	vunpack.c.l.s4.s8 v15;
	v43 =	vsel vm14, $0x500, v41;
	v41 =	vimm.s32 $0x18171615  }
0x15: {  	v18 =	vsel vm14, $0x1200, v18;
	v19 =	vsel vm14, $0x1280, v19;
	v20 =	vsel vm14, $0x1300, v20  }
0x16: {  	v21 =	vsel vm14, $0x1380, v21;
	v22 =	vsel vm14, $0x1400, v22;
	v23 =	vsel vm14, $0x1480, v23  }
0x17: {  	v24 =	vsel vm14, $0x1500, v24;
	v25 =	vsel vm14, $0x1580, v25;
	v26 =	vsel vm14, $0x1600, v26  }
0x18: {  	v27 =	vsel vm14, $0x1680, v27;
	v28 =	vsel vm14, $0x1700, v28;
	v29 =	vsel vm14, $0x1780, v29  }
0x19: {  	v30 =	vsel vm14, $0x1880, v30;
	v31 =	vsel vm14, $0x1900, v31;
	v7 =	vsel vm12, $0x101, v7  }
0x1a: {  	v8 =	vsel vm12, $0x181, v8;
	v11 =	vsel vm12, $0x281, v11;
	v18 =	vsel vm12, $0x1281, v18  }
0x1b: {  	v19 =	vsel vm12, $0x1301, v19;
	v20 =	vsel vm12, $0x1381, v20;
	v21 =	vsel vm12, $0x1401, v21  }
0x1c: {  	v22 =	vsel vm12, $0x1481, v22;
	v23 =	vsel vm12, $0x1501, v23;
	v24 =	vsel vm12, $0x1581, v24  }
0x1d: {  	v25 =	vsel vm12, $0x1601, v25;
	v26 =	vsel vm12, $0x1681, v26;
	v27 =	vsel vm12, $0x1701, v27  }
0x1e: {  	v28 =	vsel vm12, $0x1781, v28;
	v29 =	vsel vm12, $0x1001, v29;
	v30 =	vsel vm12, $0x1901, v30  }
0x1f: {  	v31 =	vsel vm12, $0x1981, v31;
	v2 =	vunpack.c.0.s8.s32 v0;
	v3 =	vunpack.c.0.s8.s32 v1  }
0x20: {  	v0 =	vunpack.c.l.s4.s8 v62;
	v1 =	vunpack.c.0.s8.s32 v63;
	v7 =	vsel vm13, $0x182, v7  }
0x21: {  	v12 =	vunpack.c.0.s8.s32 v12;
	v18 =	vsel vm13, $0x1302, v18;
	v19 =	vsel vm13, $0x1382, v19  }
0x22: {  	v20 =	vsel vm13, $0x1402, v20;
	v21 =	vsel vm13, $0x1482, v21;
	v22 =	vsel vm13, $0x1502, v22  }
0x23: {  	v23 =	vsel vm13, $0x1582, v23;
	v24 =	vsel vm13, $0x1602, v24;
	v25 =	vsel vm13, $0x1682, v25  }
0x24: {  	v26 =	vsel vm13, $0x1702, v26;
	v27 =	vsel vm13, $0x1782, v27;
	v28 =	vsel vm13, $0x1002, v28  }
0x25: {  	v29 =	vsel vm13, $0x1082, v29;
	v30 =	vsel vm13, $0x1982, v30;
	v31 =	vsel vm13, $0x1A02, v31  }
0x26: {  	v18 =	vsel vm11, $0x1383, v18;
	v19 =	vsel vm11, $0x1403, v19;
	v20 =	vsel vm11, $0x1483, v20  }
0x27: {  	v21 =	vsel vm11, $0x1503, v21;
	v22 =	vsel vm11, $0x1583, v22;
	v23 =	vsel vm11, $0x1603, v23  }
0x28: {  	v24 =	vsel vm11, $0x1683, v24;
	v25 =	vsel vm11, $0x1703, v25;
	v26 =	vsel vm11, $0x1783, v26  }
0x29: {  	v27 =	vsel vm11, $0x1003, v27;
	v28 =	vsel vm11, $0x1083, v28;
	v29 =	vsel vm11, $0x1103, v29  }
0x2a: {  	v30 =	vsel vm11, $0x1A03, v30;
	v31 =	vsel vm11, $0x1A83, v31;
	v4 =	vcombine.low v3, v2  }
0x2b: {  	v0 =	vunpack.c.0.s8.s32 v0;
	v2 =	vcombine.low v2, v3;
	v18 =	vsel vm9, $0x1404, v18  }
0x2c: {  	v19 =	vsel vm9, $0x1484, v19;
	v20 =	vsel vm9, $0x1504, v20;
	v21 =	vsel vm9, $0x1584, v21  }
0x2d: {  	v22 =	vsel vm9, $0x1604, v22;
	v23 =	vsel vm9, $0x1684, v23;
	v24 =	vsel vm9, $0x1704, v24  }
0x2e: {  	v25 =	vsel vm9, $0x1784, v25;
	v26 =	vsel vm9, $0x1004, v26;
	v27 =	vsel vm9, $0x1084, v27  }
0x2f: {  	v28 =	vsel vm9, $0x1104, v28;
	v29 =	vsel vm9, $0x1184, v29;
	v30 =	vsel vm9, $0x1A84, v30  }
0x30: {  	v31 =	vsel vm9, $0x1B04, v31;
	v18 =	vsel vm10, $0x1485, v18;
	v19 =	vsel vm10, $0x1505, v19  }
0x31: {  	v20 =	vsel vm10, $0x1585, v20;
	v21 =	vsel vm10, $0x1605, v21;
	v22 =	vsel vm10, $0x1685, v22  }
0x32: {  	v23 =	vsel vm10, $0x1705, v23;
	v24 =	vsel vm10, $0x1785, v24;
	v25 =	vsel vm10, $0x1005, v25  }
0x33: {  	v26 =	vsel vm10, $0x1085, v26;
	v27 =	vsel vm10, $0x1105, v27;
	v4 =	vand.u32 $0xF, v4  }
0x34: {  	v6 =	vcombine.low v1, v0;
	[tilespmem:$0x1FAA0] =	vst v4;
	v4 =	vunpack.c.l.s4.s8 v5;
	v5 =	vimm.s32 $0xA9876543  }
0x35: {  	v28 =	vsel vm10, $0x1185, v28;
	v29 =	vsel vm10, $0x1205, v29;
	v5 =	vunpack.c.l.s4.s8 v5  }
0x36: {  	v30 =	vsel vm10, $0x1B05, v30;
	v0 =	vcombine.low v0, v1;
	v6 =	vand.u32 $0xF, v6  }
0x37: {  	v4 =	vunpack.c.0.s8.s32 v4;
	[tilespmem:$0x1FAE0] =	vst v6;
	v6 =	vsel vm11, $0x203, v7;
	v5 =	vunpack.c.0.s8.s32 v5  }
0x38: {  	v31 =	vsel vm10, $0x1B85, v31;
	v63 =	vand.u32 $0xF, v2;
	v6 =	vsel vm9, $0x284, v6  }
0x39: {  	v46 =	vand.u32 $0xF, v0;
	v6 =	vsel vm10, $0x305, v6;
	v7 =	vcombine.low v5, v4  }
0x3a: {  	v6 =	vsel vm8, $0x386, v6;
	v37 =	vcombine.low v4, v5;
	v4 =	vimm.s32 $0xA0F  }
0x3b: {  	v5 =	vimm.s32 $0xA8F;
	v6 =	vsel vm6, $0x407, v6;
	v4 =	vsel vm14, $0xA80, v4  }
0x3c: {  	v5 =	vsel vm14, $0xB00, v5;
	v7 =	vand.u32 $0xF, v7;
	v6 =	vsel vm7, $0x488, v6  }
0x3d: {  	v40 =	vand.u32 $0xF, v37;
	v37 =	vimm.s32 $0x1C1B1A19;
	v4 =	vsel vm12, $0xB01, v4  }
0x3e: {  	v5 =	vsel vm12, $0xB81, v5;
	[tilespmem:$0x1FAD0] =	vst v7;
	v7 =	vsel vm13, $0x202, v8;
	v8 =	vimm.s32 $0x10F  }
0x3f: {  	v6 =	vsel vm5, $0x509, v6;
	[tilespmem:$0x1F840] =	vst v40;
	v40 =	vimm.s32 $0x14131211;
	v4 =	vsel vm13, $0xB82, v4  }
0x40: {  	v5 =	vsel vm13, $0xC02, v5;
	v7 =	vsel vm11, $0x283, v7;
	v8 =	vsel vm14, $0x180, v8  }
0x41: {  	v6 =	vsel vm4, $0x58A, v6;
	v7 =	vsel vm9, $0x304, v7;
	v8 =	vsel vm12, $0x201, v8  }
0x42: {  	v4 =	vsel vm11, $0xC03, v4;
	v7 =	vsel vm10, $0x385, v7;
	v8 =	vsel vm13, $0x282, v8  }
0x43: {  	v5 =	vsel vm11, $0xC83, v5;
	v7 =	vsel vm8, $0x406, v7;
	v8 =	vsel vm11, $0x303, v8  }
0x44: {  	v6 =	vsel vm3, $0x60B, v6;
	v7 =	vsel vm6, $0x487, v7;
	v8 =	vsel vm9, $0x384, v8  }
0x45: {  	v4 =	vsel vm9, $0xC84, v4;
	v7 =	vsel vm7, $0x508, v7;
	v8 =	vsel vm10, $0x405, v8  }
0x46: {  	v5 =	vsel vm9, $0xD04, v5;
	v7 =	vsel vm5, $0x589, v7;
	v8 =	vsel vm8, $0x486, v8  }
0x47: {  	v6 =	vsel vm1, $0x68C, v6;
	v7 =	vsel vm4, $0x60A, v7;
	v8 =	vsel vm6, $0x507, v8  }
0x48: {  	v4 =	vsel vm10, $0xD05, v4;
	v7 =	vsel vm3, $0x68B, v7;
	v8 =	vsel vm7, $0x588, v8  }
0x49: {  	v6 =	vsel vm2, $0x70D, v6;
	v7 =	vsel vm1, $0x70C, v7;
	v8 =	vsel vm5, $0x609, v8  }
0x4a: {  	v6 =	vsel vm0, $0x78E, v6;
	v7 =	vsel vm2, $0x78D, v7;
	v8 =	vsel vm4, $0x68A, v8  }
0x4b: {  	v5 =	vsel vm10, $0xD85, v5;
	[tilespmem:$0x1FAB0] =	vst v6;
	v8 =	vsel vm3, $0x70B, v8;
	v6 =	vsel vm0, $0xE, v7  }
0x4c: {  	v7 =	vunpack.c.0.s8.s32 v10;
	v10 =	vimm.s32 $0xCBA98765;
	[tilespmem:$0x1FAC0] =	vst v6;
	v6 =	vsel vm1, $0x78C, v8  }
0x4d: {  	v8 =	vsel vm2, $0xD, v6;
	v6 =	vunpack.c.0.s8.s32 v9;
	v9 =	vimm.s32 $0x43210FED  }
0x4e: {  	v10 =	vunpack.c.l.s4.s8 v10;
	v9 =	vunpack.c.l.s4.s8 v9;
	v47 =	vsel vm0, $0x8E, v8  }
0x4f: {  	v14 =	vcombine.low v7, v6;
	v55 =	vcombine.low v6, v7;
	v6 =	vimm.s32 $0xB0F  }
0x50: {  	v7 =	vimm.s32 $0xB8F;
	v8 =	vunpack.c.0.s8.s32 v9;
	v9 =	vunpack.c.0.s8.s32 v10  }
0x51: {  	v10 =	vsel vm13, $0x302, v11;
	v11 =	vimm.s32 $0x543210FE;
	v6 =	vsel vm14, $0xB80, v6  }
0x52: {  	v7 =	vsel vm14, $0xC00, v7;
	v10 =	vsel vm11, $0x383, v10;
	v11 =	vunpack.c.l.s4.s8 v11  }
0x53: {  	v53 =	vand.u32 $0xF, v14;
	v6 =	vsel vm12, $0xC01, v6;
	v7 =	vsel vm12, $0xC81, v7  }
0x54: {  	v10 =	vsel vm9, $0x404, v10;
	v56 =	vcombine.low v8, v9;
	v6 =	vsel vm13, $0xC82, v6  }
0x55: {  	v7 =	vsel vm13, $0xD02, v7;
	v10 =	vsel vm10, $0x485, v10;
	v6 =	vsel vm11, $0xD03, v6  }
0x56: {  	v7 =	vsel vm11, $0xD83, v7;
	v16 =	vsel vm8, $0x506, v10;
	v10 =	vunpack.c.0.s8.s32 v11  }
0x57: {  	v11 =	vunpack.c.0.s8.s32 v13;
	v13 =	vunpack.c.0.s8.s32 v15;
	v6 =	vsel vm9, $0xD84, v6  }
0x58: {  	v7 =	vsel vm9, $0xE04, v7;
	v16 =	vsel vm6, $0x587, v16;
	v6 =	vsel vm10, $0xE05, v6  }
0x59: {  	v15 =	vsel vm7, $0x608, v16;
	v16 =	vcombine.low v9, v8;
	v17 =	vcombine.low v12, v10  }
0x5a: {  	v7 =	vsel vm10, $0xE85, v7;
	v14 =	vcombine.low v13, v11;
	v58 =	vcombine.low v10, v12  }
0x5b: {  	v59 =	vcombine.low v11, v13;
	v8 =	vimm.s32 $0xC0F;
	v9 =	vimm.s32 $0xC8F  }
0x5c: {  	v10 =	vimm.s32 $0xD0F;
	v11 =	vimm.s32 $0xD8F;
	v12 =	vimm.s32 $0xE0F  }
0x5d: {  	v13 =	vimm.s32 $0xE8F;
	v15 =	vsel vm5, $0x689, v15;
	v8 =	vsel vm14, $0xC80, v8  }
0x5e: {  	v9 =	vsel vm14, $0xD00, v9;
	v10 =	vsel vm14, $0xD80, v10;
	v11 =	vsel vm14, $0xE00, v11  }
0x5f: {  	v12 =	vsel vm14, $0xE80, v12;
	v13 =	vsel vm14, $0xF00, v13;
	v15 =	vsel vm4, $0x70A, v15  }
0x60: {  	v48 =	vand.u32 $0xF, v16;
	v16 =	vand.u32 $0xF, v17;
	v14 =	vand.u32 $0xF, v14  }
0x61: {  	v17 =	vimm.s32 $0x76543210;
	v8 =	vsel vm12, $0xD01, v8;
	v9 =	vsel vm12, $0xD81, v9  }
0x62: {  	v10 =	vsel vm12, $0xE01, v10;
	v11 =	vsel vm12, $0xE81, v11;
	v12 =	vsel vm12, $0xF01, v12  }
0x63: {  	v13 =	vsel vm12, $0xF81, v13;
	[tilespmem:$0x1FD80] =	vst v16;
	v15 =	vsel vm3, $0x78B, v15;
	v16 =	vimm.s32 $0x28F  }
0x64: {  	v8 =	vsel vm13, $0xD82, v8;
	v9 =	vsel vm13, $0xE02, v9;
	v10 =	vsel vm13, $0xE82, v10  }
0x65: {  	v11 =	vsel vm13, $0xF02, v11;
	v12 =	vsel vm13, $0xF82, v12;
	v13 =	vsel vm13, $0x802, v13  }
0x66: {  	[tilespmem:$0x1F810] =	vst v14;
	v14 =	vsel vm1, $0xC, v15;
	v15 =	vimm.s32 $0x20F;
	v8 =	vsel vm11, $0xE03, v8  }
0x67: {  	v9 =	vsel vm11, $0xE83, v9;
	v10 =	vsel vm11, $0xF03, v10;
	v11 =	vsel vm11, $0xF83, v11  }
0x68: {  	v12 =	vsel vm11, $0x803, v12;
	v13 =	vsel vm11, $0x883, v13;
	v14 =	vsel vm2, $0x8D, v14  }
0x69: {  	v15 =	vsel vm14, $0x280, v15;
	v8 =	vsel vm9, $0xE84, v8;
	v9 =	vsel vm9, $0xF04, v9  }
0x6a: {  	v10 =	vsel vm9, $0xF84, v10;
	v11 =	vsel vm9, $0x804, v11;
	v12 =	vsel vm9, $0x884, v12  }
0x6b: {  	v13 =	vsel vm9, $0x904, v13;
	v57 =	vsel vm0, $0x10E, v14;
	v14 =	vsel vm12, $0x301, v15  }
0x6c: {  	v15 =	vsel vm14, $0x300, v16;
	v16 =	vimm.s32 $0x30F;
	v14 =	vsel vm13, $0x382, v14  }
0x6d: {  	v8 =	vsel vm10, $0xF05, v8;
	v15 =	vsel vm12, $0x381, v15;
	v14 =	vsel vm11, $0x403, v14  }
0x6e: {  	v9 =	vsel vm10, $0xF85, v9;
	v15 =	vsel vm13, $0x402, v15;
	v14 =	vsel vm9, $0x484, v14  }
0x6f: {  	v16 =	vsel vm14, $0x380, v16;
	v15 =	vsel vm11, $0x483, v15;
	v14 =	vsel vm10, $0x505, v14  }
0x70: {  	v16 =	vsel vm12, $0x401, v16;
	v15 =	vsel vm9, $0x504, v15;
	v14 =	vsel vm8, $0x586, v14  }
0x71: {  	v16 =	vsel vm13, $0x482, v16;
	v15 =	vsel vm10, $0x585, v15;
	v14 =	vsel vm6, $0x607, v14  }
0x72: {  	v16 =	vsel vm11, $0x503, v16;
	v15 =	vsel vm8, $0x606, v15;
	v14 =	vsel vm7, $0x688, v14  }
0x73: {  	v16 =	vsel vm9, $0x584, v16;
	v15 =	vsel vm6, $0x687, v15;
	v14 =	vsel vm5, $0x709, v14  }
0x74: {  	v16 =	vsel vm10, $0x605, v16;
	v15 =	vsel vm7, $0x708, v15;
	v14 =	vsel vm4, $0x78A, v14  }
0x75: {  	v16 =	vsel vm8, $0x686, v16;
	v15 =	vsel vm5, $0x789, v15;
	v14 =	vsel vm3, $0xB, v14  }
0x76: {  	v16 =	vsel vm6, $0x707, v16;
	v15 =	vsel vm4, $0xA, v15;
	v14 =	vsel vm1, $0x8C, v14  }
0x77: {  	v16 =	vsel vm7, $0x788, v16;
	v15 =	vsel vm3, $0x8B, v15;
	v14 =	vsel vm2, $0x10D, v14  }
0x78: {  	v16 =	vsel vm5, $0x9, v16;
	v15 =	vsel vm1, $0x10C, v15;
	v14 =	vsel vm0, $0x18E, v14  }
0x79: {  	v10 =	vsel vm10, $0x805, v10;
	v16 =	vsel vm4, $0x8A, v16;
	[tilespmem:$0x1F820] =	vst v14;
	v14 =	vsel vm2, $0x18D, v15  }
0x7a: {  	v11 =	vsel vm10, $0x885, v11;
	v15 =	vsel vm3, $0x10B, v16;
	v14 =	vsel vm0, $0x20E, v14  }
0x7b: {  	v12 =	vsel vm10, $0x905, v12;
	[tilespmem:$0x1F830] =	vst v14;
	v14 =	vsel vm1, $0x18C, v15;
	v15 =	vimm.s32 $0x38F  }
0x7c: {  	v13 =	vsel vm10, $0x985, v13;
	v16 =	vimm.s32 $0xFEDCBA98;
	v15 =	vsel vm14, $0x400, v15  }
0x7d: {  	v16 =	vunpack.c.l.s4.s8 v16;
	v14 =	vsel vm2, $0x20D, v14;
	v15 =	vsel vm12, $0x481, v15  }
0x7e: {  	v50 =	vsel vm0, $0x28E, v14;
	v14 =	vunpack.c.l.s4.s8 v17;
	v15 =	vsel vm13, $0x502, v15  }
0x7f: {  	v16 =	vunpack.c.0.s8.s32 v16;
	v17 =	vimm.s32 $0x40F;
	v15 =	vsel vm11, $0x583, v15  }
0x80: {  	v17 =	vsel vm14, $0x480, v17;
	v14 =	vunpack.c.0.s8.s32 v14;
	v15 =	vsel vm9, $0x604, v15  }
0x81: {  	v16 =	vand.u32 $0xF, v16;
	v17 =	vsel vm12, $0x501, v17;
	v15 =	vsel vm10, $0x685, v15  }
0x82: {  	v61 =	vcombine.low v16, v14;
	v16 =	vimm.s32 $0x108F;
	v32 =	vsel vm8, $0x706, v15  }
0x83: {  	v15 =	vsel vm13, $0x582, v17;
	v17 =	vimm.s32 $0x110F;
	v16 =	vsel vm14, $0x1100, v16  }
0x84: {  	v3 =	vsel vm6, $0x787, v32;
	v14 =	vsel vm11, $0x603, v15;
	v32 =	vsel vm14, $0x680, v60  }
0x85: {  	v15 =	vimm.s32 $0x100F;
	v17 =	vsel vm14, $0x1180, v17;
	v16 =	vsel vm12, $0x1181, v16  }
0x86: {  	v33 =	vsel vm7, $0x8, v3;
	v34 =	vsel vm9, $0x684, v14;
	v14 =	vimm.s32 $0xF0F  }
0x87: {  	v15 =	vsel vm14, $0x1080, v15;
	v16 =	vsel vm13, $0x1202, v16;
	v17 =	vsel vm12, $0x1201, v17  }
0x88: {  	v35 =	vsel vm5, $0x89, v33;
	v36 =	vsel vm10, $0x705, v34;
	v33 =	vimm.s32 $0x68F  }
0x89: {  	v34 =	vimm.s32 $0x70F;
	v14 =	vsel vm14, $0xF80, v14;
	v15 =	vsel vm12, $0x1101, v15  }
0x8a: {  	v17 =	vsel vm13, $0x1282, v17;
	v16 =	vsel vm11, $0x1283, v16;
	v1 =	vsel vm4, $0x10A, v35  }
0x8b: {  	v2 =	vsel vm8, $0x786, v36;
	v14 =	vsel vm12, $0x801, v14;
	v15 =	vsel vm13, $0x1182, v15  }
0x8c: {  	v17 =	vsel vm11, $0x1303, v17;
	v16 =	vsel vm9, $0x1304, v16;
	v38 =	vsel vm3, $0x18B, v1  }
0x8d: {  	v39 =	vsel vm6, $0x7, v2;
	v2 =	vsel vm14, $0x580, v44;
	v44 =	vimm.s32 $0x80F  }
0x8e: {  	v14 =	vsel vm13, $0x882, v14;
	v15 =	vsel vm11, $0x1203, v15;
	v16 =	vsel vm10, $0x1385, v16  }
0x8f: {  	v17 =	vsel vm9, $0x1384, v17;
	v0 =	vsel vm1, $0x20C, v38;
	v1 =	vsel vm7, $0x88, v39  }
0x90: {  	v2 =	vsel vm12, $0x601, v2;
	v39 =	vimm.s32 $0x101F1E1D;
	v14 =	vsel vm11, $0x903, v14  }
0x91: {  	v15 =	vsel vm9, $0x1284, v15;
	v17 =	vsel vm10, $0x1405, v17;
	v0 =	vsel vm2, $0x28D, v0  }
0x92: {  	v1 =	vsel vm5, $0x109, v1;
	v49 =	vsel vm13, $0x682, v2;
	v2 =	vsel vm14, $0x600, v51  }
0x93: {  	v51 =	vimm.s32 $0x88F;
	v14 =	vsel vm9, $0x984, v14;
	v15 =	vsel vm10, $0x1305, v15  }
0x94: {  	v0 =	vsel vm0, $0x30E, v0;
	v42 =	vsel vm4, $0x18A, v1;
	v1 =	vsel vm12, $0x581, v43  }
0x95: {  	v2 =	vsel vm12, $0x681, v2;
	v43 =	vimm.s32 $0x11101F1E;
	v14 =	vsel vm10, $0xA05, v14  }
0x96: {  	[tilespmem:$0x1F850] =	vst v0;
	v0 =	vsel vm3, $0x20B, v42;
	v1 =	vsel vm13, $0x602, v1;
	v2 =	vsel vm13, $0x702, v2  }
0x97: {  	v42 =	vimm.s32 $0x1D1C1B1A;
	v0 =	vsel vm1, $0x28C, v0;
	v1 =	vsel vm11, $0x683, v1  }
0x98: {  	v2 =	vsel vm11, $0x783, v2;
	v60 =	vunpack.c.0.s8.s32 v42;
	v42 =	vimm.s32 $0x1E0F  }
0x99: {  	v0 =	vsel vm2, $0x30D, v0;
	v45 =	vsel vm9, $0x704, v1;
	v1 =	vsel vm11, $0x703, v49  }
0x9a: {  	v2 =	vsel vm9, $0x4, v2;
	v49 =	vsel vm14, $0x880, v44;
	v42 =	vsel vm14, $0x1E80, v42  }
0x9b: {  	v44 =	vimm.s32 $0x1F0F;
	v0 =	vsel vm0, $0x38E, v0;
	v1 =	vsel vm9, $0x784, v1  }
0x9c: {  	v2 =	vsel vm10, $0x85, v2;
	v44 =	vsel vm14, $0x1F80, v44;
	v42 =	vsel vm12, $0x1F01, v42  }
0x9d: {  	[tilespmem:$0x1F860] =	vst v0;
	v0 =	vsel vm10, $0x785, v45;
	v1 =	vsel vm10, $0x5, v1;
	v2 =	vsel vm8, $0x106, v2  }
0x9e: {  	v45 =	vunpack.c.0.s8.s32 v43;
	v43 =	vimm.s32 $0x1E8F;
	v42 =	vsel vm13, $0x1F82, v42  }
0x9f: {  	v44 =	vsel vm12, $0x1801, v44;
	v0 =	vsel vm8, $0x6, v0;
	v1 =	vsel vm8, $0x86, v1  }
0xa0: {  	v2 =	vsel vm6, $0x187, v2;
	v43 =	vsel vm14, $0x1F00, v43;
	v44 =	vsel vm13, $0x1882, v44  }
0xa1: {  	v42 =	vsel vm11, $0x1803, v42;
	v0 =	vsel vm6, $0x87, v0;
	v1 =	vsel vm6, $0x107, v1  }
0xa2: {  	v54 =	vsel vm7, $0x208, v2;
	v2 =	vand.u32 $0xF, v55;
	v55 =	vunpack.c.0.s8.s32 v37  }
0xa3: {  	[tilespmem:$0x1FD30] =	vst v45;
	v37 =	vimm.s32 $0x1B8F;
	v45 =	vimm.s32 $0x15141312;
	v43 =	vsel vm12, $0x1F81, v43  }
0xa4: {  	v44 =	vsel vm11, $0x1903, v44;
	v42 =	vsel vm9, $0x1884, v42;
	v0 =	vsel vm7, $0x108, v0  }
0xa5: {  	v1 =	vsel vm7, $0x188, v1;
	[tilespmem:$0x1F890] =	vst v2;
	v2 =	vand.u32 $0xF, v58;
	v58 =	vimm.s32 $0x98F  }
0xa6: {  	v37 =	vsel vm14, $0x1C00, v37;
	v43 =	vsel vm13, $0x1802, v43;
	v42 =	vsel vm10, $0x1905, v42  }
0xa7: {  	v44 =	vsel vm9, $0x1984, v44;
	v0 =	vsel vm5, $0x189, v0;
	v1 =	vsel vm5, $0x209, v1  }
0xa8: {  	[tilespmem:$0x1F8B0] =	vst v2;
	v2 =	vsel vm14, $0x780, v34;
	v3 =	vsel vm14, $0xA00, v58;
	v34 =	vimm.s32 $0x1A0F  }
0xa9: {  	v58 =	vunpack.c.0.s8.s32 v45;
	v37 =	vsel vm12, $0x1C81, v37;
	v43 =	vsel vm11, $0x1883, v43  }
0xaa: {  	v44 =	vsel vm10, $0x1A05, v44;
	v0 =	vsel vm4, $0x20A, v0;
	v1 =	vsel vm4, $0x28A, v1  }
0xab: {  	v2 =	vsel vm12, $0x1, v2;
	v34 =	vsel vm14, $0x1A80, v34;
	v3 =	vsel vm12, $0xA81, v3  }
0xac: {  	v37 =	vsel vm13, $0x1D02, v37;
	v43 =	vsel vm9, $0x1904, v43;
	v0 =	vsel vm3, $0x28B, v0  }
0xad: {  	v1 =	vsel vm3, $0x30B, v1;
	v2 =	vsel vm13, $0x82, v2;
	v3 =	vsel vm13, $0xB02, v3  }
0xae: {  	v34 =	vsel vm12, $0x1B01, v34;
	v37 =	vsel vm11, $0x1D83, v37;
	v43 =	vsel vm10, $0x1985, v43  }
0xaf: {  	v0 =	vsel vm1, $0x30C, v0;
	v52 =	vsel vm1, $0x38C, v1;
	v1 =	vsel vm5, $0x289, v54  }
0xb0: {  	v2 =	vsel vm11, $0x103, v2;
	v54 =	vimm.s32 $0x90F;
	v34 =	vsel vm13, $0x1B82, v34  }
0xb1: {  	v3 =	vsel vm11, $0xB83, v3;
	v37 =	vsel vm9, $0x1E04, v37;
	v0 =	vsel vm2, $0x38D, v0  }
0xb2: {  	v1 =	vsel vm4, $0x30A, v1;
	v2 =	vsel vm9, $0x184, v2;
	v34 =	vsel vm11, $0x1C03, v34  }
0xb3: {  	v3 =	vsel vm9, $0xC04, v3;
	v37 =	vsel vm10, $0x1E85, v37;
	v0 =	vsel vm0, $0x40E, v0  }
0xb4: {  	v1 =	vsel vm3, $0x38B, v1;
	v2 =	vsel vm10, $0x205, v2;
	v3 =	vsel vm10, $0xC85, v3  }
0xb5: {  	v34 =	vsel vm9, $0x1C84, v34;
	[tilespmem:$0x1F870] =	vst v0;
	v0 =	vsel vm2, $0x40D, v52;
	v1 =	vsel vm1, $0x40C, v1  }
0xb6: {  	v2 =	vsel vm8, $0x286, v2;
	v52 =	vunpack.c.0.s8.s32 v40;
	v40 =	vimm.s32 $0x1D0F  }
0xb7: {  	v34 =	vsel vm10, $0x1D05, v34;
	v0 =	vsel vm0, $0x48E, v0;
	v1 =	vsel vm2, $0x48D, v1  }
0xb8: {  	v2 =	vsel vm6, $0x307, v2;
	v40 =	vsel vm14, $0x1D80, v40;
	[tilespmem:$0x1F880] =	vst v0;
	v0 =	vand.u32 $0xF, v56  }
0xb9: {  	v62 =	vsel vm0, $0x50E, v1;
	v1 =	vsel vm14, $0x700, v33;
	v2 =	vsel vm7, $0x388, v2  }
0xba: {  	v56 =	vunpack.c.0.s8.s32 v41;
	v33 =	vimm.s32 $0x198F;
	v41 =	vimm.s32 $0x1D8F  }
0xbb: {  	v40 =	vsel vm12, $0x1E01, v40;
	[tilespmem:$0x1F8A0] =	vst v0;
	v0 =	vand.u32 $0xF, v59;
	v1 =	vsel vm12, $0x781, v1  }
0xbc: {  	v2 =	vsel vm5, $0x409, v2;
	v59 =	vunpack.c.0.s8.s32 v39;
	v33 =	vsel vm14, $0x1A00, v33  }
0xbd: {  	[tilespmem:$0x1F8D0] =	vst v62;
	v39 =	vimm.s32 $0x1C8F;
	v41 =	vsel vm14, $0x1E00, v41;
	v40 =	vsel vm13, $0x1E82, v40  }
0xbe: {  	v62 =	vimm.s32 $0x19181716;
	[tilespmem:$0x1F8C0] =	vst v0;
	v0 =	vsel vm12, $0x701, v32;
	v1 =	vsel vm13, $0x2, v1  }
0xbf: {  	v2 =	vsel vm4, $0x48A, v2;
	v32 =	vimm.s32 $0x190F;
	v39 =	vsel vm14, $0x1D00, v39  }
0xc0: {  	v33 =	vsel vm12, $0x1A81, v33;
	v41 =	vsel vm12, $0x1E81, v41;
	v40 =	vsel vm11, $0x1F03, v40  }
0xc1: {  	v0 =	vsel vm13, $0x782, v0;
	v1 =	vsel vm11, $0x83, v1;
	v2 =	vsel vm3, $0x50B, v2  }
0xc2: {  	v32 =	vsel vm14, $0x1980, v32;
	v33 =	vsel vm13, $0x1B02, v33;
	v39 =	vsel vm12, $0x1D81, v39  }
0xc3: {  	v41 =	vsel vm13, $0x1F02, v41;
	v40 =	vsel vm9, $0x1F84, v40;
	v0 =	vsel vm11, $0x3, v0  }
0xc4: {  	v1 =	vsel vm9, $0x104, v1;
	v36 =	vsel vm1, $0x58C, v2;
	v2 =	vsel vm14, $0x980, v54  }
0xc5: {  	v32 =	vsel vm12, $0x1A01, v32;
	v39 =	vsel vm13, $0x1E02, v39;
	v33 =	vsel vm11, $0x1B83, v33  }
0xc6: {  	v41 =	vsel vm11, $0x1F83, v41;
	v40 =	vsel vm10, $0x1805, v40;
	v54 =	vimm.s32 $0x1A191817  }
0xc7: {  	v0 =	vsel vm9, $0x84, v0;
	v1 =	vsel vm10, $0x185, v1;
	v2 =	vsel vm12, $0xA01, v2  }
0xc8: {  	v32 =	vsel vm13, $0x1A82, v32;
	v39 =	vsel vm11, $0x1E83, v39;
	v33 =	vsel vm9, $0x1C04, v33  }
0xc9: {  	v41 =	vsel vm9, $0x1804, v41;
	v54 =	vunpack.c.0.s8.s32 v54;
	v0 =	vsel vm10, $0x105, v0  }
0xca: {  	v1 =	vsel vm8, $0x206, v1;
	v2 =	vsel vm13, $0xA82, v2;
	v32 =	vsel vm11, $0x1B03, v32  }
0xcb: {  	v33 =	vsel vm10, $0x1C85, v33;
	v39 =	vsel vm9, $0x1F04, v39;
	v41 =	vsel vm10, $0x1885, v41  }
0xcc: {  	v0 =	vsel vm8, $0x186, v0;
	v1 =	vsel vm6, $0x287, v1;
	v2 =	vsel vm11, $0xB03, v2  }
0xcd: {  	v32 =	vsel vm9, $0x1B84, v32;
	v39 =	vsel vm10, $0x1F85, v39;
	v0 =	vsel vm6, $0x207, v0  }
0xce: {  	v1 =	vsel vm7, $0x308, v1;
	v2 =	vsel vm9, $0xB84, v2;
	v32 =	vsel vm10, $0x1C05, v32  }
0xcf: {  	v0 =	vsel vm7, $0x288, v0;
	v1 =	vsel vm5, $0x389, v1;
	v2 =	vsel vm10, $0xC05, v2  }
0xd0: {  	v0 =	vsel vm5, $0x309, v0;
	v1 =	vsel vm4, $0x40A, v1;
	v2 =	vsel vm8, $0xC86, v2  }
0xd1: {  	v0 =	vsel vm4, $0x38A, v0;
	v1 =	vsel vm3, $0x48B, v1;
	v2 =	vsel vm6, $0xD07, v2  }
0xd2: {  	v0 =	vsel vm3, $0x40B, v0;
	v35 =	vsel vm1, $0x50C, v1;
	v1 =	vsel vm2, $0x60D, v36  }
0xd3: {  	v36 =	vimm.s32 $0x1B0F;
	v2 =	vsel vm7, $0xD88, v2;
	v0 =	vsel vm1, $0x48C, v0  }
0xd4: {  	v38 =	vsel vm0, $0x68E, v1;
	v1 =	vsel vm14, $0x900, v51;
	v36 =	vsel vm14, $0x1B80, v36  }
0xd5: {  	v51 =	vimm.s32 $0x1E1D1C1B;
	v2 =	vsel vm5, $0xE09, v2;
	v0 =	vsel vm2, $0x50D, v0  }
0xd6: {  	[tilespmem:$0x1F900] =	vst v38;
	v38 =	vimm.s32 $0x1C0F;
	v1 =	vsel vm12, $0x981, v1;
	v36 =	vsel vm12, $0x1C01, v36  }
0xd7: {  	v2 =	vsel vm4, $0xE8A, v2;
	v0 =	vsel vm0, $0x58E, v0;
	v38 =	vsel vm14, $0x1C80, v38  }
0xd8: {  	v1 =	vsel vm13, $0xA02, v1;
	v36 =	vsel vm13, $0x1C82, v36;
	v2 =	vsel vm3, $0xF0B, v2  }
0xd9: {  	[tilespmem:$0x1F8E0] =	vst v0;
	v0 =	vsel vm2, $0x58D, v35;
	v35 =	vimm.s32 $0x1A8F;
	v38 =	vsel vm12, $0x1D01, v38  }
0xda: {  	v1 =	vsel vm11, $0xA83, v1;
	v36 =	vsel vm11, $0x1D03, v36;
	v0 =	vsel vm0, $0x60E, v0  }
0xdb: {  	v35 =	vsel vm14, $0x1B00, v35;
	v38 =	vsel vm13, $0x1D82, v38;
	v1 =	vsel vm9, $0xB04, v1  }
0xdc: {  	v36 =	vsel vm9, $0x1D84, v36;
	[tilespmem:$0x1F8F0] =	vst v0;
	v0 =	vsel vm12, $0x901, v49;
	v35 =	vsel vm12, $0x1B81, v35  }
0xdd: {  	v49 =	vunpack.c.0.s8.s32 v51;
	v38 =	vsel vm11, $0x1E03, v38;
	v51 =	vimm.s32 $0x1211101F  }
0xde: {  	v1 =	vsel vm10, $0xB85, v1;
	v36 =	vsel vm10, $0x1E05, v36;
	v0 =	vsel vm13, $0x982, v0  }
0xdf: {  	v35 =	vsel vm13, $0x1C02, v35;
	v45 =	vunpack.c.0.s8.s32 v51;
	v38 =	vsel vm9, $0x1E84, v38  }
0xe0: {  	v1 =	vsel vm8, $0xC06, v1;
	v51 =	vsel vm8, $0xD06, v3;
	v3 =	vsel vm8, $0xE86, v6  }
0xe1: {  	v6 =	vsel vm8, $0x806, v9;
	v9 =	vsel vm8, $0x986, v12;
	v12 =	vsel vm8, $0x1386, v15  }
0xe2: {  	v15 =	vsel vm8, $0x1506, v18;
	v18 =	vsel vm8, $0x1686, v21;
	v21 =	vsel vm8, $0x1006, v24  }
0xe3: {  	v24 =	vsel vm8, $0x1186, v27;
	v27 =	vsel vm8, $0x1B86, v30;
	v30 =	vsel vm8, $0x1D06, v33  }
0xe4: {  	v33 =	vsel vm8, $0x1E86, v36;
	v36 =	vsel vm8, $0x1806, v39;
	v0 =	vsel vm11, $0xA03, v0  }
0xe5: {  	v35 =	vsel vm11, $0x1C83, v35;
	v38 =	vsel vm10, $0x1F05, v38;
	v1 =	vsel vm6, $0xC87, v1  }
0xe6: {  	[tilespmem:$0x1F910] =	vst v49;
	v49 =	vsel vm1, $0xF8C, v2;
	v2 =	vsel vm8, $0xE06, v5;
	v5 =	vsel vm8, $0xF86, v8  }
0xe7: {  	v8 =	vsel vm8, $0x906, v11;
	v11 =	vsel vm8, $0xA86, v14;
	v14 =	vsel vm8, $0x1486, v17  }
0xe8: {  	v17 =	vsel vm8, $0x1606, v20;
	v20 =	vsel vm8, $0x1786, v23;
	v23 =	vsel vm8, $0x1106, v26  }
0xe9: {  	v26 =	vsel vm8, $0x1286, v29;
	v29 =	vsel vm8, $0x1C86, v32;
	v3 =	vsel vm6, $0xF07, v3  }
0xea: {  	v6 =	vsel vm6, $0x887, v6;
	v9 =	vsel vm6, $0xA07, v9;
	v12 =	vsel vm6, $0x1407, v12  }
0xeb: {  	v15 =	vsel vm6, $0x1587, v15;
	v18 =	vsel vm6, $0x1707, v18;
	v21 =	vsel vm6, $0x1087, v21  }
0xec: {  	v24 =	vsel vm6, $0x1207, v24;
	v27 =	vsel vm6, $0x1C07, v27;
	v30 =	vsel vm6, $0x1D87, v30  }
0xed: {  	v33 =	vsel vm6, $0x1F07, v33;
	v36 =	vsel vm6, $0x1887, v36;
	v0 =	vsel vm9, $0xA84, v0  }
0xee: {  	[tilespmem:$0x1F920] =	vst v45;
	v35 =	vsel vm9, $0x1D04, v35;
	v45 =	vimm.s32 $0x16151413;
	v1 =	vsel vm7, $0xD08, v1  }
0xef: {  	v2 =	vsel vm6, $0xE87, v2;
	v3 =	vsel vm7, $0xF88, v3;
	v5 =	vsel vm6, $0x807, v5  }
0xf0: {  	v6 =	vsel vm7, $0x908, v6;
	v8 =	vsel vm6, $0x987, v8;
	v9 =	vsel vm7, $0xA88, v9  }
0xf1: {  	v11 =	vsel vm6, $0xB07, v11;
	v12 =	vsel vm7, $0x1488, v12;
	v14 =	vsel vm6, $0x1507, v14  }
0xf2: {  	v15 =	vsel vm7, $0x1608, v15;
	v17 =	vsel vm6, $0x1687, v17;
	v18 =	vsel vm7, $0x1788, v18  }
0xf3: {  	v20 =	vsel vm6, $0x1007, v20;
	v21 =	vsel vm7, $0x1108, v21;
	v23 =	vsel vm6, $0x1187, v23  }
0xf4: {  	v24 =	vsel vm7, $0x1288, v24;
	v26 =	vsel vm6, $0x1307, v26;
	v27 =	vsel vm7, $0x1C88, v27  }
0xf5: {  	v29 =	vsel vm6, $0x1D07, v29;
	v30 =	vsel vm7, $0x1E08, v30;
	v33 =	vsel vm7, $0x1F88, v33  }
0xf6: {  	v36 =	vsel vm7, $0x1908, v36;
	v0 =	vsel vm10, $0xB05, v0;
	v35 =	vsel vm10, $0x1D85, v35  }
0xf7: {  	v45 =	vunpack.c.0.s8.s32 v45;
	v1 =	vsel vm5, $0xD89, v1;
	v2 =	vsel vm7, $0xF08, v2  }
0xf8: {  	v5 =	vsel vm7, $0x888, v5;
	v8 =	vsel vm7, $0xA08, v8;
	v11 =	vsel vm7, $0xB88, v11  }
0xf9: {  	v14 =	vsel vm7, $0x1588, v14;
	v17 =	vsel vm7, $0x1708, v17;
	v20 =	vsel vm7, $0x1088, v20  }
0xfa: {  	v23 =	vsel vm7, $0x1208, v23;
	v26 =	vsel vm7, $0x1388, v26;
	v29 =	vsel vm7, $0x1D88, v29  }
0xfb: {  	v3 =	vsel vm5, $0x809, v3;
	v6 =	vsel vm5, $0x989, v6;
	v9 =	vsel vm5, $0xB09, v9  }
0xfc: {  	v12 =	vsel vm5, $0x1509, v12;
	v15 =	vsel vm5, $0x1689, v15;
	v18 =	vsel vm5, $0x1009, v18  }
0xfd: {  	v21 =	vsel vm5, $0x1189, v21;
	v24 =	vsel vm5, $0x1309, v24;
	v27 =	vsel vm5, $0x1D09, v27  }
0xfe: {  	v30 =	vsel vm5, $0x1E89, v30;
	v33 =	vsel vm5, $0x1809, v33;
	v36 =	vsel vm5, $0x1989, v36  }
0xff: {  	v0 =	vsel vm8, $0xB86, v0;
	v1 =	vsel vm4, $0xE0A, v1;
	v32 =	vsel vm8, $0x1E06, v35  }
0x100: {  	v35 =	vsel vm8, $0x1F86, v38;
	v38 =	vsel vm8, $0x1906, v41;
	v2 =	vsel vm5, $0xF89, v2  }
0x101: {  	v5 =	vsel vm5, $0x909, v5;
	v8 =	vsel vm5, $0xA89, v8;
	v11 =	vsel vm5, $0xC09, v11  }
0x102: {  	v14 =	vsel vm5, $0x1609, v14;
	v17 =	vsel vm5, $0x1789, v17;
	v20 =	vsel vm5, $0x1109, v20  }
0x103: {  	v23 =	vsel vm5, $0x1289, v23;
	v26 =	vsel vm5, $0x1409, v26;
	v29 =	vsel vm5, $0x1E09, v29  }
0x104: {  	v0 =	vsel vm6, $0xC07, v0;
	v1 =	vsel vm3, $0xE8B, v1;
	v32 =	vsel vm6, $0x1E87, v32  }
0x105: {  	v35 =	vsel vm6, $0x1807, v35;
	v38 =	vsel vm6, $0x1987, v38;
	v2 =	vsel vm4, $0x80A, v2  }
0x106: {  	[tilespmem:$0x1F930] =	vst v45;
	v0 =	vsel vm7, $0xC88, v0;
	v45 =	vsel vm1, $0xF0C, v1;
	v1 =	vsel vm2, $0x80D, v49  }
0x107: {  	v49 =	vsel vm8, $0x1A06, v43;
	v32 =	vsel vm7, $0x1F08, v32;
	v35 =	vsel vm7, $0x1888, v35  }
0x108: {  	v38 =	vsel vm7, $0x1A08, v38;
	v43 =	vmovc v50;
	v2 =	vsel vm3, $0x88B, v2;
	v50 =	vsel vm4, $0x88A, v3  }
0x109: {  	[tilespmem:$0x1F940] =	vst v54;
	v0 =	vsel vm5, $0xD09, v0;
	v54 =	vsel vm0, $0x88E, v1;
	v1 =	vsel vm8, $0xD86, v4  }
0x10a: {  	v4 =	vsel vm8, $0xF06, v7;
	v7 =	vsel vm8, $0x886, v10;
	v10 =	vsel vm8, $0xA06, v13  }
0x10b: {  	v13 =	vsel vm8, $0x1406, v16;
	v16 =	vsel vm8, $0x1586, v19;
	v19 =	vsel vm8, $0x1706, v22  }
0x10c: {  	v22 =	vsel vm8, $0x1086, v25;
	v25 =	vsel vm8, $0x1206, v28;
	v28 =	vsel vm8, $0x1C06, v31  }
0x10d: {  	v31 =	vsel vm8, $0x1D86, v34;
	v34 =	vsel vm8, $0x1F06, v37;
	v37 =	vsel vm8, $0x1886, v40  }
0x10e: {  	v40 =	vsel vm6, $0x1A87, v49;
	v49 =	vimm.s32 $0x17161514;
	v32 =	vsel vm5, $0x1F89, v32  }
0x10f: {  	v35 =	vsel vm5, $0x1909, v35;
	v38 =	vsel vm5, $0x1A89, v38;
	v0 =	vsel vm4, $0xD8A, v0  }
0x110: {  	[tilespmem:$0x1F970] =	vst v54;
	v54 =	vimm.s32 $0x1F1E1D1C;
	v1 =	vsel vm6, $0xE07, v1;
	v4 =	vsel vm6, $0xF87, v4  }
0x111: {  	v7 =	vsel vm6, $0x907, v7;
	v10 =	vsel vm6, $0xA87, v10;
	v13 =	vsel vm6, $0x1487, v13  }
0x112: {  	v16 =	vsel vm6, $0x1607, v16;
	v19 =	vsel vm6, $0x1787, v19;
	v22 =	vsel vm6, $0x1107, v22  }
0x113: {  	v25 =	vsel vm6, $0x1287, v25;
	v28 =	vsel vm6, $0x1C87, v28;
	v31 =	vsel vm6, $0x1E07, v31  }
0x114: {  	v34 =	vsel vm6, $0x1F87, v34;
	v37 =	vsel vm6, $0x1907, v37;
	v40 =	vsel vm7, $0x1B08, v40  }
0x115: {  	v0 =	vsel vm3, $0xE0B, v0;
	v1 =	vsel vm7, $0xE88, v1;
	v4 =	vsel vm7, $0x808, v4  }
0x116: {  	v7 =	vsel vm7, $0x988, v7;
	v10 =	vsel vm7, $0xB08, v10;
	v13 =	vsel vm7, $0x1508, v13  }
0x117: {  	v16 =	vsel vm7, $0x1688, v16;
	v19 =	vsel vm7, $0x1008, v19;
	v22 =	vsel vm7, $0x1188, v22  }
0x118: {  	v25 =	vsel vm7, $0x1308, v25;
	v28 =	vsel vm7, $0x1D08, v28;
	v31 =	vsel vm7, $0x1E88, v31  }
0x119: {  	v34 =	vsel vm7, $0x1808, v34;
	v37 =	vsel vm7, $0x1988, v37;
	v40 =	vsel vm5, $0x1B89, v40  }
0x11a: {  	v0 =	vsel vm1, $0xE8C, v0;
	v1 =	vsel vm5, $0xF09, v1;
	v4 =	vsel vm5, $0x889, v4  }
0x11b: {  	v7 =	vsel vm5, $0xA09, v7;
	v10 =	vsel vm5, $0xB89, v10;
	v13 =	vsel vm5, $0x1589, v13  }
0x11c: {  	v16 =	vsel vm5, $0x1709, v16;
	v19 =	vsel vm5, $0x1089, v19;
	v22 =	vsel vm5, $0x1209, v22  }
0x11d: {  	v25 =	vsel vm5, $0x1389, v25;
	v28 =	vsel vm5, $0x1D89, v28;
	v31 =	vsel vm5, $0x1F09, v31  }
0x11e: {  	v34 =	vsel vm5, $0x1889, v34;
	v0 =	vsel vm2, $0xF0D, v0;
	v1 =	vsel vm4, $0xF8A, v1  }
0x11f: {  	v37 =	vsel vm5, $0x1A09, v37;
	v0 =	vsel vm0, $0xF8E, v0;
	v1 =	vsel vm3, $0x80B, v1  }
0x120: {  	[tilespmem:$0x1F950] =	vst v0;
	v0 =	vsel vm2, $0xF8D, v45;
	v45 =	vsel vm8, $0x1986, v42;
	v42 =	vunpack.c.0.s8.s32 v54  }
0x121: {  	v54 =	vimm.s32 $0x1B1A1918;
	v1 =	vsel vm1, $0x88C, v1;
	v0 =	vsel vm0, $0x80E, v0  }
0x122: {  	v39 =	vsel vm6, $0x1A07, v45;
	v45 =	vimm.s32 $0x13121110;
	[tilespmem:$0x1F960] =	vst v0;
	v0 =	vsel vm6, $0xD87, v51  }
0x123: {  	v51 =	vsel vm8, $0x1A86, v44;
	[tilespmem:$0x1F980] =	vst v42;
	v39 =	vsel vm7, $0x1A88, v39;
	v42 =	vunpack.c.0.s8.s32 v45  }
0x124: {  	v45 =	vsel vm1, $0x90C, v2;
	v0 =	vsel vm7, $0xE08, v0;
	v41 =	vsel vm6, $0x1B07, v51  }
0x125: {  	v51 =	vunpack.c.0.s8.s32 v49;
	v39 =	vsel vm5, $0x1B09, v39;
	v49 =	vsel vm2, $0x98D, v45  }
0x126: {  	v0 =	vsel vm5, $0xE89, v0;
	v41 =	vsel vm7, $0x1B88, v41;
	[tilespmem:$0x1F990] =	vst v42;
	v42 =	vunpack.c.0.s8.s32 v54  }
0x127: {  	v54 =	vsel vm4, $0x90A, v4;
	v4 =	vsel vm4, $0x170A, v15;
	v0 =	vsel vm4, $0xF0A, v0  }
0x128: {  	v15 =	vsel vm4, $0x148A, v26;
	v26 =	vsel vm4, $0x1A8A, v37;
	v0 =	vsel vm3, $0xF8B, v0  }
0x129: {  	[tilespmem:$0x1F9B0] =	vst v42;
	v42 =	vsel vm2, $0x90D, v1;
	v1 =	vsel vm3, $0x98B, v54;
	v0 =	vsel vm1, $0x80C, v0  }
0x12a: {  	v41 =	vsel vm5, $0x1C09, v41;
	v1 =	vsel vm1, $0xA0C, v1;
	v0 =	vsel vm2, $0x88D, v0  }
0x12b: {  	[tilespmem:$0x1F9A0] =	vst v51;
	v51 =	vsel vm3, $0x90B, v50;
	v45 =	vsel vm2, $0xA8D, v1;
	v44 =	vsel vm0, $0x90E, v0  }
0x12c: {  	v0 =	vsel vm0, $0x98E, v42;
	v42 =	vsel vm4, $0x98A, v5;
	v5 =	vsel vm4, $0x178A, v16  }
0x12d: {  	v16 =	vsel vm4, $0x1D8A, v27;
	[tilespmem:$0x1F9C0] =	vst v0;
	v0 =	vsel vm0, $0xA0E, v49;
	v2 =	vsel vm3, $0xA0B, v42  }
0x12e: {  	v27 =	vsel vm4, $0x1B0A, v38;
	[tilespmem:$0x1F9D0] =	vst v0;
	v0 =	vsel vm1, $0x98C, v51;
	v49 =	vsel vm1, $0xA8C, v2  }
0x12f: {  	v51 =	vsel vm4, $0xA0A, v6;
	v6 =	vsel vm4, $0x100A, v17;
	v17 =	vsel vm4, $0x1E0A, v28  }
0x130: {  	v28 =	vsel vm4, $0x1B8A, v39;
	v39 =	vsel vm3, $0x178B, v4;
	v4 =	vsel vm3, $0x100B, v5  }
0x131: {  	v0 =	vsel vm2, $0xA0D, v0;
	v50 =	vsel vm2, $0xB0D, v49;
	v54 =	vsel vm3, $0xA8B, v51  }
0x132: {  	v49 =	vsel vm4, $0xB0A, v8;
	v8 =	vsel vm4, $0x110A, v19;
	v19 =	vsel vm4, $0x1F0A, v30  }
0x133: {  	v30 =	vsel vm4, $0x1C8A, v41;
	v5 =	vsel vm3, $0x108B, v6;
	v3 =	vsel vm1, $0x100C, v39  }
0x134: {  	v4 =	vsel vm1, $0x108C, v4;
	v42 =	vsel vm0, $0xA8E, v0;
	v0 =	vsel vm0, $0xB0E, v45  }
0x135: {  	v45 =	vsel vm4, $0xA8A, v7;
	v2 =	vsel vm3, $0xB8B, v49;
	v7 =	vsel vm4, $0x108A, v18  }
0x136: {  	v18 =	vsel vm4, $0x1E8A, v29;
	v29 =	vsel vm4, $0x1C0A, v40;
	v3 =	vsel vm2, $0x108D, v3  }
0x137: {  	v4 =	vsel vm2, $0x110D, v4;
	v5 =	vsel vm1, $0x110C, v5;
	[tilespmem:$0x1F9E0] =	vst v0;
	v0 =	vsel vm0, $0xB8E, v50  }
0x138: {  	v1 =	vsel vm3, $0xB0B, v45;
	v51 =	vsel vm1, $0xC0C, v2;
	v45 =	vsel vm4, $0xB8A, v9  }
0x139: {  	v9 =	vsel vm4, $0x118A, v20;
	v20 =	vsel vm4, $0x1F8A, v31;
	v31 =	vimm.s32 $0x2C2B2A29  }
0x13a: {  	v6 =	vsel vm3, $0x110B, v7;
	v7 =	vsel vm3, $0x118B, v8;
	v5 =	vsel vm2, $0x118D, v5  }
0x13b: {  	[tilespmem:$0x1F9F0] =	vst v0;
	v0 =	vsel vm1, $0xB0C, v54;
	v1 =	vsel vm1, $0xB8C, v1;
	v54 =	vsel vm2, $0xC8D, v51  }
0x13c: {  	v49 =	vsel vm3, $0xC0B, v45;
	v51 =	vsel vm4, $0xC8A, v11;
	v11 =	vsel vm4, $0x128A, v22  }
0x13d: {  	v22 =	vsel vm4, $0x188A, v33;
	v8 =	vsel vm3, $0x120B, v9;
	v6 =	vsel vm1, $0x118C, v6  }
0x13e: {  	v7 =	vsel vm1, $0x120C, v7;
	v0 =	vsel vm2, $0xB8D, v0;
	v50 =	vsel vm2, $0xC0D, v1  }
0x13f: {  	v2 =	vsel vm3, $0xD0B, v51;
	v51 =	vsel vm4, $0x160A, v13;
	v13 =	vsel vm4, $0x138A, v24  }
0x140: {  	v24 =	vsel vm4, $0x198A, v35;
	v6 =	vsel vm2, $0x120D, v6;
	v7 =	vsel vm2, $0x128D, v7  }
0x141: {  	v8 =	vsel vm1, $0x128C, v8;
	v0 =	vsel vm0, $0xC0E, v0;
	v45 =	vsel vm1, $0xD8C, v2  }
0x142: {  	v8 =	vsel vm2, $0x130D, v8;
	[tilespmem:$0x1FA00] =	vst v0;
	v0 =	vsel vm0, $0xC8E, v50;
	v50 =	vsel vm4, $0xC0A, v10  }
0x143: {  	v10 =	vsel vm4, $0x120A, v21;
	v21 =	vsel vm4, $0x180A, v32;
	[tilespmem:$0x1FA10] =	vst v0;
	v0 =	vsel vm0, $0xD0E, v54  }
0x144: {  	v1 =	vsel vm3, $0xC8B, v50;
	v50 =	vsel vm4, $0x158A, v12;
	v12 =	vsel vm4, $0x130A, v23  }
0x145: {  	v23 =	vsel vm4, $0x190A, v34;
	v34 =	vunpack.c.0.s8.s32 v31;
	v9 =	vsel vm3, $0x128B, v10  }
0x146: {  	v10 =	vsel vm3, $0x130B, v11;
	v31 =	vimm.s32 $0x28272625;
	[tilespmem:$0x1FA20] =	vst v0;
	v0 =	vsel vm1, $0xC8C, v49  }
0x147: {  	v1 =	vsel vm1, $0xD0C, v1;
	v49 =	vsel vm2, $0xE0D, v45;
	v35 =	vsel vm3, $0x160B, v50  }
0x148: {  	v11 =	vsel vm3, $0x138B, v12;
	v12 =	vsel vm3, $0x140B, v13;
	v9 =	vsel vm1, $0x130C, v9  }
0x149: {  	v10 =	vsel vm1, $0x138C, v10;
	v0 =	vsel vm2, $0xD0D, v0;
	v54 =	vsel vm2, $0xD8D, v1  }
0x14a: {  	v38 =	vsel vm0, $0xE8E, v49;
	v9 =	vsel vm2, $0x138D, v9;
	v10 =	vsel vm2, $0x140D, v10  }
0x14b: {  	v11 =	vsel vm1, $0x140C, v11;
	v12 =	vsel vm1, $0x148C, v12;
	v0 =	vsel vm0, $0xD8E, v0  }
0x14c: {  	v11 =	vsel vm2, $0x148D, v11;
	v12 =	vsel vm2, $0x150D, v12;
	v32 =	vsel vm0, $0x148E, v10  }
0x14d: {  	[tilespmem:$0x1FA30] =	vst v0;
	v0 =	vsel vm0, $0xE0E, v54;
	v54 =	vsel vm4, $0x168A, v14;
	v14 =	vsel vm4, $0x140A, v25  }
0x14e: {  	v25 =	vsel vm4, $0x1A0A, v36;
	v36 =	vsel vm3, $0x168B, v51;
	v33 =	vsel vm0, $0x150E, v11  }
0x14f: {  	[tilespmem:$0x1FA50] =	vst v34;
	v34 =	vsel vm0, $0x158E, v12;
	v37 =	vsel vm3, $0x170B, v54;
	v13 =	vsel vm3, $0x148B, v14  }
0x150: {  	v14 =	vsel vm3, $0x150B, v15;
	v15 =	vsel vm3, $0x1E0B, v16;
	v16 =	vsel vm3, $0x1E8B, v17  }
0x151: {  	v17 =	vsel vm3, $0x1F0B, v18;
	v18 =	vsel vm3, $0x1F8B, v19;
	v19 =	vsel vm3, $0x180B, v20  }
0x152: {  	v20 =	vsel vm3, $0x188B, v21;
	v21 =	vsel vm3, $0x190B, v22;
	v22 =	vsel vm3, $0x198B, v23  }
0x153: {  	v23 =	vsel vm3, $0x1A0B, v24;
	v24 =	vsel vm3, $0x1A8B, v25;
	v25 =	vsel vm3, $0x1B0B, v26  }
0x154: {  	v26 =	vsel vm3, $0x1B8B, v27;
	v27 =	vsel vm3, $0x1C0B, v28;
	v28 =	vsel vm3, $0x1C8B, v29  }
0x155: {  	[tilespmem:$0x1FA40] =	vst v0;
	v29 =	vsel vm3, $0x1D0B, v30;
	v30 =	vimm.s32 $0x202F2E2D;
	v0 =	vsel vm1, $0x168C, v35  }
0x156: {  	v1 =	vsel vm1, $0x170C, v36;
	v30 =	vunpack.c.0.s8.s32 v30;
	v0 =	vsel vm2, $0x170D, v0  }
0x157: {  	v1 =	vsel vm2, $0x178D, v1;
	v2 =	vsel vm1, $0x178C, v37;
	v13 =	vsel vm1, $0x150C, v13  }
0x158: {  	v14 =	vsel vm1, $0x158C, v14;
	v15 =	vsel vm1, $0x1E8C, v15;
	v16 =	vsel vm1, $0x1F0C, v16  }
0x159: {  	v21 =	vsel vm1, $0x198C, v21;
	v26 =	vsel vm1, $0x1C0C, v26;
	v29 =	vsel vm1, $0x1D8C, v29  }
0x15a: {  	v2 =	vsel vm2, $0x100D, v2;
	v21 =	vsel vm2, $0x1A0D, v21;
	v26 =	vsel vm2, $0x1C8D, v26  }
0x15b: {  	v36 =	vsel vm2, $0x1E0D, v29;
	v39 =	vsel vm0, $0x178E, v0;
	v40 =	vsel vm0, $0x108E, v2  }
0x15c: {  	v41 =	vsel vm0, $0x1A8E, v21;
	v37 =	vsel vm0, $0x1D0E, v26;
	[tilespmem:$0x1FA90] =	vst v40;
	v40 =	vimm.s32 $0x2D2C2B2A  }
0x15d: {  	[tilespmem:$0x1FB10] =	vst v37;
	v37 =	vsel vm0, $0x1E8E, v36;
	v36 =	vimm.s32 $0x25242322;
	v0 =	vunpack.c.0.s8.s32 v40  }
0x15e: {  	v17 =	vsel vm1, $0x1F8C, v17;
	[tilespmem:$0x1FAF0] =	vst v41;
	v41 =	vimm.s32 $0x21202F2E;
	v40 =	vunpack.c.0.s8.s32 v36  }
0x15f: {  	v18 =	vsel vm1, $0x180C, v18;
	v19 =	vsel vm1, $0x188C, v19;
	[tilespmem:$0x1FB20] =	vst v0;
	v0 =	vunpack.c.0.s8.s32 v41  }
0x160: {  	v20 =	vsel vm1, $0x190C, v20;
	v22 =	vsel vm1, $0x1A0C, v22;
	[tilespmem:$0x1FB40] =	vst v40;
	v41 =	vimm.s32 $0x29282726  }
0x161: {  	v23 =	vsel vm1, $0x1A8C, v23;
	v40 =	vimm.s32 $0x2221202F;
	[tilespmem:$0x1FB30] =	vst v0;
	v0 =	vunpack.c.0.s8.s32 v41  }
0x162: {  	v24 =	vsel vm1, $0x1B0C, v24;
	[tilespmem:$0x1FA60] =	vst v30;
	v36 =	vimm.s32 $0x2E2D2C2B;
	v41 =	vunpack.c.0.s8.s32 v40  }
0x163: {  	v25 =	vsel vm1, $0x1B8C, v25;
	v27 =	vsel vm1, $0x1C8C, v27;
	[tilespmem:$0x1FB50] =	vst v0;
	v0 =	vunpack.c.0.s8.s32 v36  }
0x164: {  	v28 =	vsel vm1, $0x1D0C, v28;
	v22 =	vsel vm2, $0x1A8D, v22;
	[tilespmem:$0x1FB70] =	vst v41;
	v36 =	vimm.s32 $0x26252423  }
0x165: {  	v12 =	vmovc v47;
	v47 =	vsel vm0, $0x1B0E, v22;
	v41 =	vimm.s32 $0x2F2E2D2C;
	[tilespmem:$0x1FB60] =	vst v0;
	v0 =	vunpack.c.0.s8.s32 v36  }
0x166: {  	v13 =	vsel vm2, $0x158D, v13;
	[tilespmem:$0x1FB00] =	vst v47;
	v40 =	vimm.s32 $0x2A292827;
	v36 =	vunpack.c.0.s8.s32 v41  }
0x167: {  	v14 =	vsel vm2, $0x160D, v14;
	v30 =	vimm.s32 $0x24232221;
	[tilespmem:$0x1FB80] =	vst v0;
	v0 =	vunpack.c.0.s8.s32 v40  }
0x168: {  	v15 =	vsel vm2, $0x1F0D, v15;
	v30 =	vunpack.c.0.s8.s32 v30;
	[tilespmem:$0x1FBA0] =	vst v36;
	v40 =	vimm.s32 $0x23222120  }
0x169: {  	v16 =	vsel vm2, $0x1F8D, v16;
	v36 =	vimm.s32 $0x2B2A2928;
	[tilespmem:$0x1FB90] =	vst v0;
	v0 =	vunpack.c.0.s8.s32 v40  }
0x16a: {  	v17 =	vsel vm2, $0x180D, v17;
	[tilespmem:$0x1FA70] =	vst v30;
	v41 =	vimm.s32 $0x27262524;
	v40 =	vunpack.c.0.s8.s32 v36  }
0x16b: {  	v18 =	vsel vm2, $0x188D, v18;
	v19 =	vsel vm2, $0x190D, v19;
	[tilespmem:$0x1FBB0] =	vst v0;
	v0 =	vunpack.c.0.s8.s32 v41  }
0x16c: {  	v20 =	vsel vm2, $0x198D, v20;
	v30 =	vunpack.c.0.s8.s32 v31;
	[tilespmem:$0x1FBD0] =	vst v40;
	v41 =	vimm.s32 $0x3C3B3A39  }
0x16d: {  	v23 =	vsel vm2, $0x1B0D, v23;
	v40 =	vimm.s32 $0x34333231;
	[tilespmem:$0x1FBC0] =	vst v0;
	v0 =	vunpack.c.0.s8.s32 v41  }
0x16e: {  	s3 =	rddreg [dreg:$0x0];
	v10 =	vld [tilespmem:$0x1FAB0];
	v24 =	vsel vm2, $0x1B8D, v24;
	[tilespmem:$0x1FA80] =	vst v30;
	v36 =	vimm.s32 $0x303F3E3D;
	v41 =	vunpack.c.0.s8.s32 v40  }
0x16f: {  	s5 =	rddreg [dreg:$0x1];
	v51 =	vld [tilespmem:$0x1FAA0];
	v25 =	vsel vm2, $0x1C0D, v25;
	v27 =	vsel vm2, $0x1D0D, v27;
	[tilespmem:$0x1FBE0] =	vst v0;
	v0 =	vunpack.c.0.s8.s32 v36  }
0x170: {  	s10 =	rddreg [dreg:$0x2];
	s2 =	simm.s32 $0x0;
	v11 =	vld [tilespmem:$0x1FAC0];
	v28 =	vsel vm2, $0x1D8D, v28;
	v45 =	vsel vm0, $0x100E, v1;
	v2 =	vsel vm0, $0x110E, v3;
	[tilespmem:$0x1FC00] =	vst v41  }
0x171: {  	[smem:$0x7FF] =	sst s2;
	v3 =	vsel vm0, $0x118E, v4;
	v4 =	vsel vm0, $0x120E, v5;
	v31 =	vsel vm0, $0x140E, v9;
	v9 =	vld [tilespmem:$0x1FAD0];
	[tilespmem:$0x1FBF0] =	vst v0  }
0x172: {  	s1 =	rddreg [dreg:$0x3];
	v62 =	vunpack.c.0.s8.s32 v62;
	v5 =	vsel vm0, $0x128E, v6;
	v30 =	vsel vm0, $0x138E, v8;
	v8 =	vld [tilespmem:$0x1FAE0];
	_ =	strace $0x80000047;
	[tilespmem:$0x1FCE0] =	vst v55  }
0x173: {  	v6 =	vsel vm0, $0x130E, v7;
	v13 =	vsel vm0, $0x160E, v13;
	v14 =	vsel vm0, $0x168E, v14;
	[tilespmem:$0x1FCF0] =	vst v59  }
0x174: {  	v50 =	vsel vm0, $0x1F8E, v15;
	v54 =	vsel vm0, $0x180E, v16;
	v35 =	vsel vm0, $0x188E, v17;
	[tilespmem:$0x1FD00] =	vst v52  }
0x175: {  	v18 =	vsel vm0, $0x190E, v18;
	v19 =	vsel vm0, $0x198E, v19;
	v49 =	vsel vm0, $0x1A0E, v20;
	[tilespmem:$0x1FD10] =	vst v56  }
0x176: {  	v21 =	vsel vm0, $0x1B8E, v23;
	v29 =	vsel vm0, $0x1C8E, v25;
	v25 =	vsel vm0, $0x1E0E, v28;
	[tilespmem:$0x1FD20] =	vst v60  }
0x177: {  	v47 =	vsel vm0, $0x1C0E, v24;
	v24 =	vsel vm0, $0x1D8E, v27;
	vm0 =	vcmask $0x1F10;
	[tilespmem:$0x1FD40] =	vst v58  }
0x178: {  	v15 =	vsel vm0, v59, v55;
	[tilespmem:$0x1FD50] =	vst v62  }
0x179: {  	v27 =	vsel vm0, v56, v52;
	[tilespmem:$0x1FD60] =	vst v15  }
0x17a: {  	v20 =	vsel vm0, v62, v58;
	[tilespmem:$0x1FD70] =	vst v27  }
0x17b: {  	[tilespmem:$0x1FDA0] =	vst v20  }
0x17c: {  	[tilespmem:$0x1FDB0] =	vst v2  }
0x17d: {  	[tilespmem:$0x1FDC0] =	vst v3  }
0x17e: {  	[tilespmem:$0x1FDD0] =	vst v4  }
0x17f: {  	[tilespmem:$0x1FDE0] =	vst v5  }
0x180: {  	[tilespmem:$0x1FDF0] =	vst v6  }
0x181: {  	[tilespmem:$0x1FE00] =	vst v30  }
0x182: {  	[tilespmem:$0x1FE10] =	vst v31  }
0x183: {  	[tilespmem:$0x1FE20] =	vst v32  }
0x184: {  	[tilespmem:$0x1FE30] =	vst v33  }
0x185: {  	[tilespmem:$0x1FE40] =	vst v34  }
0x186: {  	[tilespmem:$0x1FE50] =	vst v53  }
0x187: {  	[tilespmem:$0x1FE90] =	vst v38  }
0x188: {  	[tilespmem:$0x1FEA0] =	vst v39  }
0x189: {  	[tilespmem:$0x1FEB0] =	vst v45  }
0x18a: {  	[tilespmem:$0x1FEC0] =	vst v13  }
0x18b: {  	[tilespmem:$0x1FED0] =	vst v14  }
0x18c: {  	[tilespmem:$0x1FEF0] =	vst v37  }
0x18d: {  	[tilespmem:$0x1FF00] =	vst v18  }
0x18e: {  	[tilespmem:$0x1FF20] =	vst v35  }
0x18f: {  	[tilespmem:$0x1FF30] =	vst v47  }
0x190: {  	[tilespmem:$0x1FF40] =	vst v25  }
0x191: {  	[tilespmem:$0x1FF50] =	vst v21  }
0x192: {  	[tilespmem:$0x1FF60] =	vst v24  }
0x193: {  	[tilespmem:$0x1FF70] =	vst v46  }
0x194: {  	[tilespmem:$0x1FF80] =	vst v12  }
0x195: {  	[tilespmem:$0x1FF90] =	vst v48  }
0x196: {  	[tilespmem:$0x1FFA0] =	vst v29  }
0x197: {  	[tilespmem:$0x1FFB0] =	vst v57  }
0x198: {  	[tilespmem:$0x1FFC0] =	vst v49  }
0x199: {  	v36 =	vimm.s32 $0x38373635;
	[tilespmem:$0x1FFD0] =	vst v43  }
0x19a: {  	v41 =	vimm.s32 $0x31303F3E;
	v0 =	vunpack.c.0.s8.s32 v36;
	[tilespmem:$0x1FFE0] =	vst v19  }
0x19b: {  	v40 =	vimm.s32 $0x3D3C3B3A;
	v36 =	vunpack.c.0.s8.s32 v41;
	[tilespmem:$0x1FFF0] =	vst v61  }
0x19c: {  	[tilespmem:$0x1FC10] =	vst v0;
	v0 =	vunpack.c.0.s8.s32 v40  }
0x19d: {  	v27 =	vcombine.low v27, v15;
	[tilespmem:$0x1FC30] =	vst v36;
	v40 =	vimm.s32 $0x35343332;
	v16 =	vld [tilespmem:$0x1FD30]  }
0x19e: {  	v36 =	vimm.s32 $0x3E3D3C3B;
	[tilespmem:$0x1FC20] =	vst v0;
	v0 =	vunpack.c.0.s8.s32 v40  }
0x19f: {  	v41 =	vimm.s32 $0x39383736;
	[tilespmem:$0x1FE60] =	vst v27;
	v40 =	vunpack.c.0.s8.s32 v36  }
0x1a0: {  	[tilespmem:$0x1FC40] =	vst v0;
	v0 =	vunpack.c.0.s8.s32 v41  }
0x1a1: {  	[tilespmem:$0x1FC60] =	vst v40;
	v41 =	vimm.s32 $0x3231303F  }
0x1a2: {  	s4 =	srdreg.scid;
	s11 =	stileid.u32;
	v40 =	vimm.s32 $0x3A393837;
	v28 =	vsel vm0, v16, v60;
	[tilespmem:$0x1FC50] =	vst v0;
	v0 =	vunpack.c.0.s8.s32 v41  }
0x1a3: {  	s14 =	simm.s32 $0x13880;
	s16 =	simm.s32 $0x5;
	s17 =	simm.s32 $0x80;
	v36 =	vimm.s32 $0x36353433;
	v41 =	vunpack.c.0.s8.s32 v40;
	[tilespmem:$0x1FD90] =	vst v28  }
0x1a4: {  	s18 =	simm.s32 $0x13980;
	s19 =	simm.s32 $0x1;
	s20 =	simm.s32 $0x1B980;
	[tilespmem:$0x1FC70] =	vst v0;
	v0 =	vunpack.c.0.s8.s32 v36  }
0x1a5: {  	s21 =	simm.s32 $0x400;
	s22 =	simm.s32 $0x271000;
	s23 =	simm.s32 $0x2;
	v28 =	vcombine.low v20, v28;
	[tilespmem:$0x1FC90] =	vst v41;
	v36 =	vimm.s32 $0x3F3E3D3C  }
0x1a6: {  	s24 =	simm.s32 $0x17980;
	s4 =	sand.u32 $0x1, s4;
	s7 =	sshll.u32 s11, $0x1;
	v41 =	vimm.s32 $0x37363534;
	[tilespmem:$0x1FC80] =	vst v0;
	v0 =	vunpack.c.0.s8.s32 v36  }
0x1a7: {  	s25 =	simm.s32 $0x0;
	s6 =	ssub.s32 $0x2, s4;
	s7 =	sor.u32 s4, s7;
	[tilespmem:$0x1FE70] =	vst v28;
	v36 =	vunpack.c.0.s8.s32 v41  }
0x1a8: {  	s3 =	sadd.s32 $0xC00, s3;
	s8 =	sshrl.u32 s6, $0x1;
	s4 =	ssub.s32 $0x9E3, s7;
	v41 =	vlaneseq.u32;
	[tilespmem:$0x1FCA0] =	vst v0  }
0x1a9: {  	s31 =	sshll.u32 s7, $0x4;
	s13 =	sshll.u32 s7, $0x7;
	s12 =	ssub.s32 s6, s8;
	v40 =	vimm.s32 $0x33323130;
	v23 =	vmul.u32 $0x80, v41;
	[tilespmem:$0x1FCC0] =	vst v36;
	v36 =	vor.u32 $0x10, v41  }
.Ltmp0:
0x1aa: {  	s4 =	sshrl.u32 s4, $0x5;
	s5 =	sadd.s32 s5, s31;
	v0 =	vunpack.c.0.s8.s32 v40;
	[tilespmem:$0x1FE80] =	vst v36;
	(pc) =	sbr.rel .LBB2_1-.Ltmp0, $4  }
0x1ab: {  	s10 =	sadd.s32 s10, s13;
	s6 =	sadd.s32 $0x200, s5;
	s9 =	sand.u32 $0x1, s4;
	v7 =	vmul.u32 $0x81, v41;
	v40 =	vimm.s32 $0x3B3A3938;
	[tilespmem:$0x1FEE0] =	vst v23  }
0x1ac: {  	s7 =	sadd.s32 $0xFFFFFFFF, s4;
	p0 =	seq.s32 s9, $0x1;
	s9 =	simm.s32 $0x3;
	[tilespmem:$0x1FCB0] =	vst v0;
	v0 =	vunpack.c.0.s8.s32 v40  }
0x1ad: {  	s8 =	sadd.s32 $0xFFFFFFFE, s4;
	s9 =	simm.s32 @!p0 $0x4;
	p0 =	sne.s32 s11, $0x0;
	[tilespmem:$0x1FF10] =	vst v7  }
0x1ae: {  	s11 =	smax.u32 s12, $0x1;
	s12 =	simm.s32 $0x3;
	s13 =	sshrl.u32 @!p0 s1, $0x3;
	v40 =	vld [tilespmem:$0x1FD80];
	[tilespmem:$0x1FCD0] =	vst v0  }
.LBB2_11:
0x1af: {  	s25 =	sadd.s32 $0x1, s25  }
0x1b0: {  	p1 =	sne.s32 s25, s11  }
.Ltmp1:
0x1b1: {  	_ = 	snop;
	(pc) =	sbr.rel @!p1 .LBB2_12-.Ltmp1, $4  }
0x1b2: {  	_ = 	snop  }
0x1b3: {  	_ =	swait.ge [sflag:s9], $0x2000  }
0x1b4: {  	[sflag:s9] =	ssyncset.done $0x0  }
0x1b5: {  	[sflag:s9] =	ssyncadd.s32 $0xFFFFE000  }
.LBB2_1:
0x1b6: {  	s26 =	simm.s32 @!p0 $0x1C07  }
0x1b7: {  	[spmem:s13], [sflag:s26] =	dma.local @!p0 [hbm:s3], $0x27100  }
0x1b8: {  	s26 =	simm.s32 @!p0 $0x7  }
0x1b9: {  	_ =	swait.ge @!p0 [sflag:s26], $0x27100  }
0x1ba: {  	[sflag:s26] =	ssyncset.done @!p0 $0x0  }
0x1bb: {  	[sflag:s26] =	ssyncadd.s32 @!p0 $0xFFFD8F00  }
0x1bc: {  	[bflag:$0x0] =	sbarrier.arrive $0xFFFF  }
0x1bd: {  	[tilespmem:s14], [sflag:$0x5] =	stream.linear.gather [hbm4b:s5+s2], $0x80, $0x38;
	[tilespmem:$0x1D980] =	vst v63  }
0x1be: {  	s0 =	simm.s32 $0x13900  }
0x1bf: {  	[tilespmem:s0], [sflag:$0x6] =	stream.linear.gather [hbm4b:s6+s2], $0x80, $0x38;
	[tilespmem:$0x1D980] =	vst v63  }
.Ltmp2:
0x1c0: {  	_ = 	snop;
	(pc) =	sbr.rel .LBB2_2-.Ltmp2, $4  }
0x1c1: {  	_ =	swait.ge [sflag:s16], $0x80  }
0x1c2: {  	[sflag:s16] =	ssyncset.done $0x0  }
0x1c3: {  	s26 =	simm.s32 $0x0;
	[sflag:s16] =	ssyncadd.s32 $0xFFFFFF80  }
0x1c4: {  	[tilespmem:s18], [sflag:$0x1] =	stream.indirect.gather [spmem:s1], $0x80, s14, s17, $0xb8;
	[tilespmem:$0x1D980] =	vst v63  }
.LBB2_10:
0x1c5: {  	s26 =	sadd.s32 $0x1, s26  }
0x1c6: {  	p1 =	sne.s32 s26, $0x28  }
.Ltmp3:
0x1c7: {  	_ = 	snop;
	(pc) =	sbr.rel @!p1 .LBB2_11-.Ltmp3, $1  }
0x1c8: {  	_ =	sdelay $0x3  }
.LBB2_2:
0x1c9: {  	s28 =	sshll.u32 s26, $0x1  }
0x1ca: {  	p1 =	sge.u32 s28, s4  }
.Ltmp4:
0x1cb: {  	_ = 	snop;
	(pc) =	sbr.rel @p1 .LBB2_6-.Ltmp4, $1  }
0x1cc: {  	_ =	sdelay $0x3  }
0x1cd: {  	p1 =	seq.s32 s26, $0x0  }
0x1ce: {  	s29 =	simm.s32 @!p1 $0x4  }
0x1cf: {  	_ =	swait.ge @!p1 [sflag:s29], $0x2000  }
0x1d0: {  	[sflag:s29] =	ssyncset.done @!p1 $0x0  }
0x1d1: {  	[sflag:s29] =	ssyncadd.s32 @!p1 $0xFFFFE000;
	s29 =	sadd.s32 $0x2, s28  }
0x1d2: {  	s31 =	simm.s32 $0x0;
	_ =	swait.ge [sflag:s19], $0x4000;
	p1 =	sge.u32 s29, s4  }
0x1d3: {  	[sflag:s19] =	ssyncset.done $0x0;
	s29 =	sshll.u32 @!p1 s29, $0x9;
	s30 =	simm.s32 @!p1 $0x0  }
0x1d4: {  	v0 =	vmov s31;
	s0 =	simm.s32 @!p1 $0x13880;
	[sflag:s19] =	ssyncadd.s32 $0xFFFFC000;
	s29 =	sadd.s32 @!p1 s29, s5  }
0x1d5: {  	v0 =	vshll.u32 v0, $0x7;
	[tilespmem:s0], [sflag:$0x5] =	stream.linear.gather @!p1 [hbm4b:s29+s30], $0x80, $0x38;
	[tilespmem:$0x1D980] =	vst v63  }
0x1d6: {  	v2 =	vlaneseq.u32;
	v0 =	vor.u32 v23, v0;
	p1 =	sge.u32 s28, s7  }
0x1d7: {  	v1 =	vor.u32 v2, v0;
	s0 =	simm.s32 @!p1 $0x6  }
0x1d8: {  	_ =	swait.ge @!p1 [sflag:s0], $0x80  }
0x1d9: {  	v2 =	vor.u32 v51, v0;
	s29 =	simm.s32 @!p1 $0x13900;
	[sflag:s0] =	ssyncset.done @!p1 $0x0  }
0x1da: {  	v3 =	vor.u32 v8, v0;
	s30 =	simm.s32 @!p1 $0x17980;
	[sflag:s0] =	ssyncadd.s32 @!p1 $0xFFFFFF80;
	s0 =	simm.s32 @!p1 $0x80  }
0x1db: {  	v4 =	vor.u32 v9, v0;
	[tilespmem:s30], [sflag:$0x2] =	stream.indirect.gather @!p1 [spmem:s1], $0x80, s29, s0, $0xb8;
	[tilespmem:$0x1D980] =	vst v63  }
0x1dc: {  	v5 =	vor.u32 s31, v7;
	v1 =	vld.idx.msk [tilespmem:v1+s18+$0x0], $0xffff;
	_ =	sdelay $0x1  }
0x1dd: {  	v6 =	vor.u32 s31, v10;
	v2 =	vld.idx.msk [tilespmem:v2+s18+$0x0], $0xffff  }
0x1de: {  	v16 =	vor.u32 s31, v11;
	v3 =	vld.idx.msk [tilespmem:v3+s18+$0x0], $0xffff  }
0x1df: {  	v55 =	vmov v48;
	v17 =	vor.u32 s31, v12;
	v4 =	vld.idx.msk [tilespmem:v4+s18+$0x0], $0xffff  }
0x1e0: {  	v18 =	vor.u32 v53, v0;
	[tilespmem:v5+s20+$0x0] =	vst.idx.msk $0xffff, v1;
	v1 =	vor.u32 v48, v0;
	v48 =	vmov v42;
	v42 =	vld [tilespmem:$0x1F810]  }
0x1e1: {  	v52 =	vld [tilespmem:$0x1F820]  }
0x1e2: {  	v60 =	vmov v44;
	v44 =	vld [tilespmem:$0x1F830];
	[tilespmem:v6+s20+$0x0] =	vst.idx.msk $0xffff, v2;
	v2 =	vor.u32 v40, v0  }
0x1e3: {  	[tilespmem:v16+s20+$0x0] =	vst.idx.msk $0xffff, v3  }
0x1e4: {  	[tilespmem:v17+s20+$0x0] =	vst.idx.msk $0xffff, v4  }
0x1e5: {  	v5 =	vor.u32 s31, v57;
	v4 =	vld.idx.msk [tilespmem:v18+s18+$0x0], $0xffff;
	v3 =	vor.u32 v42, v0  }
0x1e6: {  	v6 =	vor.u32 s31, v52;
	v1 =	vld.idx.msk [tilespmem:v1+s18+$0x0], $0xffff  }
0x1e7: {  	v16 =	vor.u32 s31, v44;
	v2 =	vld.idx.msk [tilespmem:v2+s18+$0x0], $0xffff  }
0x1e8: {  	v51 =	vmov v13;
	v13 =	vld [tilespmem:$0x1F910]  }
0x1e9: {  	v15 =	vld [tilespmem:$0x1F920]  }
0x1ea: {  	v3 =	vld.idx.msk [tilespmem:v3+s18+$0x0], $0xffff;
	[tilespmem:v5+s20+$0x0] =	vst.idx.msk $0xffff, v4  }
0x1eb: {  	v20 =	vld [tilespmem:$0x1F930];
	[tilespmem:v6+s20+$0x0] =	vst.idx.msk $0xffff, v1  }
0x1ec: {  	v17 =	vor.u32 s31, v43;
	[tilespmem:v16+s20+$0x0] =	vst.idx.msk $0xffff, v2;
	v2 =	vld [tilespmem:$0x1F840]  }
0x1ed: {  	v18 =	vor.u32 v61, v0;
	v5 =	vld [tilespmem:$0x1F850]  }
0x1ee: {  	v62 =	vmov v54;
	v54 =	vmov v14;
	v14 =	vld [tilespmem:$0x1F940];
	v4 =	vor.u32 v63, v0  }
0x1ef: {  	v6 =	vld [tilespmem:$0x1F860]  }
0x1f0: {  	v1 =	vor.u32 v46, v0;
	v16 =	vld [tilespmem:$0x1F870]  }
0x1f1: {  	[tilespmem:v17+s20+$0x0] =	vst.idx.msk $0xffff, v3;
	v17 =	vld [tilespmem:$0x1F880];
	v2 =	vor.u32 v2, v0  }
0x1f2: {  	v5 =	vor.u32 s31, v5;
	v3 =	vld.idx.msk [tilespmem:v18+s18+$0x0], $0xffff  }
0x1f3: {  	v4 =	vld.idx.msk [tilespmem:v4+s18+$0x0], $0xffff  }
0x1f4: {  	v6 =	vor.u32 s31, v6;
	v18 =	vld [tilespmem:$0x1F890]  }
0x1f5: {  	v1 =	vld.idx.msk [tilespmem:v1+s18+$0x0], $0xffff;
	v16 =	vor.u32 s31, v16  }
0x1f6: {  	v2 =	vld.idx.msk [tilespmem:v2+s18+$0x0], $0xffff  }
0x1f7: {  	[tilespmem:v5+s20+$0x0] =	vst.idx.msk $0xffff, v3;
	v3 =	vld [tilespmem:$0x1F8A0]  }
0x1f8: {  	v35 =	vld [tilespmem:$0x1F990];
	v17 =	vor.u32 s31, v17  }
0x1f9: {  	v18 =	vor.u32 v18, v0;
	[tilespmem:v6+s20+$0x0] =	vst.idx.msk $0xffff, v4;
	v4 =	vld [tilespmem:$0x1F8B0]  }
0x1fa: {  	[tilespmem:v16+s20+$0x0] =	vst.idx.msk $0xffff, v1;
	v16 =	vld [tilespmem:$0x1F8C0]  }
0x1fb: {  	v5 =	vld [tilespmem:$0x1F8D0]  }
0x1fc: {  	v6 =	vld [tilespmem:$0x1F8E0];
	v3 =	vor.u32 v3, v0  }
0x1fd: {  	[tilespmem:v17+s20+$0x0] =	vst.idx.msk $0xffff, v2;
	v17 =	vld [tilespmem:$0x1F8F0]  }
0x1fe: {  	v4 =	vor.u32 v4, v0;
	v2 =	vld.idx.msk [tilespmem:v18+s18+$0x0], $0xffff  }
0x1ff: {  	v18 =	vld [tilespmem:$0x1F900];
	v1 =	vor.u32 v16, v0  }
0x200: {  	v41 =	vld [tilespmem:$0x1F9A0];
	v5 =	vor.u32 s31, v5  }
0x201: {  	v6 =	vor.u32 s31, v6;
	v3 =	vld.idx.msk [tilespmem:v3+s18+$0x0], $0xffff  }
0x202: {  	v37 =	vld [tilespmem:$0x1F9B0]  }
0x203: {  	v17 =	vor.u32 s31, v17;
	v4 =	vld.idx.msk [tilespmem:v4+s18+$0x0], $0xffff  }
0x204: {  	v22 =	vsel vm0, v15, v13;
	v26 =	vsel vm0, v14, v20;
	v18 =	vor.u32 s31, v18;
	v1 =	vld.idx.msk [tilespmem:v1+s18+$0x0], $0xffff  }
0x205: {  	v56 =	vld [tilespmem:$0x1F970];
	[tilespmem:v5+s20+$0x0] =	vst.idx.msk $0xffff, v2;
	v5 =	vcombine.low v26, v22  }
0x206: {  	[tilespmem:v6+s20+$0x0] =	vst.idx.msk $0xffff, v3;
	v6 =	vsel vm0, v13, v14;
	v13 =	vld [tilespmem:$0x1FCE0]  }
0x207: {  	[tilespmem:$0x1F5F0] =	vst v5;
	v14 =	vld [tilespmem:$0x1FD10]  }
0x208: {  	[tilespmem:v17+s20+$0x0] =	vst.idx.msk $0xffff, v4;
	v4 =	vor.u32 v5, v0;
	v5 =	vld [tilespmem:$0x1FD50]  }
0x209: {  	v2 =	vor.u32 v27, v0;
	v17 =	vor.u32 $0x800, v7;
	[tilespmem:v18+s20+$0x0] =	vst.idx.msk $0xffff, v1;
	v1 =	vld [tilespmem:$0x1FD20]  }
0x20a: {  	v3 =	vor.u32 v28, v0;
	[tilespmem:$0x1F600] =	vst v17;
	v21 =	vor.u32 s31, v17;
	v17 =	vld [tilespmem:$0x1F950]  }
0x20b: {  	v19 =	vor.u32 v36, v0;
	v18 =	vld [tilespmem:$0x1F960]  }
0x20c: {  	v27 =	vsel vm0, v13, v14;
	v13 =	vld [tilespmem:$0x1FCF0]  }
0x20d: {  	v14 =	vld [tilespmem:$0x1FD00]  }
0x20e: {  	v2 =	vld.idx.msk [tilespmem:v2+s18+$0x0], $0xffff  }
0x20f: {  	v3 =	vld.idx.msk [tilespmem:v3+s18+$0x0], $0xffff  }
0x210: {  	v1 =	vsel vm0, v1, v5;
	v5 =	vld.idx.msk [tilespmem:v19+s18+$0x0], $0xffff  }
0x211: {  	v19 =	vld [tilespmem:$0x1F980]  }
0x212: {  	v23 =	vor.u32 s31, v17;
	v30 =	vsel vm0, v14, v13;
	v13 =	vld [tilespmem:$0x1FD30]  }
0x213: {  	v24 =	vor.u32 s31, v18;
	v14 =	vld [tilespmem:$0x1FD40];
	_ =	sdelay $0x2  }
0x214: {  	v29 =	vsel vm0, v37, v41;
	v4 =	vld.idx.msk [tilespmem:v4+s18+$0x0], $0xffff;
	v28 =	vsel vm0, v35, v19;
	[tilespmem:v21+s20+$0x0] =	vst.idx.msk $0xffff, v5  }
0x215: {  	v32 =	vcombine.low v29, v28;
	[tilespmem:v23+s20+$0x0] =	vst.idx.msk $0xffff, v2  }
0x216: {  	v25 =	vor.u32 s31, v56;
	[tilespmem:v24+s20+$0x0] =	vst.idx.msk $0xffff, v3;
	v31 =	vsel vm0, v14, v13;
	v13 =	vcombine.low v27, v30  }
0x217: {  	v33 =	vsel vm0, v20, v15;
	[tilespmem:$0x1F610] =	vst v32;
	v14 =	vcombine.low v1, v31  }
0x218: {  	v32 =	vor.u32 v32, v0;
	[tilespmem:$0x1F620] =	vst v13;
	v5 =	vor.u32 v13, v0;
	v13 =	vcombine.low v6, v33  }
0x219: {  	[tilespmem:$0x1F630] =	vst v14;
	v2 =	vor.u32 v14, v0;
	v14 =	vld [tilespmem:$0x1FD70]  }
0x21a: {  	[tilespmem:$0x1F640] =	vst v13;
	v3 =	vor.u32 v13, v0;
	v13 =	vld [tilespmem:$0x1FD60]  }
0x21b: {  	[tilespmem:v25+s20+$0x0] =	vst.idx.msk $0xffff, v4;
	v25 =	vld [tilespmem:$0x1F9C0]  }
0x21c: {  	v21 =	vld [tilespmem:$0x1F9D0]  }
0x21d: {  	v4 =	vld.idx.msk [tilespmem:v32+s18+$0x0], $0xffff  }
0x21e: {  	v5 =	vld.idx.msk [tilespmem:v5+s18+$0x0], $0xffff  }
0x21f: {  	v46 =	vor.u32 s31, v60;
	v24 =	vsel vm0, v19, v37;
	v19 =	vcombine.low v13, v14;
	v13 =	vld [tilespmem:$0x1FD90]  }
0x220: {  	v34 =	vor.u32 s31, v25;
	v14 =	vld [tilespmem:$0x1FDA0]  }
0x221: {  	v47 =	vor.u32 s31, v21;
	v2 =	vld.idx.msk [tilespmem:v2+s18+$0x0], $0xffff;
	_ =	sdelay $0x2  }
0x222: {  	v3 =	vld.idx.msk [tilespmem:v3+s18+$0x0], $0xffff;
	[tilespmem:v46+s20+$0x0] =	vst.idx.msk $0xffff, v4  }
0x223: {  	[tilespmem:v34+s20+$0x0] =	vst.idx.msk $0xffff, v5;
	v14 =	vcombine.low v13, v14;
	v13 =	vcombine.low v22, v26  }
0x224: {  	[tilespmem:v47+s20+$0x0] =	vst.idx.msk $0xffff, v2  }
0x225: {  	v23 =	vsel vm0, v41, v35;
	[tilespmem:$0x1F680] =	vst v13;
	v2 =	vor.u32 v13, v0;
	v13 =	vld [tilespmem:$0x1F9E0]  }
0x226: {  	v20 =	vld [tilespmem:$0x1FB20];
	v15 =	vcombine.low v24, v23  }
0x227: {  	v49 =	vor.u32 s31, v48;
	v23 =	vld [tilespmem:$0x1FB50]  }
0x228: {  	[tilespmem:$0x1F650] =	vst v15;
	v58 =	vor.u32 v15, v0;
	v15 =	vld [tilespmem:$0x1FA10]  }
0x229: {  	v46 =	vld [tilespmem:$0x1FB30];
	v4 =	vor.u32 v19, v0  }
0x22a: {  	[tilespmem:$0x1F660] =	vst v19;
	v5 =	vor.u32 v14, v0;
	v36 =	vor.u32 s31, v13;
	v13 =	vld [tilespmem:$0x1F9F0]  }
0x22b: {  	[tilespmem:$0x1F670] =	vst v14;
	v14 =	vld [tilespmem:$0x1FA00]  }
0x22c: {  	v19 =	vld [tilespmem:$0x1FA80];
	[tilespmem:v49+s20+$0x0] =	vst.idx.msk $0xffff, v3  }
0x22d: {  	v3 =	vld.idx.msk [tilespmem:v58+s18+$0x0], $0xffff  }
0x22e: {  	v4 =	vld.idx.msk [tilespmem:v4+s18+$0x0], $0xffff  }
0x22f: {  	v59 =	vlaneseq.u32;
	v5 =	vld.idx.msk [tilespmem:v5+s18+$0x0], $0xffff;
	v37 =	vor.u32 s31, v13;
	v13 =	vcombine.low v28, v29  }
0x230: {  	v53 =	vmovc v40;
	v24 =	vor.u32 $0x20, v59;
	v40 =	vor.u32 s31, v14;
	v14 =	vcombine.low v30, v27;
	v2 =	vld.idx.msk [tilespmem:v2+s18+$0x0], $0xffff  }
0x231: {  	v30 =	vor.u32 s31, v15;
	v15 =	vcombine.low v31, v1;
	[tilespmem:$0x1F690] =	vst v13;
	v1 =	vor.u32 v13, v0;
	v13 =	vld [tilespmem:$0x1FA30]  }
0x232: {  	[tilespmem:$0x1F6D0] =	vst v24;
	v26 =	vld [tilespmem:$0x1FB80]  }
0x233: {  	v22 =	vld [tilespmem:$0x1FB40];
	[tilespmem:v36+s20+$0x0] =	vst.idx.msk $0xffff, v3  }
0x234: {  	v49 =	vor.u32 v24, v0;
	v24 =	vld [tilespmem:$0x1FB60];
	[tilespmem:v37+s20+$0x0] =	vst.idx.msk $0xffff, v4  }
0x235: {  	v29 =	vld [tilespmem:$0x1FB90];
	[tilespmem:v40+s20+$0x0] =	vst.idx.msk $0xffff, v5  }
0x236: {  	[tilespmem:v30+s20+$0x0] =	vst.idx.msk $0xffff, v2;
	v30 =	vor.u32 s31, v13;
	v13 =	vld [tilespmem:$0x1FA40]  }
0x237: {  	v2 =	vld [tilespmem:$0x1FA20]  }
0x238: {  	[tilespmem:$0x1F6A0] =	vst v14;
	v3 =	vor.u32 v14, v0;
	v14 =	vld [tilespmem:$0x1FA60]  }
0x239: {  	v6 =	vcombine.low v33, v6;
	v28 =	vmovc v60;
	v60 =	vmov v25;
	v25 =	vld [tilespmem:$0x1FB70];
	v4 =	vor.u32 v15, v0  }
0x23a: {  	[tilespmem:$0x1F6B0] =	vst v15;
	v15 =	vld [tilespmem:$0x1FA70]  }
0x23b: {  	v5 =	vor.u32 v6, v0;
	v41 =	vor.u32 s31, v13;
	v13 =	vld [tilespmem:$0x1FA50]  }
0x23c: {  	v1 =	vld.idx.msk [tilespmem:v1+s18+$0x0], $0xffff;
	v2 =	vor.u32 s31, v2  }
0x23d: {  	v3 =	vld.idx.msk [tilespmem:v3+s18+$0x0], $0xffff  }
0x23e: {  	v4 =	vld.idx.msk [tilespmem:v4+s18+$0x0], $0xffff  }
0x23f: {  	[tilespmem:$0x1F6C0] =	vst v6;
	v47 =	vor.u32 s31, v38;
	v32 =	vsel vm0, v23, v22  }
0x240: {  	v31 =	vsel vm0, v46, v20;
	v35 =	vsel vm0, v19, v15;
	v5 =	vld.idx.msk [tilespmem:v5+s18+$0x0], $0xffff;
	v34 =	vsel vm0, v14, v13  }
0x241: {  	v27 =	vcombine.low v32, v31;
	[tilespmem:v2+s20+$0x0] =	vst.idx.msk $0xffff, v1;
	v21 =	vcombine.low v35, v34  }
0x242: {  	v38 =	vsel vm0, v25, v24;
	v36 =	vsel vm0, v13, v19;
	v13 =	vld [tilespmem:$0x1FBA0];
	[tilespmem:v30+s20+$0x0] =	vst.idx.msk $0xffff, v3  }
0x243: {  	v6 =	vsel vm0, v29, v26;
	v19 =	vld [tilespmem:$0x1FBB0];
	[tilespmem:v41+s20+$0x0] =	vst.idx.msk $0xffff, v4;
	v1 =	vor.u32 v21, v0  }
0x244: {  	v4 =	vsel vm0, v20, v23;
	v20 =	vld [tilespmem:$0x1FBC0];
	[tilespmem:$0x1F6E0] =	vst v21;
	v21 =	vcombine.low v6, v38  }
0x245: {  	v2 =	vor.u32 v27, v0;
	v23 =	vld [tilespmem:$0x1FBD0];
	[tilespmem:v47+s20+$0x0] =	vst.idx.msk $0xffff, v5  }
0x246: {  	v30 =	vsel vm0, v24, v29;
	v24 =	vld [tilespmem:$0x1FA90];
	[tilespmem:$0x1F700] =	vst v21;
	v3 =	vor.u32 v21, v0;
	v21 =	vor.u32 $0x1000, v7  }
0x247: {  	v5 =	vld.idx.msk [tilespmem:v49+s18+$0x0], $0xffff;
	v33 =	vor.u32 s31, v21  }
0x248: {  	v58 =	vor.u32 s31, v39;
	v46 =	vsel vm0, v22, v46;
	v1 =	vld.idx.msk [tilespmem:v1+s18+$0x0], $0xffff  }
0x249: {  	v41 =	vor.u32 s31, v45;
	v45 =	vsel vm0, v15, v14;
	v14 =	vcombine.low v4, v46  }
0x24a: {  	[tilespmem:$0x1F6F0] =	vst v27;
	v39 =	vsel vm0, v19, v13;
	v40 =	vsel vm0, v23, v20  }
0x24b: {  	v2 =	vld.idx.msk [tilespmem:v2+s18+$0x0], $0xffff;
	[tilespmem:$0x1F740] =	vst v14;
	v27 =	vcombine.low v40, v39  }
0x24c: {  	v22 =	vcombine.low v36, v45;
	v47 =	vor.u32 s31, v24;
	v3 =	vld.idx.msk [tilespmem:v3+s18+$0x0], $0xffff;
	[tilespmem:v33+s20+$0x0] =	vst.idx.msk $0xffff, v5  }
0x24d: {  	v59 =	vor.u32 v27, v0;
	[tilespmem:v58+s20+$0x0] =	vst.idx.msk $0xffff, v1;
	v1 =	vor.u32 v14, v0;
	v14 =	vld [tilespmem:$0x1FDB0]  }
0x24e: {  	v24 =	vld [tilespmem:$0x1FDC0];
	v5 =	vor.u32 v22, v0  }
0x24f: {  	v15 =	vsel vm0, v26, v25;
	[tilespmem:$0x1F730] =	vst v22;
	v33 =	vsel vm0, v13, v23;
	v13 =	vld [tilespmem:$0x1FDD0]  }
0x250: {  	v22 =	vcombine.low v30, v15;
	[tilespmem:v41+s20+$0x0] =	vst.idx.msk $0xffff, v2  }
0x251: {  	v23 =	vld [tilespmem:$0x1FDE0];
	[tilespmem:v47+s20+$0x0] =	vst.idx.msk $0xffff, v3  }
0x252: {  	[tilespmem:$0x1F750] =	vst v22;
	v2 =	vor.u32 v22, v0;
	v3 =	vld.idx.msk [tilespmem:v59+s18+$0x0], $0xffff;
	v22 =	vor.u32 s31, v14  }
0x253: {  	v58 =	vor.u32 s31, v24;
	v5 =	vld.idx.msk [tilespmem:v5+s18+$0x0], $0xffff  }
0x254: {  	v6 =	vcombine.low v38, v6;
	v14 =	vmov v44;
	v1 =	vld.idx.msk [tilespmem:v1+s18+$0x0], $0xffff;
	v44 =	vor.u32 s31, v13;
	_ =	sdelay $0x1  }
0x255: {  	[tilespmem:$0x1F790] =	vst v6;
	v59 =	vsel vm0, v20, v19  }
0x256: {  	v20 =	vcombine.low v33, v59;
	v2 =	vld.idx.msk [tilespmem:v2+s18+$0x0], $0xffff;
	[tilespmem:v22+s20+$0x0] =	vst.idx.msk $0xffff, v3  }
0x257: {  	v25 =	vld [tilespmem:$0x1FC30];
	v19 =	vcombine.low v34, v35;
	v49 =	vor.u32 s31, v23;
	v13 =	vcombine.low v31, v32;
	[tilespmem:v58+s20+$0x0] =	vst.idx.msk $0xffff, v5  }
0x258: {  	v31 =	vor.u32 v20, v0;
	[tilespmem:v44+s20+$0x0] =	vst.idx.msk $0xffff, v1;
	v1 =	vor.u32 v6, v0;
	v6 =	vld [tilespmem:$0x1FDF0]  }
0x259: {  	[tilespmem:$0x1F780] =	vst v13;
	v3 =	vor.u32 v19, v0;
	v5 =	vor.u32 v13, v0;
	v13 =	vld [tilespmem:$0x1FE00]  }
0x25a: {  	[tilespmem:$0x1F760] =	vst v20;
	v20 =	vld [tilespmem:$0x1FE10]  }
0x25b: {  	v22 =	vld [tilespmem:$0x1FE20]  }
0x25c: {  	v26 =	vor.u32 s31, v54;
	v54 =	vld [tilespmem:$0x1FC60];
	[tilespmem:v49+s20+$0x0] =	vst.idx.msk $0xffff, v2  }
0x25d: {  	v2 =	vld.idx.msk [tilespmem:v31+s18+$0x0], $0xffff;
	v6 =	vor.u32 s31, v6  }
0x25e: {  	v3 =	vld.idx.msk [tilespmem:v3+s18+$0x0], $0xffff;
	v13 =	vor.u32 s31, v13  }
0x25f: {  	[tilespmem:$0x1F770] =	vst v19;
	v19 =	vcombine.low v39, v40;
	v58 =	vor.u32 s31, v20;
	v5 =	vld.idx.msk [tilespmem:v5+s18+$0x0], $0xffff  }
0x260: {  	v59 =	vor.u32 s31, v22;
	v1 =	vld.idx.msk [tilespmem:v1+s18+$0x0], $0xffff  }
0x261: {  	v24 =	vld [tilespmem:$0x1FC20];
	v22 =	vcombine.low v46, v4;
	v4 =	vor.u32 v19, v0  }
0x262: {  	v41 =	vld [tilespmem:$0x1FC40];
	[tilespmem:v6+s20+$0x0] =	vst.idx.msk $0xffff, v2  }
0x263: {  	v23 =	vld [tilespmem:$0x1FC00];
	[tilespmem:v13+s20+$0x0] =	vst.idx.msk $0xffff, v3  }
0x264: {  	v33 =	vmov v42;
	v42 =	vld [tilespmem:$0x1FC70];
	[tilespmem:v58+s20+$0x0] =	vst.idx.msk $0xffff, v5  }
0x265: {  	v40 =	vld [tilespmem:$0x1FC50];
	[tilespmem:v59+s20+$0x0] =	vst.idx.msk $0xffff, v1  }
0x266: {  	v20 =	vcombine.low v45, v36;
	v1 =	vld.idx.msk [tilespmem:v4+s18+$0x0], $0xffff  }
0x267: {  	v4 =	vld [tilespmem:$0x1FE30]  }
0x268: {  	v2 =	vor.u32 v20, v0;
	v6 =	vld [tilespmem:$0x1FE40]  }
0x269: {  	v49 =	vld [tilespmem:$0x1FC80]  }
0x26a: {  	v15 =	vcombine.low v15, v30;
	[tilespmem:$0x1F7A0] =	vst v19;
	v19 =	vld [tilespmem:$0x1FC90];
	v3 =	vor.u32 v22, v0  }
0x26b: {  	[tilespmem:$0x1F7C0] =	vst v22;
	v22 =	vld [tilespmem:$0x1FBF0]  }
0x26c: {  	[tilespmem:$0x1F7D0] =	vst v15;
	v5 =	vor.u32 v15, v0;
	v15 =	vld [tilespmem:$0x1FC10];
	v4 =	vor.u32 s31, v4  }
0x26d: {  	v2 =	vld.idx.msk [tilespmem:v2+s18+$0x0], $0xffff;
	v30 =	vor.u32 s31, v6  }
0x26e: {  	v37 =	vor.u32 s31, v51;
	v13 =	vlaneseq.u32;
	v6 =	vld [tilespmem:$0x1FBE0]  }
0x26f: {  	v32 =	vsel vm0, v25, v24;
	[tilespmem:$0x1F7B0] =	vst v20;
	v34 =	vsel vm0, v40, v41;
	v20 =	vor.u32 $0x30, v13;
	v3 =	vld.idx.msk [tilespmem:v3+s18+$0x0], $0xffff  }
0x270: {  	[tilespmem:$0x1F7E0] =	vst v20;
	v35 =	vor.u32 v20, v0;
	v20 =	vcombine.low v34, v32  }
0x271: {  	v29 =	vsel vm0, v19, v49;
	v58 =	vsel vm0, v42, v54;
	v5 =	vld.idx.msk [tilespmem:v5+s18+$0x0], $0xffff;
	[tilespmem:v4+s20+$0x0] =	vst.idx.msk $0xffff, v1  }
0x272: {  	v45 =	vsel vm0, v15, v23;
	[tilespmem:v30+s20+$0x0] =	vst.idx.msk $0xffff, v2;
	v2 =	vor.u32 v20, v0  }
0x273: {  	v47 =	vsel vm0, v22, v6;
	v8 =	vsel vm0, v6, v15;
	v15 =	vld [tilespmem:$0x1FCA0];
	v4 =	vcombine.low v29, v58  }
0x274: {  	v13 =	vcombine.low v45, v47;
	[tilespmem:v37+s20+$0x0] =	vst.idx.msk $0xffff, v3;
	v37 =	vsel vm0, v24, v40;
	v24 =	vld [tilespmem:$0x1FCB0]  }
0x275: {  	v44 =	vmov v7;
	[tilespmem:$0x1F800] =	vst v4;
	v3 =	vor.u32 v4, v0;
	v4 =	vor.u32 $0x1800, v7;
	v7 =	vld [tilespmem:$0x1FCD0]  }
0x276: {  	v1 =	vor.u32 v13, v0;
	[tilespmem:v26+s20+$0x0] =	vst.idx.msk $0xffff, v5;
	v26 =	vsel vm0, v49, v42;
	v49 =	vld [tilespmem:$0x1FCC0]  }
0x277: {  	v5 =	vld.idx.msk [tilespmem:v2+s18+$0x0], $0xffff  }
0x278: {  	v2 =	vld [tilespmem:$0x1FF20];
	_ =	sdelay $0x1  }
0x279: {  	v40 =	vor.u32 s31, v4;
	v30 =	vld.idx.msk [tilespmem:v35+s18+$0x0], $0xffff  }
0x27a: {  	v46 =	vor.u32 s31, v50;
	v6 =	vld.idx.msk [tilespmem:v1+s18+$0x0], $0xffff;
	v36 =	vsel vm0, v24, v15;
	v9 =	vsel vm0, v7, v49  }
0x27b: {  	v42 =	vmov v4;
	v4 =	vor.u32 s31, v62;
	v1 =	vcombine.low v9, v36  }
0x27c: {  	[tilespmem:$0x1F720] =	vst v27;
	v3 =	vld.idx.msk [tilespmem:v3+s18+$0x0], $0xffff;
	v27 =	vmov v2;
	v2 =	vor.u32 s31, v2  }
0x27d: {  	v39 =	vmov v1;
	v1 =	vor.u32 v1, v0  }
0x27e: {  	[tilespmem:v40+s20+$0x0] =	vst.idx.msk $0xffff, v30  }
0x27f: {  	[tilespmem:v46+s20+$0x0] =	vst.idx.msk $0xffff, v6  }
0x280: {  	[tilespmem:v4+s20+$0x0] =	vst.idx.msk $0xffff, v5  }
0x281: {  	[tilespmem:v2+s20+$0x0] =	vst.idx.msk $0xffff, v3  }
0x282: {  	[tilespmem:$0x1F710] =	vst v21;
	v21 =	vmov v48;
	v48 =	vld.idx.msk [tilespmem:v1+s18+$0x0], $0xffff  }
0x283: {  	v1 =	vld [tilespmem:$0x1FF00];
	_ =	sdelay $0x4  }
0x284: {  	v51 =	vmov v1;
	v3 =	vor.u32 s31, v1;
	v1 =	vld [tilespmem:$0x1FFE0]  }
0x285: {  	v35 =	vmov v50;
	v50 =	vmov v62;
	v62 =	vsel vm0, v23, v22  }
0x286: {  	v59 =	vmov v20;
	v20 =	vsel vm0, v41, v25;
	v22 =	vcombine.low v8, v62  }
0x287: {  	v25 =	vsel vm0, v54, v19;
	v54 =	vcombine.low v37, v20  }
0x288: {  	v40 =	vcombine.low v25, v26;
	v30 =	vor.u32 v22, v0  }
0x289: {  	v6 =	vor.u32 v54, v0;
	v19 =	vmov v1;
	v5 =	vor.u32 s31, v1;
	v1 =	vld [tilespmem:$0x1FFC0]  }
0x28a: {  	v31 =	vld [tilespmem:$0x1FAF0];
	v4 =	vor.u32 v40, v0;
	_ =	sdelay $0x2  }
0x28b: {  	v38 =	vmov v22;
	v22 =	vld.idx.msk [tilespmem:v30+s18+$0x0], $0xffff;
	v30 =	vsel vm0, v49, v24;
	v49 =	vsel vm0, v15, v7  }
0x28c: {  	v6 =	vld.idx.msk [tilespmem:v6+s18+$0x0], $0xffff;
	v46 =	vcombine.low v49, v30;
	v30 =	vor.u32 s31, v1  }
0x28d: {  	v2 =	vor.u32 s31, v31;
	v4 =	vld.idx.msk [tilespmem:v4+s18+$0x0], $0xffff  }
0x28e: {  	v41 =	vmov v1;
	v1 =	vor.u32 v46, v0  }
0x28f: {  	[tilespmem:v3+s20+$0x0] =	vst.idx.msk $0xffff, v48  }
0x290: {  	[tilespmem:v5+s20+$0x0] =	vst.idx.msk $0xffff, v22  }
0x291: {  	[tilespmem:v30+s20+$0x0] =	vst.idx.msk $0xffff, v6  }
0x292: {  	[tilespmem:v2+s20+$0x0] =	vst.idx.msk $0xffff, v4  }
0x293: {  	v2 =	vld.idx.msk [tilespmem:v1+s18+$0x0], $0xffff  }
0x294: {  	v1 =	vld [tilespmem:$0x1FF50]  }
0x295: {  	v45 =	vcombine.low v47, v45  }
0x296: {  	v47 =	vcombine.low v32, v34;
	v49 =	vld [tilespmem:$0x1FB00]  }
0x297: {  	v3 =	vor.u32 v45, v0  }
0x298: {  	v5 =	vor.u32 v47, v0  }
0x299: {  	v48 =	vcombine.low v58, v29;
	v23 =	vmov v1;
	v4 =	vor.u32 s31, v1;
	v1 =	vld [tilespmem:$0x1FF30];
	_ =	sdelay $0x1  }
0x29a: {  	v6 =	vor.u32 v48, v0;
	v30 =	vor.u32 s31, v49  }
0x29b: {  	v7 =	vld.idx.msk [tilespmem:v3+s18+$0x0], $0xffff  }
0x29c: {  	v34 =	vcombine.low v36, v9;
	v9 =	vld.idx.msk [tilespmem:v5+s18+$0x0], $0xffff  }
0x29d: {  	v22 =	vmov v1;
	v5 =	vor.u32 s31, v1;
	v1 =	vld [tilespmem:$0x1FFA0];
	_ =	sdelay $0x1  }
0x29e: {  	v62 =	vcombine.low v62, v8;
	v6 =	vld.idx.msk [tilespmem:v6+s18+$0x0], $0xffff;
	[tilespmem:v30+s20+$0x0] =	vst.idx.msk $0xffff, v2;
	v30 =	vcombine.low v26, v25  }
0x29f: {  	v20 =	vcombine.low v20, v37  }
0x2a0: {  	v2 =	vor.u32 v62, v0;
	v8 =	vor.u32 v30, v0;
	[tilespmem:v4+s20+$0x0] =	vst.idx.msk $0xffff, v7  }
0x2a1: {  	v4 =	vor.u32 v20, v0;
	v29 =	vmovc v1;
	v3 =	vor.u32 s31, v1;
	v1 =	vor.u32 v34, v0;
	v0 =	vld [tilespmem:$0x1FF60]  }
0x2a2: {  	v32 =	vld [tilespmem:$0x1FB10];
	_ =	sdelay $0x2  }
0x2a3: {  	v36 =	vld [tilespmem:$0x1FAE0];
	[tilespmem:v5+s20+$0x0] =	vst.idx.msk $0xffff, v9  }
0x2a4: {  	[tilespmem:v3+s20+$0x0] =	vst.idx.msk $0xffff, v6;
	v24 =	vmov v0;
	v6 =	vor.u32 s31, v0;
	v0 =	vld [tilespmem:$0x1FF40]  }
0x2a5: {  	v5 =	vor.u32 s31, v32;
	v3 =	vld.idx.msk [tilespmem:v1+s18+$0x0], $0xffff  }
0x2a6: {  	v2 =	vld.idx.msk [tilespmem:v2+s18+$0x0], $0xffff  }
0x2a7: {  	s29 =	simm.s32 $0x10;
	v15 =	vld [tilespmem:$0x1FAD0]  }
0x2a8: {  	v7 =	vld.idx.msk [tilespmem:v4+s18+$0x0], $0xffff;
	v1 =	vmov s29  }
0x2a9: {  	v25 =	vmov v0;
	v4 =	vor.u32 s31, v0;
	v0 =	vshll.u32 v1, $0x7;
	v1 =	vld.idx.msk [tilespmem:v8+s18+$0x0], $0xffff  }
0x2aa: {  	[tilespmem:v5+s20+$0x0] =	vst.idx.msk $0xffff, v3;
	v3 =	vld [tilespmem:$0x1FEE0]  }
0x2ab: {  	[tilespmem:v6+s20+$0x0] =	vst.idx.msk $0xffff, v2;
	v2 =	vld [tilespmem:$0x1FEF0]  }
0x2ac: {  	v58 =	vld [tilespmem:$0x1FAA0];
	_ =	sdelay $0x2  }
0x2ad: {  	[tilespmem:$0x1F7F0] =	vst v13;
	v26 =	vmov v3;
	v0 =	vor.u32 v3, v0;
	v3 =	vlaneseq.u32  }
0x2ae: {  	[tilespmem:v4+s20+$0x0] =	vst.idx.msk $0xffff, v7;
	v5 =	vor.u32 v3, v0;
	v6 =	vor.u32 s31, v2  }
0x2af: {  	s30 =	simm.s32 $0x20;
	v13 =	vld [tilespmem:$0x1FF70];
	v3 =	vor.u32 v58, v0;
	v37 =	vmovc v2;
	v4 =	vor.u32 v36, v0;
	v2 =	vor.u32 v15, v0  }
.LBB2_4:
0x2b0: {  	_ =	sdelay $0x2  }
0x2b1: {  	v9 =	vld [tilespmem:$0x1FE50];
	[tilespmem:v6+s20+$0x0] =	vst.idx.msk $0xffff, v1  }
0x2b2: {  	v1 =	vld.idx.msk [tilespmem:v5+s18+$0x0], $0xffff;
	v5 =	vor.u32 s29, v44  }
0x2b3: {  	v6 =	vor.u32 s29, v10;
	v3 =	vld.idx.msk [tilespmem:v3+s18+$0x0], $0xffff  }
0x2b4: {  	v7 =	vor.u32 s29, v11;
	v4 =	vld.idx.msk [tilespmem:v4+s18+$0x0], $0xffff  }
0x2b5: {  	v8 =	vor.u32 s29, v12;
	v2 =	vld.idx.msk [tilespmem:v2+s18+$0x0], $0xffff  }
0x2b6: {  	v9 =	vor.u32 v9, v0  }
0x2b7: {  	[tilespmem:v5+s20+$0x0] =	vst.idx.msk $0xffff, v1;
	v1 =	vor.u32 v55, v0  }
0x2b8: {  	[tilespmem:v6+s20+$0x0] =	vst.idx.msk $0xffff, v3;
	v3 =	vor.u32 v53, v0  }
0x2b9: {  	[tilespmem:v7+s20+$0x0] =	vst.idx.msk $0xffff, v4  }
0x2ba: {  	[tilespmem:v8+s20+$0x0] =	vst.idx.msk $0xffff, v2  }
0x2bb: {  	v5 =	vor.u32 s29, v57;
	v4 =	vor.u32 v33, v0;
	v2 =	vld.idx.msk [tilespmem:v9+s18+$0x0], $0xffff  }
0x2bc: {  	v6 =	vor.u32 s29, v52;
	v1 =	vld.idx.msk [tilespmem:v1+s18+$0x0], $0xffff  }
0x2bd: {  	v7 =	vor.u32 s29, v14;
	v3 =	vld.idx.msk [tilespmem:v3+s18+$0x0], $0xffff;
	_ =	sdelay $0x2  }
0x2be: {  	v4 =	vld.idx.msk [tilespmem:v4+s18+$0x0], $0xffff;
	[tilespmem:v5+s20+$0x0] =	vst.idx.msk $0xffff, v2  }
0x2bf: {  	[tilespmem:v6+s20+$0x0] =	vst.idx.msk $0xffff, v1  }
0x2c0: {  	v8 =	vor.u32 s29, v43;
	[tilespmem:v7+s20+$0x0] =	vst.idx.msk $0xffff, v3;
	v3 =	vld [tilespmem:$0x1F840]  }
0x2c1: {  	v9 =	vor.u32 v61, v0;
	v5 =	vld [tilespmem:$0x1F850]  }
0x2c2: {  	v2 =	vor.u32 v63, v0;
	v6 =	vld [tilespmem:$0x1F860];
	_ =	sdelay $0x1  }
0x2c3: {  	v1 =	vor.u32 v13, v0;
	v7 =	vld [tilespmem:$0x1F870]  }
0x2c4: {  	[tilespmem:v8+s20+$0x0] =	vst.idx.msk $0xffff, v4;
	v8 =	vld [tilespmem:$0x1F880];
	v3 =	vor.u32 v3, v0  }
0x2c5: {  	v4 =	vld.idx.msk [tilespmem:v9+s18+$0x0], $0xffff;
	v5 =	vor.u32 s29, v5  }
0x2c6: {  	v2 =	vld.idx.msk [tilespmem:v2+s18+$0x0], $0xffff;
	v6 =	vor.u32 s29, v6  }
0x2c7: {  	v9 =	vld [tilespmem:$0x1F890]  }
0x2c8: {  	v1 =	vld.idx.msk [tilespmem:v1+s18+$0x0], $0xffff  }
0x2c9: {  	v3 =	vld.idx.msk [tilespmem:v3+s18+$0x0], $0xffff  }
0x2ca: {  	[tilespmem:v5+s20+$0x0] =	vst.idx.msk $0xffff, v4;
	v4 =	vld [tilespmem:$0x1F8A0]  }
0x2cb: {  	v7 =	vor.u32 s29, v7;
	[tilespmem:v6+s20+$0x0] =	vst.idx.msk $0xffff, v2;
	v2 =	vld [tilespmem:$0x1F8B0]  }
0x2cc: {  	v8 =	vor.u32 s29, v8  }
0x2cd: {  	v9 =	vor.u32 v9, v0;
	v5 =	vld [tilespmem:$0x1F8D0];
	_ =	sdelay $0x1  }
0x2ce: {  	v6 =	vld [tilespmem:$0x1F8E0];
	v4 =	vor.u32 v4, v0  }
0x2cf: {  	[tilespmem:v7+s20+$0x0] =	vst.idx.msk $0xffff, v1;
	v7 =	vld [tilespmem:$0x1F8F0];
	v2 =	vor.u32 v2, v0  }
0x2d0: {  	v1 =	vor.u32 v16, v0;
	[tilespmem:v8+s20+$0x0] =	vst.idx.msk $0xffff, v3;
	v8 =	vld [tilespmem:$0x1F900]  }
0x2d1: {  	v5 =	vor.u32 s29, v5;
	v3 =	vld.idx.msk [tilespmem:v9+s18+$0x0], $0xffff  }
0x2d2: {  	v9 =	vld [tilespmem:$0x1FE80]  }
0x2d3: {  	v6 =	vor.u32 s29, v6;
	v4 =	vld.idx.msk [tilespmem:v4+s18+$0x0], $0xffff  }
0x2d4: {  	v7 =	vor.u32 s29, v7;
	v2 =	vld.idx.msk [tilespmem:v2+s18+$0x0], $0xffff  }
0x2d5: {  	v1 =	vld.idx.msk [tilespmem:v1+s18+$0x0], $0xffff  }
0x2d6: {  	[tilespmem:v5+s20+$0x0] =	vst.idx.msk $0xffff, v3;
	v3 =	vld [tilespmem:$0x1FE60];
	_ =	sdelay $0x1  }
0x2d7: {  	[tilespmem:v6+s20+$0x0] =	vst.idx.msk $0xffff, v4;
	v4 =	vld [tilespmem:$0x1FE70]  }
0x2d8: {  	v8 =	vor.u32 s29, v8;
	[tilespmem:v7+s20+$0x0] =	vst.idx.msk $0xffff, v2;
	v2 =	vld [tilespmem:$0x1F5F0]  }
0x2d9: {  	v9 =	vor.u32 v9, v0;
	v5 =	vld [tilespmem:$0x1F600]  }
0x2da: {  	v3 =	vor.u32 v3, v0;
	_ =	sdelay $0x1  }
0x2db: {  	v4 =	vor.u32 v4, v0  }
0x2dc: {  	[tilespmem:v8+s20+$0x0] =	vst.idx.msk $0xffff, v1;
	v2 =	vor.u32 v2, v0  }
0x2dd: {  	v5 =	vor.u32 s29, v5;
	v1 =	vld.idx.msk [tilespmem:v9+s18+$0x0], $0xffff  }
0x2de: {  	v6 =	vor.u32 s29, v17;
	v3 =	vld.idx.msk [tilespmem:v3+s18+$0x0], $0xffff  }
0x2df: {  	v9 =	vld [tilespmem:$0x1F610]  }
0x2e0: {  	v7 =	vor.u32 s29, v18;
	v4 =	vld.idx.msk [tilespmem:v4+s18+$0x0], $0xffff  }
0x2e1: {  	v2 =	vld.idx.msk [tilespmem:v2+s18+$0x0], $0xffff  }
0x2e2: {  	[tilespmem:v5+s20+$0x0] =	vst.idx.msk $0xffff, v1;
	v1 =	vld [tilespmem:$0x1F620]  }
0x2e3: {  	[tilespmem:v6+s20+$0x0] =	vst.idx.msk $0xffff, v3;
	v3 =	vld [tilespmem:$0x1F630];
	_ =	sdelay $0x1  }
0x2e4: {  	v8 =	vor.u32 s29, v56;
	[tilespmem:v7+s20+$0x0] =	vst.idx.msk $0xffff, v4;
	v4 =	vld [tilespmem:$0x1F640]  }
0x2e5: {  	v9 =	vor.u32 v9, v0  }
0x2e6: {  	v1 =	vor.u32 v1, v0  }
0x2e7: {  	v7 =	vld [tilespmem:$0x1F9D0];
	v3 =	vor.u32 v3, v0;
	_ =	sdelay $0x1  }
0x2e8: {  	[tilespmem:v8+s20+$0x0] =	vst.idx.msk $0xffff, v2;
	v4 =	vor.u32 v4, v0  }
0x2e9: {  	v5 =	vor.u32 s29, v28;
	v2 =	vld.idx.msk [tilespmem:v9+s18+$0x0], $0xffff  }
0x2ea: {  	v6 =	vor.u32 s29, v60;
	v1 =	vld.idx.msk [tilespmem:v1+s18+$0x0], $0xffff  }
0x2eb: {  	v7 =	vor.u32 s29, v7;
	v3 =	vld.idx.msk [tilespmem:v3+s18+$0x0], $0xffff  }
0x2ec: {  	v9 =	vld [tilespmem:$0x1F650]  }
0x2ed: {  	v4 =	vld.idx.msk [tilespmem:v4+s18+$0x0], $0xffff  }
0x2ee: {  	[tilespmem:v5+s20+$0x0] =	vst.idx.msk $0xffff, v2;
	v2 =	vld [tilespmem:$0x1F660]  }
0x2ef: {  	[tilespmem:v6+s20+$0x0] =	vst.idx.msk $0xffff, v1;
	v1 =	vld [tilespmem:$0x1F670]  }
0x2f0: {  	v8 =	vor.u32 s29, v21;
	[tilespmem:v7+s20+$0x0] =	vst.idx.msk $0xffff, v3;
	v3 =	vld [tilespmem:$0x1F680]  }
0x2f1: {  	v9 =	vor.u32 v9, v0;
	v5 =	vld [tilespmem:$0x1F9E0];
	_ =	sdelay $0x1  }
0x2f2: {  	v6 =	vld [tilespmem:$0x1F9F0];
	v2 =	vor.u32 v2, v0  }
0x2f3: {  	v7 =	vld [tilespmem:$0x1FA00];
	v1 =	vor.u32 v1, v0  }
0x2f4: {  	[tilespmem:v8+s20+$0x0] =	vst.idx.msk $0xffff, v4;
	v8 =	vld [tilespmem:$0x1FA10];
	v3 =	vor.u32 v3, v0  }
0x2f5: {  	v5 =	vor.u32 s29, v5;
	v4 =	vld.idx.msk [tilespmem:v9+s18+$0x0], $0xffff  }
0x2f6: {  	v9 =	vld [tilespmem:$0x1F690]  }
0x2f7: {  	v6 =	vor.u32 s29, v6;
	v2 =	vld.idx.msk [tilespmem:v2+s18+$0x0], $0xffff  }
0x2f8: {  	v7 =	vor.u32 s29, v7;
	v1 =	vld.idx.msk [tilespmem:v1+s18+$0x0], $0xffff  }
0x2f9: {  	v3 =	vld.idx.msk [tilespmem:v3+s18+$0x0], $0xffff  }
0x2fa: {  	[tilespmem:v5+s20+$0x0] =	vst.idx.msk $0xffff, v4;
	v4 =	vld [tilespmem:$0x1F6A0];
	_ =	sdelay $0x1  }
0x2fb: {  	[tilespmem:v6+s20+$0x0] =	vst.idx.msk $0xffff, v2;
	v2 =	vld [tilespmem:$0x1F6B0]  }
0x2fc: {  	v8 =	vor.u32 s29, v8;
	[tilespmem:v7+s20+$0x0] =	vst.idx.msk $0xffff, v1;
	v1 =	vld [tilespmem:$0x1F6C0]  }
0x2fd: {  	v9 =	vor.u32 v9, v0;
	v5 =	vld [tilespmem:$0x1FA20]  }
0x2fe: {  	v6 =	vld [tilespmem:$0x1FA30];
	v4 =	vor.u32 v4, v0;
	_ =	sdelay $0x1  }
0x2ff: {  	v7 =	vld [tilespmem:$0x1FA40];
	v2 =	vor.u32 v2, v0  }
0x300: {  	[tilespmem:v8+s20+$0x0] =	vst.idx.msk $0xffff, v3;
	v8 =	vld [tilespmem:$0x1FE90];
	v1 =	vor.u32 v1, v0  }
0x301: {  	v5 =	vor.u32 s29, v5;
	v3 =	vld.idx.msk [tilespmem:v9+s18+$0x0], $0xffff  }
0x302: {  	v6 =	vor.u32 s29, v6;
	v4 =	vld.idx.msk [tilespmem:v4+s18+$0x0], $0xffff  }
0x303: {  	v9 =	vld [tilespmem:$0x1F6D0]  }
0x304: {  	v7 =	vor.u32 s29, v7;
	v2 =	vld.idx.msk [tilespmem:v2+s18+$0x0], $0xffff  }
0x305: {  	v1 =	vld.idx.msk [tilespmem:v1+s18+$0x0], $0xffff  }
0x306: {  	[tilespmem:v5+s20+$0x0] =	vst.idx.msk $0xffff, v3;
	v3 =	vld [tilespmem:$0x1F6E0]  }
0x307: {  	[tilespmem:v6+s20+$0x0] =	vst.idx.msk $0xffff, v4;
	v4 =	vld [tilespmem:$0x1F6F0];
	_ =	sdelay $0x1  }
0x308: {  	v8 =	vor.u32 s29, v8;
	[tilespmem:v7+s20+$0x0] =	vst.idx.msk $0xffff, v2;
	v2 =	vld [tilespmem:$0x1F700]  }
0x309: {  	v9 =	vor.u32 v9, v0;
	v5 =	vld [tilespmem:$0x1F710]  }
0x30a: {  	v6 =	vld [tilespmem:$0x1FEA0];
	v3 =	vor.u32 v3, v0  }
0x30b: {  	v7 =	vld [tilespmem:$0x1FEB0];
	v4 =	vor.u32 v4, v0;
	_ =	sdelay $0x1  }
0x30c: {  	[tilespmem:v8+s20+$0x0] =	vst.idx.msk $0xffff, v1;
	v8 =	vld [tilespmem:$0x1FA90];
	v2 =	vor.u32 v2, v0  }
0x30d: {  	v5 =	vor.u32 s29, v5;
	v1 =	vld.idx.msk [tilespmem:v9+s18+$0x0], $0xffff  }
0x30e: {  	v6 =	vor.u32 s29, v6;
	v3 =	vld.idx.msk [tilespmem:v3+s18+$0x0], $0xffff  }
0x30f: {  	v7 =	vor.u32 s29, v7;
	v4 =	vld.idx.msk [tilespmem:v4+s18+$0x0], $0xffff  }
0x310: {  	v9 =	vld [tilespmem:$0x1F720]  }
0x311: {  	v2 =	vld.idx.msk [tilespmem:v2+s18+$0x0], $0xffff  }
0x312: {  	[tilespmem:v5+s20+$0x0] =	vst.idx.msk $0xffff, v1;
	v1 =	vld [tilespmem:$0x1F730]  }
0x313: {  	[tilespmem:v6+s20+$0x0] =	vst.idx.msk $0xffff, v3;
	v3 =	vld [tilespmem:$0x1F740]  }
0x314: {  	v8 =	vor.u32 s29, v8;
	[tilespmem:v7+s20+$0x0] =	vst.idx.msk $0xffff, v4;
	v4 =	vld [tilespmem:$0x1F750]  }
0x315: {  	v9 =	vor.u32 v9, v0;
	v5 =	vld [tilespmem:$0x1FDB0];
	_ =	sdelay $0x1  }
0x316: {  	v6 =	vld [tilespmem:$0x1FDC0];
	v1 =	vor.u32 v1, v0  }
0x317: {  	v7 =	vld [tilespmem:$0x1FDD0];
	v3 =	vor.u32 v3, v0  }
0x318: {  	[tilespmem:v8+s20+$0x0] =	vst.idx.msk $0xffff, v2;
	v8 =	vld [tilespmem:$0x1FDE0];
	v4 =	vor.u32 v4, v0  }
0x319: {  	v5 =	vor.u32 s29, v5;
	v2 =	vld.idx.msk [tilespmem:v9+s18+$0x0], $0xffff  }
0x31a: {  	v9 =	vld [tilespmem:$0x1F760]  }
0x31b: {  	v6 =	vor.u32 s29, v6;
	v1 =	vld.idx.msk [tilespmem:v1+s18+$0x0], $0xffff  }
0x31c: {  	v7 =	vor.u32 s29, v7;
	v3 =	vld.idx.msk [tilespmem:v3+s18+$0x0], $0xffff  }
0x31d: {  	v4 =	vld.idx.msk [tilespmem:v4+s18+$0x0], $0xffff  }
0x31e: {  	[tilespmem:v5+s20+$0x0] =	vst.idx.msk $0xffff, v2;
	v2 =	vld [tilespmem:$0x1F770];
	_ =	sdelay $0x1  }
0x31f: {  	[tilespmem:v6+s20+$0x0] =	vst.idx.msk $0xffff, v1;
	v1 =	vld [tilespmem:$0x1F780]  }
0x320: {  	v8 =	vor.u32 s29, v8;
	[tilespmem:v7+s20+$0x0] =	vst.idx.msk $0xffff, v3;
	v3 =	vld [tilespmem:$0x1F790]  }
0x321: {  	v9 =	vor.u32 v9, v0;
	v5 =	vld [tilespmem:$0x1FDF0]  }
0x322: {  	v6 =	vld [tilespmem:$0x1FE00];
	v2 =	vor.u32 v2, v0;
	_ =	sdelay $0x1  }
0x323: {  	v7 =	vld [tilespmem:$0x1FE10];
	v1 =	vor.u32 v1, v0  }
0x324: {  	[tilespmem:v8+s20+$0x0] =	vst.idx.msk $0xffff, v4;
	v8 =	vld [tilespmem:$0x1FE20];
	v3 =	vor.u32 v3, v0  }
0x325: {  	v5 =	vor.u32 s29, v5;
	v4 =	vld.idx.msk [tilespmem:v9+s18+$0x0], $0xffff  }
0x326: {  	v6 =	vor.u32 s29, v6;
	v2 =	vld.idx.msk [tilespmem:v2+s18+$0x0], $0xffff  }
0x327: {  	v9 =	vld [tilespmem:$0x1F7A0]  }
0x328: {  	v7 =	vor.u32 s29, v7;
	v1 =	vld.idx.msk [tilespmem:v1+s18+$0x0], $0xffff  }
0x329: {  	v3 =	vld.idx.msk [tilespmem:v3+s18+$0x0], $0xffff  }
0x32a: {  	[tilespmem:v5+s20+$0x0] =	vst.idx.msk $0xffff, v4;
	v4 =	vld [tilespmem:$0x1F7B0]  }
0x32b: {  	[tilespmem:v6+s20+$0x0] =	vst.idx.msk $0xffff, v2;
	v2 =	vld [tilespmem:$0x1F7C0];
	_ =	sdelay $0x1  }
0x32c: {  	v8 =	vor.u32 s29, v8;
	[tilespmem:v7+s20+$0x0] =	vst.idx.msk $0xffff, v1;
	v1 =	vld [tilespmem:$0x1F7D0]  }
0x32d: {  	v9 =	vor.u32 v9, v0;
	v5 =	vld [tilespmem:$0x1FE30]  }
0x32e: {  	v6 =	vld [tilespmem:$0x1FE40];
	v4 =	vor.u32 v4, v0  }
0x32f: {  	v7 =	vld [tilespmem:$0x1FEC0];
	v2 =	vor.u32 v2, v0;
	_ =	sdelay $0x1  }
0x330: {  	[tilespmem:v8+s20+$0x0] =	vst.idx.msk $0xffff, v3;
	v8 =	vld [tilespmem:$0x1FED0];
	v1 =	vor.u32 v1, v0  }
0x331: {  	v5 =	vor.u32 s29, v5;
	v3 =	vld.idx.msk [tilespmem:v9+s18+$0x0], $0xffff  }
0x332: {  	v6 =	vor.u32 s29, v6;
	v4 =	vld.idx.msk [tilespmem:v4+s18+$0x0], $0xffff  }
0x333: {  	v7 =	vor.u32 s29, v7;
	v2 =	vld.idx.msk [tilespmem:v2+s18+$0x0], $0xffff  }
0x334: {  	v9 =	vld [tilespmem:$0x1F7E0]  }
0x335: {  	v1 =	vld.idx.msk [tilespmem:v1+s18+$0x0], $0xffff  }
0x336: {  	[tilespmem:v5+s20+$0x0] =	vst.idx.msk $0xffff, v3;
	v3 =	vld [tilespmem:$0x1F7F0]  }
0x337: {  	[tilespmem:v6+s20+$0x0] =	vst.idx.msk $0xffff, v4  }
0x338: {  	[tilespmem:v7+s20+$0x0] =	vst.idx.msk $0xffff, v2;
	v2 =	vld [tilespmem:$0x1F800]  }
0x339: {  	v8 =	vor.u32 s29, v8  }
0x33a: {  	v9 =	vor.u32 v9, v0  }
0x33b: {  	v3 =	vor.u32 v3, v0  }
0x33c: {  	v4 =	vor.u32 v59, v0  }
0x33d: {  	v2 =	vor.u32 v2, v0  }
0x33e: {  	[tilespmem:v8+s20+$0x0] =	vst.idx.msk $0xffff, v1  }
0x33f: {  	v5 =	vor.u32 s29, v42;
	v1 =	vld.idx.msk [tilespmem:v9+s18+$0x0], $0xffff  }
0x340: {  	v6 =	vor.u32 s29, v35;
	v3 =	vld.idx.msk [tilespmem:v3+s18+$0x0], $0xffff  }
0x341: {  	v7 =	vor.u32 s29, v50;
	v4 =	vld.idx.msk [tilespmem:v4+s18+$0x0], $0xffff  }
0x342: {  	v8 =	vor.u32 s29, v27;
	v2 =	vld.idx.msk [tilespmem:v2+s18+$0x0], $0xffff  }
0x343: {  	v9 =	vor.u32 v39, v0  }
0x344: {  	[tilespmem:v5+s20+$0x0] =	vst.idx.msk $0xffff, v1;
	v1 =	vor.u32 v38, v0  }
0x345: {  	[tilespmem:v6+s20+$0x0] =	vst.idx.msk $0xffff, v3;
	v3 =	vor.u32 v54, v0  }
0x346: {  	[tilespmem:v7+s20+$0x0] =	vst.idx.msk $0xffff, v4;
	v4 =	vor.u32 v40, v0  }
0x347: {  	[tilespmem:v8+s20+$0x0] =	vst.idx.msk $0xffff, v2  }
0x348: {  	v5 =	vor.u32 s29, v51;
	v2 =	vld.idx.msk [tilespmem:v9+s18+$0x0], $0xffff  }
0x349: {  	v6 =	vor.u32 s29, v19;
	v1 =	vld.idx.msk [tilespmem:v1+s18+$0x0], $0xffff  }
0x34a: {  	v7 =	vor.u32 s29, v41;
	v3 =	vld.idx.msk [tilespmem:v3+s18+$0x0], $0xffff  }
0x34b: {  	v8 =	vor.u32 s29, v31;
	v4 =	vld.idx.msk [tilespmem:v4+s18+$0x0], $0xffff  }
0x34c: {  	v9 =	vor.u32 v46, v0  }
0x34d: {  	[tilespmem:v5+s20+$0x0] =	vst.idx.msk $0xffff, v2;
	v2 =	vor.u32 v45, v0  }
0x34e: {  	[tilespmem:v6+s20+$0x0] =	vst.idx.msk $0xffff, v1;
	v1 =	vor.u32 v47, v0  }
0x34f: {  	[tilespmem:v7+s20+$0x0] =	vst.idx.msk $0xffff, v3;
	v3 =	vor.u32 v48, v0  }
0x350: {  	[tilespmem:v8+s20+$0x0] =	vst.idx.msk $0xffff, v4  }
0x351: {  	v5 =	vor.u32 s29, v49;
	v4 =	vld.idx.msk [tilespmem:v9+s18+$0x0], $0xffff  }
0x352: {  	v6 =	vor.u32 s29, v23;
	v2 =	vld.idx.msk [tilespmem:v2+s18+$0x0], $0xffff  }
0x353: {  	v7 =	vor.u32 s29, v22;
	v1 =	vld.idx.msk [tilespmem:v1+s18+$0x0], $0xffff  }
0x354: {  	v8 =	vor.u32 s29, v29;
	v3 =	vld.idx.msk [tilespmem:v3+s18+$0x0], $0xffff  }
0x355: {  	v9 =	vor.u32 v34, v0  }
0x356: {  	[tilespmem:v5+s20+$0x0] =	vst.idx.msk $0xffff, v4;
	v4 =	vor.u32 v62, v0  }
0x357: {  	[tilespmem:v6+s20+$0x0] =	vst.idx.msk $0xffff, v2;
	v2 =	vor.u32 v20, v0  }
0x358: {  	[tilespmem:v7+s20+$0x0] =	vst.idx.msk $0xffff, v1  }
0x359: {  	[tilespmem:v8+s20+$0x0] =	vst.idx.msk $0xffff, v3  }
0x35a: {  	v0 =	vor.u32 v30, v0;
	v7 =	vld.idx.msk [tilespmem:v9+s18+$0x0], $0xffff;
	v9 =	vor.u32 s29, v32  }
0x35b: {  	v17 =	vmov v11;
	v11 =	vor.u32 s29, v24;
	v8 =	vld.idx.msk [tilespmem:v4+s18+$0x0], $0xffff  }
0x35c: {  	v16 =	vmov v10;
	v18 =	vmov v12;
	v12 =	vor.u32 s29, v25;
	v10 =	vld.idx.msk [tilespmem:v2+s18+$0x0], $0xffff  }
0x35d: {  	p1 =	sne.s32 s30, $0x70;
	s31 =	smov.u32 s30  }
.Ltmp5:
0x35e: {  	v1 =	vmov s31;
	(pc) =	sbr.rel @p1 .LBB2_4-.Ltmp5, $4  }
0x35f: {  	v2 =	vshll.u32 v1, $0x7;
	v1 =	vld.idx.msk [tilespmem:v0+s18+$0x0], $0xffff;
	[tilespmem:v9+s20+$0x0] =	vst.idx.msk $0xffff, v7  }
0x360: {  	v0 =	vor.u32 v26, v2;
	v2 =	vlaneseq.u32;
	[tilespmem:v11+s20+$0x0] =	vst.idx.msk $0xffff, v8;
	v11 =	vmov v17;
	v17 =	vld [tilespmem:$0x1F950]  }
0x361: {  	v6 =	vor.u32 s29, v37;
	v5 =	vor.u32 v2, v0;
	[tilespmem:v12+s20+$0x0] =	vst.idx.msk $0xffff, v10;
	v12 =	vmov v18;
	v18 =	vld [tilespmem:$0x1F960]  }
0x362: {  	s30 =	sadd.s32 $0x10, s30;
	s29 =	smov.u32 s31;
	v3 =	vor.u32 v58, v0;
	v4 =	vor.u32 v36, v0;
	v2 =	vor.u32 v15, v0;
	v10 =	vmovc v16;
	v16 =	vld [tilespmem:$0x1F8C0]  }
0x363: {  	_ =	sdelay $0x3  }
0x364: {  	v9 =	vld [tilespmem:$0x1FE50];
	[tilespmem:v6+s20+$0x0] =	vst.idx.msk $0xffff, v1  }
0x365: {  	v1 =	vld.idx.msk [tilespmem:v5+s18+$0x0], $0xffff;
	v5 =	vor.u32 s29, v44  }
0x366: {  	v6 =	vor.u32 s29, v10;
	v3 =	vld.idx.msk [tilespmem:v3+s18+$0x0], $0xffff  }
0x367: {  	v7 =	vor.u32 s29, v11;
	v4 =	vld.idx.msk [tilespmem:v4+s18+$0x0], $0xffff  }
0x368: {  	v8 =	vor.u32 s29, v12;
	v2 =	vld.idx.msk [tilespmem:v2+s18+$0x0], $0xffff  }
0x369: {  	v9 =	vor.u32 v9, v0  }
0x36a: {  	v55 =	vor.u32 v55, v0;
	[tilespmem:v5+s20+$0x0] =	vst.idx.msk $0xffff, v1  }
0x36b: {  	v44 =	vor.u32 v53, v0;
	[tilespmem:v6+s20+$0x0] =	vst.idx.msk $0xffff, v3  }
0x36c: {  	[tilespmem:v7+s20+$0x0] =	vst.idx.msk $0xffff, v4  }
0x36d: {  	v4 =	vor.u32 v33, v0;
	[tilespmem:v8+s20+$0x0] =	vst.idx.msk $0xffff, v2  }
0x36e: {  	v5 =	vor.u32 s29, v57;
	v2 =	vld.idx.msk [tilespmem:v9+s18+$0x0], $0xffff  }
0x36f: {  	v1 =	vld.idx.msk [tilespmem:v55+s18+$0x0], $0xffff  }
0x370: {  	v6 =	vor.u32 s29, v52;
	v3 =	vld.idx.msk [tilespmem:v44+s18+$0x0], $0xffff  }
0x371: {  	v7 =	vor.u32 s29, v14;
	v55 =	vld [tilespmem:$0x1F840]  }
0x372: {  	v8 =	vor.u32 s29, v43;
	v4 =	vld.idx.msk [tilespmem:v4+s18+$0x0], $0xffff  }
0x373: {  	v9 =	vor.u32 v61, v0;
	[tilespmem:v5+s20+$0x0] =	vst.idx.msk $0xffff, v2;
	v5 =	vld [tilespmem:$0x1F850]  }
0x374: {  	v52 =	vor.u32 v63, v0  }
0x375: {  	v53 =	vor.u32 v13, v0;
	[tilespmem:v6+s20+$0x0] =	vst.idx.msk $0xffff, v1;
	v6 =	vld [tilespmem:$0x1F860]  }
0x376: {  	[tilespmem:v7+s20+$0x0] =	vst.idx.msk $0xffff, v3;
	v7 =	vld [tilespmem:$0x1F870]  }
0x377: {  	v3 =	vor.u32 v55, v0;
	[tilespmem:v8+s20+$0x0] =	vst.idx.msk $0xffff, v4;
	v8 =	vld [tilespmem:$0x1F880]  }
0x378: {  	v4 =	vld.idx.msk [tilespmem:v9+s18+$0x0], $0xffff;
	v5 =	vor.u32 s29, v5  }
0x379: {  	v2 =	vld.idx.msk [tilespmem:v52+s18+$0x0], $0xffff  }
0x37a: {  	v1 =	vld.idx.msk [tilespmem:v53+s18+$0x0], $0xffff  }
0x37b: {  	v9 =	vld [tilespmem:$0x1F890]  }
0x37c: {  	v3 =	vld.idx.msk [tilespmem:v3+s18+$0x0], $0xffff  }
0x37d: {  	v6 =	vor.u32 s29, v6;
	[tilespmem:v5+s20+$0x0] =	vst.idx.msk $0xffff, v4;
	v4 =	vld [tilespmem:$0x1F8A0];
	_ =	sdelay $0x1  }
0x37e: {  	v7 =	vor.u32 s29, v7  }
0x37f: {  	v33 =	vld [tilespmem:$0x1F8B0];
	v8 =	vor.u32 s29, v8  }
0x380: {  	v9 =	vor.u32 v9, v0;
	v5 =	vld [tilespmem:$0x1F8D0]  }
0x381: {  	[tilespmem:v6+s20+$0x0] =	vst.idx.msk $0xffff, v2;
	v6 =	vld [tilespmem:$0x1F8E0];
	v4 =	vor.u32 v4, v0;
	_ =	sdelay $0x1  }
0x382: {  	v52 =	vld [tilespmem:$0x1FE60];
	[tilespmem:v7+s20+$0x0] =	vst.idx.msk $0xffff, v1  }
0x383: {  	v44 =	vor.u32 v16, v0;
	v7 =	vld [tilespmem:$0x1F8F0];
	[tilespmem:v8+s20+$0x0] =	vst.idx.msk $0xffff, v3  }
0x384: {  	v2 =	vor.u32 v33, v0;
	v3 =	vld.idx.msk [tilespmem:v9+s18+$0x0], $0xffff;
	v5 =	vor.u32 s29, v5  }
0x385: {  	v6 =	vor.u32 s29, v6;
	v4 =	vld.idx.msk [tilespmem:v4+s18+$0x0], $0xffff  }
0x386: {  	v8 =	vld [tilespmem:$0x1F900]  }
0x387: {  	v9 =	vld [tilespmem:$0x1FE80]  }
0x388: {  	v1 =	vld.idx.msk [tilespmem:v44+s18+$0x0], $0xffff  }
0x389: {  	v2 =	vld.idx.msk [tilespmem:v2+s18+$0x0], $0xffff;
	[tilespmem:v5+s20+$0x0] =	vst.idx.msk $0xffff, v3  }
0x38a: {  	v7 =	vor.u32 s29, v7;
	[tilespmem:v6+s20+$0x0] =	vst.idx.msk $0xffff, v4;
	v4 =	vld [tilespmem:$0x1FE70]  }
0x38b: {  	v8 =	vor.u32 s29, v8  }
0x38c: {  	v53 =	vld [tilespmem:$0x1F5F0];
	v9 =	vor.u32 v9, v0  }
0x38d: {  	v3 =	vor.u32 v52, v0;
	v5 =	vld [tilespmem:$0x1F600];
	_ =	sdelay $0x1  }
0x38e: {  	[tilespmem:v7+s20+$0x0] =	vst.idx.msk $0xffff, v2;
	v4 =	vor.u32 v4, v0  }
0x38f: {  	[tilespmem:v8+s20+$0x0] =	vst.idx.msk $0xffff, v1  }
0x390: {  	v1 =	vld.idx.msk [tilespmem:v9+s18+$0x0], $0xffff  }
0x391: {  	v5 =	vor.u32 s29, v5;
	v2 =	vor.u32 v53, v0;
	v3 =	vld.idx.msk [tilespmem:v3+s18+$0x0], $0xffff  }
0x392: {  	v6 =	vor.u32 s29, v17;
	v9 =	vld [tilespmem:$0x1F610]  }
0x393: {  	v7 =	vor.u32 s29, v18;
	v4 =	vld.idx.msk [tilespmem:v4+s18+$0x0], $0xffff;
	_ =	sdelay $0x1  }
0x394: {  	v55 =	vld [tilespmem:$0x1F620]  }
0x395: {  	v2 =	vld.idx.msk [tilespmem:v2+s18+$0x0], $0xffff;
	[tilespmem:v5+s20+$0x0] =	vst.idx.msk $0xffff, v1  }
0x396: {  	v8 =	vor.u32 s29, v56;
	v56 =	vld [tilespmem:$0x1F630];
	[tilespmem:v6+s20+$0x0] =	vst.idx.msk $0xffff, v3  }
0x397: {  	v9 =	vor.u32 v9, v0;
	[tilespmem:v7+s20+$0x0] =	vst.idx.msk $0xffff, v4;
	v4 =	vld [tilespmem:$0x1F640];
	_ =	sdelay $0x1  }
0x398: {  	v33 =	vld [tilespmem:$0x1F660]  }
0x399: {  	v44 =	vld [tilespmem:$0x1F670];
	v1 =	vor.u32 v55, v0  }
0x39a: {  	v3 =	vor.u32 v56, v0;
	v7 =	vld [tilespmem:$0x1F9D0];
	[tilespmem:v8+s20+$0x0] =	vst.idx.msk $0xffff, v2  }
0x39b: {  	v2 =	vld.idx.msk [tilespmem:v9+s18+$0x0], $0xffff;
	v4 =	vor.u32 v4, v0  }
0x39c: {  	v5 =	vor.u32 s29, v28;
	v9 =	vld [tilespmem:$0x1F650]  }
0x39d: {  	v52 =	vld [tilespmem:$0x1F680]  }
0x39e: {  	v6 =	vor.u32 s29, v60;
	v1 =	vld.idx.msk [tilespmem:v1+s18+$0x0], $0xffff  }
0x39f: {  	v3 =	vld.idx.msk [tilespmem:v3+s18+$0x0], $0xffff;
	v7 =	vor.u32 s29, v7  }
0x3a0: {  	v8 =	vor.u32 s29, v21;
	v4 =	vld.idx.msk [tilespmem:v4+s18+$0x0], $0xffff  }
0x3a1: {  	v9 =	vor.u32 v9, v0;
	[tilespmem:v5+s20+$0x0] =	vst.idx.msk $0xffff, v2;
	v5 =	vld [tilespmem:$0x1F9E0]  }
0x3a2: {  	v2 =	vor.u32 v33, v0  }
0x3a3: {  	[tilespmem:v6+s20+$0x0] =	vst.idx.msk $0xffff, v1;
	v1 =	vor.u32 v44, v0;
	v6 =	vld [tilespmem:$0x1F9F0]  }
0x3a4: {  	[tilespmem:v7+s20+$0x0] =	vst.idx.msk $0xffff, v3;
	v7 =	vld [tilespmem:$0x1FA00]  }
0x3a5: {  	v3 =	vor.u32 v52, v0;
	[tilespmem:v8+s20+$0x0] =	vst.idx.msk $0xffff, v4;
	v8 =	vld [tilespmem:$0x1FA10]  }
0x3a6: {  	v5 =	vor.u32 s29, v5;
	v4 =	vld.idx.msk [tilespmem:v9+s18+$0x0], $0xffff  }
0x3a7: {  	v2 =	vld.idx.msk [tilespmem:v2+s18+$0x0], $0xffff  }
0x3a8: {  	v1 =	vld.idx.msk [tilespmem:v1+s18+$0x0], $0xffff  }
0x3a9: {  	v9 =	vld [tilespmem:$0x1F690]  }
0x3aa: {  	v3 =	vld.idx.msk [tilespmem:v3+s18+$0x0], $0xffff  }
0x3ab: {  	v6 =	vor.u32 s29, v6;
	[tilespmem:v5+s20+$0x0] =	vst.idx.msk $0xffff, v4;
	v4 =	vld [tilespmem:$0x1F6A0];
	_ =	sdelay $0x1  }
0x3ac: {  	v53 =	vld [tilespmem:$0x1F6B0];
	v7 =	vor.u32 s29, v7  }
0x3ad: {  	v55 =	vld [tilespmem:$0x1F6C0];
	v8 =	vor.u32 s29, v8  }
0x3ae: {  	v9 =	vor.u32 v9, v0;
	v5 =	vld [tilespmem:$0x1FA20]  }
0x3af: {  	[tilespmem:v6+s20+$0x0] =	vst.idx.msk $0xffff, v2;
	v6 =	vld [tilespmem:$0x1FA30];
	v4 =	vor.u32 v4, v0  }
0x3b0: {  	v14 =	vmov v13;
	v13 =	vld [tilespmem:$0x1FE90]  }
0x3b1: {  	v60 =	vld [tilespmem:$0x1F6E0];
	[tilespmem:v7+s20+$0x0] =	vst.idx.msk $0xffff, v1  }
0x3b2: {  	v2 =	vor.u32 v53, v0;
	v7 =	vld [tilespmem:$0x1FA40];
	[tilespmem:v8+s20+$0x0] =	vst.idx.msk $0xffff, v3  }
0x3b3: {  	v1 =	vor.u32 v55, v0;
	v3 =	vld.idx.msk [tilespmem:v9+s18+$0x0], $0xffff;
	v5 =	vor.u32 s29, v5  }
0x3b4: {  	v6 =	vor.u32 s29, v6;
	v4 =	vld.idx.msk [tilespmem:v4+s18+$0x0], $0xffff  }
0x3b5: {  	v33 =	vld [tilespmem:$0x1F700]  }
0x3b6: {  	v9 =	vld [tilespmem:$0x1F6D0]  }
0x3b7: {  	v2 =	vld.idx.msk [tilespmem:v2+s18+$0x0], $0xffff  }
0x3b8: {  	v1 =	vld.idx.msk [tilespmem:v1+s18+$0x0], $0xffff;
	[tilespmem:v5+s20+$0x0] =	vst.idx.msk $0xffff, v3  }
0x3b9: {  	v7 =	vor.u32 s29, v7;
	[tilespmem:v6+s20+$0x0] =	vst.idx.msk $0xffff, v4;
	v4 =	vld [tilespmem:$0x1F6F0]  }
0x3ba: {  	v8 =	vor.u32 s29, v13  }
0x3bb: {  	v44 =	vld [tilespmem:$0x1F730];
	v9 =	vor.u32 v9, v0  }
0x3bc: {  	v3 =	vor.u32 v60, v0;
	v5 =	vld [tilespmem:$0x1F710]  }
0x3bd: {  	v60 =	vld [tilespmem:$0x1FEA0]  }
0x3be: {  	[tilespmem:v7+s20+$0x0] =	vst.idx.msk $0xffff, v2;
	v2 =	vor.u32 v33, v0;
	v33 =	vld [tilespmem:$0x1FEB0];
	v4 =	vor.u32 v4, v0  }
0x3bf: {  	[tilespmem:v8+s20+$0x0] =	vst.idx.msk $0xffff, v1;
	v8 =	vld [tilespmem:$0x1FA90]  }
0x3c0: {  	v1 =	vld.idx.msk [tilespmem:v9+s18+$0x0], $0xffff  }
0x3c1: {  	v5 =	vor.u32 s29, v5;
	v3 =	vld.idx.msk [tilespmem:v3+s18+$0x0], $0xffff  }
0x3c2: {  	v6 =	vor.u32 s29, v60;
	v9 =	vld [tilespmem:$0x1F720]  }
0x3c3: {  	v7 =	vor.u32 s29, v33;
	v4 =	vld.idx.msk [tilespmem:v4+s18+$0x0], $0xffff  }
0x3c4: {  	v52 =	vld [tilespmem:$0x1F740]  }
0x3c5: {  	v53 =	vld [tilespmem:$0x1F770]  }
0x3c6: {  	v2 =	vld.idx.msk [tilespmem:v2+s18+$0x0], $0xffff;
	[tilespmem:v5+s20+$0x0] =	vst.idx.msk $0xffff, v1  }
0x3c7: {  	v55 =	vld [tilespmem:$0x1F780];
	v8 =	vor.u32 s29, v8;
	[tilespmem:v6+s20+$0x0] =	vst.idx.msk $0xffff, v3  }
0x3c8: {  	v9 =	vor.u32 v9, v0;
	[tilespmem:v7+s20+$0x0] =	vst.idx.msk $0xffff, v4;
	v4 =	vld [tilespmem:$0x1F750]  }
0x3c9: {  	v5 =	vld [tilespmem:$0x1FDB0]  }
0x3ca: {  	v6 =	vld [tilespmem:$0x1FDC0]  }
0x3cb: {  	v1 =	vor.u32 v44, v0;
	v7 =	vld [tilespmem:$0x1FDD0]  }
0x3cc: {  	v3 =	vor.u32 v52, v0;
	[tilespmem:v8+s20+$0x0] =	vst.idx.msk $0xffff, v2;
	v8 =	vld [tilespmem:$0x1FDE0]  }
0x3cd: {  	v2 =	vld.idx.msk [tilespmem:v9+s18+$0x0], $0xffff;
	v4 =	vor.u32 v4, v0  }
0x3ce: {  	v5 =	vor.u32 s29, v5;
	v9 =	vld [tilespmem:$0x1F760]  }
0x3cf: {  	v44 =	vld [tilespmem:$0x1F790]  }
0x3d0: {  	v6 =	vor.u32 s29, v6;
	v1 =	vld.idx.msk [tilespmem:v1+s18+$0x0], $0xffff  }
0x3d1: {  	v3 =	vld.idx.msk [tilespmem:v3+s18+$0x0], $0xffff;
	v7 =	vor.u32 s29, v7  }
0x3d2: {  	v8 =	vor.u32 s29, v8;
	v4 =	vld.idx.msk [tilespmem:v4+s18+$0x0], $0xffff  }
0x3d3: {  	v9 =	vor.u32 v9, v0;
	[tilespmem:v5+s20+$0x0] =	vst.idx.msk $0xffff, v2;
	v5 =	vld [tilespmem:$0x1FDF0]  }
0x3d4: {  	v2 =	vor.u32 v53, v0  }
0x3d5: {  	[tilespmem:v6+s20+$0x0] =	vst.idx.msk $0xffff, v1;
	v1 =	vor.u32 v55, v0;
	v6 =	vld [tilespmem:$0x1FE00]  }
0x3d6: {  	[tilespmem:v7+s20+$0x0] =	vst.idx.msk $0xffff, v3;
	v7 =	vld [tilespmem:$0x1FE10]  }
0x3d7: {  	v3 =	vor.u32 v44, v0;
	[tilespmem:v8+s20+$0x0] =	vst.idx.msk $0xffff, v4;
	v8 =	vld [tilespmem:$0x1FE20]  }
0x3d8: {  	v5 =	vor.u32 s29, v5;
	v4 =	vld.idx.msk [tilespmem:v9+s18+$0x0], $0xffff  }
0x3d9: {  	v2 =	vld.idx.msk [tilespmem:v2+s18+$0x0], $0xffff  }
0x3da: {  	v1 =	vld.idx.msk [tilespmem:v1+s18+$0x0], $0xffff  }
0x3db: {  	v9 =	vld [tilespmem:$0x1F7A0]  }
0x3dc: {  	v3 =	vld.idx.msk [tilespmem:v3+s18+$0x0], $0xffff  }
0x3dd: {  	v6 =	vor.u32 s29, v6;
	[tilespmem:v5+s20+$0x0] =	vst.idx.msk $0xffff, v4;
	v4 =	vld [tilespmem:$0x1F7B0];
	_ =	sdelay $0x1  }
0x3de: {  	v52 =	vld [tilespmem:$0x1F7C0];
	v7 =	vor.u32 s29, v7  }
0x3df: {  	v53 =	vld [tilespmem:$0x1F7D0];
	v8 =	vor.u32 s29, v8  }
0x3e0: {  	v9 =	vor.u32 v9, v0;
	v5 =	vld [tilespmem:$0x1FE30]  }
0x3e1: {  	[tilespmem:v6+s20+$0x0] =	vst.idx.msk $0xffff, v2;
	v6 =	vld [tilespmem:$0x1FE40];
	v4 =	vor.u32 v4, v0;
	_ =	sdelay $0x1  }
0x3e2: {  	v56 =	vmov v21;
	v21 =	vld [tilespmem:$0x1FED0];
	[tilespmem:v7+s20+$0x0] =	vst.idx.msk $0xffff, v1  }
0x3e3: {  	v2 =	vor.u32 v52, v0;
	v52 =	vld [tilespmem:$0x1FEC0];
	[tilespmem:v8+s20+$0x0] =	vst.idx.msk $0xffff, v3  }
0x3e4: {  	v1 =	vor.u32 v53, v0;
	v3 =	vld.idx.msk [tilespmem:v9+s18+$0x0], $0xffff;
	v5 =	vor.u32 s29, v5  }
0x3e5: {  	v6 =	vor.u32 s29, v6;
	v4 =	vld.idx.msk [tilespmem:v4+s18+$0x0], $0xffff  }
0x3e6: {  	v55 =	vld [tilespmem:$0x1F7F0]  }
0x3e7: {  	v9 =	vld [tilespmem:$0x1F7E0]  }
0x3e8: {  	v2 =	vld.idx.msk [tilespmem:v2+s18+$0x0], $0xffff  }
0x3e9: {  	v1 =	vld.idx.msk [tilespmem:v1+s18+$0x0], $0xffff;
	[tilespmem:v5+s20+$0x0] =	vst.idx.msk $0xffff, v3  }
0x3ea: {  	v7 =	vor.u32 s29, v52;
	[tilespmem:v6+s20+$0x0] =	vst.idx.msk $0xffff, v4;
	v4 =	vor.u32 v59, v0;
	v59 =	vld [tilespmem:$0x1F800]  }
0x3eb: {  	v8 =	vor.u32 s29, v21  }
0x3ec: {  	v9 =	vor.u32 v9, v0  }
0x3ed: {  	v3 =	vor.u32 v55, v0;
	_ =	sdelay $0x1  }
0x3ee: {  	[tilespmem:v7+s20+$0x0] =	vst.idx.msk $0xffff, v2;
	v2 =	vor.u32 v59, v0  }
0x3ef: {  	[tilespmem:v8+s20+$0x0] =	vst.idx.msk $0xffff, v1  }
0x3f0: {  	v5 =	vor.u32 s29, v42;
	v1 =	vld.idx.msk [tilespmem:v9+s18+$0x0], $0xffff  }
0x3f1: {  	v6 =	vor.u32 s29, v35;
	v3 =	vld.idx.msk [tilespmem:v3+s18+$0x0], $0xffff  }
0x3f2: {  	v7 =	vor.u32 s29, v50;
	v4 =	vld.idx.msk [tilespmem:v4+s18+$0x0], $0xffff  }
0x3f3: {  	v8 =	vor.u32 s29, v27;
	v2 =	vld.idx.msk [tilespmem:v2+s18+$0x0], $0xffff  }
0x3f4: {  	v9 =	vor.u32 v39, v0  }
0x3f5: {  	v44 =	vor.u32 v38, v0;
	[tilespmem:v5+s20+$0x0] =	vst.idx.msk $0xffff, v1  }
0x3f6: {  	v16 =	vmov v50;
	v50 =	vor.u32 v54, v0;
	[tilespmem:v6+s20+$0x0] =	vst.idx.msk $0xffff, v3  }
0x3f7: {  	[tilespmem:v7+s20+$0x0] =	vst.idx.msk $0xffff, v4;
	v4 =	vor.u32 v40, v0  }
0x3f8: {  	[tilespmem:v8+s20+$0x0] =	vst.idx.msk $0xffff, v2  }
0x3f9: {  	v5 =	vor.u32 s29, v51;
	v2 =	vld.idx.msk [tilespmem:v9+s18+$0x0], $0xffff  }
0x3fa: {  	v6 =	vor.u32 s29, v19;
	v1 =	vld.idx.msk [tilespmem:v44+s18+$0x0], $0xffff  }
0x3fb: {  	v7 =	vor.u32 s29, v41;
	v3 =	vld.idx.msk [tilespmem:v50+s18+$0x0], $0xffff  }
0x3fc: {  	v8 =	vor.u32 s29, v31;
	v4 =	vld.idx.msk [tilespmem:v4+s18+$0x0], $0xffff  }
0x3fd: {  	v9 =	vor.u32 v46, v0  }
0x3fe: {  	v51 =	vor.u32 v45, v0;
	[tilespmem:v5+s20+$0x0] =	vst.idx.msk $0xffff, v2  }
0x3ff: {  	v53 =	vor.u32 v47, v0;
	[tilespmem:v6+s20+$0x0] =	vst.idx.msk $0xffff, v1  }
0x400: {  	v54 =	vor.u32 v48, v0;
	[tilespmem:v7+s20+$0x0] =	vst.idx.msk $0xffff, v3  }
0x401: {  	[tilespmem:v8+s20+$0x0] =	vst.idx.msk $0xffff, v4  }
0x402: {  	v5 =	vor.u32 s29, v49;
	v4 =	vld.idx.msk [tilespmem:v9+s18+$0x0], $0xffff  }
0x403: {  	v6 =	vor.u32 s29, v23;
	v2 =	vld.idx.msk [tilespmem:v51+s18+$0x0], $0xffff  }
0x404: {  	v7 =	vor.u32 s29, v22;
	v1 =	vld.idx.msk [tilespmem:v53+s18+$0x0], $0xffff  }
0x405: {  	v8 =	vor.u32 s29, v29;
	v3 =	vld.idx.msk [tilespmem:v54+s18+$0x0], $0xffff  }
0x406: {  	v9 =	vor.u32 v34, v0  }
0x407: {  	[tilespmem:v5+s20+$0x0] =	vst.idx.msk $0xffff, v4;
	v4 =	vor.u32 v62, v0  }
0x408: {  	v55 =	vor.u32 v20, v0;
	[tilespmem:v6+s20+$0x0] =	vst.idx.msk $0xffff, v2  }
0x409: {  	v59 =	vor.u32 v30, v0;
	[tilespmem:v7+s20+$0x0] =	vst.idx.msk $0xffff, v1  }
0x40a: {  	v48 =	vld [tilespmem:$0x1FF90];
	[tilespmem:v8+s20+$0x0] =	vst.idx.msk $0xffff, v3  }
0x40b: {  	v62 =	vor.u32 s29, v32;
	v1 =	vld.idx.msk [tilespmem:v9+s18+$0x0], $0xffff  }
0x40c: {  	v5 =	vor.u32 s29, v24;
	v4 =	vld.idx.msk [tilespmem:v4+s18+$0x0], $0xffff  }
0x40d: {  	v6 =	vor.u32 s29, v25;
	v2 =	vld.idx.msk [tilespmem:v55+s18+$0x0], $0xffff  }
0x40e: {  	v7 =	vor.u32 s29, v37;
	v0 =	vld.idx.msk [tilespmem:v59+s18+$0x0], $0xffff  }
0x40f: {  	v40 =	vld [tilespmem:$0x1FD80]  }
0x410: {  	v50 =	vmov v35;
	v35 =	vmov v27;
	v27 =	vld [tilespmem:$0x1FE60];
	[tilespmem:v62+s20+$0x0] =	vst.idx.msk $0xffff, v1  }
0x411: {  	v44 =	vmov v28;
	v28 =	vld [tilespmem:$0x1FE70];
	[tilespmem:v5+s20+$0x0] =	vst.idx.msk $0xffff, v4  }
0x412: {  	s0 =	sshll.u32 s26, $0xD;
	v38 =	vmov v13;
	v13 =	vmov v52;
	v53 =	vld [tilespmem:$0x1FE50];
	[tilespmem:v6+s20+$0x0] =	vst.idx.msk $0xffff, v2  }
0x413: {  	s0 =	sadd.s32 s0, s10;
	v42 =	vmovc v56;
	v39 =	vmovc v60;
	v45 =	vmov v33;
	v46 =	vmov v14;
	v8 =	vmov v36;
	v36 =	vld [tilespmem:$0x1FE80];
	[tilespmem:v7+s20+$0x0] =	vst.idx.msk $0xffff, v0  }
0x414: {  	v14 =	vmovc v21;
	v23 =	vmovc v26;
	v51 =	vmov v58;
	v54 =	vmov v16;
	v9 =	vmov v15;
	v7 =	vld [tilespmem:$0x1FF10];
	[hbm4b:s0+s21] =	stream.strided.scatter [tilespmem:s20], [sflag:$0x3], $0x2000, s22, s21, $0x38  }
.LBB2_6:
0x415: {  	s29 =	sor.u32 $0x1, s28  }
0x416: {  	p1 =	sge.u32 s29, s4  }
.Ltmp6:
0x417: {  	_ = 	snop;
	(pc) =	sbr.rel @p1 .LBB2_10-.Ltmp6, $1  }
0x418: {  	_ =	sdelay $0x3  }
0x419: {  	_ =	swait.ge [sflag:s12], $0x2000  }
0x41a: {  	[sflag:s12] =	ssyncset.done $0x0  }
0x41b: {  	s0 =	sadd.s32 $0x3, s28;
	[sflag:s12] =	ssyncadd.s32 $0xFFFFE000  }
0x41c: {  	s31 =	simm.s32 $0x0;
	p1 =	sge.u32 s0, s4;
	_ =	swait.ge [sflag:s23], $0x4000  }
0x41d: {  	s0 =	sshll.u32 @!p1 s0, $0x9;
	s30 =	simm.s32 @!p1 $0x0;
	[sflag:s23] =	ssyncset.done $0x0  }
0x41e: {  	v0 =	vmov s31;
	s15 =	simm.s32 @!p1 $0x13900;
	s0 =	sadd.s32 @!p1 s0, s5;
	[sflag:s23] =	ssyncadd.s32 $0xFFFFC000  }
0x41f: {  	v0 =	vshll.u32 v0, $0x7;
	[tilespmem:s15], [sflag:$0x6] =	stream.linear.gather @!p1 [hbm4b:s0+s30], $0x80, $0x38;
	[tilespmem:$0x1D980] =	vst v63  }
0x420: {  	v2 =	vlaneseq.u32;
	v0 =	vor.u32 v23, v0;
	p1 =	sge.u32 s28, s8  }
0x421: {  	v1 =	vor.u32 v2, v0;
	s0 =	simm.s32 @!p1 $0x5  }
0x422: {  	v2 =	vor.u32 v51, v0;
	_ =	swait.ge @!p1 [sflag:s0], $0x80  }
0x423: {  	v3 =	vor.u32 v8, v0;
	s15 =	simm.s32 @!p1 $0x13880;
	[sflag:s0] =	ssyncset.done @!p1 $0x0  }
0x424: {  	v4 =	vor.u32 v9, v0;
	s28 =	simm.s32 @!p1 $0x13980;
	[sflag:s0] =	ssyncadd.s32 @!p1 $0xFFFFFF80;
	s0 =	simm.s32 @!p1 $0x80  }
0x425: {  	[tilespmem:s28], [sflag:$0x1] =	stream.indirect.gather @!p1 [spmem:s1], $0x80, s15, s0, $0xb8;
	[tilespmem:$0x1D980] =	vst v63  }
0x426: {  	v5 =	vor.u32 s31, v7;
	v1 =	vld.idx.msk [tilespmem:v1+s24+$0x0], $0xffff  }
0x427: {  	v6 =	vor.u32 s31, v10;
	v2 =	vld.idx.msk [tilespmem:v2+s24+$0x0], $0xffff  }
0x428: {  	v41 =	vmov v50;
	v50 =	vmov v7;
	v7 =	vor.u32 s31, v11;
	v3 =	vld.idx.msk [tilespmem:v3+s24+$0x0], $0xffff  }
0x429: {  	v8 =	vor.u32 s31, v12;
	v4 =	vld.idx.msk [tilespmem:v4+s24+$0x0], $0xffff  }
0x42a: {  	v9 =	vor.u32 v53, v0;
	v62 =	vld [tilespmem:$0x1F810]  }
0x42b: {  	v56 =	vld [tilespmem:$0x1F820];
	[tilespmem:v5+s20+$0x0] =	vst.idx.msk $0xffff, v1;
	v1 =	vor.u32 v48, v0  }
0x42c: {  	v52 =	vld [tilespmem:$0x1F830];
	[tilespmem:v6+s20+$0x0] =	vst.idx.msk $0xffff, v2;
	v2 =	vor.u32 v40, v0  }
0x42d: {  	[tilespmem:v7+s20+$0x0] =	vst.idx.msk $0xffff, v3  }
0x42e: {  	[tilespmem:v8+s20+$0x0] =	vst.idx.msk $0xffff, v4  }
0x42f: {  	v5 =	vor.u32 s31, v57;
	v3 =	vor.u32 v62, v0;
	v4 =	vld.idx.msk [tilespmem:v9+s24+$0x0], $0xffff  }
0x430: {  	v6 =	vor.u32 s31, v56;
	v1 =	vld.idx.msk [tilespmem:v1+s24+$0x0], $0xffff  }
0x431: {  	v7 =	vor.u32 s31, v52;
	v2 =	vld.idx.msk [tilespmem:v2+s24+$0x0], $0xffff;
	_ =	sdelay $0x1  }
0x432: {  	v15 =	vld [tilespmem:$0x1F920]  }
0x433: {  	v3 =	vld.idx.msk [tilespmem:v3+s24+$0x0], $0xffff;
	[tilespmem:v5+s20+$0x0] =	vst.idx.msk $0xffff, v4  }
0x434: {  	v21 =	vld [tilespmem:$0x1F930];
	[tilespmem:v6+s20+$0x0] =	vst.idx.msk $0xffff, v1  }
0x435: {  	v8 =	vor.u32 s31, v43;
	[tilespmem:v7+s20+$0x0] =	vst.idx.msk $0xffff, v2;
	v2 =	vld [tilespmem:$0x1F840]  }
0x436: {  	v9 =	vor.u32 v61, v0;
	v5 =	vld [tilespmem:$0x1F850]  }
0x437: {  	v58 =	vmov v48;
	v48 =	vmov v13;
	v13 =	vld [tilespmem:$0x1F910]  }
0x438: {  	v4 =	vor.u32 v63, v0;
	v6 =	vld [tilespmem:$0x1F860]  }
0x439: {  	v1 =	vor.u32 v46, v0;
	v7 =	vld [tilespmem:$0x1F870]  }
0x43a: {  	[tilespmem:v8+s20+$0x0] =	vst.idx.msk $0xffff, v3;
	v8 =	vld [tilespmem:$0x1F880];
	v2 =	vor.u32 v2, v0  }
0x43b: {  	v3 =	vld.idx.msk [tilespmem:v9+s24+$0x0], $0xffff;
	v5 =	vor.u32 s31, v5  }
0x43c: {  	v9 =	vld [tilespmem:$0x1F890]  }
0x43d: {  	v4 =	vld.idx.msk [tilespmem:v4+s24+$0x0], $0xffff;
	v6 =	vor.u32 s31, v6  }
0x43e: {  	v1 =	vld.idx.msk [tilespmem:v1+s24+$0x0], $0xffff;
	v7 =	vor.u32 s31, v7  }
0x43f: {  	v2 =	vld.idx.msk [tilespmem:v2+s24+$0x0], $0xffff  }
0x440: {  	[tilespmem:v5+s20+$0x0] =	vst.idx.msk $0xffff, v3;
	v3 =	vld [tilespmem:$0x1F8A0]  }
0x441: {  	v5 =	vld [tilespmem:$0x1F8D0]  }
0x442: {  	v8 =	vor.u32 s31, v8;
	[tilespmem:v6+s20+$0x0] =	vst.idx.msk $0xffff, v4;
	v4 =	vld [tilespmem:$0x1F8B0]  }
0x443: {  	v9 =	vor.u32 v9, v0;
	[tilespmem:v7+s20+$0x0] =	vst.idx.msk $0xffff, v1;
	v1 =	vld [tilespmem:$0x1F8C0]  }
0x444: {  	v16 =	vmov v57;
	v57 =	vmov v61;
	v61 =	vmov v14;
	v14 =	vld [tilespmem:$0x1F940]  }
0x445: {  	v6 =	vld [tilespmem:$0x1F8E0]  }
0x446: {  	v7 =	vld [tilespmem:$0x1F8F0];
	v3 =	vor.u32 v3, v0  }
0x447: {  	[tilespmem:v8+s20+$0x0] =	vst.idx.msk $0xffff, v2;
	v8 =	vld [tilespmem:$0x1F900];
	v4 =	vor.u32 v4, v0  }
0x448: {  	v5 =	vor.u32 s31, v5;
	v2 =	vld.idx.msk [tilespmem:v9+s24+$0x0], $0xffff;
	v1 =	vor.u32 v1, v0;
	_ =	sdelay $0x2  }
0x449: {  	v6 =	vor.u32 s31, v6;
	v3 =	vld.idx.msk [tilespmem:v3+s24+$0x0], $0xffff  }
0x44a: {  	v10 =	vsel vm0, v15, v13;
	v11 =	vsel vm0, v14, v21;
	v7 =	vor.u32 s31, v7;
	v4 =	vld.idx.msk [tilespmem:v4+s24+$0x0], $0xffff  }
0x44b: {  	v8 =	vor.u32 s31, v8;
	v1 =	vld.idx.msk [tilespmem:v1+s24+$0x0], $0xffff;
	[tilespmem:v5+s20+$0x0] =	vst.idx.msk $0xffff, v2;
	v5 =	vcombine.low v11, v10;
	_ =	sdelay $0x1  }
0x44c: {  	[tilespmem:$0x1F3F0] =	vst v5  }
0x44d: {  	[tilespmem:v6+s20+$0x0] =	vst.idx.msk $0xffff, v3  }
0x44e: {  	[tilespmem:v7+s20+$0x0] =	vst.idx.msk $0xffff, v4;
	v4 =	vor.u32 v5, v0;
	v5 =	vld [tilespmem:$0x1FD50]  }
0x44f: {  	v9 =	vor.u32 v36, v0;
	[tilespmem:v8+s20+$0x0] =	vst.idx.msk $0xffff, v1;
	v1 =	vld [tilespmem:$0x1FD20];
	_ =	sdelay $0x1  }
0x450: {  	v6 =	vsel vm0, v13, v14;
	v13 =	vld [tilespmem:$0x1F960]  }
0x451: {  	v14 =	vld [tilespmem:$0x1FD00]  }
0x452: {  	v8 =	vld [tilespmem:$0x1FCE0]  }
0x453: {  	v1 =	vsel vm0, v1, v5;
	v5 =	vld.idx.msk [tilespmem:v9+s24+$0x0], $0xffff  }
0x454: {  	v9 =	vld [tilespmem:$0x1FD10]  }
0x455: {  	v32 =	vor.u32 s31, v13;
	v13 =	vld [tilespmem:$0x1FCF0]  }
0x456: {  	v18 =	vld [tilespmem:$0x1F980]  }
0x457: {  	v25 =	vld [tilespmem:$0x1F990]  }
0x458: {  	v20 =	vld [tilespmem:$0x1F970]  }
0x459: {  	v2 =	vor.u32 v27, v0;
	v8 =	vsel vm0, v8, v9;
	v9 =	vld [tilespmem:$0x1F950]  }
0x45a: {  	v3 =	vor.u32 v28, v0;
	v27 =	vsel vm0, v14, v13;
	v13 =	vld [tilespmem:$0x1FD30]  }
0x45b: {  	v7 =	vor.u32 $0x800, v50;
	v14 =	vld [tilespmem:$0x1FD40]  }
0x45c: {  	v30 =	vld [tilespmem:$0x1F9A0];
	[tilespmem:$0x1F400] =	vst v7;
	v7 =	vor.u32 s31, v7  }
0x45d: {  	v31 =	vld [tilespmem:$0x1F9B0]  }
0x45e: {  	v2 =	vld.idx.msk [tilespmem:v2+s24+$0x0], $0xffff;
	v9 =	vor.u32 s31, v9  }
0x45f: {  	v3 =	vld.idx.msk [tilespmem:v3+s24+$0x0], $0xffff  }
0x460: {  	v4 =	vld.idx.msk [tilespmem:v4+s24+$0x0], $0xffff;
	v28 =	vsel vm0, v14, v13;
	v13 =	vor.u32 s31, v20;
	v14 =	vcombine.low v8, v27  }
0x461: {  	[tilespmem:v7+s20+$0x0] =	vst.idx.msk $0xffff, v5  }
0x462: {  	v17 =	vmov v63;
	[tilespmem:$0x1F420] =	vst v14  }
0x463: {  	v55 =	vmov v12;
	v60 =	vld [tilespmem:$0x1F9C0];
	v12 =	vsel vm0, v25, v18;
	v26 =	vsel vm0, v31, v30;
	[tilespmem:v9+s20+$0x0] =	vst.idx.msk $0xffff, v2  }
0x464: {  	v47 =	vld [tilespmem:$0x1FB80];
	v63 =	vmov v16;
	v16 =	vcombine.low v26, v12;
	v5 =	vor.u32 v14, v0;
	[tilespmem:v32+s20+$0x0] =	vst.idx.msk $0xffff, v3  }
0x465: {  	v33 =	vld [tilespmem:$0x1FB90];
	v14 =	vsel vm0, v18, v31;
	[tilespmem:v13+s20+$0x0] =	vst.idx.msk $0xffff, v4;
	v13 =	vsel vm0, v30, v25  }
0x466: {  	v29 =	vsel vm0, v21, v15;
	v24 =	vor.u32 v16, v0;
	v15 =	vcombine.low v14, v13;
	v13 =	vld [tilespmem:$0x1FD60]  }
0x467: {  	v14 =	vld [tilespmem:$0x1FD70]  }
0x468: {  	v21 =	vld [tilespmem:$0x1F9D0];
	[tilespmem:$0x1F410] =	vst v16;
	v16 =	vcombine.low v1, v28  }
0x469: {  	v10 =	vcombine.low v10, v11;
	v11 =	vcombine.low v12, v26;
	v26 =	vld [tilespmem:$0x1FB40]  }
0x46a: {  	v7 =	vcombine.low v6, v29;
	v6 =	vcombine.low v29, v6;
	v29 =	vld [tilespmem:$0x1FB70];
	v2 =	vor.u32 v16, v0  }
0x46b: {  	v4 =	vld.idx.msk [tilespmem:v24+s24+$0x0], $0xffff  }
0x46c: {  	[tilespmem:$0x1F430] =	vst v16;
	v3 =	vor.u32 v7, v0;
	v16 =	vcombine.low v13, v14;
	v13 =	vld [tilespmem:$0x1FD90]  }
0x46d: {  	[tilespmem:$0x1F440] =	vst v7;
	v7 =	vor.u32 s31, v44;
	v14 =	vld [tilespmem:$0x1FDA0]  }
0x46e: {  	v9 =	vor.u32 s31, v60;
	v5 =	vld.idx.msk [tilespmem:v5+s24+$0x0], $0xffff  }
0x46f: {  	v30 =	vor.u32 s31, v21;
	v2 =	vld.idx.msk [tilespmem:v2+s24+$0x0], $0xffff  }
0x470: {  	v12 =	vcombine.low v27, v8;
	v8 =	vld [tilespmem:$0x1FA10]  }
0x471: {  	[tilespmem:$0x1F480] =	vst v10;
	v31 =	vor.u32 s31, v42;
	v3 =	vld.idx.msk [tilespmem:v3+s24+$0x0], $0xffff  }
0x472: {  	v22 =	vmov v44;
	v44 =	vor.u32 v15, v0;
	[tilespmem:v7+s20+$0x0] =	vst.idx.msk $0xffff, v4;
	v7 =	vld [tilespmem:$0x1F9E0];
	v13 =	vcombine.low v13, v14  }
0x473: {  	[tilespmem:v9+s20+$0x0] =	vst.idx.msk $0xffff, v5;
	v9 =	vld [tilespmem:$0x1F9F0];
	v4 =	vor.u32 v16, v0  }
0x474: {  	[tilespmem:v30+s20+$0x0] =	vst.idx.msk $0xffff, v2;
	v2 =	vor.u32 v10, v0;
	v10 =	vld [tilespmem:$0x1FA00];
	v5 =	vor.u32 v13, v0  }
0x475: {  	v27 =	vld [tilespmem:$0x1FB50]  }
0x476: {  	v25 =	vld [tilespmem:$0x1FB30];
	[tilespmem:v31+s20+$0x0] =	vst.idx.msk $0xffff, v3  }
0x477: {  	v3 =	vld.idx.msk [tilespmem:v44+s24+$0x0], $0xffff;
	v7 =	vor.u32 s31, v7  }
0x478: {  	v9 =	vor.u32 s31, v9;
	v4 =	vld.idx.msk [tilespmem:v4+s24+$0x0], $0xffff  }
0x479: {  	v10 =	vor.u32 s31, v10;
	v5 =	vld.idx.msk [tilespmem:v5+s24+$0x0], $0xffff  }
0x47a: {  	v8 =	vor.u32 s31, v8;
	[tilespmem:$0x1F450] =	vst v15;
	v2 =	vld.idx.msk [tilespmem:v2+s24+$0x0], $0xffff  }
0x47b: {  	v24 =	vld [tilespmem:$0x1FB20];
	[tilespmem:$0x1F470] =	vst v13  }
0x47c: {  	v15 =	vld [tilespmem:$0x1FA70];
	[tilespmem:v7+s20+$0x0] =	vst.idx.msk $0xffff, v3  }
0x47d: {  	v44 =	vmov v19;
	v19 =	vld [tilespmem:$0x1FA80];
	[tilespmem:v9+s20+$0x0] =	vst.idx.msk $0xffff, v4  }
0x47e: {  	v14 =	vld [tilespmem:$0x1FA60];
	[tilespmem:v10+s20+$0x0] =	vst.idx.msk $0xffff, v5  }
0x47f: {  	v13 =	vcombine.low v28, v1;
	v1 =	vor.u32 v11, v0;
	[tilespmem:v8+s20+$0x0] =	vst.idx.msk $0xffff, v2;
	v2 =	vld [tilespmem:$0x1FA20]  }
0x480: {  	v3 =	vor.u32 v12, v0;
	v7 =	vld [tilespmem:$0x1FA30]  }
0x481: {  	v4 =	vor.u32 v13, v0;
	v10 =	vld [tilespmem:$0x1FA40]  }
0x482: {  	v28 =	vld [tilespmem:$0x1FB60];
	v5 =	vor.u32 v6, v0  }
0x483: {  	[tilespmem:$0x1F4B0] =	vst v13;
	v13 =	vld [tilespmem:$0x1FA50]  }
0x484: {  	v1 =	vld.idx.msk [tilespmem:v1+s24+$0x0], $0xffff;
	v2 =	vor.u32 s31, v2  }
0x485: {  	[tilespmem:$0x1F490] =	vst v11;
	v31 =	vlaneseq.u32;
	v7 =	vor.u32 s31, v7;
	v3 =	vld.idx.msk [tilespmem:v3+s24+$0x0], $0xffff  }
0x486: {  	[tilespmem:$0x1F4A0] =	vst v12;
	v21 =	vor.u32 $0x20, v31;
	v4 =	vld.idx.msk [tilespmem:v4+s24+$0x0], $0xffff;
	v10 =	vor.u32 s31, v10  }
0x487: {  	v30 =	vor.u32 s31, v38;
	[tilespmem:$0x1F4D0] =	vst v21;
	v21 =	vor.u32 v21, v0;
	v12 =	vsel vm0, v19, v15;
	v5 =	vld.idx.msk [tilespmem:v5+s24+$0x0], $0xffff  }
0x488: {  	[tilespmem:$0x1F4C0] =	vst v6;
	v32 =	vsel vm0, v29, v28;
	v9 =	vsel vm0, v27, v26;
	v6 =	vsel vm0, v33, v47  }
0x489: {  	v8 =	vsel vm0, v25, v24;
	v11 =	vsel vm0, v14, v13;
	[tilespmem:v2+s20+$0x0] =	vst.idx.msk $0xffff, v1  }
0x48a: {  	v49 =	vmov v22;
	v22 =	vcombine.low v12, v11;
	[tilespmem:v7+s20+$0x0] =	vst.idx.msk $0xffff, v3;
	v7 =	vsel vm0, v28, v33;
	v28 =	vld [tilespmem:$0x1FBD0]  }
0x48b: {  	v23 =	vcombine.low v9, v8;
	[tilespmem:v10+s20+$0x0] =	vst.idx.msk $0xffff, v4;
	v4 =	vsel vm0, v24, v27;
	v27 =	vld [tilespmem:$0x1FBC0]  }
0x48c: {  	v1 =	vor.u32 v22, v0;
	[tilespmem:v30+s20+$0x0] =	vst.idx.msk $0xffff, v5;
	v30 =	vsel vm0, v13, v19;
	v13 =	vld [tilespmem:$0x1FBA0]  }
0x48d: {  	[tilespmem:$0x1F4E0] =	vst v22;
	v22 =	vcombine.low v6, v32;
	v2 =	vor.u32 v23, v0;
	v19 =	vld [tilespmem:$0x1FBB0];
	_ =	sdelay $0x1  }
0x48e: {  	v37 =	vsel vm0, v26, v25;
	[tilespmem:$0x1F460] =	vst v16;
	v25 =	vld [tilespmem:$0x1FA90];
	v3 =	vor.u32 v22, v0;
	v10 =	vor.u32 $0x1000, v50  }
0x48f: {  	[tilespmem:$0x1F510] =	vst v10;
	v10 =	vor.u32 s31, v10;
	v5 =	vld.idx.msk [tilespmem:v21+s24+$0x0], $0xffff  }
0x490: {  	v16 =	vmovc v35;
	v35 =	vor.u32 s31, v45;
	[tilespmem:$0x1F500] =	vst v22;
	v22 =	vsel vm0, v15, v14;
	v21 =	vor.u32 s31, v39;
	v1 =	vld.idx.msk [tilespmem:v1+s24+$0x0], $0xffff  }
0x491: {  	v14 =	vcombine.low v30, v22;
	v2 =	vld.idx.msk [tilespmem:v2+s24+$0x0], $0xffff;
	v34 =	vsel vm0, v28, v27;
	v33 =	vsel vm0, v19, v13  }
0x492: {  	[tilespmem:$0x1F4F0] =	vst v23;
	v23 =	vcombine.low v34, v33  }
0x493: {  	v59 =	vmov v40;
	v38 =	vor.u32 s31, v25;
	[tilespmem:$0x1F530] =	vst v14;
	v3 =	vld.idx.msk [tilespmem:v3+s24+$0x0], $0xffff  }
0x494: {  	v51 =	vmov v45;
	v40 =	vsel vm0, v47, v29;
	[tilespmem:v10+s20+$0x0] =	vst.idx.msk $0xffff, v5;
	v45 =	vor.u32 v23, v0  }
0x495: {  	v10 =	vcombine.low v7, v40;
	[tilespmem:v21+s20+$0x0] =	vst.idx.msk $0xffff, v1  }
0x496: {  	[tilespmem:v35+s20+$0x0] =	vst.idx.msk $0xffff, v2  }
0x497: {  	v5 =	vor.u32 v14, v0;
	v14 =	vld [tilespmem:$0x1FDC0];
	[tilespmem:$0x1F550] =	vst v10  }
0x498: {  	v15 =	vcombine.low v4, v37;
	v2 =	vor.u32 v10, v0;
	v10 =	vld [tilespmem:$0x1FDB0];
	[tilespmem:v38+s20+$0x0] =	vst.idx.msk $0xffff, v3  }
0x499: {  	v3 =	vld.idx.msk [tilespmem:v45+s24+$0x0], $0xffff  }
0x49a: {  	v1 =	vor.u32 v15, v0;
	v45 =	vsel vm0, v13, v28;
	v13 =	vld [tilespmem:$0x1FDD0]  }
0x49b: {  	v12 =	vcombine.low v11, v12;
	v11 =	vld [tilespmem:$0x1FDE0];
	_ =	sdelay $0x1  }
0x49c: {  	v10 =	vor.u32 s31, v10  }
0x49d: {  	v18 =	vmovc v54;
	v54 =	vmov v42;
	v42 =	vsel vm0, v27, v19;
	v5 =	vld.idx.msk [tilespmem:v5+s24+$0x0], $0xffff;
	v14 =	vor.u32 s31, v14  }
0x49e: {  	v6 =	vcombine.low v32, v6;
	v1 =	vld.idx.msk [tilespmem:v1+s24+$0x0], $0xffff;
	v47 =	vor.u32 s31, v13;
	v13 =	vcombine.low v45, v42  }
0x49f: {  	v11 =	vor.u32 s31, v11;
	v2 =	vld.idx.msk [tilespmem:v2+s24+$0x0], $0xffff  }
0x4a0: {  	v9 =	vcombine.low v8, v9;
	[tilespmem:$0x1F590] =	vst v6;
	v8 =	vor.u32 v13, v0  }
0x4a1: {  	[tilespmem:v10+s20+$0x0] =	vst.idx.msk $0xffff, v3  }
0x4a2: {  	[tilespmem:v14+s20+$0x0] =	vst.idx.msk $0xffff, v5  }
0x4a3: {  	[tilespmem:v47+s20+$0x0] =	vst.idx.msk $0xffff, v1  }
0x4a4: {  	v1 =	vor.u32 v6, v0;
	v6 =	vld [tilespmem:$0x1FDF0];
	[tilespmem:v11+s20+$0x0] =	vst.idx.msk $0xffff, v2  }
0x4a5: {  	v2 =	vld.idx.msk [tilespmem:v8+s24+$0x0], $0xffff  }
0x4a6: {  	v3 =	vor.u32 v12, v0;
	v8 =	vld [tilespmem:$0x1FE00]  }
0x4a7: {  	[tilespmem:$0x1F580] =	vst v9;
	v5 =	vor.u32 v9, v0;
	v9 =	vld [tilespmem:$0x1FE10]  }
0x4a8: {  	v10 =	vld [tilespmem:$0x1FE20];
	_ =	sdelay $0x1  }
0x4a9: {  	v25 =	vld [tilespmem:$0x1FC60];
	v6 =	vor.u32 s31, v6  }
0x4aa: {  	v3 =	vld.idx.msk [tilespmem:v3+s24+$0x0], $0xffff;
	v8 =	vor.u32 s31, v8  }
0x4ab: {  	v11 =	vcombine.low v33, v34;
	v9 =	vor.u32 s31, v9;
	v5 =	vld.idx.msk [tilespmem:v5+s24+$0x0], $0xffff  }
0x4ac: {  	[tilespmem:$0x1F570] =	vst v12;
	v24 =	vmov v41;
	v10 =	vor.u32 s31, v10;
	v1 =	vld.idx.msk [tilespmem:v1+s24+$0x0], $0xffff  }
0x4ad: {  	v41 =	vld [tilespmem:$0x1FC30];
	v12 =	vcombine.low v22, v30;
	[tilespmem:$0x1F560] =	vst v13;
	v13 =	vcombine.low v37, v4;
	v4 =	vor.u32 v11, v0  }
0x4ae: {  	v39 =	vld [tilespmem:$0x1FC00];
	[tilespmem:v6+s20+$0x0] =	vst.idx.msk $0xffff, v2  }
0x4af: {  	v19 =	vld [tilespmem:$0x1FC80];
	v2 =	vor.u32 v12, v0;
	[tilespmem:v8+s20+$0x0] =	vst.idx.msk $0xffff, v3  }
0x4b0: {  	v47 =	vld [tilespmem:$0x1FC10];
	[tilespmem:v9+s20+$0x0] =	vst.idx.msk $0xffff, v5  }
0x4b1: {  	v6 =	vld [tilespmem:$0x1FBE0];
	[tilespmem:v10+s20+$0x0] =	vst.idx.msk $0xffff, v1  }
0x4b2: {  	v1 =	vld.idx.msk [tilespmem:v4+s24+$0x0], $0xffff  }
0x4b3: {  	v4 =	vld [tilespmem:$0x1FE30]  }
0x4b4: {  	v9 =	vld.idx.msk [tilespmem:v2+s24+$0x0], $0xffff  }
0x4b5: {  	v2 =	vld [tilespmem:$0x1FE40]  }
0x4b6: {  	v7 =	vcombine.low v40, v7;
	v3 =	vor.u32 v13, v0;
	v8 =	vld [tilespmem:$0x1FBF0]  }
0x4b7: {  	v40 =	vld [tilespmem:$0x1FC40]  }
0x4b8: {  	v42 =	vld [tilespmem:$0x1FC70];
	v5 =	vor.u32 v7, v0  }
0x4b9: {  	[tilespmem:$0x1F5D0] =	vst v7;
	v37 =	vld [tilespmem:$0x1FC20];
	v4 =	vor.u32 s31, v4  }
0x4ba: {  	v45 =	vmov v43;
	[tilespmem:$0x1F5A0] =	vst v11;
	v11 =	vld [tilespmem:$0x1FC50];
	v7 =	vor.u32 s31, v2  }
0x4bb: {  	[tilespmem:$0x1F5B0] =	vst v12;
	v43 =	vsel vm0, v47, v39;
	v10 =	vor.u32 s31, v48;
	v3 =	vld.idx.msk [tilespmem:v3+s24+$0x0], $0xffff;
	v34 =	vsel vm0, v8, v6  }
0x4bc: {  	[tilespmem:$0x1F5C0] =	vst v13;
	v12 =	vld [tilespmem:$0x1FC90];
	v13 =	vcombine.low v43, v34;
	v2 =	vor.u32 $0x30, v31  }
0x4bd: {  	v30 =	vor.u32 s31, v61;
	v5 =	vld.idx.msk [tilespmem:v5+s24+$0x0], $0xffff;
	[tilespmem:$0x1F5E0] =	vst v2  }
0x4be: {  	[tilespmem:v4+s20+$0x0] =	vst.idx.msk $0xffff, v1;
	v1 =	vor.u32 v13, v0  }
0x4bf: {  	v28 =	vsel vm0, v41, v37;
	[tilespmem:v7+s20+$0x0] =	vst.idx.msk $0xffff, v9  }
0x4c0: {  	v29 =	vsel vm0, v11, v40;
	v38 =	vor.u32 v2, v0;
	v2 =	vld [tilespmem:$0x1FCB0];
	[tilespmem:v10+s20+$0x0] =	vst.idx.msk $0xffff, v3;
	v3 =	vor.u32 $0x1800, v50  }
0x4c1: {  	v21 =	vcombine.low v29, v28;
	v31 =	vmov v3;
	v10 =	vor.u32 s31, v3;
	v3 =	vld [tilespmem:$0x1FCA0]  }
0x4c2: {  	v48 =	vsel vm0, v42, v25;
	v27 =	vsel vm0, v12, v19;
	[tilespmem:v30+s20+$0x0] =	vst.idx.msk $0xffff, v5;
	v5 =	vld [tilespmem:$0x1FCD0]  }
0x4c3: {  	v4 =	vcombine.low v27, v48;
	v9 =	vld.idx.msk [tilespmem:v1+s24+$0x0], $0xffff  }
0x4c4: {  	v32 =	vmov v52;
	v52 =	vmov v46;
	v46 =	vor.u32 v21, v0;
	v1 =	vld [tilespmem:$0x1FCC0]  }
0x4c5: {  	v7 =	vor.u32 v4, v0;
	_ =	sdelay $0x1  }
0x4c6: {  	v33 =	vsel vm0, v37, v11;
	v11 =	vld.idx.msk [tilespmem:v38+s24+$0x0], $0xffff  }
0x4c7: {  	v37 =	vsel vm0, v19, v42;
	v42 =	vsel vm0, v6, v47;
	v30 =	vor.u32 s31, v24  }
0x4c8: {  	[tilespmem:$0x1F520] =	vst v23;
	v6 =	vld.idx.msk [tilespmem:v46+s24+$0x0], $0xffff;
	v46 =	vor.u32 s31, v18;
	v61 =	vsel vm0, v2, v3;
	v23 =	vsel vm0, v5, v1  }
0x4c9: {  	v47 =	vor.u32 s31, v16;
	v14 =	vmov v4;
	v4 =	vld.idx.msk [tilespmem:v7+s24+$0x0], $0xffff;
	v38 =	vcombine.low v23, v61;
	_ =	sdelay $0x1  }
0x4ca: {  	v25 =	vsel vm0, v25, v12;
	[tilespmem:v10+s20+$0x0] =	vst.idx.msk $0xffff, v11;
	v12 =	vor.u32 v38, v0  }
0x4cb: {  	v35 =	vmov v24;
	v24 =	vsel vm0, v39, v8;
	v8 =	vsel vm0, v40, v41;
	[tilespmem:v30+s20+$0x0] =	vst.idx.msk $0xffff, v9  }
0x4cc: {  	v39 =	vcombine.low v42, v24;
	v26 =	vcombine.low v33, v8;
	[tilespmem:v46+s20+$0x0] =	vst.idx.msk $0xffff, v6  }
0x4cd: {  	v41 =	vsel vm0, v3, v5;
	v1 =	vsel vm0, v1, v2;
	[tilespmem:v47+s20+$0x0] =	vst.idx.msk $0xffff, v4;
	v4 =	vld [tilespmem:$0x1FF00]  }
0x4ce: {  	v40 =	vcombine.low v25, v37;
	v10 =	vor.u32 v39, v0;
	v46 =	vcombine.low v41, v1;
	v1 =	vld [tilespmem:$0x1FFC0]  }
0x4cf: {  	v7 =	vor.u32 v26, v0;
	v6 =	vld.idx.msk [tilespmem:v12+s24+$0x0], $0xffff  }
0x4d0: {  	v9 =	vor.u32 v40, v0;
	v12 =	vld [tilespmem:$0x1FAF0];
	_ =	sdelay $0x1  }
0x4d1: {  	v30 =	vor.u32 s31, v4  }
0x4d2: {  	v22 =	vmov v18;
	v10 =	vld.idx.msk [tilespmem:v10+s24+$0x0], $0xffff;
	v18 =	vmov v4;
	v4 =	vor.u32 s31, v44  }
0x4d3: {  	v3 =	vld.idx.msk [tilespmem:v7+s24+$0x0], $0xffff;
	v41 =	vmov v1;
	v1 =	vor.u32 s31, v1  }
0x4d4: {  	v2 =	vld.idx.msk [tilespmem:v9+s24+$0x0], $0xffff;
	v11 =	vor.u32 s31, v12  }
0x4d5: {  	[tilespmem:$0x1F540] =	vst v15  }
0x4d6: {  	v9 =	vor.u32 v46, v0;
	[tilespmem:v30+s20+$0x0] =	vst.idx.msk $0xffff, v6  }
0x4d7: {  	v15 =	vmov v63;
	v63 =	vmov v17;
	v7 =	vld [tilespmem:$0x1FF30];
	[tilespmem:v4+s20+$0x0] =	vst.idx.msk $0xffff, v10  }
0x4d8: {  	v34 =	vcombine.low v34, v43;
	v17 =	vmovc v13;
	v13 =	vmov v21;
	v21 =	vmov v50;
	[tilespmem:v1+s20+$0x0] =	vst.idx.msk $0xffff, v3  }
0x4d9: {  	v50 =	vmovc v57;
	v57 =	vmov v16;
	v16 =	vmov v33;
	v33 =	vcombine.low v28, v29;
	[tilespmem:v11+s20+$0x0] =	vst.idx.msk $0xffff, v2;
	v11 =	vld [tilespmem:$0x1FB00]  }
0x4da: {  	v48 =	vcombine.low v48, v27;
	v5 =	vor.u32 v34, v0;
	v6 =	vld [tilespmem:$0x1FF50]  }
0x4db: {  	v4 =	vor.u32 v33, v0;
	v2 =	vld.idx.msk [tilespmem:v9+s24+$0x0], $0xffff  }
0x4dc: {  	v47 =	vmov v7;
	v1 =	vor.u32 v48, v0;
	v9 =	vor.u32 s31, v7;
	v7 =	vld [tilespmem:$0x1FFA0];
	_ =	sdelay $0x1  }
0x4dd: {  	v3 =	vor.u32 s31, v11  }
0x4de: {  	v19 =	vmov v44;
	v44 =	vmov v6;
	v6 =	vor.u32 s31, v6;
	v5 =	vld.idx.msk [tilespmem:v5+s24+$0x0], $0xffff  }
0x4df: {  	v4 =	vld.idx.msk [tilespmem:v4+s24+$0x0], $0xffff  }
0x4e0: {  	v1 =	vld.idx.msk [tilespmem:v1+s24+$0x0], $0xffff;
	v10 =	vor.u32 s31, v7;
	_ =	sdelay $0x1  }
0x4e1: {  	[tilespmem:v3+s20+$0x0] =	vst.idx.msk $0xffff, v2  }
0x4e2: {  	[tilespmem:v6+s20+$0x0] =	vst.idx.msk $0xffff, v5  }
0x4e3: {  	[tilespmem:v9+s20+$0x0] =	vst.idx.msk $0xffff, v4  }
0x4e4: {  	v61 =	vcombine.low v61, v23;
	[tilespmem:v10+s20+$0x0] =	vst.idx.msk $0xffff, v1;
	v1 =	vld [tilespmem:$0x1FF60]  }
0x4e5: {  	v27 =	vcombine.low v24, v42  }
0x4e6: {  	v29 =	vmov v7;
	v7 =	vor.u32 v61, v0;
	v10 =	vld [tilespmem:$0x1FB10]  }
0x4e7: {  	v28 =	vcombine.low v8, v16;
	v2 =	vor.u32 v27, v0  }
0x4e8: {  	v30 =	vcombine.low v37, v25  }
0x4e9: {  	v3 =	vor.u32 v28, v0;
	v24 =	vmov v1;
	v6 =	vor.u32 s31, v1;
	v1 =	vld [tilespmem:$0x1FF40]  }
0x4ea: {  	v0 =	vor.u32 v30, v0  }
0x4eb: {  	v4 =	vld.idx.msk [tilespmem:v7+s24+$0x0], $0xffff;
	v5 =	vor.u32 s31, v10  }
0x4ec: {  	v2 =	vld.idx.msk [tilespmem:v2+s24+$0x0], $0xffff  }
0x4ed: {  	s28 =	simm.s32 $0x10  }
0x4ee: {  	v7 =	vld.idx.msk [tilespmem:v3+s24+$0x0], $0xffff;
	v25 =	vmov v1;
	v8 =	vor.u32 s31, v1;
	v1 =	vmov s28  }
0x4ef: {  	v3 =	vshll.u32 v1, $0x7;
	v1 =	vld.idx.msk [tilespmem:v0+s24+$0x0], $0xffff  }
0x4f0: {  	[tilespmem:v5+s20+$0x0] =	vst.idx.msk $0xffff, v4;
	v0 =	vld [tilespmem:$0x1FEE0]  }
0x4f1: {  	[tilespmem:v6+s20+$0x0] =	vst.idx.msk $0xffff, v2;
	v2 =	vld [tilespmem:$0x1FAA0];
	_ =	sdelay $0x3  }
0x4f2: {  	v23 =	vmov v0;
	v0 =	vor.u32 v0, v3;
	v3 =	vlaneseq.u32  }
0x4f3: {  	v5 =	vor.u32 v3, v0;
	v16 =	vmov v2;
	v3 =	vor.u32 v2, v0;
	v2 =	vld [tilespmem:$0x1FEF0];
	_ =	sdelay $0x4  }
0x4f4: {  	v37 =	vmov v2;
	v6 =	vor.u32 s31, v2;
	v2 =	vld [tilespmem:$0x1FAE0];
	_ =	sdelay $0x4  }
0x4f5: {  	v42 =	vmov v2;
	v4 =	vor.u32 v2, v0;
	v2 =	vld [tilespmem:$0x1FAD0];
	_ =	sdelay $0x4  }
0x4f6: {  	s30 =	simm.s32 $0x20;
	[tilespmem:v8+s20+$0x0] =	vst.idx.msk $0xffff, v7;
	v43 =	vmov v2;
	v2 =	vor.u32 v2, v0  }
.LBB2_8:
0x4f7: {  	_ =	sdelay $0x2  }
0x4f8: {  	[tilespmem:v6+s20+$0x0] =	vst.idx.msk $0xffff, v1;
	v6 =	vld [tilespmem:$0x1FAB0]  }
0x4f9: {  	v7 =	vld [tilespmem:$0x1FAC0];
	_ =	sdelay $0x2  }
0x4fa: {  	v1 =	vld.idx.msk [tilespmem:v5+s24+$0x0], $0xffff;
	v5 =	vor.u32 s28, v21  }
0x4fb: {  	v3 =	vld.idx.msk [tilespmem:v3+s24+$0x0], $0xffff;
	v6 =	vor.u32 s28, v6  }
0x4fc: {  	v4 =	vld.idx.msk [tilespmem:v4+s24+$0x0], $0xffff;
	v7 =	vor.u32 s28, v7  }
0x4fd: {  	v8 =	vor.u32 s28, v55;
	v2 =	vld.idx.msk [tilespmem:v2+s24+$0x0], $0xffff  }
0x4fe: {  	v9 =	vor.u32 v53, v0  }
0x4ff: {  	[tilespmem:v5+s20+$0x0] =	vst.idx.msk $0xffff, v1;
	v1 =	vor.u32 v58, v0  }
0x500: {  	[tilespmem:v6+s20+$0x0] =	vst.idx.msk $0xffff, v3;
	v3 =	vor.u32 v59, v0  }
0x501: {  	[tilespmem:v7+s20+$0x0] =	vst.idx.msk $0xffff, v4  }
0x502: {  	[tilespmem:v8+s20+$0x0] =	vst.idx.msk $0xffff, v2  }
0x503: {  	v5 =	vor.u32 s28, v15;
	v4 =	vor.u32 v62, v0;
	v2 =	vld.idx.msk [tilespmem:v9+s24+$0x0], $0xffff  }
0x504: {  	v6 =	vor.u32 s28, v56;
	v1 =	vld.idx.msk [tilespmem:v1+s24+$0x0], $0xffff  }
0x505: {  	v7 =	vor.u32 s28, v32;
	v3 =	vld.idx.msk [tilespmem:v3+s24+$0x0], $0xffff;
	_ =	sdelay $0x2  }
0x506: {  	v4 =	vld.idx.msk [tilespmem:v4+s24+$0x0], $0xffff;
	[tilespmem:v5+s20+$0x0] =	vst.idx.msk $0xffff, v2  }
0x507: {  	[tilespmem:v6+s20+$0x0] =	vst.idx.msk $0xffff, v1  }
0x508: {  	v8 =	vor.u32 s28, v45;
	[tilespmem:v7+s20+$0x0] =	vst.idx.msk $0xffff, v3;
	v3 =	vld [tilespmem:$0x1F840]  }
0x509: {  	v9 =	vor.u32 v50, v0;
	v5 =	vld [tilespmem:$0x1F850];
	_ =	sdelay $0x1  }
0x50a: {  	v2 =	vor.u32 v63, v0;
	v6 =	vld [tilespmem:$0x1F860]  }
0x50b: {  	v1 =	vor.u32 v52, v0;
	v7 =	vld [tilespmem:$0x1F870]  }
0x50c: {  	[tilespmem:v8+s20+$0x0] =	vst.idx.msk $0xffff, v4;
	v8 =	vld [tilespmem:$0x1F880];
	v3 =	vor.u32 v3, v0  }
0x50d: {  	v4 =	vld.idx.msk [tilespmem:v9+s24+$0x0], $0xffff;
	v5 =	vor.u32 s28, v5  }
0x50e: {  	v9 =	vld [tilespmem:$0x1F890]  }
0x50f: {  	v2 =	vld.idx.msk [tilespmem:v2+s24+$0x0], $0xffff;
	v6 =	vor.u32 s28, v6  }
0x510: {  	v1 =	vld.idx.msk [tilespmem:v1+s24+$0x0], $0xffff;
	v7 =	vor.u32 s28, v7  }
0x511: {  	v3 =	vld.idx.msk [tilespmem:v3+s24+$0x0], $0xffff  }
0x512: {  	[tilespmem:v5+s20+$0x0] =	vst.idx.msk $0xffff, v4;
	v4 =	vld [tilespmem:$0x1F8A0];
	_ =	sdelay $0x1  }
0x513: {  	[tilespmem:v6+s20+$0x0] =	vst.idx.msk $0xffff, v2;
	v2 =	vld [tilespmem:$0x1F8B0]  }
0x514: {  	v8 =	vor.u32 s28, v8;
	[tilespmem:v7+s20+$0x0] =	vst.idx.msk $0xffff, v1;
	v1 =	vld [tilespmem:$0x1F8C0]  }
0x515: {  	v9 =	vor.u32 v9, v0;
	v5 =	vld [tilespmem:$0x1F8D0]  }
0x516: {  	v6 =	vld [tilespmem:$0x1F8E0];
	v4 =	vor.u32 v4, v0;
	_ =	sdelay $0x1  }
0x517: {  	v7 =	vld [tilespmem:$0x1F8F0];
	v2 =	vor.u32 v2, v0  }
0x518: {  	[tilespmem:v8+s20+$0x0] =	vst.idx.msk $0xffff, v3;
	v1 =	vor.u32 v1, v0  }
0x519: {  	v5 =	vor.u32 s28, v5;
	v3 =	vld.idx.msk [tilespmem:v9+s24+$0x0], $0xffff  }
0x51a: {  	v6 =	vor.u32 s28, v6;
	v4 =	vld.idx.msk [tilespmem:v4+s24+$0x0], $0xffff  }
0x51b: {  	v8 =	vld [tilespmem:$0x1F900]  }
0x51c: {  	v7 =	vor.u32 s28, v7;
	v2 =	vld.idx.msk [tilespmem:v2+s24+$0x0], $0xffff  }
0x51d: {  	v1 =	vld.idx.msk [tilespmem:v1+s24+$0x0], $0xffff  }
0x51e: {  	[tilespmem:v5+s20+$0x0] =	vst.idx.msk $0xffff, v3;
	v3 =	vld [tilespmem:$0x1FE60]  }
0x51f: {  	[tilespmem:v6+s20+$0x0] =	vst.idx.msk $0xffff, v4;
	v4 =	vld [tilespmem:$0x1FE70];
	_ =	sdelay $0x1  }
0x520: {  	v8 =	vor.u32 s28, v8;
	[tilespmem:v7+s20+$0x0] =	vst.idx.msk $0xffff, v2;
	v2 =	vld [tilespmem:$0x1F3F0]  }
0x521: {  	v9 =	vor.u32 v36, v0;
	v5 =	vld [tilespmem:$0x1F400]  }
0x522: {  	v6 =	vld [tilespmem:$0x1F950];
	v3 =	vor.u32 v3, v0  }
0x523: {  	v7 =	vld [tilespmem:$0x1F960];
	v4 =	vor.u32 v4, v0;
	_ =	sdelay $0x1  }
0x524: {  	[tilespmem:v8+s20+$0x0] =	vst.idx.msk $0xffff, v1;
	v2 =	vor.u32 v2, v0  }
0x525: {  	v5 =	vor.u32 s28, v5;
	v1 =	vld.idx.msk [tilespmem:v9+s24+$0x0], $0xffff  }
0x526: {  	v6 =	vor.u32 s28, v6;
	v3 =	vld.idx.msk [tilespmem:v3+s24+$0x0], $0xffff  }
0x527: {  	v7 =	vor.u32 s28, v7;
	v4 =	vld.idx.msk [tilespmem:v4+s24+$0x0], $0xffff  }
0x528: {  	v9 =	vld [tilespmem:$0x1F410]  }
0x529: {  	v2 =	vld.idx.msk [tilespmem:v2+s24+$0x0], $0xffff  }
0x52a: {  	[tilespmem:v5+s20+$0x0] =	vst.idx.msk $0xffff, v1;
	v1 =	vld [tilespmem:$0x1F420]  }
0x52b: {  	[tilespmem:v6+s20+$0x0] =	vst.idx.msk $0xffff, v3;
	v3 =	vld [tilespmem:$0x1F430]  }
0x52c: {  	v8 =	vor.u32 s28, v20;
	[tilespmem:v7+s20+$0x0] =	vst.idx.msk $0xffff, v4;
	v4 =	vld [tilespmem:$0x1F440]  }
0x52d: {  	v9 =	vor.u32 v9, v0;
	_ =	sdelay $0x1  }
0x52e: {  	v1 =	vor.u32 v1, v0  }
0x52f: {  	v7 =	vld [tilespmem:$0x1F9D0];
	v3 =	vor.u32 v3, v0  }
0x530: {  	[tilespmem:v8+s20+$0x0] =	vst.idx.msk $0xffff, v2;
	v4 =	vor.u32 v4, v0  }
0x531: {  	v5 =	vor.u32 s28, v49;
	v2 =	vld.idx.msk [tilespmem:v9+s24+$0x0], $0xffff  }
0x532: {  	v9 =	vld [tilespmem:$0x1F450]  }
0x533: {  	v6 =	vor.u32 s28, v60;
	v1 =	vld.idx.msk [tilespmem:v1+s24+$0x0], $0xffff  }
0x534: {  	v7 =	vor.u32 s28, v7;
	v3 =	vld.idx.msk [tilespmem:v3+s24+$0x0], $0xffff  }
0x535: {  	v4 =	vld.idx.msk [tilespmem:v4+s24+$0x0], $0xffff  }
0x536: {  	[tilespmem:v5+s20+$0x0] =	vst.idx.msk $0xffff, v2;
	v2 =	vld [tilespmem:$0x1F460];
	_ =	sdelay $0x1  }
0x537: {  	[tilespmem:v6+s20+$0x0] =	vst.idx.msk $0xffff, v1;
	v1 =	vld [tilespmem:$0x1F470]  }
0x538: {  	v8 =	vor.u32 s28, v54;
	[tilespmem:v7+s20+$0x0] =	vst.idx.msk $0xffff, v3;
	v3 =	vld [tilespmem:$0x1F480]  }
0x539: {  	v9 =	vor.u32 v9, v0;
	v5 =	vld [tilespmem:$0x1F9E0]  }
0x53a: {  	v6 =	vld [tilespmem:$0x1F9F0];
	v2 =	vor.u32 v2, v0;
	_ =	sdelay $0x1  }
0x53b: {  	v7 =	vld [tilespmem:$0x1FA00];
	v1 =	vor.u32 v1, v0  }
0x53c: {  	[tilespmem:v8+s20+$0x0] =	vst.idx.msk $0xffff, v4;
	v8 =	vld [tilespmem:$0x1FA10];
	v3 =	vor.u32 v3, v0  }
0x53d: {  	v5 =	vor.u32 s28, v5;
	v4 =	vld.idx.msk [tilespmem:v9+s24+$0x0], $0xffff  }
0x53e: {  	v6 =	vor.u32 s28, v6;
	v2 =	vld.idx.msk [tilespmem:v2+s24+$0x0], $0xffff  }
0x53f: {  	v9 =	vld [tilespmem:$0x1F490]  }
0x540: {  	v7 =	vor.u32 s28, v7;
	v1 =	vld.idx.msk [tilespmem:v1+s24+$0x0], $0xffff  }
0x541: {  	v3 =	vld.idx.msk [tilespmem:v3+s24+$0x0], $0xffff  }
0x542: {  	[tilespmem:v5+s20+$0x0] =	vst.idx.msk $0xffff, v4;
	v4 =	vld [tilespmem:$0x1F4A0]  }
0x543: {  	[tilespmem:v6+s20+$0x0] =	vst.idx.msk $0xffff, v2;
	v2 =	vld [tilespmem:$0x1F4B0];
	_ =	sdelay $0x1  }
0x544: {  	v8 =	vor.u32 s28, v8;
	[tilespmem:v7+s20+$0x0] =	vst.idx.msk $0xffff, v1;
	v1 =	vld [tilespmem:$0x1F4C0]  }
0x545: {  	v9 =	vor.u32 v9, v0;
	v5 =	vld [tilespmem:$0x1FA20]  }
0x546: {  	v6 =	vld [tilespmem:$0x1FA30];
	v4 =	vor.u32 v4, v0  }
0x547: {  	v7 =	vld [tilespmem:$0x1FA40];
	v2 =	vor.u32 v2, v0;
	_ =	sdelay $0x1  }
0x548: {  	[tilespmem:v8+s20+$0x0] =	vst.idx.msk $0xffff, v3;
	v8 =	vld [tilespmem:$0x1FE90];
	v1 =	vor.u32 v1, v0  }
0x549: {  	v5 =	vor.u32 s28, v5;
	v3 =	vld.idx.msk [tilespmem:v9+s24+$0x0], $0xffff  }
0x54a: {  	v6 =	vor.u32 s28, v6;
	v4 =	vld.idx.msk [tilespmem:v4+s24+$0x0], $0xffff  }
0x54b: {  	v7 =	vor.u32 s28, v7;
	v2 =	vld.idx.msk [tilespmem:v2+s24+$0x0], $0xffff  }
0x54c: {  	v9 =	vld [tilespmem:$0x1F4D0]  }
0x54d: {  	v1 =	vld.idx.msk [tilespmem:v1+s24+$0x0], $0xffff  }
0x54e: {  	[tilespmem:v5+s20+$0x0] =	vst.idx.msk $0xffff, v3;
	v3 =	vld [tilespmem:$0x1F4E0]  }
0x54f: {  	[tilespmem:v6+s20+$0x0] =	vst.idx.msk $0xffff, v4;
	v4 =	vld [tilespmem:$0x1F4F0]  }
0x550: {  	v8 =	vor.u32 s28, v8;
	[tilespmem:v7+s20+$0x0] =	vst.idx.msk $0xffff, v2;
	v2 =	vld [tilespmem:$0x1F500]  }
0x551: {  	v9 =	vor.u32 v9, v0;
	v5 =	vld [tilespmem:$0x1F510];
	_ =	sdelay $0x1  }
0x552: {  	v6 =	vld [tilespmem:$0x1FEA0];
	v3 =	vor.u32 v3, v0  }
0x553: {  	v4 =	vor.u32 v4, v0  }
0x554: {  	[tilespmem:v8+s20+$0x0] =	vst.idx.msk $0xffff, v1;
	v8 =	vld [tilespmem:$0x1FA90];
	v2 =	vor.u32 v2, v0  }
0x555: {  	v5 =	vor.u32 s28, v5;
	v1 =	vld.idx.msk [tilespmem:v9+s24+$0x0], $0xffff  }
0x556: {  	v9 =	vld [tilespmem:$0x1F520]  }
0x557: {  	v6 =	vor.u32 s28, v6;
	v3 =	vld.idx.msk [tilespmem:v3+s24+$0x0], $0xffff  }
0x558: {  	v7 =	vor.u32 s28, v51;
	v4 =	vld.idx.msk [tilespmem:v4+s24+$0x0], $0xffff  }
0x559: {  	v2 =	vld.idx.msk [tilespmem:v2+s24+$0x0], $0xffff  }
0x55a: {  	[tilespmem:v5+s20+$0x0] =	vst.idx.msk $0xffff, v1;
	v1 =	vld [tilespmem:$0x1F530];
	_ =	sdelay $0x1  }
0x55b: {  	[tilespmem:v6+s20+$0x0] =	vst.idx.msk $0xffff, v3;
	v3 =	vld [tilespmem:$0x1F540]  }
0x55c: {  	v8 =	vor.u32 s28, v8;
	[tilespmem:v7+s20+$0x0] =	vst.idx.msk $0xffff, v4;
	v4 =	vld [tilespmem:$0x1F550]  }
0x55d: {  	v9 =	vor.u32 v9, v0;
	v5 =	vld [tilespmem:$0x1FDB0]  }
0x55e: {  	v6 =	vld [tilespmem:$0x1FDC0];
	v1 =	vor.u32 v1, v0;
	_ =	sdelay $0x1  }
0x55f: {  	v7 =	vld [tilespmem:$0x1FDD0];
	v3 =	vor.u32 v3, v0  }
0x560: {  	[tilespmem:v8+s20+$0x0] =	vst.idx.msk $0xffff, v2;
	v8 =	vld [tilespmem:$0x1FDE0];
	v4 =	vor.u32 v4, v0  }
0x561: {  	v5 =	vor.u32 s28, v5;
	v2 =	vld.idx.msk [tilespmem:v9+s24+$0x0], $0xffff  }
0x562: {  	v6 =	vor.u32 s28, v6;
	v1 =	vld.idx.msk [tilespmem:v1+s24+$0x0], $0xffff  }
0x563: {  	v9 =	vld [tilespmem:$0x1F560]  }
0x564: {  	v7 =	vor.u32 s28, v7;
	v3 =	vld.idx.msk [tilespmem:v3+s24+$0x0], $0xffff  }
0x565: {  	v4 =	vld.idx.msk [tilespmem:v4+s24+$0x0], $0xffff  }
0x566: {  	[tilespmem:v5+s20+$0x0] =	vst.idx.msk $0xffff, v2;
	v2 =	vld [tilespmem:$0x1F570]  }
0x567: {  	[tilespmem:v6+s20+$0x0] =	vst.idx.msk $0xffff, v1;
	v1 =	vld [tilespmem:$0x1F580]  }
0x568: {  	v8 =	vor.u32 s28, v8  }
0x569: {  	v9 =	vor.u32 v9, v0;
	[tilespmem:v7+s20+$0x0] =	vst.idx.msk $0xffff, v3;
	v3 =	vld [tilespmem:$0x1F590]  }
0x56a: {  	v5 =	vld [tilespmem:$0x1FDF0]  }
0x56b: {  	v6 =	vld [tilespmem:$0x1FE00];
	v2 =	vor.u32 v2, v0  }
0x56c: {  	v7 =	vld [tilespmem:$0x1FE10];
	v1 =	vor.u32 v1, v0  }
0x56d: {  	[tilespmem:v8+s20+$0x0] =	vst.idx.msk $0xffff, v4;
	v8 =	vld [tilespmem:$0x1FE20]  }
0x56e: {  	v4 =	vld.idx.msk [tilespmem:v9+s24+$0x0], $0xffff;
	v3 =	vor.u32 v3, v0  }
0x56f: {  	v5 =	vor.u32 s28, v5;
	v9 =	vld [tilespmem:$0x1F5A0]  }
0x570: {  	v6 =	vor.u32 s28, v6;
	v2 =	vld.idx.msk [tilespmem:v2+s24+$0x0], $0xffff  }
0x571: {  	v7 =	vor.u32 s28, v7;
	v1 =	vld.idx.msk [tilespmem:v1+s24+$0x0], $0xffff;
	_ =	sdelay $0x1  }
0x572: {  	v3 =	vld.idx.msk [tilespmem:v3+s24+$0x0], $0xffff  }
0x573: {  	[tilespmem:v5+s20+$0x0] =	vst.idx.msk $0xffff, v4;
	v4 =	vld [tilespmem:$0x1F5B0]  }
0x574: {  	v8 =	vor.u32 s28, v8;
	[tilespmem:v6+s20+$0x0] =	vst.idx.msk $0xffff, v2;
	v2 =	vld [tilespmem:$0x1F5C0]  }
0x575: {  	v9 =	vor.u32 v9, v0;
	[tilespmem:v7+s20+$0x0] =	vst.idx.msk $0xffff, v1;
	v1 =	vld [tilespmem:$0x1F5D0]  }
0x576: {  	v5 =	vld [tilespmem:$0x1FE30]  }
0x577: {  	v6 =	vld [tilespmem:$0x1FE40]  }
0x578: {  	v7 =	vld [tilespmem:$0x1FEC0];
	v4 =	vor.u32 v4, v0  }
0x579: {  	[tilespmem:v8+s20+$0x0] =	vst.idx.msk $0xffff, v3;
	v8 =	vld [tilespmem:$0x1FED0];
	v2 =	vor.u32 v2, v0  }
0x57a: {  	v3 =	vld.idx.msk [tilespmem:v9+s24+$0x0], $0xffff;
	v1 =	vor.u32 v1, v0  }
0x57b: {  	v9 =	vld [tilespmem:$0x1F5E0]  }
0x57c: {  	v5 =	vor.u32 s28, v5  }
0x57d: {  	v6 =	vor.u32 s28, v6;
	v4 =	vld.idx.msk [tilespmem:v4+s24+$0x0], $0xffff  }
0x57e: {  	v7 =	vor.u32 s28, v7;
	v2 =	vld.idx.msk [tilespmem:v2+s24+$0x0], $0xffff  }
0x57f: {  	v8 =	vor.u32 s28, v8;
	v1 =	vld.idx.msk [tilespmem:v1+s24+$0x0], $0xffff  }
0x580: {  	v9 =	vor.u32 v9, v0  }
0x581: {  	[tilespmem:v5+s20+$0x0] =	vst.idx.msk $0xffff, v3;
	v3 =	vor.u32 v17, v0  }
0x582: {  	[tilespmem:v6+s20+$0x0] =	vst.idx.msk $0xffff, v4;
	v4 =	vor.u32 v13, v0  }
0x583: {  	[tilespmem:v7+s20+$0x0] =	vst.idx.msk $0xffff, v2;
	v2 =	vor.u32 v14, v0  }
0x584: {  	[tilespmem:v8+s20+$0x0] =	vst.idx.msk $0xffff, v1  }
0x585: {  	v5 =	vor.u32 s28, v31;
	v1 =	vld.idx.msk [tilespmem:v9+s24+$0x0], $0xffff  }
0x586: {  	v6 =	vor.u32 s28, v35;
	v3 =	vld.idx.msk [tilespmem:v3+s24+$0x0], $0xffff  }
0x587: {  	v7 =	vor.u32 s28, v22;
	v4 =	vld.idx.msk [tilespmem:v4+s24+$0x0], $0xffff  }
0x588: {  	v8 =	vor.u32 s28, v57;
	v2 =	vld.idx.msk [tilespmem:v2+s24+$0x0], $0xffff  }
0x589: {  	v9 =	vor.u32 v38, v0  }
0x58a: {  	[tilespmem:v5+s20+$0x0] =	vst.idx.msk $0xffff, v1;
	v1 =	vor.u32 v39, v0  }
0x58b: {  	[tilespmem:v6+s20+$0x0] =	vst.idx.msk $0xffff, v3;
	v3 =	vor.u32 v26, v0  }
0x58c: {  	[tilespmem:v7+s20+$0x0] =	vst.idx.msk $0xffff, v4;
	v4 =	vor.u32 v40, v0  }
0x58d: {  	[tilespmem:v8+s20+$0x0] =	vst.idx.msk $0xffff, v2  }
0x58e: {  	v5 =	vor.u32 s28, v18;
	v2 =	vld.idx.msk [tilespmem:v9+s24+$0x0], $0xffff  }
0x58f: {  	v6 =	vor.u32 s28, v19;
	v1 =	vld.idx.msk [tilespmem:v1+s24+$0x0], $0xffff  }
0x590: {  	v7 =	vor.u32 s28, v41;
	v3 =	vld.idx.msk [tilespmem:v3+s24+$0x0], $0xffff  }
0x591: {  	v8 =	vor.u32 s28, v12;
	v4 =	vld.idx.msk [tilespmem:v4+s24+$0x0], $0xffff  }
0x592: {  	v9 =	vor.u32 v46, v0  }
0x593: {  	[tilespmem:v5+s20+$0x0] =	vst.idx.msk $0xffff, v2;
	v2 =	vor.u32 v34, v0  }
0x594: {  	[tilespmem:v6+s20+$0x0] =	vst.idx.msk $0xffff, v1;
	v1 =	vor.u32 v33, v0  }
0x595: {  	[tilespmem:v7+s20+$0x0] =	vst.idx.msk $0xffff, v3;
	v3 =	vor.u32 v48, v0  }
0x596: {  	[tilespmem:v8+s20+$0x0] =	vst.idx.msk $0xffff, v4  }
0x597: {  	v5 =	vor.u32 s28, v11;
	v4 =	vld.idx.msk [tilespmem:v9+s24+$0x0], $0xffff  }
0x598: {  	v6 =	vor.u32 s28, v44;
	v2 =	vld.idx.msk [tilespmem:v2+s24+$0x0], $0xffff  }
0x599: {  	v7 =	vor.u32 s28, v47;
	v1 =	vld.idx.msk [tilespmem:v1+s24+$0x0], $0xffff  }
0x59a: {  	v8 =	vor.u32 s28, v29;
	v3 =	vld.idx.msk [tilespmem:v3+s24+$0x0], $0xffff  }
0x59b: {  	v9 =	vor.u32 v61, v0  }
0x59c: {  	[tilespmem:v5+s20+$0x0] =	vst.idx.msk $0xffff, v4;
	v4 =	vor.u32 v27, v0  }
0x59d: {  	[tilespmem:v6+s20+$0x0] =	vst.idx.msk $0xffff, v2;
	v2 =	vor.u32 v28, v0  }
0x59e: {  	[tilespmem:v7+s20+$0x0] =	vst.idx.msk $0xffff, v1  }
0x59f: {  	[tilespmem:v8+s20+$0x0] =	vst.idx.msk $0xffff, v3  }
0x5a0: {  	v0 =	vor.u32 v30, v0;
	v7 =	vld.idx.msk [tilespmem:v9+s24+$0x0], $0xffff;
	v9 =	vor.u32 s28, v10  }
0x5a1: {  	v11 =	vor.u32 s28, v24;
	v8 =	vld.idx.msk [tilespmem:v4+s24+$0x0], $0xffff  }
0x5a2: {  	v12 =	vor.u32 s28, v25;
	v10 =	vld.idx.msk [tilespmem:v2+s24+$0x0], $0xffff  }
0x5a3: {  	p1 =	sne.s32 s30, $0x70;
	s31 =	smov.u32 s30  }
.Ltmp7:
0x5a4: {  	v1 =	vmov s31;
	(pc) =	sbr.rel @p1 .LBB2_8-.Ltmp7, $4  }
0x5a5: {  	v2 =	vshll.u32 v1, $0x7;
	v1 =	vld.idx.msk [tilespmem:v0+s24+$0x0], $0xffff;
	[tilespmem:v9+s20+$0x0] =	vst.idx.msk $0xffff, v7  }
0x5a6: {  	v0 =	vor.u32 v23, v2;
	v2 =	vlaneseq.u32;
	[tilespmem:v11+s20+$0x0] =	vst.idx.msk $0xffff, v8;
	v11 =	vld [tilespmem:$0x1FB00]  }
0x5a7: {  	v6 =	vor.u32 s28, v37;
	v5 =	vor.u32 v2, v0;
	[tilespmem:v12+s20+$0x0] =	vst.idx.msk $0xffff, v10;
	v10 =	vld [tilespmem:$0x1FB10]  }
0x5a8: {  	s30 =	sadd.s32 $0x10, s30;
	s28 =	smov.u32 s31;
	v3 =	vor.u32 v16, v0;
	v4 =	vor.u32 v42, v0;
	v2 =	vor.u32 v43, v0;
	v12 =	vld [tilespmem:$0x1FAF0]  }
0x5a9: {  	_ =	sdelay $0x3  }
0x5aa: {  	[tilespmem:v6+s20+$0x0] =	vst.idx.msk $0xffff, v1;
	v6 =	vld [tilespmem:$0x1FAB0]  }
0x5ab: {  	v7 =	vld [tilespmem:$0x1FAC0];
	_ =	sdelay $0x2  }
0x5ac: {  	v1 =	vld.idx.msk [tilespmem:v5+s24+$0x0], $0xffff;
	v5 =	vor.u32 s28, v21  }
0x5ad: {  	v3 =	vld.idx.msk [tilespmem:v3+s24+$0x0], $0xffff;
	v6 =	vor.u32 s28, v6  }
0x5ae: {  	v4 =	vld.idx.msk [tilespmem:v4+s24+$0x0], $0xffff;
	v7 =	vor.u32 s28, v7  }
0x5af: {  	v8 =	vor.u32 s28, v55;
	v2 =	vld.idx.msk [tilespmem:v2+s24+$0x0], $0xffff  }
0x5b0: {  	v9 =	vor.u32 v53, v0  }
0x5b1: {  	[tilespmem:v5+s20+$0x0] =	vst.idx.msk $0xffff, v1  }
0x5b2: {  	v58 =	vor.u32 v58, v0;
	[tilespmem:v6+s20+$0x0] =	vst.idx.msk $0xffff, v3  }
0x5b3: {  	v55 =	vor.u32 v59, v0;
	[tilespmem:v7+s20+$0x0] =	vst.idx.msk $0xffff, v4  }
0x5b4: {  	v4 =	vor.u32 v62, v0;
	[tilespmem:v8+s20+$0x0] =	vst.idx.msk $0xffff, v2  }
0x5b5: {  	v5 =	vor.u32 s28, v15;
	v2 =	vld.idx.msk [tilespmem:v9+s24+$0x0], $0xffff  }
0x5b6: {  	v59 =	vld [tilespmem:$0x1F840]  }
0x5b7: {  	v6 =	vor.u32 s28, v56;
	v1 =	vld.idx.msk [tilespmem:v58+s24+$0x0], $0xffff  }
0x5b8: {  	v7 =	vor.u32 s28, v32;
	v3 =	vld.idx.msk [tilespmem:v55+s24+$0x0], $0xffff  }
0x5b9: {  	v8 =	vor.u32 s28, v45;
	v4 =	vld.idx.msk [tilespmem:v4+s24+$0x0], $0xffff  }
0x5ba: {  	v9 =	vor.u32 v50, v0;
	[tilespmem:v5+s20+$0x0] =	vst.idx.msk $0xffff, v2;
	v5 =	vld [tilespmem:$0x1F850]  }
0x5bb: {  	v56 =	vor.u32 v63, v0  }
0x5bc: {  	v58 =	vor.u32 v52, v0;
	[tilespmem:v6+s20+$0x0] =	vst.idx.msk $0xffff, v1;
	v6 =	vld [tilespmem:$0x1F860]  }
0x5bd: {  	[tilespmem:v7+s20+$0x0] =	vst.idx.msk $0xffff, v3;
	v7 =	vld [tilespmem:$0x1F870]  }
0x5be: {  	v3 =	vor.u32 v59, v0;
	[tilespmem:v8+s20+$0x0] =	vst.idx.msk $0xffff, v4;
	v8 =	vld [tilespmem:$0x1F880]  }
0x5bf: {  	v4 =	vld.idx.msk [tilespmem:v9+s24+$0x0], $0xffff;
	v5 =	vor.u32 s28, v5  }
0x5c0: {  	v2 =	vld.idx.msk [tilespmem:v56+s24+$0x0], $0xffff  }
0x5c1: {  	v1 =	vld.idx.msk [tilespmem:v58+s24+$0x0], $0xffff  }
0x5c2: {  	v9 =	vld [tilespmem:$0x1F890]  }
0x5c3: {  	v3 =	vld.idx.msk [tilespmem:v3+s24+$0x0], $0xffff  }
0x5c4: {  	v6 =	vor.u32 s28, v6;
	[tilespmem:v5+s20+$0x0] =	vst.idx.msk $0xffff, v4;
	v4 =	vld [tilespmem:$0x1F8A0]  }
0x5c5: {  	v62 =	vld [tilespmem:$0x1F8B0];
	v7 =	vor.u32 s28, v7  }
0x5c6: {  	v32 =	vld [tilespmem:$0x1F8C0];
	v8 =	vor.u32 s28, v8  }
0x5c7: {  	v45 =	vld [tilespmem:$0x1FE60]  }
0x5c8: {  	v9 =	vor.u32 v9, v0;
	v5 =	vld [tilespmem:$0x1F8D0]  }
0x5c9: {  	[tilespmem:v6+s20+$0x0] =	vst.idx.msk $0xffff, v2;
	v6 =	vld [tilespmem:$0x1F8E0];
	v4 =	vor.u32 v4, v0  }
0x5ca: {  	v2 =	vor.u32 v62, v0;
	[tilespmem:v7+s20+$0x0] =	vst.idx.msk $0xffff, v1;
	v7 =	vld [tilespmem:$0x1F8F0]  }
0x5cb: {  	v1 =	vor.u32 v32, v0;
	[tilespmem:v8+s20+$0x0] =	vst.idx.msk $0xffff, v3;
	v8 =	vld [tilespmem:$0x1F900]  }
0x5cc: {  	v56 =	vld [tilespmem:$0x1FE70]  }
0x5cd: {  	v3 =	vld.idx.msk [tilespmem:v9+s24+$0x0], $0xffff;
	v5 =	vor.u32 s28, v5  }
0x5ce: {  	v6 =	vor.u32 s28, v6;
	v4 =	vld.idx.msk [tilespmem:v4+s24+$0x0], $0xffff  }
0x5cf: {  	v2 =	vld.idx.msk [tilespmem:v2+s24+$0x0], $0xffff;
	v7 =	vor.u32 s28, v7  }
0x5d0: {  	v1 =	vld.idx.msk [tilespmem:v1+s24+$0x0], $0xffff;
	v8 =	vor.u32 s28, v8  }
0x5d1: {  	v50 =	vld [tilespmem:$0x1F3F0];
	v9 =	vor.u32 v36, v0  }
0x5d2: {  	[tilespmem:v5+s20+$0x0] =	vst.idx.msk $0xffff, v3;
	v3 =	vor.u32 v45, v0;
	v5 =	vld [tilespmem:$0x1F400]  }
0x5d3: {  	[tilespmem:v6+s20+$0x0] =	vst.idx.msk $0xffff, v4;
	v6 =	vld [tilespmem:$0x1F950]  }
0x5d4: {  	v4 =	vor.u32 v56, v0;
	[tilespmem:v7+s20+$0x0] =	vst.idx.msk $0xffff, v2;
	v7 =	vld [tilespmem:$0x1F960]  }
0x5d5: {  	[tilespmem:v8+s20+$0x0] =	vst.idx.msk $0xffff, v1  }
0x5d6: {  	v1 =	vld.idx.msk [tilespmem:v9+s24+$0x0], $0xffff  }
0x5d7: {  	v5 =	vor.u32 s28, v5;
	v2 =	vor.u32 v50, v0;
	v3 =	vld.idx.msk [tilespmem:v3+s24+$0x0], $0xffff  }
0x5d8: {  	v9 =	vld [tilespmem:$0x1F410];
	v6 =	vor.u32 s28, v6  }
0x5d9: {  	v4 =	vld.idx.msk [tilespmem:v4+s24+$0x0], $0xffff;
	v7 =	vor.u32 s28, v7;
	_ =	sdelay $0x1  }
0x5da: {  	v55 =	vld [tilespmem:$0x1F420]  }
0x5db: {  	v2 =	vld.idx.msk [tilespmem:v2+s24+$0x0], $0xffff;
	[tilespmem:v5+s20+$0x0] =	vst.idx.msk $0xffff, v1  }
0x5dc: {  	v59 =	vld [tilespmem:$0x1F430];
	v8 =	vor.u32 s28, v20;
	[tilespmem:v6+s20+$0x0] =	vst.idx.msk $0xffff, v3  }
0x5dd: {  	v9 =	vor.u32 v9, v0;
	[tilespmem:v7+s20+$0x0] =	vst.idx.msk $0xffff, v4;
	v4 =	vld [tilespmem:$0x1F440];
	_ =	sdelay $0x1  }
0x5de: {  	v62 =	vld [tilespmem:$0x1F470]  }
0x5df: {  	v32 =	vld [tilespmem:$0x1F480];
	v1 =	vor.u32 v55, v0  }
0x5e0: {  	v3 =	vor.u32 v59, v0;
	v7 =	vld [tilespmem:$0x1F9D0];
	[tilespmem:v8+s20+$0x0] =	vst.idx.msk $0xffff, v2  }
0x5e1: {  	v2 =	vld.idx.msk [tilespmem:v9+s24+$0x0], $0xffff;
	v4 =	vor.u32 v4, v0  }
0x5e2: {  	v5 =	vor.u32 s28, v49;
	v9 =	vld [tilespmem:$0x1F450]  }
0x5e3: {  	v6 =	vor.u32 s28, v60;
	v60 =	vld [tilespmem:$0x1F460]  }
0x5e4: {  	v1 =	vld.idx.msk [tilespmem:v1+s24+$0x0], $0xffff  }
0x5e5: {  	v3 =	vld.idx.msk [tilespmem:v3+s24+$0x0], $0xffff;
	v7 =	vor.u32 s28, v7  }
0x5e6: {  	v8 =	vor.u32 s28, v54;
	v4 =	vld.idx.msk [tilespmem:v4+s24+$0x0], $0xffff  }
0x5e7: {  	v9 =	vor.u32 v9, v0;
	[tilespmem:v5+s20+$0x0] =	vst.idx.msk $0xffff, v2;
	v5 =	vld [tilespmem:$0x1F9E0]  }
0x5e8: {  	v2 =	vor.u32 v60, v0  }
0x5e9: {  	[tilespmem:v6+s20+$0x0] =	vst.idx.msk $0xffff, v1;
	v1 =	vor.u32 v62, v0;
	v6 =	vld [tilespmem:$0x1F9F0]  }
0x5ea: {  	[tilespmem:v7+s20+$0x0] =	vst.idx.msk $0xffff, v3;
	v7 =	vld [tilespmem:$0x1FA00]  }
0x5eb: {  	v3 =	vor.u32 v32, v0;
	[tilespmem:v8+s20+$0x0] =	vst.idx.msk $0xffff, v4;
	v8 =	vld [tilespmem:$0x1FA10]  }
0x5ec: {  	v5 =	vor.u32 s28, v5;
	v4 =	vld.idx.msk [tilespmem:v9+s24+$0x0], $0xffff  }
0x5ed: {  	v2 =	vld.idx.msk [tilespmem:v2+s24+$0x0], $0xffff  }
0x5ee: {  	v1 =	vld.idx.msk [tilespmem:v1+s24+$0x0], $0xffff  }
0x5ef: {  	v9 =	vld [tilespmem:$0x1F490]  }
0x5f0: {  	v3 =	vld.idx.msk [tilespmem:v3+s24+$0x0], $0xffff  }
0x5f1: {  	v6 =	vor.u32 s28, v6;
	[tilespmem:v5+s20+$0x0] =	vst.idx.msk $0xffff, v4;
	v4 =	vld [tilespmem:$0x1F4A0];
	_ =	sdelay $0x1  }
0x5f2: {  	v58 =	vmov v36;
	v36 =	vld [tilespmem:$0x1F4B0];
	v7 =	vor.u32 s28, v7  }
0x5f3: {  	v45 =	vld [tilespmem:$0x1F4C0];
	v8 =	vor.u32 s28, v8  }
0x5f4: {  	v9 =	vor.u32 v9, v0;
	v5 =	vld [tilespmem:$0x1FA20]  }
0x5f5: {  	[tilespmem:v6+s20+$0x0] =	vst.idx.msk $0xffff, v2;
	v6 =	vld [tilespmem:$0x1FA30];
	v4 =	vor.u32 v4, v0;
	_ =	sdelay $0x1  }
0x5f6: {  	v50 =	vld [tilespmem:$0x1F4E0];
	[tilespmem:v7+s20+$0x0] =	vst.idx.msk $0xffff, v1  }
0x5f7: {  	v2 =	vor.u32 v36, v0;
	v7 =	vld [tilespmem:$0x1FA40];
	[tilespmem:v8+s20+$0x0] =	vst.idx.msk $0xffff, v3  }
0x5f8: {  	v1 =	vor.u32 v45, v0;
	v3 =	vld.idx.msk [tilespmem:v9+s24+$0x0], $0xffff;
	v5 =	vor.u32 s28, v5  }
0x5f9: {  	v6 =	vor.u32 s28, v6;
	v4 =	vld.idx.msk [tilespmem:v4+s24+$0x0], $0xffff  }
0x5fa: {  	v32 =	vld [tilespmem:$0x1FE90]  }
0x5fb: {  	v9 =	vld [tilespmem:$0x1F4D0]  }
0x5fc: {  	v2 =	vld.idx.msk [tilespmem:v2+s24+$0x0], $0xffff  }
0x5fd: {  	v1 =	vld.idx.msk [tilespmem:v1+s24+$0x0], $0xffff;
	[tilespmem:v5+s20+$0x0] =	vst.idx.msk $0xffff, v3  }
0x5fe: {  	v7 =	vor.u32 s28, v7;
	[tilespmem:v6+s20+$0x0] =	vst.idx.msk $0xffff, v4;
	v4 =	vld [tilespmem:$0x1F4F0]  }
0x5ff: {  	v8 =	vor.u32 s28, v32  }
0x600: {  	v55 =	vld [tilespmem:$0x1F500];
	v9 =	vor.u32 v9, v0  }
0x601: {  	v3 =	vor.u32 v50, v0;
	v5 =	vld [tilespmem:$0x1F510]  }
0x602: {  	v36 =	vld [tilespmem:$0x1FEA0]  }
0x603: {  	v59 =	vld [tilespmem:$0x1F530];
	[tilespmem:v7+s20+$0x0] =	vst.idx.msk $0xffff, v2;
	v4 =	vor.u32 v4, v0  }
0x604: {  	[tilespmem:v8+s20+$0x0] =	vst.idx.msk $0xffff, v1;
	v8 =	vld [tilespmem:$0x1FA90]  }
0x605: {  	v1 =	vld.idx.msk [tilespmem:v9+s24+$0x0], $0xffff  }
0x606: {  	v5 =	vor.u32 s28, v5;
	v2 =	vor.u32 v55, v0;
	v3 =	vld.idx.msk [tilespmem:v3+s24+$0x0], $0xffff  }
0x607: {  	v6 =	vor.u32 s28, v36;
	v9 =	vld [tilespmem:$0x1F520]  }
0x608: {  	v7 =	vor.u32 s28, v51;
	v4 =	vld.idx.msk [tilespmem:v4+s24+$0x0], $0xffff  }
0x609: {  	v60 =	vld [tilespmem:$0x1F540]  }
0x60a: {  	v62 =	vld [tilespmem:$0x1F570]  }
0x60b: {  	v2 =	vld.idx.msk [tilespmem:v2+s24+$0x0], $0xffff;
	[tilespmem:v5+s20+$0x0] =	vst.idx.msk $0xffff, v1  }
0x60c: {  	v45 =	vld [tilespmem:$0x1F580];
	v8 =	vor.u32 s28, v8;
	[tilespmem:v6+s20+$0x0] =	vst.idx.msk $0xffff, v3  }
0x60d: {  	v9 =	vor.u32 v9, v0;
	[tilespmem:v7+s20+$0x0] =	vst.idx.msk $0xffff, v4;
	v4 =	vld [tilespmem:$0x1F550]  }
0x60e: {  	v5 =	vld [tilespmem:$0x1FDB0]  }
0x60f: {  	v6 =	vld [tilespmem:$0x1FDC0]  }
0x610: {  	v1 =	vor.u32 v59, v0;
	v7 =	vld [tilespmem:$0x1FDD0]  }
0x611: {  	v3 =	vor.u32 v60, v0;
	[tilespmem:v8+s20+$0x0] =	vst.idx.msk $0xffff, v2;
	v8 =	vld [tilespmem:$0x1FDE0]  }
0x612: {  	v2 =	vld.idx.msk [tilespmem:v9+s24+$0x0], $0xffff;
	v4 =	vor.u32 v4, v0  }
0x613: {  	v5 =	vor.u32 s28, v5;
	v9 =	vld [tilespmem:$0x1F560]  }
0x614: {  	v50 =	vld [tilespmem:$0x1F590]  }
0x615: {  	v6 =	vor.u32 s28, v6;
	v1 =	vld.idx.msk [tilespmem:v1+s24+$0x0], $0xffff  }
0x616: {  	v3 =	vld.idx.msk [tilespmem:v3+s24+$0x0], $0xffff;
	v7 =	vor.u32 s28, v7  }
0x617: {  	v8 =	vor.u32 s28, v8;
	v4 =	vld.idx.msk [tilespmem:v4+s24+$0x0], $0xffff  }
0x618: {  	v9 =	vor.u32 v9, v0;
	[tilespmem:v5+s20+$0x0] =	vst.idx.msk $0xffff, v2;
	v5 =	vld [tilespmem:$0x1FDF0]  }
0x619: {  	v55 =	vld [tilespmem:$0x1F5C0];
	v2 =	vor.u32 v62, v0  }
0x61a: {  	[tilespmem:v6+s20+$0x0] =	vst.idx.msk $0xffff, v1;
	v6 =	vld [tilespmem:$0x1FE00]  }
0x61b: {  	v1 =	vor.u32 v45, v0;
	[tilespmem:v7+s20+$0x0] =	vst.idx.msk $0xffff, v3;
	v7 =	vld [tilespmem:$0x1FE10]  }
0x61c: {  	v3 =	vor.u32 v50, v0;
	[tilespmem:v8+s20+$0x0] =	vst.idx.msk $0xffff, v4;
	v8 =	vld [tilespmem:$0x1FE20]  }
0x61d: {  	v5 =	vor.u32 s28, v5;
	v4 =	vld.idx.msk [tilespmem:v9+s24+$0x0], $0xffff  }
0x61e: {  	v2 =	vld.idx.msk [tilespmem:v2+s24+$0x0], $0xffff  }
0x61f: {  	v9 =	vld [tilespmem:$0x1F5A0]  }
0x620: {  	v1 =	vld.idx.msk [tilespmem:v1+s24+$0x0], $0xffff  }
0x621: {  	v6 =	vor.u32 s28, v6;
	v3 =	vld.idx.msk [tilespmem:v3+s24+$0x0], $0xffff  }
0x622: {  	v7 =	vor.u32 s28, v7;
	[tilespmem:v5+s20+$0x0] =	vst.idx.msk $0xffff, v4;
	v4 =	vld [tilespmem:$0x1F5B0]  }
0x623: {  	v59 =	vld [tilespmem:$0x1F5D0];
	v8 =	vor.u32 s28, v8  }
0x624: {  	v9 =	vor.u32 v9, v0  }
0x625: {  	v15 =	vld [tilespmem:$0x1FEC0]  }
0x626: {  	v5 =	vld [tilespmem:$0x1FE30];
	[tilespmem:v6+s20+$0x0] =	vst.idx.msk $0xffff, v2  }
0x627: {  	v6 =	vld [tilespmem:$0x1FE40];
	[tilespmem:v7+s20+$0x0] =	vst.idx.msk $0xffff, v1;
	v4 =	vor.u32 v4, v0  }
0x628: {  	v2 =	vor.u32 v55, v0;
	v1 =	vor.u32 v59, v0;
	v59 =	vld [tilespmem:$0x1FED0];
	[tilespmem:v8+s20+$0x0] =	vst.idx.msk $0xffff, v3  }
0x629: {  	v3 =	vld.idx.msk [tilespmem:v9+s24+$0x0], $0xffff  }
0x62a: {  	v9 =	vld [tilespmem:$0x1F5E0]  }
0x62b: {  	v5 =	vor.u32 s28, v5  }
0x62c: {  	v6 =	vor.u32 s28, v6;
	v4 =	vld.idx.msk [tilespmem:v4+s24+$0x0], $0xffff  }
0x62d: {  	v7 =	vor.u32 s28, v15;
	v2 =	vld.idx.msk [tilespmem:v2+s24+$0x0], $0xffff  }
0x62e: {  	v1 =	vld.idx.msk [tilespmem:v1+s24+$0x0], $0xffff;
	v8 =	vor.u32 s28, v59  }
0x62f: {  	v9 =	vor.u32 v9, v0  }
0x630: {  	v60 =	vor.u32 v17, v0;
	[tilespmem:v5+s20+$0x0] =	vst.idx.msk $0xffff, v3  }
0x631: {  	[tilespmem:v6+s20+$0x0] =	vst.idx.msk $0xffff, v4;
	v4 =	vor.u32 v13, v0  }
0x632: {  	v62 =	vor.u32 v14, v0;
	[tilespmem:v7+s20+$0x0] =	vst.idx.msk $0xffff, v2  }
0x633: {  	[tilespmem:v8+s20+$0x0] =	vst.idx.msk $0xffff, v1  }
0x634: {  	v5 =	vor.u32 s28, v31;
	v1 =	vld.idx.msk [tilespmem:v9+s24+$0x0], $0xffff  }
0x635: {  	v6 =	vor.u32 s28, v35;
	v3 =	vld.idx.msk [tilespmem:v60+s24+$0x0], $0xffff  }
0x636: {  	v7 =	vor.u32 s28, v22;
	v4 =	vld.idx.msk [tilespmem:v4+s24+$0x0], $0xffff  }
0x637: {  	v8 =	vor.u32 s28, v57;
	v2 =	vld.idx.msk [tilespmem:v62+s24+$0x0], $0xffff  }
0x638: {  	v9 =	vor.u32 v38, v0  }
0x639: {  	v38 =	vor.u32 v39, v0;
	[tilespmem:v5+s20+$0x0] =	vst.idx.msk $0xffff, v1  }
0x63a: {  	v39 =	vor.u32 v26, v0;
	[tilespmem:v6+s20+$0x0] =	vst.idx.msk $0xffff, v3  }
0x63b: {  	[tilespmem:v7+s20+$0x0] =	vst.idx.msk $0xffff, v4;
	v4 =	vor.u32 v40, v0  }
0x63c: {  	[tilespmem:v8+s20+$0x0] =	vst.idx.msk $0xffff, v2  }
0x63d: {  	v5 =	vor.u32 s28, v18;
	v2 =	vld.idx.msk [tilespmem:v9+s24+$0x0], $0xffff  }
0x63e: {  	v6 =	vor.u32 s28, v19;
	v1 =	vld.idx.msk [tilespmem:v38+s24+$0x0], $0xffff  }
0x63f: {  	v7 =	vor.u32 s28, v41;
	v3 =	vld.idx.msk [tilespmem:v39+s24+$0x0], $0xffff  }
0x640: {  	v8 =	vor.u32 s28, v12;
	v4 =	vld.idx.msk [tilespmem:v4+s24+$0x0], $0xffff  }
0x641: {  	v9 =	vor.u32 v46, v0  }
0x642: {  	v45 =	vor.u32 v34, v0;
	[tilespmem:v5+s20+$0x0] =	vst.idx.msk $0xffff, v2  }
0x643: {  	v46 =	vor.u32 v33, v0;
	[tilespmem:v6+s20+$0x0] =	vst.idx.msk $0xffff, v1  }
0x644: {  	v55 =	vor.u32 v48, v0;
	[tilespmem:v7+s20+$0x0] =	vst.idx.msk $0xffff, v3  }
0x645: {  	[tilespmem:v8+s20+$0x0] =	vst.idx.msk $0xffff, v4  }
0x646: {  	v5 =	vor.u32 s28, v11;
	v4 =	vld.idx.msk [tilespmem:v9+s24+$0x0], $0xffff  }
0x647: {  	v6 =	vor.u32 s28, v44;
	v2 =	vld.idx.msk [tilespmem:v45+s24+$0x0], $0xffff  }
0x648: {  	v7 =	vor.u32 s28, v47;
	v1 =	vld.idx.msk [tilespmem:v46+s24+$0x0], $0xffff  }
0x649: {  	v8 =	vor.u32 s28, v29;
	v3 =	vld.idx.msk [tilespmem:v55+s24+$0x0], $0xffff  }
0x64a: {  	v9 =	vor.u32 v61, v0  }
0x64b: {  	v48 =	vld [tilespmem:$0x1FF90];
	[tilespmem:v5+s20+$0x0] =	vst.idx.msk $0xffff, v4;
	v4 =	vor.u32 v27, v0  }
0x64c: {  	v50 =	vmov v57;
	v57 =	vor.u32 v28, v0;
	v40 =	vld [tilespmem:$0x1FD80];
	[tilespmem:v6+s20+$0x0] =	vst.idx.msk $0xffff, v2  }
0x64d: {  	v60 =	vor.u32 v30, v0;
	v12 =	vld [tilespmem:$0x1FF80];
	[tilespmem:v7+s20+$0x0] =	vst.idx.msk $0xffff, v1  }
0x64e: {  	v11 =	vld [tilespmem:$0x1FAC0];
	[tilespmem:v8+s20+$0x0] =	vst.idx.msk $0xffff, v3  }
0x64f: {  	v61 =	vor.u32 s28, v10;
	v1 =	vld.idx.msk [tilespmem:v9+s24+$0x0], $0xffff  }
0x650: {  	v5 =	vor.u32 s28, v24;
	v4 =	vld.idx.msk [tilespmem:v4+s24+$0x0], $0xffff  }
0x651: {  	v6 =	vor.u32 s28, v25;
	v2 =	vld.idx.msk [tilespmem:v57+s24+$0x0], $0xffff  }
0x652: {  	v7 =	vor.u32 s28, v37;
	v0 =	vld.idx.msk [tilespmem:v60+s24+$0x0], $0xffff  }
0x653: {  	v10 =	vld [tilespmem:$0x1FAB0]  }
.Ltmp8:
0x654: {  	v27 =	vld [tilespmem:$0x1FE60];
	[tilespmem:v61+s20+$0x0] =	vst.idx.msk $0xffff, v1;
	(pc) =	sbr.rel .LBB2_10-.Ltmp8, $4  }
0x655: {  	v14 =	vmov v59;
	v62 =	vmov v35;
	v57 =	vld [tilespmem:$0x1FFB0];
	[tilespmem:v5+s20+$0x0] =	vst.idx.msk $0xffff, v4  }
0x656: {  	s0 =	sshll.u32 s29, $0xC;
	v13 =	vmovc v15;
	v28 =	vmovc v56;
	v35 =	vmov v50;
	v50 =	vmov v62;
	v9 =	vmov v43;
	v43 =	vld [tilespmem:$0x1FFD0];
	[tilespmem:v6+s20+$0x0] =	vst.idx.msk $0xffff, v2  }
0x657: {  	s0 =	sadd.s32 s0, s10;
	v38 =	vmovc v32;
	v39 =	vmovc v36;
	v36 =	vmov v58;
	v44 =	vmov v49;
	v46 =	vmov v52;
	v61 =	vld [tilespmem:$0x1FFF0];
	[tilespmem:v7+s20+$0x0] =	vst.idx.msk $0xffff, v0  }
0x658: {  	v45 =	vmovc v51;
	v51 =	vmovc v16;
	v8 =	vmov v42;
	v42 =	vmov v54;
	v54 =	vmov v22;
	v7 =	vld [tilespmem:$0x1FF10];
	[hbm4b:s0+s21] =	stream.strided.scatter [tilespmem:s20], [sflag:$0x4], $0x2000, s22, s21, $0x38  }
.LBB2_12:
0x659: {  	_ =	sfence.sel $0x180000  }
0x65a: {  	[bflag:$0x0] =	sbarrier.arrive $0xFFFF  }
0x65b: {  	_ =	strace $0x90000047  }
0x65c: {  	[bflag:$0x2] =	sbarrier.arrive $0xFFFF  }
0x65d: {  	s0 =	rddreg [dreg:$0x4]  }
0x65e: {  	s0 =	sadd.s32 @!p0 $0x100000, s0  }
0x65f: {  	[sflag:s0] =	ssyncadd.tile.s32 @!p0 $0x1;
	_ =	shalt  }
.Lfunc_end2:
_tile_overlayer_lowered:
.L_overlay_start_2:
0x660: {  	(tag) =	ssettag $0x2  }
0x661: {  	s0 =	rddreg [dreg:$0x0];
	s2 =	stileid.u32  }
0x662: {  	s1 =	rddreg [dreg:$0x1];
	p0 =	sne.s32 s2, $0x0  }
0x663: {  	s3 =	rddreg [dreg:$0x2];
	[bflag:$0x3] =	sbarrier.arrive $0xFFFF;
	s2 =	simm.s32 @!p0 $0x1C07  }
0x664: {  	[timem:s3], [sflag:s2] =	dma.local @!p0 [hbm:s0], s1  }
0x665: {  	s0 =	simm.s32 @!p0 $0x7  }
0x666: {  	_ =	swait.ge @!p0 [sflag:s0], s1  }
0x667: {  	s1 =	ssub.s32 @!p0 $0x0, s1;
	[sflag:s0] =	ssyncset.done @!p0 $0x0  }
0x668: {  	[sflag:s0] =	ssyncadd.s32 @!p0 s1  }
0x669: {  	[bflag:$0x3] =	sbarrier.arrive $0xFFFF  }
0x66a: {  	_ =	shalt  }

</sc_bundles>
